<compile_context>
chip_gen: v7x
topology: tpu7x:2x2x1
jax: 0.10.2.dev20260603
libtpu: 0.0.44.dev20260713+nightly
codegen_flags: <defaults>
</compile_context>

<pallas_src>
import functools

import jax
import jax.numpy as jnp
from jax import lax
from jax.experimental import pallas as pl
from jax.experimental.pallas import tpu as pltpu
from jax.experimental.pallas import tpu_sc as plsc

N_NODES = 10000
N_EDGES = 320000
D_FEAT = 128
D_HID = 16
N_CLASS = 40

NC = 2
NS = 16
N_TILES = NC * NS
CHUNK = 128
N_CHUNKS_TOT = N_EDGES // CHUNK
N_CHUNKS = -(-N_CHUNKS_TOT // N_TILES)
LAST_CHUNKS = N_CHUNKS_TOT - (N_TILES - 1) * N_CHUNKS

N_PAD = 10240
ROWS_PER_TILE = N_PAD // NS
DEG_W = 8
NBUF = 8

_mesh = lambda: plsc.VectorSubcoreMesh(
    core_axis_name="c", subcore_axis_name="s", num_cores=NC, num_subcores=NS)


def _load_my_chunks(idx_hbm, idx_v, wid):

  @pl.when(wid < N_TILES - 1)
  def _():
    pltpu.sync_copy(idx_hbm.at[pl.ds(wid * N_CHUNKS, N_CHUNKS)], idx_v)

  @pl.when(wid == N_TILES - 1)
  def _():
    pltpu.sync_copy(idx_hbm.at[pl.ds((N_TILES - 1) * N_CHUNKS, LAST_CHUNKS)],
                    idx_v.at[pl.ds(0, LAST_CHUNKS)])


def _my_n_chunks(wid):
  return jnp.where(wid == N_TILES - 1, LAST_CHUNKS, N_CHUNKS)


def _sc_degree_kernel():

  @functools.partial(
      pl.kernel,
      out_type=jax.ShapeDtypeStruct((NC, 2, N_PAD, DEG_W), jnp.float32),
      mesh=_mesh(),
      compiler_params=pltpu.CompilerParams(use_tc_tiling_on_sc=False),
      scratch_types=[
          pltpu.VMEM((N_CHUNKS, CHUNK), jnp.int32),
          pltpu.VMEM((N_CHUNKS, CHUNK), jnp.int32),
          pltpu.VMEM((CHUNK, DEG_W), jnp.float32),
          pltpu.VMEM((ROWS_PER_TILE, DEG_W), jnp.float32),
          pltpu.VMEM_SHARED((N_PAD, DEG_W), jnp.float32),
          pltpu.VMEM_SHARED((N_PAD, DEG_W), jnp.float32),
      ],
  )
  def k(src_hbm, dst_hbm, ones_hbm, zero_hbm, out_hbm,
        src_v, dst_v, ones_v, bnc_v, dego_s, degi_s):
    c = lax.axis_index("c")
    s = lax.axis_index("s")
    wid = s * NC + c
    r0 = s * ROWS_PER_TILE
    _load_my_chunks(src_hbm, src_v, wid)
    _load_my_chunks(dst_hbm, dst_v, wid)
    pltpu.sync_copy(ones_hbm, ones_v)
    pltpu.sync_copy(zero_hbm, bnc_v)
    pltpu.sync_copy(bnc_v, dego_s.at[pl.ds(r0, ROWS_PER_TILE)])
    pltpu.sync_copy(bnc_v, degi_s.at[pl.ds(r0, ROWS_PER_TILE)])
    plsc.subcore_barrier()

    def body(j, carry):
      pltpu.sync_copy(ones_v, dego_s.at[src_v.at[j]], add=True)
      pltpu.sync_copy(ones_v, degi_s.at[dst_v.at[j]], add=True)
      return carry

    lax.fori_loop(0, _my_n_chunks(wid), body, 0)
    plsc.subcore_barrier()
    pltpu.sync_copy(dego_s.at[pl.ds(r0, ROWS_PER_TILE)], bnc_v)
    pltpu.sync_copy(bnc_v, out_hbm.at[c, 0, pl.ds(r0, ROWS_PER_TILE)])
    pltpu.sync_copy(degi_s.at[pl.ds(r0, ROWS_PER_TILE)], bnc_v)
    pltpu.sync_copy(bnc_v, out_hbm.at[c, 1, pl.ds(r0, ROWS_PER_TILE)])

  return k


def _sc_agg_kernel(d):
  n_outer = -(-N_CHUNKS // NBUF)

  @functools.partial(
      pl.kernel,
      out_type=jax.ShapeDtypeStruct((NC, N_PAD, d), jnp.float32),
      mesh=_mesh(),
      compiler_params=pltpu.CompilerParams(use_tc_tiling_on_sc=False),
      scratch_types=[
          pltpu.VMEM((N_CHUNKS, CHUNK), jnp.int32),
          pltpu.VMEM((N_CHUNKS, CHUNK), jnp.int32),
          pltpu.VMEM((NBUF, CHUNK, d), jnp.float32),
          pltpu.VMEM((ROWS_PER_TILE, d), jnp.float32),
          pltpu.VMEM_SHARED((N_PAD, d), jnp.float32),
      ] + [pltpu.SemaphoreType.DMA] * NBUF,
  )
  def k(table_hbm, src_hbm, dst_hbm, zero_hbm, out_hbm,
        src_v, dst_v, msgs_v, bnc_v, agg_s, *sems):
    c = lax.axis_index("c")
    s = lax.axis_index("s")
    wid = s * NC + c
    r0 = s * ROWS_PER_TILE
    nch = _my_n_chunks(wid)
    _load_my_chunks(src_hbm, src_v, wid)
    _load_my_chunks(dst_hbm, dst_v, wid)
    pltpu.sync_copy(zero_hbm, bnc_v)
    pltpu.sync_copy(bnc_v, agg_s.at[pl.ds(r0, ROWS_PER_TILE)])
    plsc.subcore_barrier()

    for b in range(NBUF):
      @pl.when(b < nch)
      def _():
        pltpu.async_copy(table_hbm.at[src_v.at[b]], msgs_v.at[b], sems[b])

    def outer(g, carry):
      for b in range(NBUF):
        j = g * NBUF + b

        @pl.when(j < nch)
        def _():
          pltpu.make_async_copy(table_hbm.at[src_v.at[j]],
                                msgs_v.at[b], sems[b]).wait()
          pltpu.sync_copy(msgs_v.at[b], agg_s.at[dst_v.at[j]], add=True)

          @pl.when(j + NBUF < nch)
          def _():
            pltpu.async_copy(table_hbm.at[src_v.at[j + NBUF]],
                             msgs_v.at[b], sems[b])
      return carry

    lax.fori_loop(0, n_outer, outer, 0)
    plsc.subcore_barrier()
    pltpu.sync_copy(agg_s.at[pl.ds(r0, ROWS_PER_TILE)], bnc_v)
    pltpu.sync_copy(bnc_v, out_hbm.at[c, pl.ds(r0, ROWS_PER_TILE)])

  return k


_R = 2000


def _tc1_body(x_ref, w_ref, deg_ref, q_ref):
  deg_out = deg_ref[0, 0, :, 0] + deg_ref[1, 0, :, 0]
  ns = lax.rsqrt(jnp.maximum(deg_out, 1.0))
  q_ref[...] = jnp.dot(x_ref[...], w_ref[...], precision=lax.Precision.HIGHEST,
                       preferred_element_type=jnp.float32) * ns[:, None]


def _tc2_body(p_ref, deg_ref, b1_ref, w2_ref, q_ref):
  agg = p_ref[0] + p_ref[1]
  deg_out = deg_ref[0, 0, :, 0] + deg_ref[1, 0, :, 0]
  deg_in = deg_ref[0, 1, :, 0] + deg_ref[1, 1, :, 0]
  nd = lax.rsqrt(jnp.maximum(deg_in, 1.0))
  ns = lax.rsqrt(jnp.maximum(deg_out, 1.0))
  h = jnp.maximum(agg * nd[:, None] + b1_ref[0, :], 0.0)
  q_ref[...] = jnp.dot(h, w2_ref[...], precision=lax.Precision.HIGHEST,
                       preferred_element_type=jnp.float32) * ns[:, None]


def _tc3_body(p_ref, deg_ref, b2_ref, o_ref):
  agg = p_ref[0] + p_ref[1]
  deg_in = deg_ref[0, 1, :, 0] + deg_ref[1, 1, :, 0]
  nd = lax.rsqrt(jnp.maximum(deg_in, 1.0))
  o_ref[...] = agg * nd[:, None] + b2_ref[0, :]


def _deg_spec():
  return pl.BlockSpec((NC, 2, _R, DEG_W), lambda i: (0, 0, i, 0))


@jax.jit
def kernel(features, edge_index, W1, b1, W2, b2):
  src2 = edge_index[0].reshape(N_CHUNKS_TOT, CHUNK)
  dst2 = edge_index[1].reshape(N_CHUNKS_TOT, CHUNK)
  b1r = b1.reshape(1, D_HID)
  b2r = b2.reshape(1, N_CLASS)

  ones_deg = jnp.ones((CHUNK, DEG_W), jnp.float32)
  zero_deg = jnp.zeros((ROWS_PER_TILE, DEG_W), jnp.float32)
  zero16 = jnp.zeros((ROWS_PER_TILE, D_HID), jnp.float32)
  zero40 = jnp.zeros((ROWS_PER_TILE, N_CLASS), jnp.float32)

  deg = _sc_degree_kernel()(src2, dst2, ones_deg, zero_deg)

  q1 = pl.pallas_call(
      _tc1_body,
      grid=(N_NODES // _R,),
      in_specs=[
          pl.BlockSpec((_R, D_FEAT), lambda i: (i, 0)),
          pl.BlockSpec((D_FEAT, D_HID), lambda i: (0, 0)),
          _deg_spec(),
      ],
      out_specs=pl.BlockSpec((_R, D_HID), lambda i: (i, 0)),
      out_shape=jax.ShapeDtypeStruct((N_NODES, D_HID), jnp.float32),
  )(features, W1, deg)

  parts1 = _sc_agg_kernel(D_HID)(q1, src2, dst2, zero16)

  q2 = pl.pallas_call(
      _tc2_body,
      grid=(N_NODES // _R,),
      in_specs=[
          pl.BlockSpec((NC, _R, D_HID), lambda i: (0, i, 0)),
          _deg_spec(),
          pl.BlockSpec((1, D_HID), lambda i: (0, 0)),
          pl.BlockSpec((D_HID, N_CLASS), lambda i: (0, 0)),
      ],
      out_specs=pl.BlockSpec((_R, N_CLASS), lambda i: (i, 0)),
      out_shape=jax.ShapeDtypeStruct((N_NODES, N_CLASS), jnp.float32),
  )(parts1, deg, b1r, W2)

  parts2 = _sc_agg_kernel(N_CLASS)(q2, src2, dst2, zero40)

  out = pl.pallas_call(
      _tc3_body,
      grid=(N_NODES // _R,),
      in_specs=[
          pl.BlockSpec((NC, _R, N_CLASS), lambda i: (0, i, 0)),
          _deg_spec(),
          pl.BlockSpec((1, N_CLASS), lambda i: (0, 0)),
      ],
      out_specs=pl.BlockSpec((_R, N_CLASS), lambda i: (i, 0)),
      out_shape=jax.ShapeDtypeStruct((N_NODES, N_CLASS), jnp.float32),
  )(parts2, deg, b2r)

  return out

# --- scband reference (transcript-rebuilt; emitter-appended) ---
"""Pipeline reference for scband-gcn-net-1236950581664 (READ-ONLY COPY).

The authoritative reference and input builder live on the scoring server;
editing this copy changes nothing except your own understanding.
"""

import jax, jax.numpy as jnp
import numpy as np

N_NODES = 10000
N_EDGES = 320000
D_FEAT = 128
D_HID = 16
N_CLASS = 40


def setup_inputs(seed: int = 0) -> dict:
    key = jax.random.key(seed)
    k1, k2, k3, k4, k5, k6 = jax.random.split(key, 6)
    features = jax.random.normal(k1, (N_NODES, D_FEAT), dtype=jnp.float32)
    edge_index = jax.random.randint(k2, (2, N_EDGES), 0, N_NODES, dtype=jnp.int32)
    # GraphConv layer 1 params (glorot init like DGL)
    s1 = float(np.sqrt(6.0 / (D_FEAT + D_HID)))
    W1 = jax.random.uniform(k3, (D_FEAT, D_HID), dtype=jnp.float32, minval=-s1, maxval=s1)
    b1 = jnp.zeros((D_HID,), dtype=jnp.float32)
    # GraphConv layer 2 params
    s2 = float(np.sqrt(6.0 / (D_HID + N_CLASS)))
    W2 = jax.random.uniform(k4, (D_HID, N_CLASS), dtype=jnp.float32, minval=-s2, maxval=s2)
    b2 = jnp.zeros((N_CLASS,), dtype=jnp.float32)
    return {"features": features, "edge_index": edge_index, "W1": W1, "b1": b1, "W2": W2, "b2": b2}


def _graph_conv(feat, src, dst, W, b):
    # DGL GraphConv with norm='both': D^{-1/2} A D^{-1/2} X W + b
    deg_out = jnp.clip(jnp.bincount(src, length=N_NODES).astype(feat.dtype), 1.0, None)
    norm_src = jax.lax.rsqrt(deg_out)
    h = feat * norm_src[:, None]
    # in_feats >= out_feats for both layers -> multiply by W first (mult W then aggregate)
    h = h @ W
    msgs = jnp.take(h, src, axis=0)
    agg = jax.ops.segment_sum(msgs, dst, num_segments=N_NODES)
    deg_in = jnp.clip(jnp.bincount(dst, length=N_NODES).astype(feat.dtype), 1.0, None)
    norm_dst = jax.lax.rsqrt(deg_in)
    return agg * norm_dst[:, None] + b


def reference(features, edge_index, W1, b1, W2, b2):
    src = edge_index[0]
    dst = edge_index[1]
    # layer 1 has internal activation=relu; forward applies F.relu again (idempotent)
    x = jax.nn.relu(_graph_conv(features, src, dst, W1, b1))
    x = jax.nn.relu(x)
    out = _graph_conv(x, src, dst, W2, b2)
    return out

if __name__ == "__main__":
    import jax
    _d = setup_inputs()
    print(jax.jit(kernel)(*tuple(_d.values())))

</pallas_src>

<mosaic_0001>
#map = affine_map<(d0, d1) -> (0, 0)>
#map1 = affine_map<(d0, d1) -> (0, 0, 0)>
module attributes {stable_mosaic.version = 14 : i64} {
  func.func @k(%arg0: i32, %arg1: i32, %arg2: memref<10000x40xf32, #tpu.memory_space<hbm>>, %arg3: memref<2500x128xi32, #tpu.memory_space<hbm>>, %arg4: memref<2500x128xi32, #tpu.memory_space<hbm>>, %arg5: memref<640x40xf32, #tpu.memory_space<hbm>>, %arg6: memref<2x10240x40xf32, #tpu.memory_space<hbm>>, %arg7: memref<79x128xi32, #tpu.memory_space<vmem>>, %arg8: memref<79x128xi32, #tpu.memory_space<vmem>>, %arg9: memref<8x128x40xf32, #tpu.memory_space<vmem>>, %arg10: memref<640x40xf32, #tpu.memory_space<vmem>>, %arg11: memref<10240x40xf32, #tpu.memory_space<vmem_shared>>, %arg12: memref<!tpu.dma_semaphore, #tpu.memory_space<semaphore_mem>>, %arg13: memref<!tpu.dma_semaphore, #tpu.memory_space<semaphore_mem>>, %arg14: memref<!tpu.dma_semaphore, #tpu.memory_space<semaphore_mem>>, %arg15: memref<!tpu.dma_semaphore, #tpu.memory_space<semaphore_mem>>, %arg16: memref<!tpu.dma_semaphore, #tpu.memory_space<semaphore_mem>>, %arg17: memref<!tpu.dma_semaphore, #tpu.memory_space<semaphore_mem>>, %arg18: memref<!tpu.dma_semaphore, #tpu.memory_space<semaphore_mem>>, %arg19: memref<!tpu.dma_semaphore, #tpu.memory_space<semaphore_mem>>) attributes {dimension_semantics = [#tpu.dimension_semantics<core_parallel>, #tpu.dimension_semantics<subcore_parallel>], iteration_bounds = array<i64: 2, 16>, scalar_prefetch = 0 : i64, scratch_operands = 13 : i64, tpu.core_type = #tpu.core_type<sc_vector_subcore>, window_params = [{transform_indices = #map}, {transform_indices = #map}, {transform_indices = #map}, {transform_indices = #map}, {transform_indices = #map1}]} {
    %mul3A = arith.constant 2 : i32
    %mul3A_0 = arith.muli %arg1, %mul3A : i32
    %add3A = arith.addi %mul3A_0, %arg0 : i32
    %mul3A_1 = arith.constant 640 : i32
    %mul3A_2 = arith.muli %arg1, %mul3A_1 : i32
    %eq3A = arith.constant 31 : i32
    %eq3A_3 = arith.cmpi eq, %add3A, %eq3A : i32
    %jit3A = arith.constant 51 : i32
    %jit3A_4 = arith.constant 79 : i32
    %select_n3A = arith.select %eq3A_3, %jit3A, %jit3A_4 : i32
    %lt3A = arith.constant 31 : i32
    %lt3A_5 = arith.cmpi slt, %add3A, %lt3A : i32
    %convert_element_type3A = arith.extui %lt3A_5 : i1 to i32
    %cond3A = arith.constant 0 : i32
    %cond3A_6 = arith.cmpi ne, %convert_element_type3A, %cond3A : i32
    scf.if %cond3A_6 {
      %mul3A_67 = arith.constant 79 : i32
      %mul3A_68 = arith.muli %add3A, %mul3A_67 : i32
      "tpu.region"() ({
        %run_scoped3A = tpu.sem_alloc : memref<!tpu.dma_semaphore, #tpu.memory_space<semaphore_mem>>
        %dma_start3A = arith.constant 0 : i32
        %dma_start3A_69 = tpu.memref_slice %arg3[%mul3A_68, %dma_start3A] : memref<2500x128xi32, #tpu.memory_space<hbm>> -> memref<79x128xi32, #tpu.memory_space<hbm>>
        %dma_start3A_70 = arith.constant 0 : i32
        %dma_start3A_71 = tpu.memref_slice %arg3[%mul3A_68, %dma_start3A_70] : memref<2500x128xi32, #tpu.memory_space<hbm>> -> memref<79x128xi32, #tpu.memory_space<hbm>>
        tpu.enqueue_dma source(%dma_start3A_71 : memref<79x128xi32, #tpu.memory_space<hbm>>) target(%arg7 : memref<79x128xi32, #tpu.memory_space<vmem>>) target_semaphore(%run_scoped3A : memref<!tpu.dma_semaphore, #tpu.memory_space<semaphore_mem>>)
        %dma_wait3A = arith.constant 0 : i32
        %dma_wait3A_72 = tpu.memref_slice %arg3[%mul3A_68, %dma_wait3A] : memref<2500x128xi32, #tpu.memory_space<hbm>> -> memref<79x128xi32, #tpu.memory_space<hbm>>
        %dma_wait3A_73 = arith.constant 0 : i32
        %dma_wait3A_74 = tpu.memref_slice %arg3[%mul3A_68, %dma_wait3A_73] : memref<2500x128xi32, #tpu.memory_space<hbm>> -> memref<79x128xi32, #tpu.memory_space<hbm>>
        tpu.wait_dma2 semaphore(%run_scoped3A : memref<!tpu.dma_semaphore, #tpu.memory_space<semaphore_mem>>) src(%dma_wait3A_74 : memref<79x128xi32, #tpu.memory_space<hbm>>) dst(%arg7 : memref<79x128xi32, #tpu.memory_space<vmem>>)
        tpu.yield
      }) : () -> ()
    } else {
    }
    %eq3A_7 = arith.constant 31 : i32
    %eq3A_8 = arith.cmpi eq, %add3A, %eq3A_7 : i32
    %convert_element_type3A_9 = arith.extui %eq3A_8 : i1 to i32
    %cond3A_10 = arith.constant 0 : i32
    %cond3A_11 = arith.cmpi ne, %convert_element_type3A_9, %cond3A_10 : i32
    scf.if %cond3A_11 {
      "tpu.region"() ({
        %run_scoped3A = tpu.sem_alloc : memref<!tpu.dma_semaphore, #tpu.memory_space<semaphore_mem>>
        %dma_start3A = arith.constant 0 : i32
        %dma_start3A_67 = arith.constant 0 : i32
        %dma_start3A_68 = tpu.memref_slice %arg7[%dma_start3A, %dma_start3A_67] : memref<79x128xi32, #tpu.memory_space<vmem>> -> memref<51x128xi32, #tpu.memory_space<vmem>>
        %dma_start3A_69 = arith.constant 2449 : i32
        %dma_start3A_70 = arith.constant 0 : i32
        %dma_start3A_71 = tpu.memref_slice %arg3[%dma_start3A_69, %dma_start3A_70] : memref<2500x128xi32, #tpu.memory_space<hbm>> -> memref<51x128xi32, #tpu.memory_space<hbm>>
        %dma_start3A_72 = arith.constant 0 : i32
        %dma_start3A_73 = arith.constant 0 : i32
        %dma_start3A_74 = tpu.memref_slice %arg7[%dma_start3A_72, %dma_start3A_73] : memref<79x128xi32, #tpu.memory_space<vmem>> -> memref<51x128xi32, #tpu.memory_space<vmem>>
        %dma_start3A_75 = arith.constant 2449 : i32
        %dma_start3A_76 = arith.constant 0 : i32
        %dma_start3A_77 = tpu.memref_slice %arg3[%dma_start3A_75, %dma_start3A_76] : memref<2500x128xi32, #tpu.memory_space<hbm>> -> memref<51x128xi32, #tpu.memory_space<hbm>>
        tpu.enqueue_dma source(%dma_start3A_77 : memref<51x128xi32, #tpu.memory_space<hbm>>) target(%dma_start3A_74 : memref<51x128xi32, #tpu.memory_space<vmem>>) target_semaphore(%run_scoped3A : memref<!tpu.dma_semaphore, #tpu.memory_space<semaphore_mem>>)
        %dma_wait3A = arith.constant 0 : i32
        %dma_wait3A_78 = arith.constant 0 : i32
        %dma_wait3A_79 = tpu.memref_slice %arg7[%dma_wait3A, %dma_wait3A_78] : memref<79x128xi32, #tpu.memory_space<vmem>> -> memref<51x128xi32, #tpu.memory_space<vmem>>
        %dma_wait3A_80 = arith.constant 2449 : i32
        %dma_wait3A_81 = arith.constant 0 : i32
        %dma_wait3A_82 = tpu.memref_slice %arg3[%dma_wait3A_80, %dma_wait3A_81] : memref<2500x128xi32, #tpu.memory_space<hbm>> -> memref<51x128xi32, #tpu.memory_space<hbm>>
        %dma_wait3A_83 = arith.constant 0 : i32
        %dma_wait3A_84 = arith.constant 0 : i32
        %dma_wait3A_85 = tpu.memref_slice %arg7[%dma_wait3A_83, %dma_wait3A_84] : memref<79x128xi32, #tpu.memory_space<vmem>> -> memref<51x128xi32, #tpu.memory_space<vmem>>
        %dma_wait3A_86 = arith.constant 2449 : i32
        %dma_wait3A_87 = arith.constant 0 : i32
        %dma_wait3A_88 = tpu.memref_slice %arg3[%dma_wait3A_86, %dma_wait3A_87] : memref<2500x128xi32, #tpu.memory_space<hbm>> -> memref<51x128xi32, #tpu.memory_space<hbm>>
        tpu.wait_dma2 semaphore(%run_scoped3A : memref<!tpu.dma_semaphore, #tpu.memory_space<semaphore_mem>>) src(%dma_wait3A_88 : memref<51x128xi32, #tpu.memory_space<hbm>>) dst(%dma_wait3A_85 : memref<51x128xi32, #tpu.memory_space<vmem>>)
        tpu.yield
      }) : () -> ()
    } else {
    }
    %lt3A_12 = arith.constant 31 : i32
    %lt3A_13 = arith.cmpi slt, %add3A, %lt3A_12 : i32
    %convert_element_type3A_14 = arith.extui %lt3A_13 : i1 to i32
    %cond3A_15 = arith.constant 0 : i32
    %cond3A_16 = arith.cmpi ne, %convert_element_type3A_14, %cond3A_15 : i32
    scf.if %cond3A_16 {
      %mul3A_67 = arith.constant 79 : i32
      %mul3A_68 = arith.muli %add3A, %mul3A_67 : i32
      "tpu.region"() ({
        %run_scoped3A = tpu.sem_alloc : memref<!tpu.dma_semaphore, #tpu.memory_space<semaphore_mem>>
        %dma_start3A = arith.constant 0 : i32
        %dma_start3A_69 = tpu.memref_slice %arg4[%mul3A_68, %dma_start3A] : memref<2500x128xi32, #tpu.memory_space<hbm>> -> memref<79x128xi32, #tpu.memory_space<hbm>>
        %dma_start3A_70 = arith.constant 0 : i32
        %dma_start3A_71 = tpu.memref_slice %arg4[%mul3A_68, %dma_start3A_70] : memref<2500x128xi32, #tpu.memory_space<hbm>> -> memref<79x128xi32, #tpu.memory_space<hbm>>
        tpu.enqueue_dma source(%dma_start3A_71 : memref<79x128xi32, #tpu.memory_space<hbm>>) target(%arg8 : memref<79x128xi32, #tpu.memory_space<vmem>>) target_semaphore(%run_scoped3A : memref<!tpu.dma_semaphore, #tpu.memory_space<semaphore_mem>>)
        %dma_wait3A = arith.constant 0 : i32
        %dma_wait3A_72 = tpu.memref_slice %arg4[%mul3A_68, %dma_wait3A] : memref<2500x128xi32, #tpu.memory_space<hbm>> -> memref<79x128xi32, #tpu.memory_space<hbm>>
        %dma_wait3A_73 = arith.constant 0 : i32
        %dma_wait3A_74 = tpu.memref_slice %arg4[%mul3A_68, %dma_wait3A_73] : memref<2500x128xi32, #tpu.memory_space<hbm>> -> memref<79x128xi32, #tpu.memory_space<hbm>>
        tpu.wait_dma2 semaphore(%run_scoped3A : memref<!tpu.dma_semaphore, #tpu.memory_space<semaphore_mem>>) src(%dma_wait3A_74 : memref<79x128xi32, #tpu.memory_space<hbm>>) dst(%arg8 : memref<79x128xi32, #tpu.memory_space<vmem>>)
        tpu.yield
      }) : () -> ()
    } else {
    }
    %eq3A_17 = arith.constant 31 : i32
    %eq3A_18 = arith.cmpi eq, %add3A, %eq3A_17 : i32
    %convert_element_type3A_19 = arith.extui %eq3A_18 : i1 to i32
    %cond3A_20 = arith.constant 0 : i32
    %cond3A_21 = arith.cmpi ne, %convert_element_type3A_19, %cond3A_20 : i32
    scf.if %cond3A_21 {
      "tpu.region"() ({
        %run_scoped3A = tpu.sem_alloc : memref<!tpu.dma_semaphore, #tpu.memory_space<semaphore_mem>>
        %dma_start3A = arith.constant 0 : i32
        %dma_start3A_67 = arith.constant 0 : i32
        %dma_start3A_68 = tpu.memref_slice %arg8[%dma_start3A, %dma_start3A_67] : memref<79x128xi32, #tpu.memory_space<vmem>> -> memref<51x128xi32, #tpu.memory_space<vmem>>
        %dma_start3A_69 = arith.constant 2449 : i32
        %dma_start3A_70 = arith.constant 0 : i32
        %dma_start3A_71 = tpu.memref_slice %arg4[%dma_start3A_69, %dma_start3A_70] : memref<2500x128xi32, #tpu.memory_space<hbm>> -> memref<51x128xi32, #tpu.memory_space<hbm>>
        %dma_start3A_72 = arith.constant 0 : i32
        %dma_start3A_73 = arith.constant 0 : i32
        %dma_start3A_74 = tpu.memref_slice %arg8[%dma_start3A_72, %dma_start3A_73] : memref<79x128xi32, #tpu.memory_space<vmem>> -> memref<51x128xi32, #tpu.memory_space<vmem>>
        %dma_start3A_75 = arith.constant 2449 : i32
        %dma_start3A_76 = arith.constant 0 : i32
        %dma_start3A_77 = tpu.memref_slice %arg4[%dma_start3A_75, %dma_start3A_76] : memref<2500x128xi32, #tpu.memory_space<hbm>> -> memref<51x128xi32, #tpu.memory_space<hbm>>
        tpu.enqueue_dma source(%dma_start3A_77 : memref<51x128xi32, #tpu.memory_space<hbm>>) target(%dma_start3A_74 : memref<51x128xi32, #tpu.memory_space<vmem>>) target_semaphore(%run_scoped3A : memref<!tpu.dma_semaphore, #tpu.memory_space<semaphore_mem>>)
        %dma_wait3A = arith.constant 0 : i32
        %dma_wait3A_78 = arith.constant 0 : i32
        %dma_wait3A_79 = tpu.memref_slice %arg8[%dma_wait3A, %dma_wait3A_78] : memref<79x128xi32, #tpu.memory_space<vmem>> -> memref<51x128xi32, #tpu.memory_space<vmem>>
        %dma_wait3A_80 = arith.constant 2449 : i32
        %dma_wait3A_81 = arith.constant 0 : i32
        %dma_wait3A_82 = tpu.memref_slice %arg4[%dma_wait3A_80, %dma_wait3A_81] : memref<2500x128xi32, #tpu.memory_space<hbm>> -> memref<51x128xi32, #tpu.memory_space<hbm>>
        %dma_wait3A_83 = arith.constant 0 : i32
        %dma_wait3A_84 = arith.constant 0 : i32
        %dma_wait3A_85 = tpu.memref_slice %arg8[%dma_wait3A_83, %dma_wait3A_84] : memref<79x128xi32, #tpu.memory_space<vmem>> -> memref<51x128xi32, #tpu.memory_space<vmem>>
        %dma_wait3A_86 = arith.constant 2449 : i32
        %dma_wait3A_87 = arith.constant 0 : i32
        %dma_wait3A_88 = tpu.memref_slice %arg4[%dma_wait3A_86, %dma_wait3A_87] : memref<2500x128xi32, #tpu.memory_space<hbm>> -> memref<51x128xi32, #tpu.memory_space<hbm>>
        tpu.wait_dma2 semaphore(%run_scoped3A : memref<!tpu.dma_semaphore, #tpu.memory_space<semaphore_mem>>) src(%dma_wait3A_88 : memref<51x128xi32, #tpu.memory_space<hbm>>) dst(%dma_wait3A_85 : memref<51x128xi32, #tpu.memory_space<vmem>>)
        tpu.yield
      }) : () -> ()
    } else {
    }
    "tpu.region"() ({
      %run_scoped3A = tpu.sem_alloc : memref<!tpu.dma_semaphore, #tpu.memory_space<semaphore_mem>>
      tpu.enqueue_dma source(%arg5 : memref<640x40xf32, #tpu.memory_space<hbm>>) target(%arg10 : memref<640x40xf32, #tpu.memory_space<vmem>>) target_semaphore(%run_scoped3A : memref<!tpu.dma_semaphore, #tpu.memory_space<semaphore_mem>>)
      tpu.wait_dma2 semaphore(%run_scoped3A : memref<!tpu.dma_semaphore, #tpu.memory_space<semaphore_mem>>) src(%arg5 : memref<640x40xf32, #tpu.memory_space<hbm>>) dst(%arg10 : memref<640x40xf32, #tpu.memory_space<vmem>>)
      tpu.yield
    }) : () -> ()
    "tpu.region"() ({
      %run_scoped3A = tpu.sem_alloc : memref<!tpu.dma_semaphore, #tpu.memory_space<semaphore_mem>>
      %dma_start3A = arith.constant 0 : i32
      %dma_start3A_67 = tpu.memref_slice %arg11[%mul3A_2, %dma_start3A] : memref<10240x40xf32, #tpu.memory_space<vmem_shared>> -> memref<640x40xf32, #tpu.memory_space<vmem_shared>>
      %dma_start3A_68 = arith.constant 0 : i32
      %dma_start3A_69 = tpu.memref_slice %arg11[%mul3A_2, %dma_start3A_68] : memref<10240x40xf32, #tpu.memory_space<vmem_shared>> -> memref<640x40xf32, #tpu.memory_space<vmem_shared>>
      tpu.enqueue_dma source(%arg10 : memref<640x40xf32, #tpu.memory_space<vmem>>) target(%dma_start3A_69 : memref<640x40xf32, #tpu.memory_space<vmem_shared>>) target_semaphore(%run_scoped3A : memref<!tpu.dma_semaphore, #tpu.memory_space<semaphore_mem>>)
      %dma_wait3A = arith.constant 0 : i32
      %dma_wait3A_70 = tpu.memref_slice %arg11[%mul3A_2, %dma_wait3A] : memref<10240x40xf32, #tpu.memory_space<vmem_shared>> -> memref<640x40xf32, #tpu.memory_space<vmem_shared>>
      %dma_wait3A_71 = arith.constant 0 : i32
      %dma_wait3A_72 = tpu.memref_slice %arg11[%mul3A_2, %dma_wait3A_71] : memref<10240x40xf32, #tpu.memory_space<vmem_shared>> -> memref<640x40xf32, #tpu.memory_space<vmem_shared>>
      tpu.wait_dma2 semaphore(%run_scoped3A : memref<!tpu.dma_semaphore, #tpu.memory_space<semaphore_mem>>) src(%arg10 : memref<640x40xf32, #tpu.memory_space<vmem>>) dst(%dma_wait3A_72 : memref<640x40xf32, #tpu.memory_space<vmem_shared>>)
      tpu.yield
    }) : () -> ()
    %barrier3A = arith.constant 0 : index
    tpu.barrier barrier_id(%barrier3A)
    %gt3A = arith.constant 0 : i32
    %gt3A_22 = arith.cmpi sgt, %select_n3A, %gt3A : i32
    %convert_element_type3A_23 = arith.extui %gt3A_22 : i1 to i32
    %cond3A_24 = arith.constant 0 : i32
    %cond3A_25 = arith.cmpi ne, %convert_element_type3A_23, %cond3A_24 : i32
    scf.if %cond3A_25 {
      %dma_start3A = arith.constant 0 : i32
      %dma_start3A_67 = arith.constant 0 : i32
      %dma_start3A_68 = arith.constant 0 : i32
      %dma_start3A_69 = arith.constant 0 : i32
      %dma_start3A_70 = tpu.memref_slice %arg9[%dma_start3A_67, %dma_start3A_68, %dma_start3A_69] : memref<8x128x40xf32, #tpu.memory_space<vmem>> -> memref<1x128x40xf32, #tpu.memory_space<vmem>>
      %dma_start3A_71 = tpu.memref_squeeze %dma_start3A_70 : memref<1x128x40xf32, #tpu.memory_space<vmem>> -> memref<128x40xf32, #tpu.memory_space<vmem>>
      %dma_start3A_72 = arith.constant 0 : i32
      %dma_start3A_73 = tpu.memref_slice %arg7[%dma_start3A, %dma_start3A_72] : memref<79x128xi32, #tpu.memory_space<vmem>> -> memref<1x128xi32, #tpu.memory_space<vmem>>
      %dma_start3A_74 = tpu.memref_squeeze %dma_start3A_73 : memref<1x128xi32, #tpu.memory_space<vmem>> -> memref<128xi32, #tpu.memory_space<vmem>>
      %dma_start3A_75 = arith.constant 0 : i32
      %dma_start3A_76 = arith.constant 0 : i32
      %dma_start3A_77 = tpu.memref_slice %arg2[%dma_start3A_75, %dma_start3A_76] : memref<10000x40xf32, #tpu.memory_space<hbm>> -> memref<10000x40xf32, #tpu.memory_space<hbm>>
      tpu.enqueue_indirect_dma source(%dma_start3A_77 : memref<10000x40xf32, #tpu.memory_space<hbm>>) target(%dma_start3A_71 : memref<128x40xf32, #tpu.memory_space<vmem>>) offsets(%dma_start3A_74 : memref<128xi32, #tpu.memory_space<vmem>>) semaphore(%arg12 : memref<!tpu.dma_semaphore, #tpu.memory_space<semaphore_mem>>)
    } else {
    }
    %gt3A_26 = arith.constant 1 : i32
    %gt3A_27 = arith.cmpi sgt, %select_n3A, %gt3A_26 : i32
    %convert_element_type3A_28 = arith.extui %gt3A_27 : i1 to i32
    %cond3A_29 = arith.constant 0 : i32
    %cond3A_30 = arith.cmpi ne, %convert_element_type3A_28, %cond3A_29 : i32
    scf.if %cond3A_30 {
      %dma_start3A = arith.constant 1 : i32
      %dma_start3A_67 = arith.constant 1 : i32
      %dma_start3A_68 = arith.constant 0 : i32
      %dma_start3A_69 = arith.constant 0 : i32
      %dma_start3A_70 = tpu.memref_slice %arg9[%dma_start3A_67, %dma_start3A_68, %dma_start3A_69] : memref<8x128x40xf32, #tpu.memory_space<vmem>> -> memref<1x128x40xf32, #tpu.memory_space<vmem>>
      %dma_start3A_71 = tpu.memref_squeeze %dma_start3A_70 : memref<1x128x40xf32, #tpu.memory_space<vmem>> -> memref<128x40xf32, #tpu.memory_space<vmem>>
      %dma_start3A_72 = arith.constant 0 : i32
      %dma_start3A_73 = tpu.memref_slice %arg7[%dma_start3A, %dma_start3A_72] : memref<79x128xi32, #tpu.memory_space<vmem>> -> memref<1x128xi32, #tpu.memory_space<vmem>>
      %dma_start3A_74 = tpu.memref_squeeze %dma_start3A_73 : memref<1x128xi32, #tpu.memory_space<vmem>> -> memref<128xi32, #tpu.memory_space<vmem>>
      %dma_start3A_75 = arith.constant 0 : i32
      %dma_start3A_76 = arith.constant 0 : i32
      %dma_start3A_77 = tpu.memref_slice %arg2[%dma_start3A_75, %dma_start3A_76] : memref<10000x40xf32, #tpu.memory_space<hbm>> -> memref<10000x40xf32, #tpu.memory_space<hbm>>
      tpu.enqueue_indirect_dma source(%dma_start3A_77 : memref<10000x40xf32, #tpu.memory_space<hbm>>) target(%dma_start3A_71 : memref<128x40xf32, #tpu.memory_space<vmem>>) offsets(%dma_start3A_74 : memref<128xi32, #tpu.memory_space<vmem>>) semaphore(%arg13 : memref<!tpu.dma_semaphore, #tpu.memory_space<semaphore_mem>>)
    } else {
    }
    %gt3A_31 = arith.constant 2 : i32
    %gt3A_32 = arith.cmpi sgt, %select_n3A, %gt3A_31 : i32
    %convert_element_type3A_33 = arith.extui %gt3A_32 : i1 to i32
    %cond3A_34 = arith.constant 0 : i32
    %cond3A_35 = arith.cmpi ne, %convert_element_type3A_33, %cond3A_34 : i32
    scf.if %cond3A_35 {
      %dma_start3A = arith.constant 2 : i32
      %dma_start3A_67 = arith.constant 2 : i32
      %dma_start3A_68 = arith.constant 0 : i32
      %dma_start3A_69 = arith.constant 0 : i32
      %dma_start3A_70 = tpu.memref_slice %arg9[%dma_start3A_67, %dma_start3A_68, %dma_start3A_69] : memref<8x128x40xf32, #tpu.memory_space<vmem>> -> memref<1x128x40xf32, #tpu.memory_space<vmem>>
      %dma_start3A_71 = tpu.memref_squeeze %dma_start3A_70 : memref<1x128x40xf32, #tpu.memory_space<vmem>> -> memref<128x40xf32, #tpu.memory_space<vmem>>
      %dma_start3A_72 = arith.constant 0 : i32
      %dma_start3A_73 = tpu.memref_slice %arg7[%dma_start3A, %dma_start3A_72] : memref<79x128xi32, #tpu.memory_space<vmem>> -> memref<1x128xi32, #tpu.memory_space<vmem>>
      %dma_start3A_74 = tpu.memref_squeeze %dma_start3A_73 : memref<1x128xi32, #tpu.memory_space<vmem>> -> memref<128xi32, #tpu.memory_space<vmem>>
      %dma_start3A_75 = arith.constant 0 : i32
      %dma_start3A_76 = arith.constant 0 : i32
      %dma_start3A_77 = tpu.memref_slice %arg2[%dma_start3A_75, %dma_start3A_76] : memref<10000x40xf32, #tpu.memory_space<hbm>> -> memref<10000x40xf32, #tpu.memory_space<hbm>>
      tpu.enqueue_indirect_dma source(%dma_start3A_77 : memref<10000x40xf32, #tpu.memory_space<hbm>>) target(%dma_start3A_71 : memref<128x40xf32, #tpu.memory_space<vmem>>) offsets(%dma_start3A_74 : memref<128xi32, #tpu.memory_space<vmem>>) semaphore(%arg14 : memref<!tpu.dma_semaphore, #tpu.memory_space<semaphore_mem>>)
    } else {
    }
    %gt3A_36 = arith.constant 3 : i32
    %gt3A_37 = arith.cmpi sgt, %select_n3A, %gt3A_36 : i32
    %convert_element_type3A_38 = arith.extui %gt3A_37 : i1 to i32
    %cond3A_39 = arith.constant 0 : i32
    %cond3A_40 = arith.cmpi ne, %convert_element_type3A_38, %cond3A_39 : i32
    scf.if %cond3A_40 {
      %dma_start3A = arith.constant 3 : i32
      %dma_start3A_67 = arith.constant 3 : i32
      %dma_start3A_68 = arith.constant 0 : i32
      %dma_start3A_69 = arith.constant 0 : i32
      %dma_start3A_70 = tpu.memref_slice %arg9[%dma_start3A_67, %dma_start3A_68, %dma_start3A_69] : memref<8x128x40xf32, #tpu.memory_space<vmem>> -> memref<1x128x40xf32, #tpu.memory_space<vmem>>
      %dma_start3A_71 = tpu.memref_squeeze %dma_start3A_70 : memref<1x128x40xf32, #tpu.memory_space<vmem>> -> memref<128x40xf32, #tpu.memory_space<vmem>>
      %dma_start3A_72 = arith.constant 0 : i32
      %dma_start3A_73 = tpu.memref_slice %arg7[%dma_start3A, %dma_start3A_72] : memref<79x128xi32, #tpu.memory_space<vmem>> -> memref<1x128xi32, #tpu.memory_space<vmem>>
      %dma_start3A_74 = tpu.memref_squeeze %dma_start3A_73 : memref<1x128xi32, #tpu.memory_space<vmem>> -> memref<128xi32, #tpu.memory_space<vmem>>
      %dma_start3A_75 = arith.constant 0 : i32
      %dma_start3A_76 = arith.constant 0 : i32
      %dma_start3A_77 = tpu.memref_slice %arg2[%dma_start3A_75, %dma_start3A_76] : memref<10000x40xf32, #tpu.memory_space<hbm>> -> memref<10000x40xf32, #tpu.memory_space<hbm>>
      tpu.enqueue_indirect_dma source(%dma_start3A_77 : memref<10000x40xf32, #tpu.memory_space<hbm>>) target(%dma_start3A_71 : memref<128x40xf32, #tpu.memory_space<vmem>>) offsets(%dma_start3A_74 : memref<128xi32, #tpu.memory_space<vmem>>) semaphore(%arg15 : memref<!tpu.dma_semaphore, #tpu.memory_space<semaphore_mem>>)
    } else {
    }
    %gt3A_41 = arith.constant 4 : i32
    %gt3A_42 = arith.cmpi sgt, %select_n3A, %gt3A_41 : i32
    %convert_element_type3A_43 = arith.extui %gt3A_42 : i1 to i32
    %cond3A_44 = arith.constant 0 : i32
    %cond3A_45 = arith.cmpi ne, %convert_element_type3A_43, %cond3A_44 : i32
    scf.if %cond3A_45 {
      %dma_start3A = arith.constant 4 : i32
      %dma_start3A_67 = arith.constant 4 : i32
      %dma_start3A_68 = arith.constant 0 : i32
      %dma_start3A_69 = arith.constant 0 : i32
      %dma_start3A_70 = tpu.memref_slice %arg9[%dma_start3A_67, %dma_start3A_68, %dma_start3A_69] : memref<8x128x40xf32, #tpu.memory_space<vmem>> -> memref<1x128x40xf32, #tpu.memory_space<vmem>>
      %dma_start3A_71 = tpu.memref_squeeze %dma_start3A_70 : memref<1x128x40xf32, #tpu.memory_space<vmem>> -> memref<128x40xf32, #tpu.memory_space<vmem>>
      %dma_start3A_72 = arith.constant 0 : i32
      %dma_start3A_73 = tpu.memref_slice %arg7[%dma_start3A, %dma_start3A_72] : memref<79x128xi32, #tpu.memory_space<vmem>> -> memref<1x128xi32, #tpu.memory_space<vmem>>
      %dma_start3A_74 = tpu.memref_squeeze %dma_start3A_73 : memref<1x128xi32, #tpu.memory_space<vmem>> -> memref<128xi32, #tpu.memory_space<vmem>>
      %dma_start3A_75 = arith.constant 0 : i32
      %dma_start3A_76 = arith.constant 0 : i32
      %dma_start3A_77 = tpu.memref_slice %arg2[%dma_start3A_75, %dma_start3A_76] : memref<10000x40xf32, #tpu.memory_space<hbm>> -> memref<10000x40xf32, #tpu.memory_space<hbm>>
      tpu.enqueue_indirect_dma source(%dma_start3A_77 : memref<10000x40xf32, #tpu.memory_space<hbm>>) target(%dma_start3A_71 : memref<128x40xf32, #tpu.memory_space<vmem>>) offsets(%dma_start3A_74 : memref<128xi32, #tpu.memory_space<vmem>>) semaphore(%arg16 : memref<!tpu.dma_semaphore, #tpu.memory_space<semaphore_mem>>)
    } else {
    }
    %gt3A_46 = arith.constant 5 : i32
    %gt3A_47 = arith.cmpi sgt, %select_n3A, %gt3A_46 : i32
    %convert_element_type3A_48 = arith.extui %gt3A_47 : i1 to i32
    %cond3A_49 = arith.constant 0 : i32
    %cond3A_50 = arith.cmpi ne, %convert_element_type3A_48, %cond3A_49 : i32
    scf.if %cond3A_50 {
      %dma_start3A = arith.constant 5 : i32
      %dma_start3A_67 = arith.constant 5 : i32
      %dma_start3A_68 = arith.constant 0 : i32
      %dma_start3A_69 = arith.constant 0 : i32
      %dma_start3A_70 = tpu.memref_slice %arg9[%dma_start3A_67, %dma_start3A_68, %dma_start3A_69] : memref<8x128x40xf32, #tpu.memory_space<vmem>> -> memref<1x128x40xf32, #tpu.memory_space<vmem>>
      %dma_start3A_71 = tpu.memref_squeeze %dma_start3A_70 : memref<1x128x40xf32, #tpu.memory_space<vmem>> -> memref<128x40xf32, #tpu.memory_space<vmem>>
      %dma_start3A_72 = arith.constant 0 : i32
      %dma_start3A_73 = tpu.memref_slice %arg7[%dma_start3A, %dma_start3A_72] : memref<79x128xi32, #tpu.memory_space<vmem>> -> memref<1x128xi32, #tpu.memory_space<vmem>>
      %dma_start3A_74 = tpu.memref_squeeze %dma_start3A_73 : memref<1x128xi32, #tpu.memory_space<vmem>> -> memref<128xi32, #tpu.memory_space<vmem>>
      %dma_start3A_75 = arith.constant 0 : i32
      %dma_start3A_76 = arith.constant 0 : i32
      %dma_start3A_77 = tpu.memref_slice %arg2[%dma_start3A_75, %dma_start3A_76] : memref<10000x40xf32, #tpu.memory_space<hbm>> -> memref<10000x40xf32, #tpu.memory_space<hbm>>
      tpu.enqueue_indirect_dma source(%dma_start3A_77 : memref<10000x40xf32, #tpu.memory_space<hbm>>) target(%dma_start3A_71 : memref<128x40xf32, #tpu.memory_space<vmem>>) offsets(%dma_start3A_74 : memref<128xi32, #tpu.memory_space<vmem>>) semaphore(%arg17 : memref<!tpu.dma_semaphore, #tpu.memory_space<semaphore_mem>>)
    } else {
    }
    %gt3A_51 = arith.constant 6 : i32
    %gt3A_52 = arith.cmpi sgt, %select_n3A, %gt3A_51 : i32
    %convert_element_type3A_53 = arith.extui %gt3A_52 : i1 to i32
    %cond3A_54 = arith.constant 0 : i32
    %cond3A_55 = arith.cmpi ne, %convert_element_type3A_53, %cond3A_54 : i32
    scf.if %cond3A_55 {
      %dma_start3A = arith.constant 6 : i32
      %dma_start3A_67 = arith.constant 6 : i32
      %dma_start3A_68 = arith.constant 0 : i32
      %dma_start3A_69 = arith.constant 0 : i32
      %dma_start3A_70 = tpu.memref_slice %arg9[%dma_start3A_67, %dma_start3A_68, %dma_start3A_69] : memref<8x128x40xf32, #tpu.memory_space<vmem>> -> memref<1x128x40xf32, #tpu.memory_space<vmem>>
      %dma_start3A_71 = tpu.memref_squeeze %dma_start3A_70 : memref<1x128x40xf32, #tpu.memory_space<vmem>> -> memref<128x40xf32, #tpu.memory_space<vmem>>
      %dma_start3A_72 = arith.constant 0 : i32
      %dma_start3A_73 = tpu.memref_slice %arg7[%dma_start3A, %dma_start3A_72] : memref<79x128xi32, #tpu.memory_space<vmem>> -> memref<1x128xi32, #tpu.memory_space<vmem>>
      %dma_start3A_74 = tpu.memref_squeeze %dma_start3A_73 : memref<1x128xi32, #tpu.memory_space<vmem>> -> memref<128xi32, #tpu.memory_space<vmem>>
      %dma_start3A_75 = arith.constant 0 : i32
      %dma_start3A_76 = arith.constant 0 : i32
      %dma_start3A_77 = tpu.memref_slice %arg2[%dma_start3A_75, %dma_start3A_76] : memref<10000x40xf32, #tpu.memory_space<hbm>> -> memref<10000x40xf32, #tpu.memory_space<hbm>>
      tpu.enqueue_indirect_dma source(%dma_start3A_77 : memref<10000x40xf32, #tpu.memory_space<hbm>>) target(%dma_start3A_71 : memref<128x40xf32, #tpu.memory_space<vmem>>) offsets(%dma_start3A_74 : memref<128xi32, #tpu.memory_space<vmem>>) semaphore(%arg18 : memref<!tpu.dma_semaphore, #tpu.memory_space<semaphore_mem>>)
    } else {
    }
    %gt3A_56 = arith.constant 7 : i32
    %gt3A_57 = arith.cmpi sgt, %select_n3A, %gt3A_56 : i32
    %convert_element_type3A_58 = arith.extui %gt3A_57 : i1 to i32
    %cond3A_59 = arith.constant 0 : i32
    %cond3A_60 = arith.cmpi ne, %convert_element_type3A_58, %cond3A_59 : i32
    scf.if %cond3A_60 {
      %dma_start3A = arith.constant 7 : i32
      %dma_start3A_67 = arith.constant 7 : i32
      %dma_start3A_68 = arith.constant 0 : i32
      %dma_start3A_69 = arith.constant 0 : i32
      %dma_start3A_70 = tpu.memref_slice %arg9[%dma_start3A_67, %dma_start3A_68, %dma_start3A_69] : memref<8x128x40xf32, #tpu.memory_space<vmem>> -> memref<1x128x40xf32, #tpu.memory_space<vmem>>
      %dma_start3A_71 = tpu.memref_squeeze %dma_start3A_70 : memref<1x128x40xf32, #tpu.memory_space<vmem>> -> memref<128x40xf32, #tpu.memory_space<vmem>>
      %dma_start3A_72 = arith.constant 0 : i32
      %dma_start3A_73 = tpu.memref_slice %arg7[%dma_start3A, %dma_start3A_72] : memref<79x128xi32, #tpu.memory_space<vmem>> -> memref<1x128xi32, #tpu.memory_space<vmem>>
      %dma_start3A_74 = tpu.memref_squeeze %dma_start3A_73 : memref<1x128xi32, #tpu.memory_space<vmem>> -> memref<128xi32, #tpu.memory_space<vmem>>
      %dma_start3A_75 = arith.constant 0 : i32
      %dma_start3A_76 = arith.constant 0 : i32
      %dma_start3A_77 = tpu.memref_slice %arg2[%dma_start3A_75, %dma_start3A_76] : memref<10000x40xf32, #tpu.memory_space<hbm>> -> memref<10000x40xf32, #tpu.memory_space<hbm>>
      tpu.enqueue_indirect_dma source(%dma_start3A_77 : memref<10000x40xf32, #tpu.memory_space<hbm>>) target(%dma_start3A_71 : memref<128x40xf32, #tpu.memory_space<vmem>>) offsets(%dma_start3A_74 : memref<128xi32, #tpu.memory_space<vmem>>) semaphore(%arg19 : memref<!tpu.dma_semaphore, #tpu.memory_space<semaphore_mem>>)
    } else {
    }
    %scan3A = arith.constant 0 : i32
    %scan3A_61 = arith.constant 0 : i32
    %scan3A_62 = arith.constant 10 : i32
    %scan3A_63 = arith.addi %scan3A_61, %scan3A_62 : i32
    %scan3A_64 = arith.constant 1 : i32
    scf.for %scan3A_67 = %scan3A_61 to %scan3A_63 step %scan3A_64  : i32 {
      %mul3A_68 = arith.constant 8 : i32
      %mul3A_69 = arith.muli %scan3A_67, %mul3A_68 : i32
      %add3A_70 = arith.constant 0 : i32
      %add3A_71 = arith.addi %mul3A_69, %add3A_70 : i32
      %lt3A_72 = arith.cmpi slt, %add3A_71, %select_n3A : i32
      %convert_element_type3A_73 = arith.extui %lt3A_72 : i1 to i32
      %cond3A_74 = arith.constant 0 : i32
      %cond3A_75 = arith.cmpi ne, %convert_element_type3A_73, %cond3A_74 : i32
      scf.if %cond3A_75 {
        %dma_wait3A = arith.constant 0 : i32
        %dma_wait3A_132 = arith.constant 0 : i32
        %dma_wait3A_133 = arith.constant 0 : i32
        %dma_wait3A_134 = tpu.memref_slice %arg9[%dma_wait3A, %dma_wait3A_132, %dma_wait3A_133] : memref<8x128x40xf32, #tpu.memory_space<vmem>> -> memref<1x128x40xf32, #tpu.memory_space<vmem>>
        %dma_wait3A_135 = tpu.memref_squeeze %dma_wait3A_134 : memref<1x128x40xf32, #tpu.memory_space<vmem>> -> memref<128x40xf32, #tpu.memory_space<vmem>>
        %dma_wait3A_136 = arith.constant 0 : i32
        %dma_wait3A_137 = tpu.memref_slice %arg7[%add3A_71, %dma_wait3A_136] : memref<79x128xi32, #tpu.memory_space<vmem>> -> memref<1x128xi32, #tpu.memory_space<vmem>>
        %dma_wait3A_138 = tpu.memref_squeeze %dma_wait3A_137 : memref<1x128xi32, #tpu.memory_space<vmem>> -> memref<128xi32, #tpu.memory_space<vmem>>
        %dma_wait3A_139 = arith.constant 0 : i32
        %dma_wait3A_140 = arith.constant 0 : i32
        %dma_wait3A_141 = tpu.memref_slice %arg2[%dma_wait3A_139, %dma_wait3A_140] : memref<10000x40xf32, #tpu.memory_space<hbm>> -> memref<10000x40xf32, #tpu.memory_space<hbm>>
        tpu.wait_indirect_dma semaphore(%arg12 : memref<!tpu.dma_semaphore, #tpu.memory_space<semaphore_mem>>) src(%dma_wait3A_141 : memref<10000x40xf32, #tpu.memory_space<hbm>>) dst(%dma_wait3A_135 : memref<128x40xf32, #tpu.memory_space<vmem>>)
        %run_scoped3A = arith.constant 0 : i32
        "tpu.region"() ({
          %run_scoped3A_148 = tpu.sem_alloc : memref<!tpu.dma_semaphore, #tpu.memory_space<semaphore_mem>>
          %dma_start3A = arith.constant 0 : i32
          %dma_start3A_149 = arith.constant 0 : i32
          %dma_start3A_150 = tpu.memref_slice %arg9[%run_scoped3A, %dma_start3A, %dma_start3A_149] : memref<8x128x40xf32, #tpu.memory_space<vmem>> -> memref<1x128x40xf32, #tpu.memory_space<vmem>>
          %dma_start3A_151 = tpu.memref_squeeze %dma_start3A_150 : memref<1x128x40xf32, #tpu.memory_space<vmem>> -> memref<128x40xf32, #tpu.memory_space<vmem>>
          %dma_start3A_152 = arith.constant 0 : i32
          %dma_start3A_153 = tpu.memref_slice %arg8[%add3A_71, %dma_start3A_152] : memref<79x128xi32, #tpu.memory_space<vmem>> -> memref<1x128xi32, #tpu.memory_space<vmem>>
          %dma_start3A_154 = tpu.memref_squeeze %dma_start3A_153 : memref<1x128xi32, #tpu.memory_space<vmem>> -> memref<128xi32, #tpu.memory_space<vmem>>
          %dma_start3A_155 = arith.constant 0 : i32
          %dma_start3A_156 = arith.constant 0 : i32
          %dma_start3A_157 = tpu.memref_slice %arg11[%dma_start3A_155, %dma_start3A_156] : memref<10240x40xf32, #tpu.memory_space<vmem_shared>> -> memref<10240x40xf32, #tpu.memory_space<vmem_shared>>
          tpu.enqueue_indirect_dma source(%dma_start3A_151 : memref<128x40xf32, #tpu.memory_space<vmem>>) target(%dma_start3A_157 : memref<10240x40xf32, #tpu.memory_space<vmem_shared>>) offsets(%dma_start3A_154 : memref<128xi32, #tpu.memory_space<vmem>>) semaphore(%run_scoped3A_148 : memref<!tpu.dma_semaphore, #tpu.memory_space<semaphore_mem>>) {add = true}
          %dma_wait3A_158 = arith.constant 0 : i32
          %dma_wait3A_159 = arith.constant 0 : i32
          %dma_wait3A_160 = tpu.memref_slice %arg9[%run_scoped3A, %dma_wait3A_158, %dma_wait3A_159] : memref<8x128x40xf32, #tpu.memory_space<vmem>> -> memref<1x128x40xf32, #tpu.memory_space<vmem>>
          %dma_wait3A_161 = tpu.memref_squeeze %dma_wait3A_160 : memref<1x128x40xf32, #tpu.memory_space<vmem>> -> memref<128x40xf32, #tpu.memory_space<vmem>>
          %dma_wait3A_162 = arith.constant 0 : i32
          %dma_wait3A_163 = tpu.memref_slice %arg8[%add3A_71, %dma_wait3A_162] : memref<79x128xi32, #tpu.memory_space<vmem>> -> memref<1x128xi32, #tpu.memory_space<vmem>>
          %dma_wait3A_164 = tpu.memref_squeeze %dma_wait3A_163 : memref<1x128xi32, #tpu.memory_space<vmem>> -> memref<128xi32, #tpu.memory_space<vmem>>
          %dma_wait3A_165 = arith.constant 0 : i32
          %dma_wait3A_166 = arith.constant 0 : i32
          %dma_wait3A_167 = tpu.memref_slice %arg11[%dma_wait3A_165, %dma_wait3A_166] : memref<10240x40xf32, #tpu.memory_space<vmem_shared>> -> memref<10240x40xf32, #tpu.memory_space<vmem_shared>>
          tpu.wait_indirect_dma semaphore(%run_scoped3A_148 : memref<!tpu.dma_semaphore, #tpu.memory_space<semaphore_mem>>) src(%dma_wait3A_161 : memref<128x40xf32, #tpu.memory_space<vmem>>) dst(%dma_wait3A_167 : memref<10240x40xf32, #tpu.memory_space<vmem_shared>>)
          tpu.yield
        }) : () -> ()
        %add3A_142 = arith.constant 8 : i32
        %add3A_143 = arith.addi %add3A_71, %add3A_142 : i32
        %lt3A_144 = arith.cmpi slt, %add3A_143, %select_n3A : i32
        %convert_element_type3A_145 = arith.extui %lt3A_144 : i1 to i32
        %cond3A_146 = arith.constant 0 : i32
        %cond3A_147 = arith.cmpi ne, %convert_element_type3A_145, %cond3A_146 : i32
        scf.if %cond3A_147 {
          %add3A_148 = arith.constant 8 : i32
          %add3A_149 = arith.addi %add3A_71, %add3A_148 : i32
          %dma_start3A = arith.constant 0 : i32
          %dma_start3A_150 = arith.constant 0 : i32
          %dma_start3A_151 = arith.constant 0 : i32
          %dma_start3A_152 = tpu.memref_slice %arg9[%dma_start3A, %dma_start3A_150, %dma_start3A_151] : memref<8x128x40xf32, #tpu.memory_space<vmem>> -> memref<1x128x40xf32, #tpu.memory_space<vmem>>
          %dma_start3A_153 = tpu.memref_squeeze %dma_start3A_152 : memref<1x128x40xf32, #tpu.memory_space<vmem>> -> memref<128x40xf32, #tpu.memory_space<vmem>>
          %dma_start3A_154 = arith.constant 0 : i32
          %dma_start3A_155 = tpu.memref_slice %arg7[%add3A_149, %dma_start3A_154] : memref<79x128xi32, #tpu.memory_space<vmem>> -> memref<1x128xi32, #tpu.memory_space<vmem>>
          %dma_start3A_156 = tpu.memref_squeeze %dma_start3A_155 : memref<1x128xi32, #tpu.memory_space<vmem>> -> memref<128xi32, #tpu.memory_space<vmem>>
          %dma_start3A_157 = arith.constant 0 : i32
          %dma_start3A_158 = arith.constant 0 : i32
          %dma_start3A_159 = tpu.memref_slice %arg2[%dma_start3A_157, %dma_start3A_158] : memref<10000x40xf32, #tpu.memory_space<hbm>> -> memref<10000x40xf32, #tpu.memory_space<hbm>>
          tpu.enqueue_indirect_dma source(%dma_start3A_159 : memref<10000x40xf32, #tpu.memory_space<hbm>>) target(%dma_start3A_153 : memref<128x40xf32, #tpu.memory_space<vmem>>) offsets(%dma_start3A_156 : memref<128xi32, #tpu.memory_space<vmem>>) semaphore(%arg12 : memref<!tpu.dma_semaphore, #tpu.memory_space<semaphore_mem>>)
        } else {
        }
      } else {
      }
      %mul3A_76 = arith.constant 8 : i32
      %mul3A_77 = arith.muli %scan3A_67, %mul3A_76 : i32
      %add3A_78 = arith.constant 1 : i32
      %add3A_79 = arith.addi %mul3A_77, %add3A_78 : i32
      %lt3A_80 = arith.cmpi slt, %add3A_79, %select_n3A : i32
      %convert_element_type3A_81 = arith.extui %lt3A_80 : i1 to i32
      %cond3A_82 = arith.constant 0 : i32
      %cond3A_83 = arith.cmpi ne, %convert_element_type3A_81, %cond3A_82 : i32
      scf.if %cond3A_83 {
        %dma_wait3A = arith.constant 1 : i32
        %dma_wait3A_132 = arith.constant 0 : i32
        %dma_wait3A_133 = arith.constant 0 : i32
        %dma_wait3A_134 = tpu.memref_slice %arg9[%dma_wait3A, %dma_wait3A_132, %dma_wait3A_133] : memref<8x128x40xf32, #tpu.memory_space<vmem>> -> memref<1x128x40xf32, #tpu.memory_space<vmem>>
        %dma_wait3A_135 = tpu.memref_squeeze %dma_wait3A_134 : memref<1x128x40xf32, #tpu.memory_space<vmem>> -> memref<128x40xf32, #tpu.memory_space<vmem>>
        %dma_wait3A_136 = arith.constant 0 : i32
        %dma_wait3A_137 = tpu.memref_slice %arg7[%add3A_79, %dma_wait3A_136] : memref<79x128xi32, #tpu.memory_space<vmem>> -> memref<1x128xi32, #tpu.memory_space<vmem>>
        %dma_wait3A_138 = tpu.memref_squeeze %dma_wait3A_137 : memref<1x128xi32, #tpu.memory_space<vmem>> -> memref<128xi32, #tpu.memory_space<vmem>>
        %dma_wait3A_139 = arith.constant 0 : i32
        %dma_wait3A_140 = arith.constant 0 : i32
        %dma_wait3A_141 = tpu.memref_slice %arg2[%dma_wait3A_139, %dma_wait3A_140] : memref<10000x40xf32, #tpu.memory_space<hbm>> -> memref<10000x40xf32, #tpu.memory_space<hbm>>
        tpu.wait_indirect_dma semaphore(%arg13 : memref<!tpu.dma_semaphore, #tpu.memory_space<semaphore_mem>>) src(%dma_wait3A_141 : memref<10000x40xf32, #tpu.memory_space<hbm>>) dst(%dma_wait3A_135 : memref<128x40xf32, #tpu.memory_space<vmem>>)
        %run_scoped3A = arith.constant 1 : i32
        "tpu.region"() ({
          %run_scoped3A_148 = tpu.sem_alloc : memref<!tpu.dma_semaphore, #tpu.memory_space<semaphore_mem>>
          %dma_start3A = arith.constant 0 : i32
          %dma_start3A_149 = arith.constant 0 : i32
          %dma_start3A_150 = tpu.memref_slice %arg9[%run_scoped3A, %dma_start3A, %dma_start3A_149] : memref<8x128x40xf32, #tpu.memory_space<vmem>> -> memref<1x128x40xf32, #tpu.memory_space<vmem>>
          %dma_start3A_151 = tpu.memref_squeeze %dma_start3A_150 : memref<1x128x40xf32, #tpu.memory_space<vmem>> -> memref<128x40xf32, #tpu.memory_space<vmem>>
          %dma_start3A_152 = arith.constant 0 : i32
          %dma_start3A_153 = tpu.memref_slice %arg8[%add3A_79, %dma_start3A_152] : memref<79x128xi32, #tpu.memory_space<vmem>> -> memref<1x128xi32, #tpu.memory_space<vmem>>
          %dma_start3A_154 = tpu.memref_squeeze %dma_start3A_153 : memref<1x128xi32, #tpu.memory_space<vmem>> -> memref<128xi32, #tpu.memory_space<vmem>>
          %dma_start3A_155 = arith.constant 0 : i32
          %dma_start3A_156 = arith.constant 0 : i32
          %dma_start3A_157 = tpu.memref_slice %arg11[%dma_start3A_155, %dma_start3A_156] : memref<10240x40xf32, #tpu.memory_space<vmem_shared>> -> memref<10240x40xf32, #tpu.memory_space<vmem_shared>>
          tpu.enqueue_indirect_dma source(%dma_start3A_151 : memref<128x40xf32, #tpu.memory_space<vmem>>) target(%dma_start3A_157 : memref<10240x40xf32, #tpu.memory_space<vmem_shared>>) offsets(%dma_start3A_154 : memref<128xi32, #tpu.memory_space<vmem>>) semaphore(%run_scoped3A_148 : memref<!tpu.dma_semaphore, #tpu.memory_space<semaphore_mem>>) {add = true}
          %dma_wait3A_158 = arith.constant 0 : i32
          %dma_wait3A_159 = arith.constant 0 : i32
          %dma_wait3A_160 = tpu.memref_slice %arg9[%run_scoped3A, %dma_wait3A_158, %dma_wait3A_159] : memref<8x128x40xf32, #tpu.memory_space<vmem>> -> memref<1x128x40xf32, #tpu.memory_space<vmem>>
          %dma_wait3A_161 = tpu.memref_squeeze %dma_wait3A_160 : memref<1x128x40xf32, #tpu.memory_space<vmem>> -> memref<128x40xf32, #tpu.memory_space<vmem>>
          %dma_wait3A_162 = arith.constant 0 : i32
          %dma_wait3A_163 = tpu.memref_slice %arg8[%add3A_79, %dma_wait3A_162] : memref<79x128xi32, #tpu.memory_space<vmem>> -> memref<1x128xi32, #tpu.memory_space<vmem>>
          %dma_wait3A_164 = tpu.memref_squeeze %dma_wait3A_163 : memref<1x128xi32, #tpu.memory_space<vmem>> -> memref<128xi32, #tpu.memory_space<vmem>>
          %dma_wait3A_165 = arith.constant 0 : i32
          %dma_wait3A_166 = arith.constant 0 : i32
          %dma_wait3A_167 = tpu.memref_slice %arg11[%dma_wait3A_165, %dma_wait3A_166] : memref<10240x40xf32, #tpu.memory_space<vmem_shared>> -> memref<10240x40xf32, #tpu.memory_space<vmem_shared>>
          tpu.wait_indirect_dma semaphore(%run_scoped3A_148 : memref<!tpu.dma_semaphore, #tpu.memory_space<semaphore_mem>>) src(%dma_wait3A_161 : memref<128x40xf32, #tpu.memory_space<vmem>>) dst(%dma_wait3A_167 : memref<10240x40xf32, #tpu.memory_space<vmem_shared>>)
          tpu.yield
        }) : () -> ()
        %add3A_142 = arith.constant 8 : i32
        %add3A_143 = arith.addi %add3A_79, %add3A_142 : i32
        %lt3A_144 = arith.cmpi slt, %add3A_143, %select_n3A : i32
        %convert_element_type3A_145 = arith.extui %lt3A_144 : i1 to i32
        %cond3A_146 = arith.constant 0 : i32
        %cond3A_147 = arith.cmpi ne, %convert_element_type3A_145, %cond3A_146 : i32
        scf.if %cond3A_147 {
          %add3A_148 = arith.constant 8 : i32
          %add3A_149 = arith.addi %add3A_79, %add3A_148 : i32
          %dma_start3A = arith.constant 1 : i32
          %dma_start3A_150 = arith.constant 0 : i32
          %dma_start3A_151 = arith.constant 0 : i32
          %dma_start3A_152 = tpu.memref_slice %arg9[%dma_start3A, %dma_start3A_150, %dma_start3A_151] : memref<8x128x40xf32, #tpu.memory_space<vmem>> -> memref<1x128x40xf32, #tpu.memory_space<vmem>>
          %dma_start3A_153 = tpu.memref_squeeze %dma_start3A_152 : memref<1x128x40xf32, #tpu.memory_space<vmem>> -> memref<128x40xf32, #tpu.memory_space<vmem>>
          %dma_start3A_154 = arith.constant 0 : i32
          %dma_start3A_155 = tpu.memref_slice %arg7[%add3A_149, %dma_start3A_154] : memref<79x128xi32, #tpu.memory_space<vmem>> -> memref<1x128xi32, #tpu.memory_space<vmem>>
          %dma_start3A_156 = tpu.memref_squeeze %dma_start3A_155 : memref<1x128xi32, #tpu.memory_space<vmem>> -> memref<128xi32, #tpu.memory_space<vmem>>
          %dma_start3A_157 = arith.constant 0 : i32
          %dma_start3A_158 = arith.constant 0 : i32
          %dma_start3A_159 = tpu.memref_slice %arg2[%dma_start3A_157, %dma_start3A_158] : memref<10000x40xf32, #tpu.memory_space<hbm>> -> memref<10000x40xf32, #tpu.memory_space<hbm>>
          tpu.enqueue_indirect_dma source(%dma_start3A_159 : memref<10000x40xf32, #tpu.memory_space<hbm>>) target(%dma_start3A_153 : memref<128x40xf32, #tpu.memory_space<vmem>>) offsets(%dma_start3A_156 : memref<128xi32, #tpu.memory_space<vmem>>) semaphore(%arg13 : memref<!tpu.dma_semaphore, #tpu.memory_space<semaphore_mem>>)
        } else {
        }
      } else {
      }
      %mul3A_84 = arith.constant 8 : i32
      %mul3A_85 = arith.muli %scan3A_67, %mul3A_84 : i32
      %add3A_86 = arith.constant 2 : i32
      %add3A_87 = arith.addi %mul3A_85, %add3A_86 : i32
      %lt3A_88 = arith.cmpi slt, %add3A_87, %select_n3A : i32
      %convert_element_type3A_89 = arith.extui %lt3A_88 : i1 to i32
      %cond3A_90 = arith.constant 0 : i32
      %cond3A_91 = arith.cmpi ne, %convert_element_type3A_89, %cond3A_90 : i32
      scf.if %cond3A_91 {
        %dma_wait3A = arith.constant 2 : i32
        %dma_wait3A_132 = arith.constant 0 : i32
        %dma_wait3A_133 = arith.constant 0 : i32
        %dma_wait3A_134 = tpu.memref_slice %arg9[%dma_wait3A, %dma_wait3A_132, %dma_wait3A_133] : memref<8x128x40xf32, #tpu.memory_space<vmem>> -> memref<1x128x40xf32, #tpu.memory_space<vmem>>
        %dma_wait3A_135 = tpu.memref_squeeze %dma_wait3A_134 : memref<1x128x40xf32, #tpu.memory_space<vmem>> -> memref<128x40xf32, #tpu.memory_space<vmem>>
        %dma_wait3A_136 = arith.constant 0 : i32
        %dma_wait3A_137 = tpu.memref_slice %arg7[%add3A_87, %dma_wait3A_136] : memref<79x128xi32, #tpu.memory_space<vmem>> -> memref<1x128xi32, #tpu.memory_space<vmem>>
        %dma_wait3A_138 = tpu.memref_squeeze %dma_wait3A_137 : memref<1x128xi32, #tpu.memory_space<vmem>> -> memref<128xi32, #tpu.memory_space<vmem>>
        %dma_wait3A_139 = arith.constant 0 : i32
        %dma_wait3A_140 = arith.constant 0 : i32
        %dma_wait3A_141 = tpu.memref_slice %arg2[%dma_wait3A_139, %dma_wait3A_140] : memref<10000x40xf32, #tpu.memory_space<hbm>> -> memref<10000x40xf32, #tpu.memory_space<hbm>>
        tpu.wait_indirect_dma semaphore(%arg14 : memref<!tpu.dma_semaphore, #tpu.memory_space<semaphore_mem>>) src(%dma_wait3A_141 : memref<10000x40xf32, #tpu.memory_space<hbm>>) dst(%dma_wait3A_135 : memref<128x40xf32, #tpu.memory_space<vmem>>)
        %run_scoped3A = arith.constant 2 : i32
        "tpu.region"() ({
          %run_scoped3A_148 = tpu.sem_alloc : memref<!tpu.dma_semaphore, #tpu.memory_space<semaphore_mem>>
          %dma_start3A = arith.constant 0 : i32
          %dma_start3A_149 = arith.constant 0 : i32
          %dma_start3A_150 = tpu.memref_slice %arg9[%run_scoped3A, %dma_start3A, %dma_start3A_149] : memref<8x128x40xf32, #tpu.memory_space<vmem>> -> memref<1x128x40xf32, #tpu.memory_space<vmem>>
          %dma_start3A_151 = tpu.memref_squeeze %dma_start3A_150 : memref<1x128x40xf32, #tpu.memory_space<vmem>> -> memref<128x40xf32, #tpu.memory_space<vmem>>
          %dma_start3A_152 = arith.constant 0 : i32
          %dma_start3A_153 = tpu.memref_slice %arg8[%add3A_87, %dma_start3A_152] : memref<79x128xi32, #tpu.memory_space<vmem>> -> memref<1x128xi32, #tpu.memory_space<vmem>>
          %dma_start3A_154 = tpu.memref_squeeze %dma_start3A_153 : memref<1x128xi32, #tpu.memory_space<vmem>> -> memref<128xi32, #tpu.memory_space<vmem>>
          %dma_start3A_155 = arith.constant 0 : i32
          %dma_start3A_156 = arith.constant 0 : i32
          %dma_start3A_157 = tpu.memref_slice %arg11[%dma_start3A_155, %dma_start3A_156] : memref<10240x40xf32, #tpu.memory_space<vmem_shared>> -> memref<10240x40xf32, #tpu.memory_space<vmem_shared>>
          tpu.enqueue_indirect_dma source(%dma_start3A_151 : memref<128x40xf32, #tpu.memory_space<vmem>>) target(%dma_start3A_157 : memref<10240x40xf32, #tpu.memory_space<vmem_shared>>) offsets(%dma_start3A_154 : memref<128xi32, #tpu.memory_space<vmem>>) semaphore(%run_scoped3A_148 : memref<!tpu.dma_semaphore, #tpu.memory_space<semaphore_mem>>) {add = true}
          %dma_wait3A_158 = arith.constant 0 : i32
          %dma_wait3A_159 = arith.constant 0 : i32
          %dma_wait3A_160 = tpu.memref_slice %arg9[%run_scoped3A, %dma_wait3A_158, %dma_wait3A_159] : memref<8x128x40xf32, #tpu.memory_space<vmem>> -> memref<1x128x40xf32, #tpu.memory_space<vmem>>
          %dma_wait3A_161 = tpu.memref_squeeze %dma_wait3A_160 : memref<1x128x40xf32, #tpu.memory_space<vmem>> -> memref<128x40xf32, #tpu.memory_space<vmem>>
          %dma_wait3A_162 = arith.constant 0 : i32
          %dma_wait3A_163 = tpu.memref_slice %arg8[%add3A_87, %dma_wait3A_162] : memref<79x128xi32, #tpu.memory_space<vmem>> -> memref<1x128xi32, #tpu.memory_space<vmem>>
          %dma_wait3A_164 = tpu.memref_squeeze %dma_wait3A_163 : memref<1x128xi32, #tpu.memory_space<vmem>> -> memref<128xi32, #tpu.memory_space<vmem>>
          %dma_wait3A_165 = arith.constant 0 : i32
          %dma_wait3A_166 = arith.constant 0 : i32
          %dma_wait3A_167 = tpu.memref_slice %arg11[%dma_wait3A_165, %dma_wait3A_166] : memref<10240x40xf32, #tpu.memory_space<vmem_shared>> -> memref<10240x40xf32, #tpu.memory_space<vmem_shared>>
          tpu.wait_indirect_dma semaphore(%run_scoped3A_148 : memref<!tpu.dma_semaphore, #tpu.memory_space<semaphore_mem>>) src(%dma_wait3A_161 : memref<128x40xf32, #tpu.memory_space<vmem>>) dst(%dma_wait3A_167 : memref<10240x40xf32, #tpu.memory_space<vmem_shared>>)
          tpu.yield
        }) : () -> ()
        %add3A_142 = arith.constant 8 : i32
        %add3A_143 = arith.addi %add3A_87, %add3A_142 : i32
        %lt3A_144 = arith.cmpi slt, %add3A_143, %select_n3A : i32
        %convert_element_type3A_145 = arith.extui %lt3A_144 : i1 to i32
        %cond3A_146 = arith.constant 0 : i32
        %cond3A_147 = arith.cmpi ne, %convert_element_type3A_145, %cond3A_146 : i32
        scf.if %cond3A_147 {
          %add3A_148 = arith.constant 8 : i32
          %add3A_149 = arith.addi %add3A_87, %add3A_148 : i32
          %dma_start3A = arith.constant 2 : i32
          %dma_start3A_150 = arith.constant 0 : i32
          %dma_start3A_151 = arith.constant 0 : i32
          %dma_start3A_152 = tpu.memref_slice %arg9[%dma_start3A, %dma_start3A_150, %dma_start3A_151] : memref<8x128x40xf32, #tpu.memory_space<vmem>> -> memref<1x128x40xf32, #tpu.memory_space<vmem>>
          %dma_start3A_153 = tpu.memref_squeeze %dma_start3A_152 : memref<1x128x40xf32, #tpu.memory_space<vmem>> -> memref<128x40xf32, #tpu.memory_space<vmem>>
          %dma_start3A_154 = arith.constant 0 : i32
          %dma_start3A_155 = tpu.memref_slice %arg7[%add3A_149, %dma_start3A_154] : memref<79x128xi32, #tpu.memory_space<vmem>> -> memref<1x128xi32, #tpu.memory_space<vmem>>
          %dma_start3A_156 = tpu.memref_squeeze %dma_start3A_155 : memref<1x128xi32, #tpu.memory_space<vmem>> -> memref<128xi32, #tpu.memory_space<vmem>>
          %dma_start3A_157 = arith.constant 0 : i32
          %dma_start3A_158 = arith.constant 0 : i32
          %dma_start3A_159 = tpu.memref_slice %arg2[%dma_start3A_157, %dma_start3A_158] : memref<10000x40xf32, #tpu.memory_space<hbm>> -> memref<10000x40xf32, #tpu.memory_space<hbm>>
          tpu.enqueue_indirect_dma source(%dma_start3A_159 : memref<10000x40xf32, #tpu.memory_space<hbm>>) target(%dma_start3A_153 : memref<128x40xf32, #tpu.memory_space<vmem>>) offsets(%dma_start3A_156 : memref<128xi32, #tpu.memory_space<vmem>>) semaphore(%arg14 : memref<!tpu.dma_semaphore, #tpu.memory_space<semaphore_mem>>)
        } else {
        }
      } else {
      }
      %mul3A_92 = arith.constant 8 : i32
      %mul3A_93 = arith.muli %scan3A_67, %mul3A_92 : i32
      %add3A_94 = arith.constant 3 : i32
      %add3A_95 = arith.addi %mul3A_93, %add3A_94 : i32
      %lt3A_96 = arith.cmpi slt, %add3A_95, %select_n3A : i32
      %convert_element_type3A_97 = arith.extui %lt3A_96 : i1 to i32
      %cond3A_98 = arith.constant 0 : i32
      %cond3A_99 = arith.cmpi ne, %convert_element_type3A_97, %cond3A_98 : i32
      scf.if %cond3A_99 {
        %dma_wait3A = arith.constant 3 : i32
        %dma_wait3A_132 = arith.constant 0 : i32
        %dma_wait3A_133 = arith.constant 0 : i32
        %dma_wait3A_134 = tpu.memref_slice %arg9[%dma_wait3A, %dma_wait3A_132, %dma_wait3A_133] : memref<8x128x40xf32, #tpu.memory_space<vmem>> -> memref<1x128x40xf32, #tpu.memory_space<vmem>>
        %dma_wait3A_135 = tpu.memref_squeeze %dma_wait3A_134 : memref<1x128x40xf32, #tpu.memory_space<vmem>> -> memref<128x40xf32, #tpu.memory_space<vmem>>
        %dma_wait3A_136 = arith.constant 0 : i32
        %dma_wait3A_137 = tpu.memref_slice %arg7[%add3A_95, %dma_wait3A_136] : memref<79x128xi32, #tpu.memory_space<vmem>> -> memref<1x128xi32, #tpu.memory_space<vmem>>
        %dma_wait3A_138 = tpu.memref_squeeze %dma_wait3A_137 : memref<1x128xi32, #tpu.memory_space<vmem>> -> memref<128xi32, #tpu.memory_space<vmem>>
        %dma_wait3A_139 = arith.constant 0 : i32
        %dma_wait3A_140 = arith.constant 0 : i32
        %dma_wait3A_141 = tpu.memref_slice %arg2[%dma_wait3A_139, %dma_wait3A_140] : memref<10000x40xf32, #tpu.memory_space<hbm>> -> memref<10000x40xf32, #tpu.memory_space<hbm>>
        tpu.wait_indirect_dma semaphore(%arg15 : memref<!tpu.dma_semaphore, #tpu.memory_space<semaphore_mem>>) src(%dma_wait3A_141 : memref<10000x40xf32, #tpu.memory_space<hbm>>) dst(%dma_wait3A_135 : memref<128x40xf32, #tpu.memory_space<vmem>>)
        %run_scoped3A = arith.constant 3 : i32
        "tpu.region"() ({
          %run_scoped3A_148 = tpu.sem_alloc : memref<!tpu.dma_semaphore, #tpu.memory_space<semaphore_mem>>
          %dma_start3A = arith.constant 0 : i32
          %dma_start3A_149 = arith.constant 0 : i32
          %dma_start3A_150 = tpu.memref_slice %arg9[%run_scoped3A, %dma_start3A, %dma_start3A_149] : memref<8x128x40xf32, #tpu.memory_space<vmem>> -> memref<1x128x40xf32, #tpu.memory_space<vmem>>
          %dma_start3A_151 = tpu.memref_squeeze %dma_start3A_150 : memref<1x128x40xf32, #tpu.memory_space<vmem>> -> memref<128x40xf32, #tpu.memory_space<vmem>>
          %dma_start3A_152 = arith.constant 0 : i32
          %dma_start3A_153 = tpu.memref_slice %arg8[%add3A_95, %dma_start3A_152] : memref<79x128xi32, #tpu.memory_space<vmem>> -> memref<1x128xi32, #tpu.memory_space<vmem>>
          %dma_start3A_154 = tpu.memref_squeeze %dma_start3A_153 : memref<1x128xi32, #tpu.memory_space<vmem>> -> memref<128xi32, #tpu.memory_space<vmem>>
          %dma_start3A_155 = arith.constant 0 : i32
          %dma_start3A_156 = arith.constant 0 : i32
          %dma_start3A_157 = tpu.memref_slice %arg11[%dma_start3A_155, %dma_start3A_156] : memref<10240x40xf32, #tpu.memory_space<vmem_shared>> -> memref<10240x40xf32, #tpu.memory_space<vmem_shared>>
          tpu.enqueue_indirect_dma source(%dma_start3A_151 : memref<128x40xf32, #tpu.memory_space<vmem>>) target(%dma_start3A_157 : memref<10240x40xf32, #tpu.memory_space<vmem_shared>>) offsets(%dma_start3A_154 : memref<128xi32, #tpu.memory_space<vmem>>) semaphore(%run_scoped3A_148 : memref<!tpu.dma_semaphore, #tpu.memory_space<semaphore_mem>>) {add = true}
          %dma_wait3A_158 = arith.constant 0 : i32
          %dma_wait3A_159 = arith.constant 0 : i32
          %dma_wait3A_160 = tpu.memref_slice %arg9[%run_scoped3A, %dma_wait3A_158, %dma_wait3A_159] : memref<8x128x40xf32, #tpu.memory_space<vmem>> -> memref<1x128x40xf32, #tpu.memory_space<vmem>>
          %dma_wait3A_161 = tpu.memref_squeeze %dma_wait3A_160 : memref<1x128x40xf32, #tpu.memory_space<vmem>> -> memref<128x40xf32, #tpu.memory_space<vmem>>
          %dma_wait3A_162 = arith.constant 0 : i32
          %dma_wait3A_163 = tpu.memref_slice %arg8[%add3A_95, %dma_wait3A_162] : memref<79x128xi32, #tpu.memory_space<vmem>> -> memref<1x128xi32, #tpu.memory_space<vmem>>
          %dma_wait3A_164 = tpu.memref_squeeze %dma_wait3A_163 : memref<1x128xi32, #tpu.memory_space<vmem>> -> memref<128xi32, #tpu.memory_space<vmem>>
          %dma_wait3A_165 = arith.constant 0 : i32
          %dma_wait3A_166 = arith.constant 0 : i32
          %dma_wait3A_167 = tpu.memref_slice %arg11[%dma_wait3A_165, %dma_wait3A_166] : memref<10240x40xf32, #tpu.memory_space<vmem_shared>> -> memref<10240x40xf32, #tpu.memory_space<vmem_shared>>
          tpu.wait_indirect_dma semaphore(%run_scoped3A_148 : memref<!tpu.dma_semaphore, #tpu.memory_space<semaphore_mem>>) src(%dma_wait3A_161 : memref<128x40xf32, #tpu.memory_space<vmem>>) dst(%dma_wait3A_167 : memref<10240x40xf32, #tpu.memory_space<vmem_shared>>)
          tpu.yield
        }) : () -> ()
        %add3A_142 = arith.constant 8 : i32
        %add3A_143 = arith.addi %add3A_95, %add3A_142 : i32
        %lt3A_144 = arith.cmpi slt, %add3A_143, %select_n3A : i32
        %convert_element_type3A_145 = arith.extui %lt3A_144 : i1 to i32
        %cond3A_146 = arith.constant 0 : i32
        %cond3A_147 = arith.cmpi ne, %convert_element_type3A_145, %cond3A_146 : i32
        scf.if %cond3A_147 {
          %add3A_148 = arith.constant 8 : i32
          %add3A_149 = arith.addi %add3A_95, %add3A_148 : i32
          %dma_start3A = arith.constant 3 : i32
          %dma_start3A_150 = arith.constant 0 : i32
          %dma_start3A_151 = arith.constant 0 : i32
          %dma_start3A_152 = tpu.memref_slice %arg9[%dma_start3A, %dma_start3A_150, %dma_start3A_151] : memref<8x128x40xf32, #tpu.memory_space<vmem>> -> memref<1x128x40xf32, #tpu.memory_space<vmem>>
          %dma_start3A_153 = tpu.memref_squeeze %dma_start3A_152 : memref<1x128x40xf32, #tpu.memory_space<vmem>> -> memref<128x40xf32, #tpu.memory_space<vmem>>
          %dma_start3A_154 = arith.constant 0 : i32
          %dma_start3A_155 = tpu.memref_slice %arg7[%add3A_149, %dma_start3A_154] : memref<79x128xi32, #tpu.memory_space<vmem>> -> memref<1x128xi32, #tpu.memory_space<vmem>>
          %dma_start3A_156 = tpu.memref_squeeze %dma_start3A_155 : memref<1x128xi32, #tpu.memory_space<vmem>> -> memref<128xi32, #tpu.memory_space<vmem>>
          %dma_start3A_157 = arith.constant 0 : i32
          %dma_start3A_158 = arith.constant 0 : i32
          %dma_start3A_159 = tpu.memref_slice %arg2[%dma_start3A_157, %dma_start3A_158] : memref<10000x40xf32, #tpu.memory_space<hbm>> -> memref<10000x40xf32, #tpu.memory_space<hbm>>
          tpu.enqueue_indirect_dma source(%dma_start3A_159 : memref<10000x40xf32, #tpu.memory_space<hbm>>) target(%dma_start3A_153 : memref<128x40xf32, #tpu.memory_space<vmem>>) offsets(%dma_start3A_156 : memref<128xi32, #tpu.memory_space<vmem>>) semaphore(%arg15 : memref<!tpu.dma_semaphore, #tpu.memory_space<semaphore_mem>>)
        } else {
        }
      } else {
      }
      %mul3A_100 = arith.constant 8 : i32
      %mul3A_101 = arith.muli %scan3A_67, %mul3A_100 : i32
      %add3A_102 = arith.constant 4 : i32
      %add3A_103 = arith.addi %mul3A_101, %add3A_102 : i32
      %lt3A_104 = arith.cmpi slt, %add3A_103, %select_n3A : i32
      %convert_element_type3A_105 = arith.extui %lt3A_104 : i1 to i32
      %cond3A_106 = arith.constant 0 : i32
      %cond3A_107 = arith.cmpi ne, %convert_element_type3A_105, %cond3A_106 : i32
      scf.if %cond3A_107 {
        %dma_wait3A = arith.constant 4 : i32
        %dma_wait3A_132 = arith.constant 0 : i32
        %dma_wait3A_133 = arith.constant 0 : i32
        %dma_wait3A_134 = tpu.memref_slice %arg9[%dma_wait3A, %dma_wait3A_132, %dma_wait3A_133] : memref<8x128x40xf32, #tpu.memory_space<vmem>> -> memref<1x128x40xf32, #tpu.memory_space<vmem>>
        %dma_wait3A_135 = tpu.memref_squeeze %dma_wait3A_134 : memref<1x128x40xf32, #tpu.memory_space<vmem>> -> memref<128x40xf32, #tpu.memory_space<vmem>>
        %dma_wait3A_136 = arith.constant 0 : i32
        %dma_wait3A_137 = tpu.memref_slice %arg7[%add3A_103, %dma_wait3A_136] : memref<79x128xi32, #tpu.memory_space<vmem>> -> memref<1x128xi32, #tpu.memory_space<vmem>>
        %dma_wait3A_138 = tpu.memref_squeeze %dma_wait3A_137 : memref<1x128xi32, #tpu.memory_space<vmem>> -> memref<128xi32, #tpu.memory_space<vmem>>
        %dma_wait3A_139 = arith.constant 0 : i32
        %dma_wait3A_140 = arith.constant 0 : i32
        %dma_wait3A_141 = tpu.memref_slice %arg2[%dma_wait3A_139, %dma_wait3A_140] : memref<10000x40xf32, #tpu.memory_space<hbm>> -> memref<10000x40xf32, #tpu.memory_space<hbm>>
        tpu.wait_indirect_dma semaphore(%arg16 : memref<!tpu.dma_semaphore, #tpu.memory_space<semaphore_mem>>) src(%dma_wait3A_141 : memref<10000x40xf32, #tpu.memory_space<hbm>>) dst(%dma_wait3A_135 : memref<128x40xf32, #tpu.memory_space<vmem>>)
        %run_scoped3A = arith.constant 4 : i32
        "tpu.region"() ({
          %run_scoped3A_148 = tpu.sem_alloc : memref<!tpu.dma_semaphore, #tpu.memory_space<semaphore_mem>>
          %dma_start3A = arith.constant 0 : i32
          %dma_start3A_149 = arith.constant 0 : i32
          %dma_start3A_150 = tpu.memref_slice %arg9[%run_scoped3A, %dma_start3A, %dma_start3A_149] : memref<8x128x40xf32, #tpu.memory_space<vmem>> -> memref<1x128x40xf32, #tpu.memory_space<vmem>>
          %dma_start3A_151 = tpu.memref_squeeze %dma_start3A_150 : memref<1x128x40xf32, #tpu.memory_space<vmem>> -> memref<128x40xf32, #tpu.memory_space<vmem>>
          %dma_start3A_152 = arith.constant 0 : i32
          %dma_start3A_153 = tpu.memref_slice %arg8[%add3A_103, %dma_start3A_152] : memref<79x128xi32, #tpu.memory_space<vmem>> -> memref<1x128xi32, #tpu.memory_space<vmem>>
          %dma_start3A_154 = tpu.memref_squeeze %dma_start3A_153 : memref<1x128xi32, #tpu.memory_space<vmem>> -> memref<128xi32, #tpu.memory_space<vmem>>
          %dma_start3A_155 = arith.constant 0 : i32
          %dma_start3A_156 = arith.constant 0 : i32
          %dma_start3A_157 = tpu.memref_slice %arg11[%dma_start3A_155, %dma_start3A_156] : memref<10240x40xf32, #tpu.memory_space<vmem_shared>> -> memref<10240x40xf32, #tpu.memory_space<vmem_shared>>
          tpu.enqueue_indirect_dma source(%dma_start3A_151 : memref<128x40xf32, #tpu.memory_space<vmem>>) target(%dma_start3A_157 : memref<10240x40xf32, #tpu.memory_space<vmem_shared>>) offsets(%dma_start3A_154 : memref<128xi32, #tpu.memory_space<vmem>>) semaphore(%run_scoped3A_148 : memref<!tpu.dma_semaphore, #tpu.memory_space<semaphore_mem>>) {add = true}
          %dma_wait3A_158 = arith.constant 0 : i32
          %dma_wait3A_159 = arith.constant 0 : i32
          %dma_wait3A_160 = tpu.memref_slice %arg9[%run_scoped3A, %dma_wait3A_158, %dma_wait3A_159] : memref<8x128x40xf32, #tpu.memory_space<vmem>> -> memref<1x128x40xf32, #tpu.memory_space<vmem>>
          %dma_wait3A_161 = tpu.memref_squeeze %dma_wait3A_160 : memref<1x128x40xf32, #tpu.memory_space<vmem>> -> memref<128x40xf32, #tpu.memory_space<vmem>>
          %dma_wait3A_162 = arith.constant 0 : i32
          %dma_wait3A_163 = tpu.memref_slice %arg8[%add3A_103, %dma_wait3A_162] : memref<79x128xi32, #tpu.memory_space<vmem>> -> memref<1x128xi32, #tpu.memory_space<vmem>>
          %dma_wait3A_164 = tpu.memref_squeeze %dma_wait3A_163 : memref<1x128xi32, #tpu.memory_space<vmem>> -> memref<128xi32, #tpu.memory_space<vmem>>
          %dma_wait3A_165 = arith.constant 0 : i32
          %dma_wait3A_166 = arith.constant 0 : i32
          %dma_wait3A_167 = tpu.memref_slice %arg11[%dma_wait3A_165, %dma_wait3A_166] : memref<10240x40xf32, #tpu.memory_space<vmem_shared>> -> memref<10240x40xf32, #tpu.memory_space<vmem_shared>>
          tpu.wait_indirect_dma semaphore(%run_scoped3A_148 : memref<!tpu.dma_semaphore, #tpu.memory_space<semaphore_mem>>) src(%dma_wait3A_161 : memref<128x40xf32, #tpu.memory_space<vmem>>) dst(%dma_wait3A_167 : memref<10240x40xf32, #tpu.memory_space<vmem_shared>>)
          tpu.yield
        }) : () -> ()
        %add3A_142 = arith.constant 8 : i32
        %add3A_143 = arith.addi %add3A_103, %add3A_142 : i32
        %lt3A_144 = arith.cmpi slt, %add3A_143, %select_n3A : i32
        %convert_element_type3A_145 = arith.extui %lt3A_144 : i1 to i32
        %cond3A_146 = arith.constant 0 : i32
        %cond3A_147 = arith.cmpi ne, %convert_element_type3A_145, %cond3A_146 : i32
        scf.if %cond3A_147 {
          %add3A_148 = arith.constant 8 : i32
          %add3A_149 = arith.addi %add3A_103, %add3A_148 : i32
          %dma_start3A = arith.constant 4 : i32
          %dma_start3A_150 = arith.constant 0 : i32
          %dma_start3A_151 = arith.constant 0 : i32
          %dma_start3A_152 = tpu.memref_slice %arg9[%dma_start3A, %dma_start3A_150, %dma_start3A_151] : memref<8x128x40xf32, #tpu.memory_space<vmem>> -> memref<1x128x40xf32, #tpu.memory_space<vmem>>
          %dma_start3A_153 = tpu.memref_squeeze %dma_start3A_152 : memref<1x128x40xf32, #tpu.memory_space<vmem>> -> memref<128x40xf32, #tpu.memory_space<vmem>>
          %dma_start3A_154 = arith.constant 0 : i32
          %dma_start3A_155 = tpu.memref_slice %arg7[%add3A_149, %dma_start3A_154] : memref<79x128xi32, #tpu.memory_space<vmem>> -> memref<1x128xi32, #tpu.memory_space<vmem>>
          %dma_start3A_156 = tpu.memref_squeeze %dma_start3A_155 : memref<1x128xi32, #tpu.memory_space<vmem>> -> memref<128xi32, #tpu.memory_space<vmem>>
          %dma_start3A_157 = arith.constant 0 : i32
          %dma_start3A_158 = arith.constant 0 : i32
          %dma_start3A_159 = tpu.memref_slice %arg2[%dma_start3A_157, %dma_start3A_158] : memref<10000x40xf32, #tpu.memory_space<hbm>> -> memref<10000x40xf32, #tpu.memory_space<hbm>>
          tpu.enqueue_indirect_dma source(%dma_start3A_159 : memref<10000x40xf32, #tpu.memory_space<hbm>>) target(%dma_start3A_153 : memref<128x40xf32, #tpu.memory_space<vmem>>) offsets(%dma_start3A_156 : memref<128xi32, #tpu.memory_space<vmem>>) semaphore(%arg16 : memref<!tpu.dma_semaphore, #tpu.memory_space<semaphore_mem>>)
        } else {
        }
      } else {
      }
      %mul3A_108 = arith.constant 8 : i32
      %mul3A_109 = arith.muli %scan3A_67, %mul3A_108 : i32
      %add3A_110 = arith.constant 5 : i32
      %add3A_111 = arith.addi %mul3A_109, %add3A_110 : i32
      %lt3A_112 = arith.cmpi slt, %add3A_111, %select_n3A : i32
      %convert_element_type3A_113 = arith.extui %lt3A_112 : i1 to i32
      %cond3A_114 = arith.constant 0 : i32
      %cond3A_115 = arith.cmpi ne, %convert_element_type3A_113, %cond3A_114 : i32
      scf.if %cond3A_115 {
        %dma_wait3A = arith.constant 5 : i32
        %dma_wait3A_132 = arith.constant 0 : i32
        %dma_wait3A_133 = arith.constant 0 : i32
        %dma_wait3A_134 = tpu.memref_slice %arg9[%dma_wait3A, %dma_wait3A_132, %dma_wait3A_133] : memref<8x128x40xf32, #tpu.memory_space<vmem>> -> memref<1x128x40xf32, #tpu.memory_space<vmem>>
        %dma_wait3A_135 = tpu.memref_squeeze %dma_wait3A_134 : memref<1x128x40xf32, #tpu.memory_space<vmem>> -> memref<128x40xf32, #tpu.memory_space<vmem>>
        %dma_wait3A_136 = arith.constant 0 : i32
        %dma_wait3A_137 = tpu.memref_slice %arg7[%add3A_111, %dma_wait3A_136] : memref<79x128xi32, #tpu.memory_space<vmem>> -> memref<1x128xi32, #tpu.memory_space<vmem>>
        %dma_wait3A_138 = tpu.memref_squeeze %dma_wait3A_137 : memref<1x128xi32, #tpu.memory_space<vmem>> -> memref<128xi32, #tpu.memory_space<vmem>>
        %dma_wait3A_139 = arith.constant 0 : i32
        %dma_wait3A_140 = arith.constant 0 : i32
        %dma_wait3A_141 = tpu.memref_slice %arg2[%dma_wait3A_139, %dma_wait3A_140] : memref<10000x40xf32, #tpu.memory_space<hbm>> -> memref<10000x40xf32, #tpu.memory_space<hbm>>
        tpu.wait_indirect_dma semaphore(%arg17 : memref<!tpu.dma_semaphore, #tpu.memory_space<semaphore_mem>>) src(%dma_wait3A_141 : memref<10000x40xf32, #tpu.memory_space<hbm>>) dst(%dma_wait3A_135 : memref<128x40xf32, #tpu.memory_space<vmem>>)
        %run_scoped3A = arith.constant 5 : i32
        "tpu.region"() ({
          %run_scoped3A_148 = tpu.sem_alloc : memref<!tpu.dma_semaphore, #tpu.memory_space<semaphore_mem>>
          %dma_start3A = arith.constant 0 : i32
          %dma_start3A_149 = arith.constant 0 : i32
          %dma_start3A_150 = tpu.memref_slice %arg9[%run_scoped3A, %dma_start3A, %dma_start3A_149] : memref<8x128x40xf32, #tpu.memory_space<vmem>> -> memref<1x128x40xf32, #tpu.memory_space<vmem>>
          %dma_start3A_151 = tpu.memref_squeeze %dma_start3A_150 : memref<1x128x40xf32, #tpu.memory_space<vmem>> -> memref<128x40xf32, #tpu.memory_space<vmem>>
          %dma_start3A_152 = arith.constant 0 : i32
          %dma_start3A_153 = tpu.memref_slice %arg8[%add3A_111, %dma_start3A_152] : memref<79x128xi32, #tpu.memory_space<vmem>> -> memref<1x128xi32, #tpu.memory_space<vmem>>
          %dma_start3A_154 = tpu.memref_squeeze %dma_start3A_153 : memref<1x128xi32, #tpu.memory_space<vmem>> -> memref<128xi32, #tpu.memory_space<vmem>>
          %dma_start3A_155 = arith.constant 0 : i32
          %dma_start3A_156 = arith.constant 0 : i32
          %dma_start3A_157 = tpu.memref_slice %arg11[%dma_start3A_155, %dma_start3A_156] : memref<10240x40xf32, #tpu.memory_space<vmem_shared>> -> memref<10240x40xf32, #tpu.memory_space<vmem_shared>>
          tpu.enqueue_indirect_dma source(%dma_start3A_151 : memref<128x40xf32, #tpu.memory_space<vmem>>) target(%dma_start3A_157 : memref<10240x40xf32, #tpu.memory_space<vmem_shared>>) offsets(%dma_start3A_154 : memref<128xi32, #tpu.memory_space<vmem>>) semaphore(%run_scoped3A_148 : memref<!tpu.dma_semaphore, #tpu.memory_space<semaphore_mem>>) {add = true}
          %dma_wait3A_158 = arith.constant 0 : i32
          %dma_wait3A_159 = arith.constant 0 : i32
          %dma_wait3A_160 = tpu.memref_slice %arg9[%run_scoped3A, %dma_wait3A_158, %dma_wait3A_159] : memref<8x128x40xf32, #tpu.memory_space<vmem>> -> memref<1x128x40xf32, #tpu.memory_space<vmem>>
          %dma_wait3A_161 = tpu.memref_squeeze %dma_wait3A_160 : memref<1x128x40xf32, #tpu.memory_space<vmem>> -> memref<128x40xf32, #tpu.memory_space<vmem>>
          %dma_wait3A_162 = arith.constant 0 : i32
          %dma_wait3A_163 = tpu.memref_slice %arg8[%add3A_111, %dma_wait3A_162] : memref<79x128xi32, #tpu.memory_space<vmem>> -> memref<1x128xi32, #tpu.memory_space<vmem>>
          %dma_wait3A_164 = tpu.memref_squeeze %dma_wait3A_163 : memref<1x128xi32, #tpu.memory_space<vmem>> -> memref<128xi32, #tpu.memory_space<vmem>>
          %dma_wait3A_165 = arith.constant 0 : i32
          %dma_wait3A_166 = arith.constant 0 : i32
          %dma_wait3A_167 = tpu.memref_slice %arg11[%dma_wait3A_165, %dma_wait3A_166] : memref<10240x40xf32, #tpu.memory_space<vmem_shared>> -> memref<10240x40xf32, #tpu.memory_space<vmem_shared>>
          tpu.wait_indirect_dma semaphore(%run_scoped3A_148 : memref<!tpu.dma_semaphore, #tpu.memory_space<semaphore_mem>>) src(%dma_wait3A_161 : memref<128x40xf32, #tpu.memory_space<vmem>>) dst(%dma_wait3A_167 : memref<10240x40xf32, #tpu.memory_space<vmem_shared>>)
          tpu.yield
        }) : () -> ()
        %add3A_142 = arith.constant 8 : i32
        %add3A_143 = arith.addi %add3A_111, %add3A_142 : i32
        %lt3A_144 = arith.cmpi slt, %add3A_143, %select_n3A : i32
        %convert_element_type3A_145 = arith.extui %lt3A_144 : i1 to i32
        %cond3A_146 = arith.constant 0 : i32
        %cond3A_147 = arith.cmpi ne, %convert_element_type3A_145, %cond3A_146 : i32
        scf.if %cond3A_147 {
          %add3A_148 = arith.constant 8 : i32
          %add3A_149 = arith.addi %add3A_111, %add3A_148 : i32
          %dma_start3A = arith.constant 5 : i32
          %dma_start3A_150 = arith.constant 0 : i32
          %dma_start3A_151 = arith.constant 0 : i32
          %dma_start3A_152 = tpu.memref_slice %arg9[%dma_start3A, %dma_start3A_150, %dma_start3A_151] : memref<8x128x40xf32, #tpu.memory_space<vmem>> -> memref<1x128x40xf32, #tpu.memory_space<vmem>>
          %dma_start3A_153 = tpu.memref_squeeze %dma_start3A_152 : memref<1x128x40xf32, #tpu.memory_space<vmem>> -> memref<128x40xf32, #tpu.memory_space<vmem>>
          %dma_start3A_154 = arith.constant 0 : i32
          %dma_start3A_155 = tpu.memref_slice %arg7[%add3A_149, %dma_start3A_154] : memref<79x128xi32, #tpu.memory_space<vmem>> -> memref<1x128xi32, #tpu.memory_space<vmem>>
          %dma_start3A_156 = tpu.memref_squeeze %dma_start3A_155 : memref<1x128xi32, #tpu.memory_space<vmem>> -> memref<128xi32, #tpu.memory_space<vmem>>
          %dma_start3A_157 = arith.constant 0 : i32
          %dma_start3A_158 = arith.constant 0 : i32
          %dma_start3A_159 = tpu.memref_slice %arg2[%dma_start3A_157, %dma_start3A_158] : memref<10000x40xf32, #tpu.memory_space<hbm>> -> memref<10000x40xf32, #tpu.memory_space<hbm>>
          tpu.enqueue_indirect_dma source(%dma_start3A_159 : memref<10000x40xf32, #tpu.memory_space<hbm>>) target(%dma_start3A_153 : memref<128x40xf32, #tpu.memory_space<vmem>>) offsets(%dma_start3A_156 : memref<128xi32, #tpu.memory_space<vmem>>) semaphore(%arg17 : memref<!tpu.dma_semaphore, #tpu.memory_space<semaphore_mem>>)
        } else {
        }
      } else {
      }
      %mul3A_116 = arith.constant 8 : i32
      %mul3A_117 = arith.muli %scan3A_67, %mul3A_116 : i32
      %add3A_118 = arith.constant 6 : i32
      %add3A_119 = arith.addi %mul3A_117, %add3A_118 : i32
      %lt3A_120 = arith.cmpi slt, %add3A_119, %select_n3A : i32
      %convert_element_type3A_121 = arith.extui %lt3A_120 : i1 to i32
      %cond3A_122 = arith.constant 0 : i32
      %cond3A_123 = arith.cmpi ne, %convert_element_type3A_121, %cond3A_122 : i32
      scf.if %cond3A_123 {
        %dma_wait3A = arith.constant 6 : i32
        %dma_wait3A_132 = arith.constant 0 : i32
        %dma_wait3A_133 = arith.constant 0 : i32
        %dma_wait3A_134 = tpu.memref_slice %arg9[%dma_wait3A, %dma_wait3A_132, %dma_wait3A_133] : memref<8x128x40xf32, #tpu.memory_space<vmem>> -> memref<1x128x40xf32, #tpu.memory_space<vmem>>
        %dma_wait3A_135 = tpu.memref_squeeze %dma_wait3A_134 : memref<1x128x40xf32, #tpu.memory_space<vmem>> -> memref<128x40xf32, #tpu.memory_space<vmem>>
        %dma_wait3A_136 = arith.constant 0 : i32
        %dma_wait3A_137 = tpu.memref_slice %arg7[%add3A_119, %dma_wait3A_136] : memref<79x128xi32, #tpu.memory_space<vmem>> -> memref<1x128xi32, #tpu.memory_space<vmem>>
        %dma_wait3A_138 = tpu.memref_squeeze %dma_wait3A_137 : memref<1x128xi32, #tpu.memory_space<vmem>> -> memref<128xi32, #tpu.memory_space<vmem>>
        %dma_wait3A_139 = arith.constant 0 : i32
        %dma_wait3A_140 = arith.constant 0 : i32
        %dma_wait3A_141 = tpu.memref_slice %arg2[%dma_wait3A_139, %dma_wait3A_140] : memref<10000x40xf32, #tpu.memory_space<hbm>> -> memref<10000x40xf32, #tpu.memory_space<hbm>>
        tpu.wait_indirect_dma semaphore(%arg18 : memref<!tpu.dma_semaphore, #tpu.memory_space<semaphore_mem>>) src(%dma_wait3A_141 : memref<10000x40xf32, #tpu.memory_space<hbm>>) dst(%dma_wait3A_135 : memref<128x40xf32, #tpu.memory_space<vmem>>)
        %run_scoped3A = arith.constant 6 : i32
        "tpu.region"() ({
          %run_scoped3A_148 = tpu.sem_alloc : memref<!tpu.dma_semaphore, #tpu.memory_space<semaphore_mem>>
          %dma_start3A = arith.constant 0 : i32
          %dma_start3A_149 = arith.constant 0 : i32
          %dma_start3A_150 = tpu.memref_slice %arg9[%run_scoped3A, %dma_start3A, %dma_start3A_149] : memref<8x128x40xf32, #tpu.memory_space<vmem>> -> memref<1x128x40xf32, #tpu.memory_space<vmem>>
          %dma_start3A_151 = tpu.memref_squeeze %dma_start3A_150 : memref<1x128x40xf32, #tpu.memory_space<vmem>> -> memref<128x40xf32, #tpu.memory_space<vmem>>
          %dma_start3A_152 = arith.constant 0 : i32
          %dma_start3A_153 = tpu.memref_slice %arg8[%add3A_119, %dma_start3A_152] : memref<79x128xi32, #tpu.memory_space<vmem>> -> memref<1x128xi32, #tpu.memory_space<vmem>>
          %dma_start3A_154 = tpu.memref_squeeze %dma_start3A_153 : memref<1x128xi32, #tpu.memory_space<vmem>> -> memref<128xi32, #tpu.memory_space<vmem>>
          %dma_start3A_155 = arith.constant 0 : i32
          %dma_start3A_156 = arith.constant 0 : i32
          %dma_start3A_157 = tpu.memref_slice %arg11[%dma_start3A_155, %dma_start3A_156] : memref<10240x40xf32, #tpu.memory_space<vmem_shared>> -> memref<10240x40xf32, #tpu.memory_space<vmem_shared>>
          tpu.enqueue_indirect_dma source(%dma_start3A_151 : memref<128x40xf32, #tpu.memory_space<vmem>>) target(%dma_start3A_157 : memref<10240x40xf32, #tpu.memory_space<vmem_shared>>) offsets(%dma_start3A_154 : memref<128xi32, #tpu.memory_space<vmem>>) semaphore(%run_scoped3A_148 : memref<!tpu.dma_semaphore, #tpu.memory_space<semaphore_mem>>) {add = true}
          %dma_wait3A_158 = arith.constant 0 : i32
          %dma_wait3A_159 = arith.constant 0 : i32
          %dma_wait3A_160 = tpu.memref_slice %arg9[%run_scoped3A, %dma_wait3A_158, %dma_wait3A_159] : memref<8x128x40xf32, #tpu.memory_space<vmem>> -> memref<1x128x40xf32, #tpu.memory_space<vmem>>
          %dma_wait3A_161 = tpu.memref_squeeze %dma_wait3A_160 : memref<1x128x40xf32, #tpu.memory_space<vmem>> -> memref<128x40xf32, #tpu.memory_space<vmem>>
          %dma_wait3A_162 = arith.constant 0 : i32
          %dma_wait3A_163 = tpu.memref_slice %arg8[%add3A_119, %dma_wait3A_162] : memref<79x128xi32, #tpu.memory_space<vmem>> -> memref<1x128xi32, #tpu.memory_space<vmem>>
          %dma_wait3A_164 = tpu.memref_squeeze %dma_wait3A_163 : memref<1x128xi32, #tpu.memory_space<vmem>> -> memref<128xi32, #tpu.memory_space<vmem>>
          %dma_wait3A_165 = arith.constant 0 : i32
          %dma_wait3A_166 = arith.constant 0 : i32
          %dma_wait3A_167 = tpu.memref_slice %arg11[%dma_wait3A_165, %dma_wait3A_166] : memref<10240x40xf32, #tpu.memory_space<vmem_shared>> -> memref<10240x40xf32, #tpu.memory_space<vmem_shared>>
          tpu.wait_indirect_dma semaphore(%run_scoped3A_148 : memref<!tpu.dma_semaphore, #tpu.memory_space<semaphore_mem>>) src(%dma_wait3A_161 : memref<128x40xf32, #tpu.memory_space<vmem>>) dst(%dma_wait3A_167 : memref<10240x40xf32, #tpu.memory_space<vmem_shared>>)
          tpu.yield
        }) : () -> ()
        %add3A_142 = arith.constant 8 : i32
        %add3A_143 = arith.addi %add3A_119, %add3A_142 : i32
        %lt3A_144 = arith.cmpi slt, %add3A_143, %select_n3A : i32
        %convert_element_type3A_145 = arith.extui %lt3A_144 : i1 to i32
        %cond3A_146 = arith.constant 0 : i32
        %cond3A_147 = arith.cmpi ne, %convert_element_type3A_145, %cond3A_146 : i32
        scf.if %cond3A_147 {
          %add3A_148 = arith.constant 8 : i32
          %add3A_149 = arith.addi %add3A_119, %add3A_148 : i32
          %dma_start3A = arith.constant 6 : i32
          %dma_start3A_150 = arith.constant 0 : i32
          %dma_start3A_151 = arith.constant 0 : i32
          %dma_start3A_152 = tpu.memref_slice %arg9[%dma_start3A, %dma_start3A_150, %dma_start3A_151] : memref<8x128x40xf32, #tpu.memory_space<vmem>> -> memref<1x128x40xf32, #tpu.memory_space<vmem>>
          %dma_start3A_153 = tpu.memref_squeeze %dma_start3A_152 : memref<1x128x40xf32, #tpu.memory_space<vmem>> -> memref<128x40xf32, #tpu.memory_space<vmem>>
          %dma_start3A_154 = arith.constant 0 : i32
          %dma_start3A_155 = tpu.memref_slice %arg7[%add3A_149, %dma_start3A_154] : memref<79x128xi32, #tpu.memory_space<vmem>> -> memref<1x128xi32, #tpu.memory_space<vmem>>
          %dma_start3A_156 = tpu.memref_squeeze %dma_start3A_155 : memref<1x128xi32, #tpu.memory_space<vmem>> -> memref<128xi32, #tpu.memory_space<vmem>>
          %dma_start3A_157 = arith.constant 0 : i32
          %dma_start3A_158 = arith.constant 0 : i32
          %dma_start3A_159 = tpu.memref_slice %arg2[%dma_start3A_157, %dma_start3A_158] : memref<10000x40xf32, #tpu.memory_space<hbm>> -> memref<10000x40xf32, #tpu.memory_space<hbm>>
          tpu.enqueue_indirect_dma source(%dma_start3A_159 : memref<10000x40xf32, #tpu.memory_space<hbm>>) target(%dma_start3A_153 : memref<128x40xf32, #tpu.memory_space<vmem>>) offsets(%dma_start3A_156 : memref<128xi32, #tpu.memory_space<vmem>>) semaphore(%arg18 : memref<!tpu.dma_semaphore, #tpu.memory_space<semaphore_mem>>)
        } else {
        }
      } else {
      }
      %mul3A_124 = arith.constant 8 : i32
      %mul3A_125 = arith.muli %scan3A_67, %mul3A_124 : i32
      %add3A_126 = arith.constant 7 : i32
      %add3A_127 = arith.addi %mul3A_125, %add3A_126 : i32
      %lt3A_128 = arith.cmpi slt, %add3A_127, %select_n3A : i32
      %convert_element_type3A_129 = arith.extui %lt3A_128 : i1 to i32
      %cond3A_130 = arith.constant 0 : i32
      %cond3A_131 = arith.cmpi ne, %convert_element_type3A_129, %cond3A_130 : i32
      scf.if %cond3A_131 {
        %dma_wait3A = arith.constant 7 : i32
        %dma_wait3A_132 = arith.constant 0 : i32
        %dma_wait3A_133 = arith.constant 0 : i32
        %dma_wait3A_134 = tpu.memref_slice %arg9[%dma_wait3A, %dma_wait3A_132, %dma_wait3A_133] : memref<8x128x40xf32, #tpu.memory_space<vmem>> -> memref<1x128x40xf32, #tpu.memory_space<vmem>>
        %dma_wait3A_135 = tpu.memref_squeeze %dma_wait3A_134 : memref<1x128x40xf32, #tpu.memory_space<vmem>> -> memref<128x40xf32, #tpu.memory_space<vmem>>
        %dma_wait3A_136 = arith.constant 0 : i32
        %dma_wait3A_137 = tpu.memref_slice %arg7[%add3A_127, %dma_wait3A_136] : memref<79x128xi32, #tpu.memory_space<vmem>> -> memref<1x128xi32, #tpu.memory_space<vmem>>
        %dma_wait3A_138 = tpu.memref_squeeze %dma_wait3A_137 : memref<1x128xi32, #tpu.memory_space<vmem>> -> memref<128xi32, #tpu.memory_space<vmem>>
        %dma_wait3A_139 = arith.constant 0 : i32
        %dma_wait3A_140 = arith.constant 0 : i32
        %dma_wait3A_141 = tpu.memref_slice %arg2[%dma_wait3A_139, %dma_wait3A_140] : memref<10000x40xf32, #tpu.memory_space<hbm>> -> memref<10000x40xf32, #tpu.memory_space<hbm>>
        tpu.wait_indirect_dma semaphore(%arg19 : memref<!tpu.dma_semaphore, #tpu.memory_space<semaphore_mem>>) src(%dma_wait3A_141 : memref<10000x40xf32, #tpu.memory_space<hbm>>) dst(%dma_wait3A_135 : memref<128x40xf32, #tpu.memory_space<vmem>>)
        %run_scoped3A = arith.constant 7 : i32
        "tpu.region"() ({
          %run_scoped3A_148 = tpu.sem_alloc : memref<!tpu.dma_semaphore, #tpu.memory_space<semaphore_mem>>
          %dma_start3A = arith.constant 0 : i32
          %dma_start3A_149 = arith.constant 0 : i32
          %dma_start3A_150 = tpu.memref_slice %arg9[%run_scoped3A, %dma_start3A, %dma_start3A_149] : memref<8x128x40xf32, #tpu.memory_space<vmem>> -> memref<1x128x40xf32, #tpu.memory_space<vmem>>
          %dma_start3A_151 = tpu.memref_squeeze %dma_start3A_150 : memref<1x128x40xf32, #tpu.memory_space<vmem>> -> memref<128x40xf32, #tpu.memory_space<vmem>>
          %dma_start3A_152 = arith.constant 0 : i32
          %dma_start3A_153 = tpu.memref_slice %arg8[%add3A_127, %dma_start3A_152] : memref<79x128xi32, #tpu.memory_space<vmem>> -> memref<1x128xi32, #tpu.memory_space<vmem>>
          %dma_start3A_154 = tpu.memref_squeeze %dma_start3A_153 : memref<1x128xi32, #tpu.memory_space<vmem>> -> memref<128xi32, #tpu.memory_space<vmem>>
          %dma_start3A_155 = arith.constant 0 : i32
          %dma_start3A_156 = arith.constant 0 : i32
          %dma_start3A_157 = tpu.memref_slice %arg11[%dma_start3A_155, %dma_start3A_156] : memref<10240x40xf32, #tpu.memory_space<vmem_shared>> -> memref<10240x40xf32, #tpu.memory_space<vmem_shared>>
          tpu.enqueue_indirect_dma source(%dma_start3A_151 : memref<128x40xf32, #tpu.memory_space<vmem>>) target(%dma_start3A_157 : memref<10240x40xf32, #tpu.memory_space<vmem_shared>>) offsets(%dma_start3A_154 : memref<128xi32, #tpu.memory_space<vmem>>) semaphore(%run_scoped3A_148 : memref<!tpu.dma_semaphore, #tpu.memory_space<semaphore_mem>>) {add = true}
          %dma_wait3A_158 = arith.constant 0 : i32
          %dma_wait3A_159 = arith.constant 0 : i32
          %dma_wait3A_160 = tpu.memref_slice %arg9[%run_scoped3A, %dma_wait3A_158, %dma_wait3A_159] : memref<8x128x40xf32, #tpu.memory_space<vmem>> -> memref<1x128x40xf32, #tpu.memory_space<vmem>>
          %dma_wait3A_161 = tpu.memref_squeeze %dma_wait3A_160 : memref<1x128x40xf32, #tpu.memory_space<vmem>> -> memref<128x40xf32, #tpu.memory_space<vmem>>
          %dma_wait3A_162 = arith.constant 0 : i32
          %dma_wait3A_163 = tpu.memref_slice %arg8[%add3A_127, %dma_wait3A_162] : memref<79x128xi32, #tpu.memory_space<vmem>> -> memref<1x128xi32, #tpu.memory_space<vmem>>
          %dma_wait3A_164 = tpu.memref_squeeze %dma_wait3A_163 : memref<1x128xi32, #tpu.memory_space<vmem>> -> memref<128xi32, #tpu.memory_space<vmem>>
          %dma_wait3A_165 = arith.constant 0 : i32
          %dma_wait3A_166 = arith.constant 0 : i32
          %dma_wait3A_167 = tpu.memref_slice %arg11[%dma_wait3A_165, %dma_wait3A_166] : memref<10240x40xf32, #tpu.memory_space<vmem_shared>> -> memref<10240x40xf32, #tpu.memory_space<vmem_shared>>
          tpu.wait_indirect_dma semaphore(%run_scoped3A_148 : memref<!tpu.dma_semaphore, #tpu.memory_space<semaphore_mem>>) src(%dma_wait3A_161 : memref<128x40xf32, #tpu.memory_space<vmem>>) dst(%dma_wait3A_167 : memref<10240x40xf32, #tpu.memory_space<vmem_shared>>)
          tpu.yield
        }) : () -> ()
        %add3A_142 = arith.constant 8 : i32
        %add3A_143 = arith.addi %add3A_127, %add3A_142 : i32
        %lt3A_144 = arith.cmpi slt, %add3A_143, %select_n3A : i32
        %convert_element_type3A_145 = arith.extui %lt3A_144 : i1 to i32
        %cond3A_146 = arith.constant 0 : i32
        %cond3A_147 = arith.cmpi ne, %convert_element_type3A_145, %cond3A_146 : i32
        scf.if %cond3A_147 {
          %add3A_148 = arith.constant 8 : i32
          %add3A_149 = arith.addi %add3A_127, %add3A_148 : i32
          %dma_start3A = arith.constant 7 : i32
          %dma_start3A_150 = arith.constant 0 : i32
          %dma_start3A_151 = arith.constant 0 : i32
          %dma_start3A_152 = tpu.memref_slice %arg9[%dma_start3A, %dma_start3A_150, %dma_start3A_151] : memref<8x128x40xf32, #tpu.memory_space<vmem>> -> memref<1x128x40xf32, #tpu.memory_space<vmem>>
          %dma_start3A_153 = tpu.memref_squeeze %dma_start3A_152 : memref<1x128x40xf32, #tpu.memory_space<vmem>> -> memref<128x40xf32, #tpu.memory_space<vmem>>
          %dma_start3A_154 = arith.constant 0 : i32
          %dma_start3A_155 = tpu.memref_slice %arg7[%add3A_149, %dma_start3A_154] : memref<79x128xi32, #tpu.memory_space<vmem>> -> memref<1x128xi32, #tpu.memory_space<vmem>>
          %dma_start3A_156 = tpu.memref_squeeze %dma_start3A_155 : memref<1x128xi32, #tpu.memory_space<vmem>> -> memref<128xi32, #tpu.memory_space<vmem>>
          %dma_start3A_157 = arith.constant 0 : i32
          %dma_start3A_158 = arith.constant 0 : i32
          %dma_start3A_159 = tpu.memref_slice %arg2[%dma_start3A_157, %dma_start3A_158] : memref<10000x40xf32, #tpu.memory_space<hbm>> -> memref<10000x40xf32, #tpu.memory_space<hbm>>
          tpu.enqueue_indirect_dma source(%dma_start3A_159 : memref<10000x40xf32, #tpu.memory_space<hbm>>) target(%dma_start3A_153 : memref<128x40xf32, #tpu.memory_space<vmem>>) offsets(%dma_start3A_156 : memref<128xi32, #tpu.memory_space<vmem>>) semaphore(%arg19 : memref<!tpu.dma_semaphore, #tpu.memory_space<semaphore_mem>>)
        } else {
        }
      } else {
      }
    }
    %scan3A_65 = arith.constant 10 : i32
    %barrier3A_66 = arith.constant 0 : index
    tpu.barrier barrier_id(%barrier3A_66)
    "tpu.region"() ({
      %run_scoped3A = tpu.sem_alloc : memref<!tpu.dma_semaphore, #tpu.memory_space<semaphore_mem>>
      %dma_start3A = arith.constant 0 : i32
      %dma_start3A_67 = tpu.memref_slice %arg11[%mul3A_2, %dma_start3A] : memref<10240x40xf32, #tpu.memory_space<vmem_shared>> -> memref<640x40xf32, #tpu.memory_space<vmem_shared>>
      %dma_start3A_68 = arith.constant 0 : i32
      %dma_start3A_69 = tpu.memref_slice %arg11[%mul3A_2, %dma_start3A_68] : memref<10240x40xf32, #tpu.memory_space<vmem_shared>> -> memref<640x40xf32, #tpu.memory_space<vmem_shared>>
      tpu.enqueue_dma source(%dma_start3A_69 : memref<640x40xf32, #tpu.memory_space<vmem_shared>>) target(%arg10 : memref<640x40xf32, #tpu.memory_space<vmem>>) target_semaphore(%run_scoped3A : memref<!tpu.dma_semaphore, #tpu.memory_space<semaphore_mem>>)
      %dma_wait3A = arith.constant 0 : i32
      %dma_wait3A_70 = tpu.memref_slice %arg11[%mul3A_2, %dma_wait3A] : memref<10240x40xf32, #tpu.memory_space<vmem_shared>> -> memref<640x40xf32, #tpu.memory_space<vmem_shared>>
      %dma_wait3A_71 = arith.constant 0 : i32
      %dma_wait3A_72 = tpu.memref_slice %arg11[%mul3A_2, %dma_wait3A_71] : memref<10240x40xf32, #tpu.memory_space<vmem_shared>> -> memref<640x40xf32, #tpu.memory_space<vmem_shared>>
      tpu.wait_dma2 semaphore(%run_scoped3A : memref<!tpu.dma_semaphore, #tpu.memory_space<semaphore_mem>>) src(%dma_wait3A_72 : memref<640x40xf32, #tpu.memory_space<vmem_shared>>) dst(%arg10 : memref<640x40xf32, #tpu.memory_space<vmem>>)
      tpu.yield
    }) : () -> ()
    "tpu.region"() ({
      %run_scoped3A = tpu.sem_alloc : memref<!tpu.dma_semaphore, #tpu.memory_space<semaphore_mem>>
      %dma_start3A = arith.constant 0 : i32
      %dma_start3A_67 = tpu.memref_slice %arg6[%arg0, %mul3A_2, %dma_start3A] : memref<2x10240x40xf32, #tpu.memory_space<hbm>> -> memref<1x640x40xf32, #tpu.memory_space<hbm>>
      %dma_start3A_68 = tpu.memref_squeeze %dma_start3A_67 : memref<1x640x40xf32, #tpu.memory_space<hbm>> -> memref<640x40xf32, #tpu.memory_space<hbm>>
      %dma_start3A_69 = arith.constant 0 : i32
      %dma_start3A_70 = tpu.memref_slice %arg6[%arg0, %mul3A_2, %dma_start3A_69] : memref<2x10240x40xf32, #tpu.memory_space<hbm>> -> memref<1x640x40xf32, #tpu.memory_space<hbm>>
      %dma_start3A_71 = tpu.memref_squeeze %dma_start3A_70 : memref<1x640x40xf32, #tpu.memory_space<hbm>> -> memref<640x40xf32, #tpu.memory_space<hbm>>
      tpu.enqueue_dma source(%arg10 : memref<640x40xf32, #tpu.memory_space<vmem>>) target(%dma_start3A_71 : memref<640x40xf32, #tpu.memory_space<hbm>>) target_semaphore(%run_scoped3A : memref<!tpu.dma_semaphore, #tpu.memory_space<semaphore_mem>>)
      %dma_wait3A = arith.constant 0 : i32
      %dma_wait3A_72 = tpu.memref_slice %arg6[%arg0, %mul3A_2, %dma_wait3A] : memref<2x10240x40xf32, #tpu.memory_space<hbm>> -> memref<1x640x40xf32, #tpu.memory_space<hbm>>
      %dma_wait3A_73 = tpu.memref_squeeze %dma_wait3A_72 : memref<1x640x40xf32, #tpu.memory_space<hbm>> -> memref<640x40xf32, #tpu.memory_space<hbm>>
      %dma_wait3A_74 = arith.constant 0 : i32
      %dma_wait3A_75 = tpu.memref_slice %arg6[%arg0, %mul3A_2, %dma_wait3A_74] : memref<2x10240x40xf32, #tpu.memory_space<hbm>> -> memref<1x640x40xf32, #tpu.memory_space<hbm>>
      %dma_wait3A_76 = tpu.memref_squeeze %dma_wait3A_75 : memref<1x640x40xf32, #tpu.memory_space<hbm>> -> memref<640x40xf32, #tpu.memory_space<hbm>>
      tpu.wait_dma2 semaphore(%run_scoped3A : memref<!tpu.dma_semaphore, #tpu.memory_space<semaphore_mem>>) src(%arg10 : memref<640x40xf32, #tpu.memory_space<vmem>>) dst(%dma_wait3A_76 : memref<640x40xf32, #tpu.memory_space<hbm>>)
      tpu.yield
    }) : () -> ()
    return
  }
}

#map = affine_map<(d0, d1) -> (0, 0)>
#map1 = affine_map<(d0, d1) -> (0, 0, 0, 0)>
module attributes {stable_mosaic.version = 14 : i64} {
  func.func @k(%arg0: i32, %arg1: i32, %arg2: memref<2500x128xi32, #tpu.memory_space<hbm>>, %arg3: memref<2500x128xi32, #tpu.memory_space<hbm>>, %arg4: memref<128x8xf32, #tpu.memory_space<hbm>>, %arg5: memref<640x8xf32, #tpu.memory_space<hbm>>, %arg6: memref<2x2x10240x8xf32, #tpu.memory_space<hbm>>, %arg7: memref<79x128xi32, #tpu.memory_space<vmem>>, %arg8: memref<79x128xi32, #tpu.memory_space<vmem>>, %arg9: memref<128x8xf32, #tpu.memory_space<vmem>>, %arg10: memref<640x8xf32, #tpu.memory_space<vmem>>, %arg11: memref<10240x8xf32, #tpu.memory_space<vmem_shared>>, %arg12: memref<10240x8xf32, #tpu.memory_space<vmem_shared>>) attributes {dimension_semantics = [#tpu.dimension_semantics<core_parallel>, #tpu.dimension_semantics<subcore_parallel>], iteration_bounds = array<i64: 2, 16>, scalar_prefetch = 0 : i64, scratch_operands = 6 : i64, tpu.core_type = #tpu.core_type<sc_vector_subcore>, window_params = [{transform_indices = #map}, {transform_indices = #map}, {transform_indices = #map}, {transform_indices = #map}, {transform_indices = #map1}]} {
    %mul3A = arith.constant 2 : i32
    %mul3A_0 = arith.muli %arg1, %mul3A : i32
    %add3A = arith.addi %mul3A_0, %arg0 : i32
    %mul3A_1 = arith.constant 640 : i32
    %mul3A_2 = arith.muli %arg1, %mul3A_1 : i32
    %lt3A = arith.constant 31 : i32
    %lt3A_3 = arith.cmpi slt, %add3A, %lt3A : i32
    %convert_element_type3A = arith.extui %lt3A_3 : i1 to i32
    %cond3A = arith.constant 0 : i32
    %cond3A_4 = arith.cmpi ne, %convert_element_type3A, %cond3A : i32
    scf.if %cond3A_4 {
      %mul3A_33 = arith.constant 79 : i32
      %mul3A_34 = arith.muli %add3A, %mul3A_33 : i32
      "tpu.region"() ({
        %run_scoped3A_35 = tpu.sem_alloc : memref<!tpu.dma_semaphore, #tpu.memory_space<semaphore_mem>>
        %dma_start3A = arith.constant 0 : i32
        %dma_start3A_36 = tpu.memref_slice %arg2[%mul3A_34, %dma_start3A] : memref<2500x128xi32, #tpu.memory_space<hbm>> -> memref<79x128xi32, #tpu.memory_space<hbm>>
        %dma_start3A_37 = arith.constant 0 : i32
        %dma_start3A_38 = tpu.memref_slice %arg2[%mul3A_34, %dma_start3A_37] : memref<2500x128xi32, #tpu.memory_space<hbm>> -> memref<79x128xi32, #tpu.memory_space<hbm>>
        tpu.enqueue_dma source(%dma_start3A_38 : memref<79x128xi32, #tpu.memory_space<hbm>>) target(%arg7 : memref<79x128xi32, #tpu.memory_space<vmem>>) target_semaphore(%run_scoped3A_35 : memref<!tpu.dma_semaphore, #tpu.memory_space<semaphore_mem>>)
        %dma_wait3A = arith.constant 0 : i32
        %dma_wait3A_39 = tpu.memref_slice %arg2[%mul3A_34, %dma_wait3A] : memref<2500x128xi32, #tpu.memory_space<hbm>> -> memref<79x128xi32, #tpu.memory_space<hbm>>
        %dma_wait3A_40 = arith.constant 0 : i32
        %dma_wait3A_41 = tpu.memref_slice %arg2[%mul3A_34, %dma_wait3A_40] : memref<2500x128xi32, #tpu.memory_space<hbm>> -> memref<79x128xi32, #tpu.memory_space<hbm>>
        tpu.wait_dma2 semaphore(%run_scoped3A_35 : memref<!tpu.dma_semaphore, #tpu.memory_space<semaphore_mem>>) src(%dma_wait3A_41 : memref<79x128xi32, #tpu.memory_space<hbm>>) dst(%arg7 : memref<79x128xi32, #tpu.memory_space<vmem>>)
        tpu.yield
      }) : () -> ()
    } else {
    }
    %eq3A = arith.constant 31 : i32
    %eq3A_5 = arith.cmpi eq, %add3A, %eq3A : i32
    %convert_element_type3A_6 = arith.extui %eq3A_5 : i1 to i32
    %cond3A_7 = arith.constant 0 : i32
    %cond3A_8 = arith.cmpi ne, %convert_element_type3A_6, %cond3A_7 : i32
    scf.if %cond3A_8 {
      "tpu.region"() ({
        %run_scoped3A_33 = tpu.sem_alloc : memref<!tpu.dma_semaphore, #tpu.memory_space<semaphore_mem>>
        %dma_start3A = arith.constant 0 : i32
        %dma_start3A_34 = arith.constant 0 : i32
        %dma_start3A_35 = tpu.memref_slice %arg7[%dma_start3A, %dma_start3A_34] : memref<79x128xi32, #tpu.memory_space<vmem>> -> memref<51x128xi32, #tpu.memory_space<vmem>>
        %dma_start3A_36 = arith.constant 2449 : i32
        %dma_start3A_37 = arith.constant 0 : i32
        %dma_start3A_38 = tpu.memref_slice %arg2[%dma_start3A_36, %dma_start3A_37] : memref<2500x128xi32, #tpu.memory_space<hbm>> -> memref<51x128xi32, #tpu.memory_space<hbm>>
        %dma_start3A_39 = arith.constant 0 : i32
        %dma_start3A_40 = arith.constant 0 : i32
        %dma_start3A_41 = tpu.memref_slice %arg7[%dma_start3A_39, %dma_start3A_40] : memref<79x128xi32, #tpu.memory_space<vmem>> -> memref<51x128xi32, #tpu.memory_space<vmem>>
        %dma_start3A_42 = arith.constant 2449 : i32
        %dma_start3A_43 = arith.constant 0 : i32
        %dma_start3A_44 = tpu.memref_slice %arg2[%dma_start3A_42, %dma_start3A_43] : memref<2500x128xi32, #tpu.memory_space<hbm>> -> memref<51x128xi32, #tpu.memory_space<hbm>>
        tpu.enqueue_dma source(%dma_start3A_44 : memref<51x128xi32, #tpu.memory_space<hbm>>) target(%dma_start3A_41 : memref<51x128xi32, #tpu.memory_space<vmem>>) target_semaphore(%run_scoped3A_33 : memref<!tpu.dma_semaphore, #tpu.memory_space<semaphore_mem>>)
        %dma_wait3A = arith.constant 0 : i32
        %dma_wait3A_45 = arith.constant 0 : i32
        %dma_wait3A_46 = tpu.memref_slice %arg7[%dma_wait3A, %dma_wait3A_45] : memref<79x128xi32, #tpu.memory_space<vmem>> -> memref<51x128xi32, #tpu.memory_space<vmem>>
        %dma_wait3A_47 = arith.constant 2449 : i32
        %dma_wait3A_48 = arith.constant 0 : i32
        %dma_wait3A_49 = tpu.memref_slice %arg2[%dma_wait3A_47, %dma_wait3A_48] : memref<2500x128xi32, #tpu.memory_space<hbm>> -> memref<51x128xi32, #tpu.memory_space<hbm>>
        %dma_wait3A_50 = arith.constant 0 : i32
        %dma_wait3A_51 = arith.constant 0 : i32
        %dma_wait3A_52 = tpu.memref_slice %arg7[%dma_wait3A_50, %dma_wait3A_51] : memref<79x128xi32, #tpu.memory_space<vmem>> -> memref<51x128xi32, #tpu.memory_space<vmem>>
        %dma_wait3A_53 = arith.constant 2449 : i32
        %dma_wait3A_54 = arith.constant 0 : i32
        %dma_wait3A_55 = tpu.memref_slice %arg2[%dma_wait3A_53, %dma_wait3A_54] : memref<2500x128xi32, #tpu.memory_space<hbm>> -> memref<51x128xi32, #tpu.memory_space<hbm>>
        tpu.wait_dma2 semaphore(%run_scoped3A_33 : memref<!tpu.dma_semaphore, #tpu.memory_space<semaphore_mem>>) src(%dma_wait3A_55 : memref<51x128xi32, #tpu.memory_space<hbm>>) dst(%dma_wait3A_52 : memref<51x128xi32, #tpu.memory_space<vmem>>)
        tpu.yield
      }) : () -> ()
    } else {
    }
    %lt3A_9 = arith.constant 31 : i32
    %lt3A_10 = arith.cmpi slt, %add3A, %lt3A_9 : i32
    %convert_element_type3A_11 = arith.extui %lt3A_10 : i1 to i32
    %cond3A_12 = arith.constant 0 : i32
    %cond3A_13 = arith.cmpi ne, %convert_element_type3A_11, %cond3A_12 : i32
    scf.if %cond3A_13 {
      %mul3A_33 = arith.constant 79 : i32
      %mul3A_34 = arith.muli %add3A, %mul3A_33 : i32
      "tpu.region"() ({
        %run_scoped3A_35 = tpu.sem_alloc : memref<!tpu.dma_semaphore, #tpu.memory_space<semaphore_mem>>
        %dma_start3A = arith.constant 0 : i32
        %dma_start3A_36 = tpu.memref_slice %arg3[%mul3A_34, %dma_start3A] : memref<2500x128xi32, #tpu.memory_space<hbm>> -> memref<79x128xi32, #tpu.memory_space<hbm>>
        %dma_start3A_37 = arith.constant 0 : i32
        %dma_start3A_38 = tpu.memref_slice %arg3[%mul3A_34, %dma_start3A_37] : memref<2500x128xi32, #tpu.memory_space<hbm>> -> memref<79x128xi32, #tpu.memory_space<hbm>>
        tpu.enqueue_dma source(%dma_start3A_38 : memref<79x128xi32, #tpu.memory_space<hbm>>) target(%arg8 : memref<79x128xi32, #tpu.memory_space<vmem>>) target_semaphore(%run_scoped3A_35 : memref<!tpu.dma_semaphore, #tpu.memory_space<semaphore_mem>>)
        %dma_wait3A = arith.constant 0 : i32
        %dma_wait3A_39 = tpu.memref_slice %arg3[%mul3A_34, %dma_wait3A] : memref<2500x128xi32, #tpu.memory_space<hbm>> -> memref<79x128xi32, #tpu.memory_space<hbm>>
        %dma_wait3A_40 = arith.constant 0 : i32
        %dma_wait3A_41 = tpu.memref_slice %arg3[%mul3A_34, %dma_wait3A_40] : memref<2500x128xi32, #tpu.memory_space<hbm>> -> memref<79x128xi32, #tpu.memory_space<hbm>>
        tpu.wait_dma2 semaphore(%run_scoped3A_35 : memref<!tpu.dma_semaphore, #tpu.memory_space<semaphore_mem>>) src(%dma_wait3A_41 : memref<79x128xi32, #tpu.memory_space<hbm>>) dst(%arg8 : memref<79x128xi32, #tpu.memory_space<vmem>>)
        tpu.yield
      }) : () -> ()
    } else {
    }
    %eq3A_14 = arith.constant 31 : i32
    %eq3A_15 = arith.cmpi eq, %add3A, %eq3A_14 : i32
    %convert_element_type3A_16 = arith.extui %eq3A_15 : i1 to i32
    %cond3A_17 = arith.constant 0 : i32
    %cond3A_18 = arith.cmpi ne, %convert_element_type3A_16, %cond3A_17 : i32
    scf.if %cond3A_18 {
      "tpu.region"() ({
        %run_scoped3A_33 = tpu.sem_alloc : memref<!tpu.dma_semaphore, #tpu.memory_space<semaphore_mem>>
        %dma_start3A = arith.constant 0 : i32
        %dma_start3A_34 = arith.constant 0 : i32
        %dma_start3A_35 = tpu.memref_slice %arg8[%dma_start3A, %dma_start3A_34] : memref<79x128xi32, #tpu.memory_space<vmem>> -> memref<51x128xi32, #tpu.memory_space<vmem>>
        %dma_start3A_36 = arith.constant 2449 : i32
        %dma_start3A_37 = arith.constant 0 : i32
        %dma_start3A_38 = tpu.memref_slice %arg3[%dma_start3A_36, %dma_start3A_37] : memref<2500x128xi32, #tpu.memory_space<hbm>> -> memref<51x128xi32, #tpu.memory_space<hbm>>
        %dma_start3A_39 = arith.constant 0 : i32
        %dma_start3A_40 = arith.constant 0 : i32
        %dma_start3A_41 = tpu.memref_slice %arg8[%dma_start3A_39, %dma_start3A_40] : memref<79x128xi32, #tpu.memory_space<vmem>> -> memref<51x128xi32, #tpu.memory_space<vmem>>
        %dma_start3A_42 = arith.constant 2449 : i32
        %dma_start3A_43 = arith.constant 0 : i32
        %dma_start3A_44 = tpu.memref_slice %arg3[%dma_start3A_42, %dma_start3A_43] : memref<2500x128xi32, #tpu.memory_space<hbm>> -> memref<51x128xi32, #tpu.memory_space<hbm>>
        tpu.enqueue_dma source(%dma_start3A_44 : memref<51x128xi32, #tpu.memory_space<hbm>>) target(%dma_start3A_41 : memref<51x128xi32, #tpu.memory_space<vmem>>) target_semaphore(%run_scoped3A_33 : memref<!tpu.dma_semaphore, #tpu.memory_space<semaphore_mem>>)
        %dma_wait3A = arith.constant 0 : i32
        %dma_wait3A_45 = arith.constant 0 : i32
        %dma_wait3A_46 = tpu.memref_slice %arg8[%dma_wait3A, %dma_wait3A_45] : memref<79x128xi32, #tpu.memory_space<vmem>> -> memref<51x128xi32, #tpu.memory_space<vmem>>
        %dma_wait3A_47 = arith.constant 2449 : i32
        %dma_wait3A_48 = arith.constant 0 : i32
        %dma_wait3A_49 = tpu.memref_slice %arg3[%dma_wait3A_47, %dma_wait3A_48] : memref<2500x128xi32, #tpu.memory_space<hbm>> -> memref<51x128xi32, #tpu.memory_space<hbm>>
        %dma_wait3A_50 = arith.constant 0 : i32
        %dma_wait3A_51 = arith.constant 0 : i32
        %dma_wait3A_52 = tpu.memref_slice %arg8[%dma_wait3A_50, %dma_wait3A_51] : memref<79x128xi32, #tpu.memory_space<vmem>> -> memref<51x128xi32, #tpu.memory_space<vmem>>
        %dma_wait3A_53 = arith.constant 2449 : i32
        %dma_wait3A_54 = arith.constant 0 : i32
        %dma_wait3A_55 = tpu.memref_slice %arg3[%dma_wait3A_53, %dma_wait3A_54] : memref<2500x128xi32, #tpu.memory_space<hbm>> -> memref<51x128xi32, #tpu.memory_space<hbm>>
        tpu.wait_dma2 semaphore(%run_scoped3A_33 : memref<!tpu.dma_semaphore, #tpu.memory_space<semaphore_mem>>) src(%dma_wait3A_55 : memref<51x128xi32, #tpu.memory_space<hbm>>) dst(%dma_wait3A_52 : memref<51x128xi32, #tpu.memory_space<vmem>>)
        tpu.yield
      }) : () -> ()
    } else {
    }
    "tpu.region"() ({
      %run_scoped3A_33 = tpu.sem_alloc : memref<!tpu.dma_semaphore, #tpu.memory_space<semaphore_mem>>
      tpu.enqueue_dma source(%arg4 : memref<128x8xf32, #tpu.memory_space<hbm>>) target(%arg9 : memref<128x8xf32, #tpu.memory_space<vmem>>) target_semaphore(%run_scoped3A_33 : memref<!tpu.dma_semaphore, #tpu.memory_space<semaphore_mem>>)
      tpu.wait_dma2 semaphore(%run_scoped3A_33 : memref<!tpu.dma_semaphore, #tpu.memory_space<semaphore_mem>>) src(%arg4 : memref<128x8xf32, #tpu.memory_space<hbm>>) dst(%arg9 : memref<128x8xf32, #tpu.memory_space<vmem>>)
      tpu.yield
    }) : () -> ()
    "tpu.region"() ({
      %run_scoped3A_33 = tpu.sem_alloc : memref<!tpu.dma_semaphore, #tpu.memory_space<semaphore_mem>>
      tpu.enqueue_dma source(%arg5 : memref<640x8xf32, #tpu.memory_space<hbm>>) target(%arg10 : memref<640x8xf32, #tpu.memory_space<vmem>>) target_semaphore(%run_scoped3A_33 : memref<!tpu.dma_semaphore, #tpu.memory_space<semaphore_mem>>)
      tpu.wait_dma2 semaphore(%run_scoped3A_33 : memref<!tpu.dma_semaphore, #tpu.memory_space<semaphore_mem>>) src(%arg5 : memref<640x8xf32, #tpu.memory_space<hbm>>) dst(%arg10 : memref<640x8xf32, #tpu.memory_space<vmem>>)
      tpu.yield
    }) : () -> ()
    "tpu.region"() ({
      %run_scoped3A_33 = tpu.sem_alloc : memref<!tpu.dma_semaphore, #tpu.memory_space<semaphore_mem>>
      %dma_start3A = arith.constant 0 : i32
      %dma_start3A_34 = tpu.memref_slice %arg11[%mul3A_2, %dma_start3A] : memref<10240x8xf32, #tpu.memory_space<vmem_shared>> -> memref<640x8xf32, #tpu.memory_space<vmem_shared>>
      %dma_start3A_35 = arith.constant 0 : i32
      %dma_start3A_36 = tpu.memref_slice %arg11[%mul3A_2, %dma_start3A_35] : memref<10240x8xf32, #tpu.memory_space<vmem_shared>> -> memref<640x8xf32, #tpu.memory_space<vmem_shared>>
      tpu.enqueue_dma source(%arg10 : memref<640x8xf32, #tpu.memory_space<vmem>>) target(%dma_start3A_36 : memref<640x8xf32, #tpu.memory_space<vmem_shared>>) target_semaphore(%run_scoped3A_33 : memref<!tpu.dma_semaphore, #tpu.memory_space<semaphore_mem>>)
      %dma_wait3A = arith.constant 0 : i32
      %dma_wait3A_37 = tpu.memref_slice %arg11[%mul3A_2, %dma_wait3A] : memref<10240x8xf32, #tpu.memory_space<vmem_shared>> -> memref<640x8xf32, #tpu.memory_space<vmem_shared>>
      %dma_wait3A_38 = arith.constant 0 : i32
      %dma_wait3A_39 = tpu.memref_slice %arg11[%mul3A_2, %dma_wait3A_38] : memref<10240x8xf32, #tpu.memory_space<vmem_shared>> -> memref<640x8xf32, #tpu.memory_space<vmem_shared>>
      tpu.wait_dma2 semaphore(%run_scoped3A_33 : memref<!tpu.dma_semaphore, #tpu.memory_space<semaphore_mem>>) src(%arg10 : memref<640x8xf32, #tpu.memory_space<vmem>>) dst(%dma_wait3A_39 : memref<640x8xf32, #tpu.memory_space<vmem_shared>>)
      tpu.yield
    }) : () -> ()
    "tpu.region"() ({
      %run_scoped3A_33 = tpu.sem_alloc : memref<!tpu.dma_semaphore, #tpu.memory_space<semaphore_mem>>
      %dma_start3A = arith.constant 0 : i32
      %dma_start3A_34 = tpu.memref_slice %arg12[%mul3A_2, %dma_start3A] : memref<10240x8xf32, #tpu.memory_space<vmem_shared>> -> memref<640x8xf32, #tpu.memory_space<vmem_shared>>
      %dma_start3A_35 = arith.constant 0 : i32
      %dma_start3A_36 = tpu.memref_slice %arg12[%mul3A_2, %dma_start3A_35] : memref<10240x8xf32, #tpu.memory_space<vmem_shared>> -> memref<640x8xf32, #tpu.memory_space<vmem_shared>>
      tpu.enqueue_dma source(%arg10 : memref<640x8xf32, #tpu.memory_space<vmem>>) target(%dma_start3A_36 : memref<640x8xf32, #tpu.memory_space<vmem_shared>>) target_semaphore(%run_scoped3A_33 : memref<!tpu.dma_semaphore, #tpu.memory_space<semaphore_mem>>)
      %dma_wait3A = arith.constant 0 : i32
      %dma_wait3A_37 = tpu.memref_slice %arg12[%mul3A_2, %dma_wait3A] : memref<10240x8xf32, #tpu.memory_space<vmem_shared>> -> memref<640x8xf32, #tpu.memory_space<vmem_shared>>
      %dma_wait3A_38 = arith.constant 0 : i32
      %dma_wait3A_39 = tpu.memref_slice %arg12[%mul3A_2, %dma_wait3A_38] : memref<10240x8xf32, #tpu.memory_space<vmem_shared>> -> memref<640x8xf32, #tpu.memory_space<vmem_shared>>
      tpu.wait_dma2 semaphore(%run_scoped3A_33 : memref<!tpu.dma_semaphore, #tpu.memory_space<semaphore_mem>>) src(%arg10 : memref<640x8xf32, #tpu.memory_space<vmem>>) dst(%dma_wait3A_39 : memref<640x8xf32, #tpu.memory_space<vmem_shared>>)
      tpu.yield
    }) : () -> ()
    %barrier3A = arith.constant 0 : index
    tpu.barrier barrier_id(%barrier3A)
    %eq3A_19 = arith.constant 31 : i32
    %eq3A_20 = arith.cmpi eq, %add3A, %eq3A_19 : i32
    %jit3A = arith.constant 51 : i32
    %jit3A_21 = arith.constant 79 : i32
    %select_n3A = arith.select %eq3A_20, %jit3A, %jit3A_21 : i32
    %while3A = arith.constant 0 : i32
    %while3A_22 = arith.constant 0 : i32
    %while3A_23 = arith.subi %select_n3A, %while3A_22 : i32
    %while3A_24 = arith.addi %while3A_22, %while3A_23 : i32
    %while3A_25 = arith.constant 1 : i32
    %while3A_26 = arith.divsi %while3A_23, %while3A_25 : i32
    %while3A_27 = arith.muli %while3A_26, %while3A_25 : i32
    %while3A_28 = arith.addi %while3A_22, %while3A_27 : i32
    %while3A_29 = arith.constant 1 : i32
    scf.for %while3A_33 = %while3A_22 to %while3A_28 step %while3A_29  : i32 {
      "tpu.region"() ({
        %run_scoped3A_34 = tpu.sem_alloc : memref<!tpu.dma_semaphore, #tpu.memory_space<semaphore_mem>>
        %dma_start3A = arith.constant 0 : i32
        %dma_start3A_35 = tpu.memref_slice %arg7[%while3A_33, %dma_start3A] : memref<79x128xi32, #tpu.memory_space<vmem>> -> memref<1x128xi32, #tpu.memory_space<vmem>>
        %dma_start3A_36 = tpu.memref_squeeze %dma_start3A_35 : memref<1x128xi32, #tpu.memory_space<vmem>> -> memref<128xi32, #tpu.memory_space<vmem>>
        %dma_start3A_37 = arith.constant 0 : i32
        %dma_start3A_38 = arith.constant 0 : i32
        %dma_start3A_39 = tpu.memref_slice %arg11[%dma_start3A_37, %dma_start3A_38] : memref<10240x8xf32, #tpu.memory_space<vmem_shared>> -> memref<10240x8xf32, #tpu.memory_space<vmem_shared>>
        tpu.enqueue_indirect_dma source(%arg9 : memref<128x8xf32, #tpu.memory_space<vmem>>) target(%dma_start3A_39 : memref<10240x8xf32, #tpu.memory_space<vmem_shared>>) offsets(%dma_start3A_36 : memref<128xi32, #tpu.memory_space<vmem>>) semaphore(%run_scoped3A_34 : memref<!tpu.dma_semaphore, #tpu.memory_space<semaphore_mem>>) {add = true}
        %dma_wait3A = arith.constant 0 : i32
        %dma_wait3A_40 = tpu.memref_slice %arg7[%while3A_33, %dma_wait3A] : memref<79x128xi32, #tpu.memory_space<vmem>> -> memref<1x128xi32, #tpu.memory_space<vmem>>
        %dma_wait3A_41 = tpu.memref_squeeze %dma_wait3A_40 : memref<1x128xi32, #tpu.memory_space<vmem>> -> memref<128xi32, #tpu.memory_space<vmem>>
        %dma_wait3A_42 = arith.constant 0 : i32
        %dma_wait3A_43 = arith.constant 0 : i32
        %dma_wait3A_44 = tpu.memref_slice %arg11[%dma_wait3A_42, %dma_wait3A_43] : memref<10240x8xf32, #tpu.memory_space<vmem_shared>> -> memref<10240x8xf32, #tpu.memory_space<vmem_shared>>
        tpu.wait_indirect_dma semaphore(%run_scoped3A_34 : memref<!tpu.dma_semaphore, #tpu.memory_space<semaphore_mem>>) src(%arg9 : memref<128x8xf32, #tpu.memory_space<vmem>>) dst(%dma_wait3A_44 : memref<10240x8xf32, #tpu.memory_space<vmem_shared>>)
        tpu.yield
      }) : () -> ()
      "tpu.region"() ({
        %run_scoped3A_34 = tpu.sem_alloc : memref<!tpu.dma_semaphore, #tpu.memory_space<semaphore_mem>>
        %dma_start3A = arith.constant 0 : i32
        %dma_start3A_35 = tpu.memref_slice %arg8[%while3A_33, %dma_start3A] : memref<79x128xi32, #tpu.memory_space<vmem>> -> memref<1x128xi32, #tpu.memory_space<vmem>>
        %dma_start3A_36 = tpu.memref_squeeze %dma_start3A_35 : memref<1x128xi32, #tpu.memory_space<vmem>> -> memref<128xi32, #tpu.memory_space<vmem>>
        %dma_start3A_37 = arith.constant 0 : i32
        %dma_start3A_38 = arith.constant 0 : i32
        %dma_start3A_39 = tpu.memref_slice %arg12[%dma_start3A_37, %dma_start3A_38] : memref<10240x8xf32, #tpu.memory_space<vmem_shared>> -> memref<10240x8xf32, #tpu.memory_space<vmem_shared>>
        tpu.enqueue_indirect_dma source(%arg9 : memref<128x8xf32, #tpu.memory_space<vmem>>) target(%dma_start3A_39 : memref<10240x8xf32, #tpu.memory_space<vmem_shared>>) offsets(%dma_start3A_36 : memref<128xi32, #tpu.memory_space<vmem>>) semaphore(%run_scoped3A_34 : memref<!tpu.dma_semaphore, #tpu.memory_space<semaphore_mem>>) {add = true}
        %dma_wait3A = arith.constant 0 : i32
        %dma_wait3A_40 = tpu.memref_slice %arg8[%while3A_33, %dma_wait3A] : memref<79x128xi32, #tpu.memory_space<vmem>> -> memref<1x128xi32, #tpu.memory_space<vmem>>
        %dma_wait3A_41 = tpu.memref_squeeze %dma_wait3A_40 : memref<1x128xi32, #tpu.memory_space<vmem>> -> memref<128xi32, #tpu.memory_space<vmem>>
        %dma_wait3A_42 = arith.constant 0 : i32
        %dma_wait3A_43 = arith.constant 0 : i32
        %dma_wait3A_44 = tpu.memref_slice %arg12[%dma_wait3A_42, %dma_wait3A_43] : memref<10240x8xf32, #tpu.memory_space<vmem_shared>> -> memref<10240x8xf32, #tpu.memory_space<vmem_shared>>
        tpu.wait_indirect_dma semaphore(%run_scoped3A_34 : memref<!tpu.dma_semaphore, #tpu.memory_space<semaphore_mem>>) src(%arg9 : memref<128x8xf32, #tpu.memory_space<vmem>>) dst(%dma_wait3A_44 : memref<10240x8xf32, #tpu.memory_space<vmem_shared>>)
        tpu.yield
      }) : () -> ()
    }
    %while3A_30 = arith.constant 1 : i32
    scf.for %while3A_33 = %while3A_28 to %while3A_24 step %while3A_30  : i32 {
      "tpu.region"() ({
        %run_scoped3A_34 = tpu.sem_alloc : memref<!tpu.dma_semaphore, #tpu.memory_space<semaphore_mem>>
        %dma_start3A = arith.constant 0 : i32
        %dma_start3A_35 = tpu.memref_slice %arg7[%while3A_33, %dma_start3A] : memref<79x128xi32, #tpu.memory_space<vmem>> -> memref<1x128xi32, #tpu.memory_space<vmem>>
        %dma_start3A_36 = tpu.memref_squeeze %dma_start3A_35 : memref<1x128xi32, #tpu.memory_space<vmem>> -> memref<128xi32, #tpu.memory_space<vmem>>
        %dma_start3A_37 = arith.constant 0 : i32
        %dma_start3A_38 = arith.constant 0 : i32
        %dma_start3A_39 = tpu.memref_slice %arg11[%dma_start3A_37, %dma_start3A_38] : memref<10240x8xf32, #tpu.memory_space<vmem_shared>> -> memref<10240x8xf32, #tpu.memory_space<vmem_shared>>
        tpu.enqueue_indirect_dma source(%arg9 : memref<128x8xf32, #tpu.memory_space<vmem>>) target(%dma_start3A_39 : memref<10240x8xf32, #tpu.memory_space<vmem_shared>>) offsets(%dma_start3A_36 : memref<128xi32, #tpu.memory_space<vmem>>) semaphore(%run_scoped3A_34 : memref<!tpu.dma_semaphore, #tpu.memory_space<semaphore_mem>>) {add = true}
        %dma_wait3A = arith.constant 0 : i32
        %dma_wait3A_40 = tpu.memref_slice %arg7[%while3A_33, %dma_wait3A] : memref<79x128xi32, #tpu.memory_space<vmem>> -> memref<1x128xi32, #tpu.memory_space<vmem>>
        %dma_wait3A_41 = tpu.memref_squeeze %dma_wait3A_40 : memref<1x128xi32, #tpu.memory_space<vmem>> -> memref<128xi32, #tpu.memory_space<vmem>>
        %dma_wait3A_42 = arith.constant 0 : i32
        %dma_wait3A_43 = arith.constant 0 : i32
        %dma_wait3A_44 = tpu.memref_slice %arg11[%dma_wait3A_42, %dma_wait3A_43] : memref<10240x8xf32, #tpu.memory_space<vmem_shared>> -> memref<10240x8xf32, #tpu.memory_space<vmem_shared>>
        tpu.wait_indirect_dma semaphore(%run_scoped3A_34 : memref<!tpu.dma_semaphore, #tpu.memory_space<semaphore_mem>>) src(%arg9 : memref<128x8xf32, #tpu.memory_space<vmem>>) dst(%dma_wait3A_44 : memref<10240x8xf32, #tpu.memory_space<vmem_shared>>)
        tpu.yield
      }) : () -> ()
      "tpu.region"() ({
        %run_scoped3A_34 = tpu.sem_alloc : memref<!tpu.dma_semaphore, #tpu.memory_space<semaphore_mem>>
        %dma_start3A = arith.constant 0 : i32
        %dma_start3A_35 = tpu.memref_slice %arg8[%while3A_33, %dma_start3A] : memref<79x128xi32, #tpu.memory_space<vmem>> -> memref<1x128xi32, #tpu.memory_space<vmem>>
        %dma_start3A_36 = tpu.memref_squeeze %dma_start3A_35 : memref<1x128xi32, #tpu.memory_space<vmem>> -> memref<128xi32, #tpu.memory_space<vmem>>
        %dma_start3A_37 = arith.constant 0 : i32
        %dma_start3A_38 = arith.constant 0 : i32
        %dma_start3A_39 = tpu.memref_slice %arg12[%dma_start3A_37, %dma_start3A_38] : memref<10240x8xf32, #tpu.memory_space<vmem_shared>> -> memref<10240x8xf32, #tpu.memory_space<vmem_shared>>
        tpu.enqueue_indirect_dma source(%arg9 : memref<128x8xf32, #tpu.memory_space<vmem>>) target(%dma_start3A_39 : memref<10240x8xf32, #tpu.memory_space<vmem_shared>>) offsets(%dma_start3A_36 : memref<128xi32, #tpu.memory_space<vmem>>) semaphore(%run_scoped3A_34 : memref<!tpu.dma_semaphore, #tpu.memory_space<semaphore_mem>>) {add = true}
        %dma_wait3A = arith.constant 0 : i32
        %dma_wait3A_40 = tpu.memref_slice %arg8[%while3A_33, %dma_wait3A] : memref<79x128xi32, #tpu.memory_space<vmem>> -> memref<1x128xi32, #tpu.memory_space<vmem>>
        %dma_wait3A_41 = tpu.memref_squeeze %dma_wait3A_40 : memref<1x128xi32, #tpu.memory_space<vmem>> -> memref<128xi32, #tpu.memory_space<vmem>>
        %dma_wait3A_42 = arith.constant 0 : i32
        %dma_wait3A_43 = arith.constant 0 : i32
        %dma_wait3A_44 = tpu.memref_slice %arg12[%dma_wait3A_42, %dma_wait3A_43] : memref<10240x8xf32, #tpu.memory_space<vmem_shared>> -> memref<10240x8xf32, #tpu.memory_space<vmem_shared>>
        tpu.wait_indirect_dma semaphore(%run_scoped3A_34 : memref<!tpu.dma_semaphore, #tpu.memory_space<semaphore_mem>>) src(%arg9 : memref<128x8xf32, #tpu.memory_space<vmem>>) dst(%dma_wait3A_44 : memref<10240x8xf32, #tpu.memory_space<vmem_shared>>)
        tpu.yield
      }) : () -> ()
    }
    %barrier3A_31 = arith.constant 0 : index
    tpu.barrier barrier_id(%barrier3A_31)
    "tpu.region"() ({
      %run_scoped3A_33 = tpu.sem_alloc : memref<!tpu.dma_semaphore, #tpu.memory_space<semaphore_mem>>
      %dma_start3A = arith.constant 0 : i32
      %dma_start3A_34 = tpu.memref_slice %arg11[%mul3A_2, %dma_start3A] : memref<10240x8xf32, #tpu.memory_space<vmem_shared>> -> memref<640x8xf32, #tpu.memory_space<vmem_shared>>
      %dma_start3A_35 = arith.constant 0 : i32
      %dma_start3A_36 = tpu.memref_slice %arg11[%mul3A_2, %dma_start3A_35] : memref<10240x8xf32, #tpu.memory_space<vmem_shared>> -> memref<640x8xf32, #tpu.memory_space<vmem_shared>>
      tpu.enqueue_dma source(%dma_start3A_36 : memref<640x8xf32, #tpu.memory_space<vmem_shared>>) target(%arg10 : memref<640x8xf32, #tpu.memory_space<vmem>>) target_semaphore(%run_scoped3A_33 : memref<!tpu.dma_semaphore, #tpu.memory_space<semaphore_mem>>)
      %dma_wait3A = arith.constant 0 : i32
      %dma_wait3A_37 = tpu.memref_slice %arg11[%mul3A_2, %dma_wait3A] : memref<10240x8xf32, #tpu.memory_space<vmem_shared>> -> memref<640x8xf32, #tpu.memory_space<vmem_shared>>
      %dma_wait3A_38 = arith.constant 0 : i32
      %dma_wait3A_39 = tpu.memref_slice %arg11[%mul3A_2, %dma_wait3A_38] : memref<10240x8xf32, #tpu.memory_space<vmem_shared>> -> memref<640x8xf32, #tpu.memory_space<vmem_shared>>
      tpu.wait_dma2 semaphore(%run_scoped3A_33 : memref<!tpu.dma_semaphore, #tpu.memory_space<semaphore_mem>>) src(%dma_wait3A_39 : memref<640x8xf32, #tpu.memory_space<vmem_shared>>) dst(%arg10 : memref<640x8xf32, #tpu.memory_space<vmem>>)
      tpu.yield
    }) : () -> ()
    %run_scoped3A = arith.constant 0 : i32
    "tpu.region"() ({
      %run_scoped3A_33 = tpu.sem_alloc : memref<!tpu.dma_semaphore, #tpu.memory_space<semaphore_mem>>
      %dma_start3A = arith.constant 0 : i32
      %dma_start3A_34 = tpu.memref_slice %arg6[%arg0, %run_scoped3A, %mul3A_2, %dma_start3A] : memref<2x2x10240x8xf32, #tpu.memory_space<hbm>> -> memref<1x1x640x8xf32, #tpu.memory_space<hbm>>
      %dma_start3A_35 = tpu.memref_squeeze %dma_start3A_34 : memref<1x1x640x8xf32, #tpu.memory_space<hbm>> -> memref<640x8xf32, #tpu.memory_space<hbm>>
      %dma_start3A_36 = arith.constant 0 : i32
      %dma_start3A_37 = tpu.memref_slice %arg6[%arg0, %run_scoped3A, %mul3A_2, %dma_start3A_36] : memref<2x2x10240x8xf32, #tpu.memory_space<hbm>> -> memref<1x1x640x8xf32, #tpu.memory_space<hbm>>
      %dma_start3A_38 = tpu.memref_squeeze %dma_start3A_37 : memref<1x1x640x8xf32, #tpu.memory_space<hbm>> -> memref<640x8xf32, #tpu.memory_space<hbm>>
      tpu.enqueue_dma source(%arg10 : memref<640x8xf32, #tpu.memory_space<vmem>>) target(%dma_start3A_38 : memref<640x8xf32, #tpu.memory_space<hbm>>) target_semaphore(%run_scoped3A_33 : memref<!tpu.dma_semaphore, #tpu.memory_space<semaphore_mem>>)
      %dma_wait3A = arith.constant 0 : i32
      %dma_wait3A_39 = tpu.memref_slice %arg6[%arg0, %run_scoped3A, %mul3A_2, %dma_wait3A] : memref<2x2x10240x8xf32, #tpu.memory_space<hbm>> -> memref<1x1x640x8xf32, #tpu.memory_space<hbm>>
      %dma_wait3A_40 = tpu.memref_squeeze %dma_wait3A_39 : memref<1x1x640x8xf32, #tpu.memory_space<hbm>> -> memref<640x8xf32, #tpu.memory_space<hbm>>
      %dma_wait3A_41 = arith.constant 0 : i32
      %dma_wait3A_42 = tpu.memref_slice %arg6[%arg0, %run_scoped3A, %mul3A_2, %dma_wait3A_41] : memref<2x2x10240x8xf32, #tpu.memory_space<hbm>> -> memref<1x1x640x8xf32, #tpu.memory_space<hbm>>
      %dma_wait3A_43 = tpu.memref_squeeze %dma_wait3A_42 : memref<1x1x640x8xf32, #tpu.memory_space<hbm>> -> memref<640x8xf32, #tpu.memory_space<hbm>>
      tpu.wait_dma2 semaphore(%run_scoped3A_33 : memref<!tpu.dma_semaphore, #tpu.memory_space<semaphore_mem>>) src(%arg10 : memref<640x8xf32, #tpu.memory_space<vmem>>) dst(%dma_wait3A_43 : memref<640x8xf32, #tpu.memory_space<hbm>>)
      tpu.yield
    }) : () -> ()
    "tpu.region"() ({
      %run_scoped3A_33 = tpu.sem_alloc : memref<!tpu.dma_semaphore, #tpu.memory_space<semaphore_mem>>
      %dma_start3A = arith.constant 0 : i32
      %dma_start3A_34 = tpu.memref_slice %arg12[%mul3A_2, %dma_start3A] : memref<10240x8xf32, #tpu.memory_space<vmem_shared>> -> memref<640x8xf32, #tpu.memory_space<vmem_shared>>
      %dma_start3A_35 = arith.constant 0 : i32
      %dma_start3A_36 = tpu.memref_slice %arg12[%mul3A_2, %dma_start3A_35] : memref<10240x8xf32, #tpu.memory_space<vmem_shared>> -> memref<640x8xf32, #tpu.memory_space<vmem_shared>>
      tpu.enqueue_dma source(%dma_start3A_36 : memref<640x8xf32, #tpu.memory_space<vmem_shared>>) target(%arg10 : memref<640x8xf32, #tpu.memory_space<vmem>>) target_semaphore(%run_scoped3A_33 : memref<!tpu.dma_semaphore, #tpu.memory_space<semaphore_mem>>)
      %dma_wait3A = arith.constant 0 : i32
      %dma_wait3A_37 = tpu.memref_slice %arg12[%mul3A_2, %dma_wait3A] : memref<10240x8xf32, #tpu.memory_space<vmem_shared>> -> memref<640x8xf32, #tpu.memory_space<vmem_shared>>
      %dma_wait3A_38 = arith.constant 0 : i32
      %dma_wait3A_39 = tpu.memref_slice %arg12[%mul3A_2, %dma_wait3A_38] : memref<10240x8xf32, #tpu.memory_space<vmem_shared>> -> memref<640x8xf32, #tpu.memory_space<vmem_shared>>
      tpu.wait_dma2 semaphore(%run_scoped3A_33 : memref<!tpu.dma_semaphore, #tpu.memory_space<semaphore_mem>>) src(%dma_wait3A_39 : memref<640x8xf32, #tpu.memory_space<vmem_shared>>) dst(%arg10 : memref<640x8xf32, #tpu.memory_space<vmem>>)
      tpu.yield
    }) : () -> ()
    %run_scoped3A_32 = arith.constant 1 : i32
    "tpu.region"() ({
      %run_scoped3A_33 = tpu.sem_alloc : memref<!tpu.dma_semaphore, #tpu.memory_space<semaphore_mem>>
      %dma_start3A = arith.constant 0 : i32
      %dma_start3A_34 = tpu.memref_slice %arg6[%arg0, %run_scoped3A_32, %mul3A_2, %dma_start3A] : memref<2x2x10240x8xf32, #tpu.memory_space<hbm>> -> memref<1x1x640x8xf32, #tpu.memory_space<hbm>>
      %dma_start3A_35 = tpu.memref_squeeze %dma_start3A_34 : memref<1x1x640x8xf32, #tpu.memory_space<hbm>> -> memref<640x8xf32, #tpu.memory_space<hbm>>
      %dma_start3A_36 = arith.constant 0 : i32
      %dma_start3A_37 = tpu.memref_slice %arg6[%arg0, %run_scoped3A_32, %mul3A_2, %dma_start3A_36] : memref<2x2x10240x8xf32, #tpu.memory_space<hbm>> -> memref<1x1x640x8xf32, #tpu.memory_space<hbm>>
      %dma_start3A_38 = tpu.memref_squeeze %dma_start3A_37 : memref<1x1x640x8xf32, #tpu.memory_space<hbm>> -> memref<640x8xf32, #tpu.memory_space<hbm>>
      tpu.enqueue_dma source(%arg10 : memref<640x8xf32, #tpu.memory_space<vmem>>) target(%dma_start3A_38 : memref<640x8xf32, #tpu.memory_space<hbm>>) target_semaphore(%run_scoped3A_33 : memref<!tpu.dma_semaphore, #tpu.memory_space<semaphore_mem>>)
      %dma_wait3A = arith.constant 0 : i32
      %dma_wait3A_39 = tpu.memref_slice %arg6[%arg0, %run_scoped3A_32, %mul3A_2, %dma_wait3A] : memref<2x2x10240x8xf32, #tpu.memory_space<hbm>> -> memref<1x1x640x8xf32, #tpu.memory_space<hbm>>
      %dma_wait3A_40 = tpu.memref_squeeze %dma_wait3A_39 : memref<1x1x640x8xf32, #tpu.memory_space<hbm>> -> memref<640x8xf32, #tpu.memory_space<hbm>>
      %dma_wait3A_41 = arith.constant 0 : i32
      %dma_wait3A_42 = tpu.memref_slice %arg6[%arg0, %run_scoped3A_32, %mul3A_2, %dma_wait3A_41] : memref<2x2x10240x8xf32, #tpu.memory_space<hbm>> -> memref<1x1x640x8xf32, #tpu.memory_space<hbm>>
      %dma_wait3A_43 = tpu.memref_squeeze %dma_wait3A_42 : memref<1x1x640x8xf32, #tpu.memory_space<hbm>> -> memref<640x8xf32, #tpu.memory_space<hbm>>
      tpu.wait_dma2 semaphore(%run_scoped3A_33 : memref<!tpu.dma_semaphore, #tpu.memory_space<semaphore_mem>>) src(%arg10 : memref<640x8xf32, #tpu.memory_space<vmem>>) dst(%dma_wait3A_43 : memref<640x8xf32, #tpu.memory_space<hbm>>)
      tpu.yield
    }) : () -> ()
    return
  }
}

#map = affine_map<(d0, d1) -> (0, 0)>
#map1 = affine_map<(d0, d1) -> (0, 0, 0)>
module attributes {stable_mosaic.version = 14 : i64} {
  func.func @k(%arg0: i32, %arg1: i32, %arg2: memref<10000x16xf32, #tpu.memory_space<hbm>>, %arg3: memref<2500x128xi32, #tpu.memory_space<hbm>>, %arg4: memref<2500x128xi32, #tpu.memory_space<hbm>>, %arg5: memref<640x16xf32, #tpu.memory_space<hbm>>, %arg6: memref<2x10240x16xf32, #tpu.memory_space<hbm>>, %arg7: memref<79x128xi32, #tpu.memory_space<vmem>>, %arg8: memref<79x128xi32, #tpu.memory_space<vmem>>, %arg9: memref<8x128x16xf32, #tpu.memory_space<vmem>>, %arg10: memref<640x16xf32, #tpu.memory_space<vmem>>, %arg11: memref<10240x16xf32, #tpu.memory_space<vmem_shared>>, %arg12: memref<!tpu.dma_semaphore, #tpu.memory_space<semaphore_mem>>, %arg13: memref<!tpu.dma_semaphore, #tpu.memory_space<semaphore_mem>>, %arg14: memref<!tpu.dma_semaphore, #tpu.memory_space<semaphore_mem>>, %arg15: memref<!tpu.dma_semaphore, #tpu.memory_space<semaphore_mem>>, %arg16: memref<!tpu.dma_semaphore, #tpu.memory_space<semaphore_mem>>, %arg17: memref<!tpu.dma_semaphore, #tpu.memory_space<semaphore_mem>>, %arg18: memref<!tpu.dma_semaphore, #tpu.memory_space<semaphore_mem>>, %arg19: memref<!tpu.dma_semaphore, #tpu.memory_space<semaphore_mem>>) attributes {dimension_semantics = [#tpu.dimension_semantics<core_parallel>, #tpu.dimension_semantics<subcore_parallel>], iteration_bounds = array<i64: 2, 16>, scalar_prefetch = 0 : i64, scratch_operands = 13 : i64, tpu.core_type = #tpu.core_type<sc_vector_subcore>, window_params = [{transform_indices = #map}, {transform_indices = #map}, {transform_indices = #map}, {transform_indices = #map}, {transform_indices = #map1}]} {
    %mul3A = arith.constant 2 : i32
    %mul3A_0 = arith.muli %arg1, %mul3A : i32
    %add3A = arith.addi %mul3A_0, %arg0 : i32
    %mul3A_1 = arith.constant 640 : i32
    %mul3A_2 = arith.muli %arg1, %mul3A_1 : i32
    %eq3A = arith.constant 31 : i32
    %eq3A_3 = arith.cmpi eq, %add3A, %eq3A : i32
    %jit3A = arith.constant 51 : i32
    %jit3A_4 = arith.constant 79 : i32
    %select_n3A = arith.select %eq3A_3, %jit3A, %jit3A_4 : i32
    %lt3A = arith.constant 31 : i32
    %lt3A_5 = arith.cmpi slt, %add3A, %lt3A : i32
    %convert_element_type3A = arith.extui %lt3A_5 : i1 to i32
    %cond3A = arith.constant 0 : i32
    %cond3A_6 = arith.cmpi ne, %convert_element_type3A, %cond3A : i32
    scf.if %cond3A_6 {
      %mul3A_67 = arith.constant 79 : i32
      %mul3A_68 = arith.muli %add3A, %mul3A_67 : i32
      "tpu.region"() ({
        %run_scoped3A = tpu.sem_alloc : memref<!tpu.dma_semaphore, #tpu.memory_space<semaphore_mem>>
        %dma_start3A = arith.constant 0 : i32
        %dma_start3A_69 = tpu.memref_slice %arg3[%mul3A_68, %dma_start3A] : memref<2500x128xi32, #tpu.memory_space<hbm>> -> memref<79x128xi32, #tpu.memory_space<hbm>>
        %dma_start3A_70 = arith.constant 0 : i32
        %dma_start3A_71 = tpu.memref_slice %arg3[%mul3A_68, %dma_start3A_70] : memref<2500x128xi32, #tpu.memory_space<hbm>> -> memref<79x128xi32, #tpu.memory_space<hbm>>
        tpu.enqueue_dma source(%dma_start3A_71 : memref<79x128xi32, #tpu.memory_space<hbm>>) target(%arg7 : memref<79x128xi32, #tpu.memory_space<vmem>>) target_semaphore(%run_scoped3A : memref<!tpu.dma_semaphore, #tpu.memory_space<semaphore_mem>>)
        %dma_wait3A = arith.constant 0 : i32
        %dma_wait3A_72 = tpu.memref_slice %arg3[%mul3A_68, %dma_wait3A] : memref<2500x128xi32, #tpu.memory_space<hbm>> -> memref<79x128xi32, #tpu.memory_space<hbm>>
        %dma_wait3A_73 = arith.constant 0 : i32
        %dma_wait3A_74 = tpu.memref_slice %arg3[%mul3A_68, %dma_wait3A_73] : memref<2500x128xi32, #tpu.memory_space<hbm>> -> memref<79x128xi32, #tpu.memory_space<hbm>>
        tpu.wait_dma2 semaphore(%run_scoped3A : memref<!tpu.dma_semaphore, #tpu.memory_space<semaphore_mem>>) src(%dma_wait3A_74 : memref<79x128xi32, #tpu.memory_space<hbm>>) dst(%arg7 : memref<79x128xi32, #tpu.memory_space<vmem>>)
        tpu.yield
      }) : () -> ()
    } else {
    }
    %eq3A_7 = arith.constant 31 : i32
    %eq3A_8 = arith.cmpi eq, %add3A, %eq3A_7 : i32
    %convert_element_type3A_9 = arith.extui %eq3A_8 : i1 to i32
    %cond3A_10 = arith.constant 0 : i32
    %cond3A_11 = arith.cmpi ne, %convert_element_type3A_9, %cond3A_10 : i32
    scf.if %cond3A_11 {
      "tpu.region"() ({
        %run_scoped3A = tpu.sem_alloc : memref<!tpu.dma_semaphore, #tpu.memory_space<semaphore_mem>>
        %dma_start3A = arith.constant 0 : i32
        %dma_start3A_67 = arith.constant 0 : i32
        %dma_start3A_68 = tpu.memref_slice %arg7[%dma_start3A, %dma_start3A_67] : memref<79x128xi32, #tpu.memory_space<vmem>> -> memref<51x128xi32, #tpu.memory_space<vmem>>
        %dma_start3A_69 = arith.constant 2449 : i32
        %dma_start3A_70 = arith.constant 0 : i32
        %dma_start3A_71 = tpu.memref_slice %arg3[%dma_start3A_69, %dma_start3A_70] : memref<2500x128xi32, #tpu.memory_space<hbm>> -> memref<51x128xi32, #tpu.memory_space<hbm>>
        %dma_start3A_72 = arith.constant 0 : i32
        %dma_start3A_73 = arith.constant 0 : i32
        %dma_start3A_74 = tpu.memref_slice %arg7[%dma_start3A_72, %dma_start3A_73] : memref<79x128xi32, #tpu.memory_space<vmem>> -> memref<51x128xi32, #tpu.memory_space<vmem>>
        %dma_start3A_75 = arith.constant 2449 : i32
        %dma_start3A_76 = arith.constant 0 : i32
        %dma_start3A_77 = tpu.memref_slice %arg3[%dma_start3A_75, %dma_start3A_76] : memref<2500x128xi32, #tpu.memory_space<hbm>> -> memref<51x128xi32, #tpu.memory_space<hbm>>
        tpu.enqueue_dma source(%dma_start3A_77 : memref<51x128xi32, #tpu.memory_space<hbm>>) target(%dma_start3A_74 : memref<51x128xi32, #tpu.memory_space<vmem>>) target_semaphore(%run_scoped3A : memref<!tpu.dma_semaphore, #tpu.memory_space<semaphore_mem>>)
        %dma_wait3A = arith.constant 0 : i32
        %dma_wait3A_78 = arith.constant 0 : i32
        %dma_wait3A_79 = tpu.memref_slice %arg7[%dma_wait3A, %dma_wait3A_78] : memref<79x128xi32, #tpu.memory_space<vmem>> -> memref<51x128xi32, #tpu.memory_space<vmem>>
        %dma_wait3A_80 = arith.constant 2449 : i32
        %dma_wait3A_81 = arith.constant 0 : i32
        %dma_wait3A_82 = tpu.memref_slice %arg3[%dma_wait3A_80, %dma_wait3A_81] : memref<2500x128xi32, #tpu.memory_space<hbm>> -> memref<51x128xi32, #tpu.memory_space<hbm>>
        %dma_wait3A_83 = arith.constant 0 : i32
        %dma_wait3A_84 = arith.constant 0 : i32
        %dma_wait3A_85 = tpu.memref_slice %arg7[%dma_wait3A_83, %dma_wait3A_84] : memref<79x128xi32, #tpu.memory_space<vmem>> -> memref<51x128xi32, #tpu.memory_space<vmem>>
        %dma_wait3A_86 = arith.constant 2449 : i32
        %dma_wait3A_87 = arith.constant 0 : i32
        %dma_wait3A_88 = tpu.memref_slice %arg3[%dma_wait3A_86, %dma_wait3A_87] : memref<2500x128xi32, #tpu.memory_space<hbm>> -> memref<51x128xi32, #tpu.memory_space<hbm>>
        tpu.wait_dma2 semaphore(%run_scoped3A : memref<!tpu.dma_semaphore, #tpu.memory_space<semaphore_mem>>) src(%dma_wait3A_88 : memref<51x128xi32, #tpu.memory_space<hbm>>) dst(%dma_wait3A_85 : memref<51x128xi32, #tpu.memory_space<vmem>>)
        tpu.yield
      }) : () -> ()
    } else {
    }
    %lt3A_12 = arith.constant 31 : i32
    %lt3A_13 = arith.cmpi slt, %add3A, %lt3A_12 : i32
    %convert_element_type3A_14 = arith.extui %lt3A_13 : i1 to i32
    %cond3A_15 = arith.constant 0 : i32
    %cond3A_16 = arith.cmpi ne, %convert_element_type3A_14, %cond3A_15 : i32
    scf.if %cond3A_16 {
      %mul3A_67 = arith.constant 79 : i32
      %mul3A_68 = arith.muli %add3A, %mul3A_67 : i32
      "tpu.region"() ({
        %run_scoped3A = tpu.sem_alloc : memref<!tpu.dma_semaphore, #tpu.memory_space<semaphore_mem>>
        %dma_start3A = arith.constant 0 : i32
        %dma_start3A_69 = tpu.memref_slice %arg4[%mul3A_68, %dma_start3A] : memref<2500x128xi32, #tpu.memory_space<hbm>> -> memref<79x128xi32, #tpu.memory_space<hbm>>
        %dma_start3A_70 = arith.constant 0 : i32
        %dma_start3A_71 = tpu.memref_slice %arg4[%mul3A_68, %dma_start3A_70] : memref<2500x128xi32, #tpu.memory_space<hbm>> -> memref<79x128xi32, #tpu.memory_space<hbm>>
        tpu.enqueue_dma source(%dma_start3A_71 : memref<79x128xi32, #tpu.memory_space<hbm>>) target(%arg8 : memref<79x128xi32, #tpu.memory_space<vmem>>) target_semaphore(%run_scoped3A : memref<!tpu.dma_semaphore, #tpu.memory_space<semaphore_mem>>)
        %dma_wait3A = arith.constant 0 : i32
        %dma_wait3A_72 = tpu.memref_slice %arg4[%mul3A_68, %dma_wait3A] : memref<2500x128xi32, #tpu.memory_space<hbm>> -> memref<79x128xi32, #tpu.memory_space<hbm>>
        %dma_wait3A_73 = arith.constant 0 : i32
        %dma_wait3A_74 = tpu.memref_slice %arg4[%mul3A_68, %dma_wait3A_73] : memref<2500x128xi32, #tpu.memory_space<hbm>> -> memref<79x128xi32, #tpu.memory_space<hbm>>
        tpu.wait_dma2 semaphore(%run_scoped3A : memref<!tpu.dma_semaphore, #tpu.memory_space<semaphore_mem>>) src(%dma_wait3A_74 : memref<79x128xi32, #tpu.memory_space<hbm>>) dst(%arg8 : memref<79x128xi32, #tpu.memory_space<vmem>>)
        tpu.yield
      }) : () -> ()
    } else {
    }
    %eq3A_17 = arith.constant 31 : i32
    %eq3A_18 = arith.cmpi eq, %add3A, %eq3A_17 : i32
    %convert_element_type3A_19 = arith.extui %eq3A_18 : i1 to i32
    %cond3A_20 = arith.constant 0 : i32
    %cond3A_21 = arith.cmpi ne, %convert_element_type3A_19, %cond3A_20 : i32
    scf.if %cond3A_21 {
      "tpu.region"() ({
        %run_scoped3A = tpu.sem_alloc : memref<!tpu.dma_semaphore, #tpu.memory_space<semaphore_mem>>
        %dma_start3A = arith.constant 0 : i32
        %dma_start3A_67 = arith.constant 0 : i32
        %dma_start3A_68 = tpu.memref_slice %arg8[%dma_start3A, %dma_start3A_67] : memref<79x128xi32, #tpu.memory_space<vmem>> -> memref<51x128xi32, #tpu.memory_space<vmem>>
        %dma_start3A_69 = arith.constant 2449 : i32
        %dma_start3A_70 = arith.constant 0 : i32
        %dma_start3A_71 = tpu.memref_slice %arg4[%dma_start3A_69, %dma_start3A_70] : memref<2500x128xi32, #tpu.memory_space<hbm>> -> memref<51x128xi32, #tpu.memory_space<hbm>>
        %dma_start3A_72 = arith.constant 0 : i32
        %dma_start3A_73 = arith.constant 0 : i32
        %dma_start3A_74 = tpu.memref_slice %arg8[%dma_start3A_72, %dma_start3A_73] : memref<79x128xi32, #tpu.memory_space<vmem>> -> memref<51x128xi32, #tpu.memory_space<vmem>>
        %dma_start3A_75 = arith.constant 2449 : i32
        %dma_start3A_76 = arith.constant 0 : i32
        %dma_start3A_77 = tpu.memref_slice %arg4[%dma_start3A_75, %dma_start3A_76] : memref<2500x128xi32, #tpu.memory_space<hbm>> -> memref<51x128xi32, #tpu.memory_space<hbm>>
        tpu.enqueue_dma source(%dma_start3A_77 : memref<51x128xi32, #tpu.memory_space<hbm>>) target(%dma_start3A_74 : memref<51x128xi32, #tpu.memory_space<vmem>>) target_semaphore(%run_scoped3A : memref<!tpu.dma_semaphore, #tpu.memory_space<semaphore_mem>>)
        %dma_wait3A = arith.constant 0 : i32
        %dma_wait3A_78 = arith.constant 0 : i32
        %dma_wait3A_79 = tpu.memref_slice %arg8[%dma_wait3A, %dma_wait3A_78] : memref<79x128xi32, #tpu.memory_space<vmem>> -> memref<51x128xi32, #tpu.memory_space<vmem>>
        %dma_wait3A_80 = arith.constant 2449 : i32
        %dma_wait3A_81 = arith.constant 0 : i32
        %dma_wait3A_82 = tpu.memref_slice %arg4[%dma_wait3A_80, %dma_wait3A_81] : memref<2500x128xi32, #tpu.memory_space<hbm>> -> memref<51x128xi32, #tpu.memory_space<hbm>>
        %dma_wait3A_83 = arith.constant 0 : i32
        %dma_wait3A_84 = arith.constant 0 : i32
        %dma_wait3A_85 = tpu.memref_slice %arg8[%dma_wait3A_83, %dma_wait3A_84] : memref<79x128xi32, #tpu.memory_space<vmem>> -> memref<51x128xi32, #tpu.memory_space<vmem>>
        %dma_wait3A_86 = arith.constant 2449 : i32
        %dma_wait3A_87 = arith.constant 0 : i32
        %dma_wait3A_88 = tpu.memref_slice %arg4[%dma_wait3A_86, %dma_wait3A_87] : memref<2500x128xi32, #tpu.memory_space<hbm>> -> memref<51x128xi32, #tpu.memory_space<hbm>>
        tpu.wait_dma2 semaphore(%run_scoped3A : memref<!tpu.dma_semaphore, #tpu.memory_space<semaphore_mem>>) src(%dma_wait3A_88 : memref<51x128xi32, #tpu.memory_space<hbm>>) dst(%dma_wait3A_85 : memref<51x128xi32, #tpu.memory_space<vmem>>)
        tpu.yield
      }) : () -> ()
    } else {
    }
    "tpu.region"() ({
      %run_scoped3A = tpu.sem_alloc : memref<!tpu.dma_semaphore, #tpu.memory_space<semaphore_mem>>
      tpu.enqueue_dma source(%arg5 : memref<640x16xf32, #tpu.memory_space<hbm>>) target(%arg10 : memref<640x16xf32, #tpu.memory_space<vmem>>) target_semaphore(%run_scoped3A : memref<!tpu.dma_semaphore, #tpu.memory_space<semaphore_mem>>)
      tpu.wait_dma2 semaphore(%run_scoped3A : memref<!tpu.dma_semaphore, #tpu.memory_space<semaphore_mem>>) src(%arg5 : memref<640x16xf32, #tpu.memory_space<hbm>>) dst(%arg10 : memref<640x16xf32, #tpu.memory_space<vmem>>)
      tpu.yield
    }) : () -> ()
    "tpu.region"() ({
      %run_scoped3A = tpu.sem_alloc : memref<!tpu.dma_semaphore, #tpu.memory_space<semaphore_mem>>
      %dma_start3A = arith.constant 0 : i32
      %dma_start3A_67 = tpu.memref_slice %arg11[%mul3A_2, %dma_start3A] : memref<10240x16xf32, #tpu.memory_space<vmem_shared>> -> memref<640x16xf32, #tpu.memory_space<vmem_shared>>
      %dma_start3A_68 = arith.constant 0 : i32
      %dma_start3A_69 = tpu.memref_slice %arg11[%mul3A_2, %dma_start3A_68] : memref<10240x16xf32, #tpu.memory_space<vmem_shared>> -> memref<640x16xf32, #tpu.memory_space<vmem_shared>>
      tpu.enqueue_dma source(%arg10 : memref<640x16xf32, #tpu.memory_space<vmem>>) target(%dma_start3A_69 : memref<640x16xf32, #tpu.memory_space<vmem_shared>>) target_semaphore(%run_scoped3A : memref<!tpu.dma_semaphore, #tpu.memory_space<semaphore_mem>>)
      %dma_wait3A = arith.constant 0 : i32
      %dma_wait3A_70 = tpu.memref_slice %arg11[%mul3A_2, %dma_wait3A] : memref<10240x16xf32, #tpu.memory_space<vmem_shared>> -> memref<640x16xf32, #tpu.memory_space<vmem_shared>>
      %dma_wait3A_71 = arith.constant 0 : i32
      %dma_wait3A_72 = tpu.memref_slice %arg11[%mul3A_2, %dma_wait3A_71] : memref<10240x16xf32, #tpu.memory_space<vmem_shared>> -> memref<640x16xf32, #tpu.memory_space<vmem_shared>>
      tpu.wait_dma2 semaphore(%run_scoped3A : memref<!tpu.dma_semaphore, #tpu.memory_space<semaphore_mem>>) src(%arg10 : memref<640x16xf32, #tpu.memory_space<vmem>>) dst(%dma_wait3A_72 : memref<640x16xf32, #tpu.memory_space<vmem_shared>>)
      tpu.yield
    }) : () -> ()
    %barrier3A = arith.constant 0 : index
    tpu.barrier barrier_id(%barrier3A)
    %gt3A = arith.constant 0 : i32
    %gt3A_22 = arith.cmpi sgt, %select_n3A, %gt3A : i32
    %convert_element_type3A_23 = arith.extui %gt3A_22 : i1 to i32
    %cond3A_24 = arith.constant 0 : i32
    %cond3A_25 = arith.cmpi ne, %convert_element_type3A_23, %cond3A_24 : i32
    scf.if %cond3A_25 {
      %dma_start3A = arith.constant 0 : i32
      %dma_start3A_67 = arith.constant 0 : i32
      %dma_start3A_68 = arith.constant 0 : i32
      %dma_start3A_69 = arith.constant 0 : i32
      %dma_start3A_70 = tpu.memref_slice %arg9[%dma_start3A_67, %dma_start3A_68, %dma_start3A_69] : memref<8x128x16xf32, #tpu.memory_space<vmem>> -> memref<1x128x16xf32, #tpu.memory_space<vmem>>
      %dma_start3A_71 = tpu.memref_squeeze %dma_start3A_70 : memref<1x128x16xf32, #tpu.memory_space<vmem>> -> memref<128x16xf32, #tpu.memory_space<vmem>>
      %dma_start3A_72 = arith.constant 0 : i32
      %dma_start3A_73 = tpu.memref_slice %arg7[%dma_start3A, %dma_start3A_72] : memref<79x128xi32, #tpu.memory_space<vmem>> -> memref<1x128xi32, #tpu.memory_space<vmem>>
      %dma_start3A_74 = tpu.memref_squeeze %dma_start3A_73 : memref<1x128xi32, #tpu.memory_space<vmem>> -> memref<128xi32, #tpu.memory_space<vmem>>
      %dma_start3A_75 = arith.constant 0 : i32
      %dma_start3A_76 = arith.constant 0 : i32
      %dma_start3A_77 = tpu.memref_slice %arg2[%dma_start3A_75, %dma_start3A_76] : memref<10000x16xf32, #tpu.memory_space<hbm>> -> memref<10000x16xf32, #tpu.memory_space<hbm>>
      tpu.enqueue_indirect_dma source(%dma_start3A_77 : memref<10000x16xf32, #tpu.memory_space<hbm>>) target(%dma_start3A_71 : memref<128x16xf32, #tpu.memory_space<vmem>>) offsets(%dma_start3A_74 : memref<128xi32, #tpu.memory_space<vmem>>) semaphore(%arg12 : memref<!tpu.dma_semaphore, #tpu.memory_space<semaphore_mem>>)
    } else {
    }
    %gt3A_26 = arith.constant 1 : i32
    %gt3A_27 = arith.cmpi sgt, %select_n3A, %gt3A_26 : i32
    %convert_element_type3A_28 = arith.extui %gt3A_27 : i1 to i32
    %cond3A_29 = arith.constant 0 : i32
    %cond3A_30 = arith.cmpi ne, %convert_element_type3A_28, %cond3A_29 : i32
    scf.if %cond3A_30 {
      %dma_start3A = arith.constant 1 : i32
      %dma_start3A_67 = arith.constant 1 : i32
      %dma_start3A_68 = arith.constant 0 : i32
      %dma_start3A_69 = arith.constant 0 : i32
      %dma_start3A_70 = tpu.memref_slice %arg9[%dma_start3A_67, %dma_start3A_68, %dma_start3A_69] : memref<8x128x16xf32, #tpu.memory_space<vmem>> -> memref<1x128x16xf32, #tpu.memory_space<vmem>>
      %dma_start3A_71 = tpu.memref_squeeze %dma_start3A_70 : memref<1x128x16xf32, #tpu.memory_space<vmem>> -> memref<128x16xf32, #tpu.memory_space<vmem>>
      %dma_start3A_72 = arith.constant 0 : i32
      %dma_start3A_73 = tpu.memref_slice %arg7[%dma_start3A, %dma_start3A_72] : memref<79x128xi32, #tpu.memory_space<vmem>> -> memref<1x128xi32, #tpu.memory_space<vmem>>
      %dma_start3A_74 = tpu.memref_squeeze %dma_start3A_73 : memref<1x128xi32, #tpu.memory_space<vmem>> -> memref<128xi32, #tpu.memory_space<vmem>>
      %dma_start3A_75 = arith.constant 0 : i32
      %dma_start3A_76 = arith.constant 0 : i32
      %dma_start3A_77 = tpu.memref_slice %arg2[%dma_start3A_75, %dma_start3A_76] : memref<10000x16xf32, #tpu.memory_space<hbm>> -> memref<10000x16xf32, #tpu.memory_space<hbm>>
      tpu.enqueue_indirect_dma source(%dma_start3A_77 : memref<10000x16xf32, #tpu.memory_space<hbm>>) target(%dma_start3A_71 : memref<128x16xf32, #tpu.memory_space<vmem>>) offsets(%dma_start3A_74 : memref<128xi32, #tpu.memory_space<vmem>>) semaphore(%arg13 : memref<!tpu.dma_semaphore, #tpu.memory_space<semaphore_mem>>)
    } else {
    }
    %gt3A_31 = arith.constant 2 : i32
    %gt3A_32 = arith.cmpi sgt, %select_n3A, %gt3A_31 : i32
    %convert_element_type3A_33 = arith.extui %gt3A_32 : i1 to i32
    %cond3A_34 = arith.constant 0 : i32
    %cond3A_35 = arith.cmpi ne, %convert_element_type3A_33, %cond3A_34 : i32
    scf.if %cond3A_35 {
      %dma_start3A = arith.constant 2 : i32
      %dma_start3A_67 = arith.constant 2 : i32
      %dma_start3A_68 = arith.constant 0 : i32
      %dma_start3A_69 = arith.constant 0 : i32
      %dma_start3A_70 = tpu.memref_slice %arg9[%dma_start3A_67, %dma_start3A_68, %dma_start3A_69] : memref<8x128x16xf32, #tpu.memory_space<vmem>> -> memref<1x128x16xf32, #tpu.memory_space<vmem>>
      %dma_start3A_71 = tpu.memref_squeeze %dma_start3A_70 : memref<1x128x16xf32, #tpu.memory_space<vmem>> -> memref<128x16xf32, #tpu.memory_space<vmem>>
      %dma_start3A_72 = arith.constant 0 : i32
      %dma_start3A_73 = tpu.memref_slice %arg7[%dma_start3A, %dma_start3A_72] : memref<79x128xi32, #tpu.memory_space<vmem>> -> memref<1x128xi32, #tpu.memory_space<vmem>>
      %dma_start3A_74 = tpu.memref_squeeze %dma_start3A_73 : memref<1x128xi32, #tpu.memory_space<vmem>> -> memref<128xi32, #tpu.memory_space<vmem>>
      %dma_start3A_75 = arith.constant 0 : i32
      %dma_start3A_76 = arith.constant 0 : i32
      %dma_start3A_77 = tpu.memref_slice %arg2[%dma_start3A_75, %dma_start3A_76] : memref<10000x16xf32, #tpu.memory_space<hbm>> -> memref<10000x16xf32, #tpu.memory_space<hbm>>
      tpu.enqueue_indirect_dma source(%dma_start3A_77 : memref<10000x16xf32, #tpu.memory_space<hbm>>) target(%dma_start3A_71 : memref<128x16xf32, #tpu.memory_space<vmem>>) offsets(%dma_start3A_74 : memref<128xi32, #tpu.memory_space<vmem>>) semaphore(%arg14 : memref<!tpu.dma_semaphore, #tpu.memory_space<semaphore_mem>>)
    } else {
    }
    %gt3A_36 = arith.constant 3 : i32
    %gt3A_37 = arith.cmpi sgt, %select_n3A, %gt3A_36 : i32
    %convert_element_type3A_38 = arith.extui %gt3A_37 : i1 to i32
    %cond3A_39 = arith.constant 0 : i32
    %cond3A_40 = arith.cmpi ne, %convert_element_type3A_38, %cond3A_39 : i32
    scf.if %cond3A_40 {
      %dma_start3A = arith.constant 3 : i32
      %dma_start3A_67 = arith.constant 3 : i32
      %dma_start3A_68 = arith.constant 0 : i32
      %dma_start3A_69 = arith.constant 0 : i32
      %dma_start3A_70 = tpu.memref_slice %arg9[%dma_start3A_67, %dma_start3A_68, %dma_start3A_69] : memref<8x128x16xf32, #tpu.memory_space<vmem>> -> memref<1x128x16xf32, #tpu.memory_space<vmem>>
      %dma_start3A_71 = tpu.memref_squeeze %dma_start3A_70 : memref<1x128x16xf32, #tpu.memory_space<vmem>> -> memref<128x16xf32, #tpu.memory_space<vmem>>
      %dma_start3A_72 = arith.constant 0 : i32
      %dma_start3A_73 = tpu.memref_slice %arg7[%dma_start3A, %dma_start3A_72] : memref<79x128xi32, #tpu.memory_space<vmem>> -> memref<1x128xi32, #tpu.memory_space<vmem>>
      %dma_start3A_74 = tpu.memref_squeeze %dma_start3A_73 : memref<1x128xi32, #tpu.memory_space<vmem>> -> memref<128xi32, #tpu.memory_space<vmem>>
      %dma_start3A_75 = arith.constant 0 : i32
      %dma_start3A_76 = arith.constant 0 : i32
      %dma_start3A_77 = tpu.memref_slice %arg2[%dma_start3A_75, %dma_start3A_76] : memref<10000x16xf32, #tpu.memory_space<hbm>> -> memref<10000x16xf32, #tpu.memory_space<hbm>>
      tpu.enqueue_indirect_dma source(%dma_start3A_77 : memref<10000x16xf32, #tpu.memory_space<hbm>>) target(%dma_start3A_71 : memref<128x16xf32, #tpu.memory_space<vmem>>) offsets(%dma_start3A_74 : memref<128xi32, #tpu.memory_space<vmem>>) semaphore(%arg15 : memref<!tpu.dma_semaphore, #tpu.memory_space<semaphore_mem>>)
    } else {
    }
    %gt3A_41 = arith.constant 4 : i32
    %gt3A_42 = arith.cmpi sgt, %select_n3A, %gt3A_41 : i32
    %convert_element_type3A_43 = arith.extui %gt3A_42 : i1 to i32
    %cond3A_44 = arith.constant 0 : i32
    %cond3A_45 = arith.cmpi ne, %convert_element_type3A_43, %cond3A_44 : i32
    scf.if %cond3A_45 {
      %dma_start3A = arith.constant 4 : i32
      %dma_start3A_67 = arith.constant 4 : i32
      %dma_start3A_68 = arith.constant 0 : i32
      %dma_start3A_69 = arith.constant 0 : i32
      %dma_start3A_70 = tpu.memref_slice %arg9[%dma_start3A_67, %dma_start3A_68, %dma_start3A_69] : memref<8x128x16xf32, #tpu.memory_space<vmem>> -> memref<1x128x16xf32, #tpu.memory_space<vmem>>
      %dma_start3A_71 = tpu.memref_squeeze %dma_start3A_70 : memref<1x128x16xf32, #tpu.memory_space<vmem>> -> memref<128x16xf32, #tpu.memory_space<vmem>>
      %dma_start3A_72 = arith.constant 0 : i32
      %dma_start3A_73 = tpu.memref_slice %arg7[%dma_start3A, %dma_start3A_72] : memref<79x128xi32, #tpu.memory_space<vmem>> -> memref<1x128xi32, #tpu.memory_space<vmem>>
      %dma_start3A_74 = tpu.memref_squeeze %dma_start3A_73 : memref<1x128xi32, #tpu.memory_space<vmem>> -> memref<128xi32, #tpu.memory_space<vmem>>
      %dma_start3A_75 = arith.constant 0 : i32
      %dma_start3A_76 = arith.constant 0 : i32
      %dma_start3A_77 = tpu.memref_slice %arg2[%dma_start3A_75, %dma_start3A_76] : memref<10000x16xf32, #tpu.memory_space<hbm>> -> memref<10000x16xf32, #tpu.memory_space<hbm>>
      tpu.enqueue_indirect_dma source(%dma_start3A_77 : memref<10000x16xf32, #tpu.memory_space<hbm>>) target(%dma_start3A_71 : memref<128x16xf32, #tpu.memory_space<vmem>>) offsets(%dma_start3A_74 : memref<128xi32, #tpu.memory_space<vmem>>) semaphore(%arg16 : memref<!tpu.dma_semaphore, #tpu.memory_space<semaphore_mem>>)
    } else {
    }
    %gt3A_46 = arith.constant 5 : i32
    %gt3A_47 = arith.cmpi sgt, %select_n3A, %gt3A_46 : i32
    %convert_element_type3A_48 = arith.extui %gt3A_47 : i1 to i32
    %cond3A_49 = arith.constant 0 : i32
    %cond3A_50 = arith.cmpi ne, %convert_element_type3A_48, %cond3A_49 : i32
    scf.if %cond3A_50 {
      %dma_start3A = arith.constant 5 : i32
      %dma_start3A_67 = arith.constant 5 : i32
      %dma_start3A_68 = arith.constant 0 : i32
      %dma_start3A_69 = arith.constant 0 : i32
      %dma_start3A_70 = tpu.memref_slice %arg9[%dma_start3A_67, %dma_start3A_68, %dma_start3A_69] : memref<8x128x16xf32, #tpu.memory_space<vmem>> -> memref<1x128x16xf32, #tpu.memory_space<vmem>>
      %dma_start3A_71 = tpu.memref_squeeze %dma_start3A_70 : memref<1x128x16xf32, #tpu.memory_space<vmem>> -> memref<128x16xf32, #tpu.memory_space<vmem>>
      %dma_start3A_72 = arith.constant 0 : i32
      %dma_start3A_73 = tpu.memref_slice %arg7[%dma_start3A, %dma_start3A_72] : memref<79x128xi32, #tpu.memory_space<vmem>> -> memref<1x128xi32, #tpu.memory_space<vmem>>
      %dma_start3A_74 = tpu.memref_squeeze %dma_start3A_73 : memref<1x128xi32, #tpu.memory_space<vmem>> -> memref<128xi32, #tpu.memory_space<vmem>>
      %dma_start3A_75 = arith.constant 0 : i32
      %dma_start3A_76 = arith.constant 0 : i32
      %dma_start3A_77 = tpu.memref_slice %arg2[%dma_start3A_75, %dma_start3A_76] : memref<10000x16xf32, #tpu.memory_space<hbm>> -> memref<10000x16xf32, #tpu.memory_space<hbm>>
      tpu.enqueue_indirect_dma source(%dma_start3A_77 : memref<10000x16xf32, #tpu.memory_space<hbm>>) target(%dma_start3A_71 : memref<128x16xf32, #tpu.memory_space<vmem>>) offsets(%dma_start3A_74 : memref<128xi32, #tpu.memory_space<vmem>>) semaphore(%arg17 : memref<!tpu.dma_semaphore, #tpu.memory_space<semaphore_mem>>)
    } else {
    }
    %gt3A_51 = arith.constant 6 : i32
    %gt3A_52 = arith.cmpi sgt, %select_n3A, %gt3A_51 : i32
    %convert_element_type3A_53 = arith.extui %gt3A_52 : i1 to i32
    %cond3A_54 = arith.constant 0 : i32
    %cond3A_55 = arith.cmpi ne, %convert_element_type3A_53, %cond3A_54 : i32
    scf.if %cond3A_55 {
      %dma_start3A = arith.constant 6 : i32
      %dma_start3A_67 = arith.constant 6 : i32
      %dma_start3A_68 = arith.constant 0 : i32
      %dma_start3A_69 = arith.constant 0 : i32
      %dma_start3A_70 = tpu.memref_slice %arg9[%dma_start3A_67, %dma_start3A_68, %dma_start3A_69] : memref<8x128x16xf32, #tpu.memory_space<vmem>> -> memref<1x128x16xf32, #tpu.memory_space<vmem>>
      %dma_start3A_71 = tpu.memref_squeeze %dma_start3A_70 : memref<1x128x16xf32, #tpu.memory_space<vmem>> -> memref<128x16xf32, #tpu.memory_space<vmem>>
      %dma_start3A_72 = arith.constant 0 : i32
      %dma_start3A_73 = tpu.memref_slice %arg7[%dma_start3A, %dma_start3A_72] : memref<79x128xi32, #tpu.memory_space<vmem>> -> memref<1x128xi32, #tpu.memory_space<vmem>>
      %dma_start3A_74 = tpu.memref_squeeze %dma_start3A_73 : memref<1x128xi32, #tpu.memory_space<vmem>> -> memref<128xi32, #tpu.memory_space<vmem>>
      %dma_start3A_75 = arith.constant 0 : i32
      %dma_start3A_76 = arith.constant 0 : i32
      %dma_start3A_77 = tpu.memref_slice %arg2[%dma_start3A_75, %dma_start3A_76] : memref<10000x16xf32, #tpu.memory_space<hbm>> -> memref<10000x16xf32, #tpu.memory_space<hbm>>
      tpu.enqueue_indirect_dma source(%dma_start3A_77 : memref<10000x16xf32, #tpu.memory_space<hbm>>) target(%dma_start3A_71 : memref<128x16xf32, #tpu.memory_space<vmem>>) offsets(%dma_start3A_74 : memref<128xi32, #tpu.memory_space<vmem>>) semaphore(%arg18 : memref<!tpu.dma_semaphore, #tpu.memory_space<semaphore_mem>>)
    } else {
    }
    %gt3A_56 = arith.constant 7 : i32
    %gt3A_57 = arith.cmpi sgt, %select_n3A, %gt3A_56 : i32
    %convert_element_type3A_58 = arith.extui %gt3A_57 : i1 to i32
    %cond3A_59 = arith.constant 0 : i32
    %cond3A_60 = arith.cmpi ne, %convert_element_type3A_58, %cond3A_59 : i32
    scf.if %cond3A_60 {
      %dma_start3A = arith.constant 7 : i32
      %dma_start3A_67 = arith.constant 7 : i32
      %dma_start3A_68 = arith.constant 0 : i32
      %dma_start3A_69 = arith.constant 0 : i32
      %dma_start3A_70 = tpu.memref_slice %arg9[%dma_start3A_67, %dma_start3A_68, %dma_start3A_69] : memref<8x128x16xf32, #tpu.memory_space<vmem>> -> memref<1x128x16xf32, #tpu.memory_space<vmem>>
      %dma_start3A_71 = tpu.memref_squeeze %dma_start3A_70 : memref<1x128x16xf32, #tpu.memory_space<vmem>> -> memref<128x16xf32, #tpu.memory_space<vmem>>
      %dma_start3A_72 = arith.constant 0 : i32
      %dma_start3A_73 = tpu.memref_slice %arg7[%dma_start3A, %dma_start3A_72] : memref<79x128xi32, #tpu.memory_space<vmem>> -> memref<1x128xi32, #tpu.memory_space<vmem>>
      %dma_start3A_74 = tpu.memref_squeeze %dma_start3A_73 : memref<1x128xi32, #tpu.memory_space<vmem>> -> memref<128xi32, #tpu.memory_space<vmem>>
      %dma_start3A_75 = arith.constant 0 : i32
      %dma_start3A_76 = arith.constant 0 : i32
      %dma_start3A_77 = tpu.memref_slice %arg2[%dma_start3A_75, %dma_start3A_76] : memref<10000x16xf32, #tpu.memory_space<hbm>> -> memref<10000x16xf32, #tpu.memory_space<hbm>>
      tpu.enqueue_indirect_dma source(%dma_start3A_77 : memref<10000x16xf32, #tpu.memory_space<hbm>>) target(%dma_start3A_71 : memref<128x16xf32, #tpu.memory_space<vmem>>) offsets(%dma_start3A_74 : memref<128xi32, #tpu.memory_space<vmem>>) semaphore(%arg19 : memref<!tpu.dma_semaphore, #tpu.memory_space<semaphore_mem>>)
    } else {
    }
    %scan3A = arith.constant 0 : i32
    %scan3A_61 = arith.constant 0 : i32
    %scan3A_62 = arith.constant 10 : i32
    %scan3A_63 = arith.addi %scan3A_61, %scan3A_62 : i32
    %scan3A_64 = arith.constant 1 : i32
    scf.for %scan3A_67 = %scan3A_61 to %scan3A_63 step %scan3A_64  : i32 {
      %mul3A_68 = arith.constant 8 : i32
      %mul3A_69 = arith.muli %scan3A_67, %mul3A_68 : i32
      %add3A_70 = arith.constant 0 : i32
      %add3A_71 = arith.addi %mul3A_69, %add3A_70 : i32
      %lt3A_72 = arith.cmpi slt, %add3A_71, %select_n3A : i32
      %convert_element_type3A_73 = arith.extui %lt3A_72 : i1 to i32
      %cond3A_74 = arith.constant 0 : i32
      %cond3A_75 = arith.cmpi ne, %convert_element_type3A_73, %cond3A_74 : i32
      scf.if %cond3A_75 {
        %dma_wait3A = arith.constant 0 : i32
        %dma_wait3A_132 = arith.constant 0 : i32
        %dma_wait3A_133 = arith.constant 0 : i32
        %dma_wait3A_134 = tpu.memref_slice %arg9[%dma_wait3A, %dma_wait3A_132, %dma_wait3A_133] : memref<8x128x16xf32, #tpu.memory_space<vmem>> -> memref<1x128x16xf32, #tpu.memory_space<vmem>>
        %dma_wait3A_135 = tpu.memref_squeeze %dma_wait3A_134 : memref<1x128x16xf32, #tpu.memory_space<vmem>> -> memref<128x16xf32, #tpu.memory_space<vmem>>
        %dma_wait3A_136 = arith.constant 0 : i32
        %dma_wait3A_137 = tpu.memref_slice %arg7[%add3A_71, %dma_wait3A_136] : memref<79x128xi32, #tpu.memory_space<vmem>> -> memref<1x128xi32, #tpu.memory_space<vmem>>
        %dma_wait3A_138 = tpu.memref_squeeze %dma_wait3A_137 : memref<1x128xi32, #tpu.memory_space<vmem>> -> memref<128xi32, #tpu.memory_space<vmem>>
        %dma_wait3A_139 = arith.constant 0 : i32
        %dma_wait3A_140 = arith.constant 0 : i32
        %dma_wait3A_141 = tpu.memref_slice %arg2[%dma_wait3A_139, %dma_wait3A_140] : memref<10000x16xf32, #tpu.memory_space<hbm>> -> memref<10000x16xf32, #tpu.memory_space<hbm>>
        tpu.wait_indirect_dma semaphore(%arg12 : memref<!tpu.dma_semaphore, #tpu.memory_space<semaphore_mem>>) src(%dma_wait3A_141 : memref<10000x16xf32, #tpu.memory_space<hbm>>) dst(%dma_wait3A_135 : memref<128x16xf32, #tpu.memory_space<vmem>>)
        %run_scoped3A = arith.constant 0 : i32
        "tpu.region"() ({
          %run_scoped3A_148 = tpu.sem_alloc : memref<!tpu.dma_semaphore, #tpu.memory_space<semaphore_mem>>
          %dma_start3A = arith.constant 0 : i32
          %dma_start3A_149 = arith.constant 0 : i32
          %dma_start3A_150 = tpu.memref_slice %arg9[%run_scoped3A, %dma_start3A, %dma_start3A_149] : memref<8x128x16xf32, #tpu.memory_space<vmem>> -> memref<1x128x16xf32, #tpu.memory_space<vmem>>
          %dma_start3A_151 = tpu.memref_squeeze %dma_start3A_150 : memref<1x128x16xf32, #tpu.memory_space<vmem>> -> memref<128x16xf32, #tpu.memory_space<vmem>>
          %dma_start3A_152 = arith.constant 0 : i32
          %dma_start3A_153 = tpu.memref_slice %arg8[%add3A_71, %dma_start3A_152] : memref<79x128xi32, #tpu.memory_space<vmem>> -> memref<1x128xi32, #tpu.memory_space<vmem>>
          %dma_start3A_154 = tpu.memref_squeeze %dma_start3A_153 : memref<1x128xi32, #tpu.memory_space<vmem>> -> memref<128xi32, #tpu.memory_space<vmem>>
          %dma_start3A_155 = arith.constant 0 : i32
          %dma_start3A_156 = arith.constant 0 : i32
          %dma_start3A_157 = tpu.memref_slice %arg11[%dma_start3A_155, %dma_start3A_156] : memref<10240x16xf32, #tpu.memory_space<vmem_shared>> -> memref<10240x16xf32, #tpu.memory_space<vmem_shared>>
          tpu.enqueue_indirect_dma source(%dma_start3A_151 : memref<128x16xf32, #tpu.memory_space<vmem>>) target(%dma_start3A_157 : memref<10240x16xf32, #tpu.memory_space<vmem_shared>>) offsets(%dma_start3A_154 : memref<128xi32, #tpu.memory_space<vmem>>) semaphore(%run_scoped3A_148 : memref<!tpu.dma_semaphore, #tpu.memory_space<semaphore_mem>>) {add = true}
          %dma_wait3A_158 = arith.constant 0 : i32
          %dma_wait3A_159 = arith.constant 0 : i32
          %dma_wait3A_160 = tpu.memref_slice %arg9[%run_scoped3A, %dma_wait3A_158, %dma_wait3A_159] : memref<8x128x16xf32, #tpu.memory_space<vmem>> -> memref<1x128x16xf32, #tpu.memory_space<vmem>>
          %dma_wait3A_161 = tpu.memref_squeeze %dma_wait3A_160 : memref<1x128x16xf32, #tpu.memory_space<vmem>> -> memref<128x16xf32, #tpu.memory_space<vmem>>
          %dma_wait3A_162 = arith.constant 0 : i32
          %dma_wait3A_163 = tpu.memref_slice %arg8[%add3A_71, %dma_wait3A_162] : memref<79x128xi32, #tpu.memory_space<vmem>> -> memref<1x128xi32, #tpu.memory_space<vmem>>
          %dma_wait3A_164 = tpu.memref_squeeze %dma_wait3A_163 : memref<1x128xi32, #tpu.memory_space<vmem>> -> memref<128xi32, #tpu.memory_space<vmem>>
          %dma_wait3A_165 = arith.constant 0 : i32
          %dma_wait3A_166 = arith.constant 0 : i32
          %dma_wait3A_167 = tpu.memref_slice %arg11[%dma_wait3A_165, %dma_wait3A_166] : memref<10240x16xf32, #tpu.memory_space<vmem_shared>> -> memref<10240x16xf32, #tpu.memory_space<vmem_shared>>
          tpu.wait_indirect_dma semaphore(%run_scoped3A_148 : memref<!tpu.dma_semaphore, #tpu.memory_space<semaphore_mem>>) src(%dma_wait3A_161 : memref<128x16xf32, #tpu.memory_space<vmem>>) dst(%dma_wait3A_167 : memref<10240x16xf32, #tpu.memory_space<vmem_shared>>)
          tpu.yield
        }) : () -> ()
        %add3A_142 = arith.constant 8 : i32
        %add3A_143 = arith.addi %add3A_71, %add3A_142 : i32
        %lt3A_144 = arith.cmpi slt, %add3A_143, %select_n3A : i32
        %convert_element_type3A_145 = arith.extui %lt3A_144 : i1 to i32
        %cond3A_146 = arith.constant 0 : i32
        %cond3A_147 = arith.cmpi ne, %convert_element_type3A_145, %cond3A_146 : i32
        scf.if %cond3A_147 {
          %add3A_148 = arith.constant 8 : i32
          %add3A_149 = arith.addi %add3A_71, %add3A_148 : i32
          %dma_start3A = arith.constant 0 : i32
          %dma_start3A_150 = arith.constant 0 : i32
          %dma_start3A_151 = arith.constant 0 : i32
          %dma_start3A_152 = tpu.memref_slice %arg9[%dma_start3A, %dma_start3A_150, %dma_start3A_151] : memref<8x128x16xf32, #tpu.memory_space<vmem>> -> memref<1x128x16xf32, #tpu.memory_space<vmem>>
          %dma_start3A_153 = tpu.memref_squeeze %dma_start3A_152 : memref<1x128x16xf32, #tpu.memory_space<vmem>> -> memref<128x16xf32, #tpu.memory_space<vmem>>
          %dma_start3A_154 = arith.constant 0 : i32
          %dma_start3A_155 = tpu.memref_slice %arg7[%add3A_149, %dma_start3A_154] : memref<79x128xi32, #tpu.memory_space<vmem>> -> memref<1x128xi32, #tpu.memory_space<vmem>>
          %dma_start3A_156 = tpu.memref_squeeze %dma_start3A_155 : memref<1x128xi32, #tpu.memory_space<vmem>> -> memref<128xi32, #tpu.memory_space<vmem>>
          %dma_start3A_157 = arith.constant 0 : i32
          %dma_start3A_158 = arith.constant 0 : i32
          %dma_start3A_159 = tpu.memref_slice %arg2[%dma_start3A_157, %dma_start3A_158] : memref<10000x16xf32, #tpu.memory_space<hbm>> -> memref<10000x16xf32, #tpu.memory_space<hbm>>
          tpu.enqueue_indirect_dma source(%dma_start3A_159 : memref<10000x16xf32, #tpu.memory_space<hbm>>) target(%dma_start3A_153 : memref<128x16xf32, #tpu.memory_space<vmem>>) offsets(%dma_start3A_156 : memref<128xi32, #tpu.memory_space<vmem>>) semaphore(%arg12 : memref<!tpu.dma_semaphore, #tpu.memory_space<semaphore_mem>>)
        } else {
        }
      } else {
      }
      %mul3A_76 = arith.constant 8 : i32
      %mul3A_77 = arith.muli %scan3A_67, %mul3A_76 : i32
      %add3A_78 = arith.constant 1 : i32
      %add3A_79 = arith.addi %mul3A_77, %add3A_78 : i32
      %lt3A_80 = arith.cmpi slt, %add3A_79, %select_n3A : i32
      %convert_element_type3A_81 = arith.extui %lt3A_80 : i1 to i32
      %cond3A_82 = arith.constant 0 : i32
      %cond3A_83 = arith.cmpi ne, %convert_element_type3A_81, %cond3A_82 : i32
      scf.if %cond3A_83 {
        %dma_wait3A = arith.constant 1 : i32
        %dma_wait3A_132 = arith.constant 0 : i32
        %dma_wait3A_133 = arith.constant 0 : i32
        %dma_wait3A_134 = tpu.memref_slice %arg9[%dma_wait3A, %dma_wait3A_132, %dma_wait3A_133] : memref<8x128x16xf32, #tpu.memory_space<vmem>> -> memref<1x128x16xf32, #tpu.memory_space<vmem>>
        %dma_wait3A_135 = tpu.memref_squeeze %dma_wait3A_134 : memref<1x128x16xf32, #tpu.memory_space<vmem>> -> memref<128x16xf32, #tpu.memory_space<vmem>>
        %dma_wait3A_136 = arith.constant 0 : i32
        %dma_wait3A_137 = tpu.memref_slice %arg7[%add3A_79, %dma_wait3A_136] : memref<79x128xi32, #tpu.memory_space<vmem>> -> memref<1x128xi32, #tpu.memory_space<vmem>>
        %dma_wait3A_138 = tpu.memref_squeeze %dma_wait3A_137 : memref<1x128xi32, #tpu.memory_space<vmem>> -> memref<128xi32, #tpu.memory_space<vmem>>
        %dma_wait3A_139 = arith.constant 0 : i32
        %dma_wait3A_140 = arith.constant 0 : i32
        %dma_wait3A_141 = tpu.memref_slice %arg2[%dma_wait3A_139, %dma_wait3A_140] : memref<10000x16xf32, #tpu.memory_space<hbm>> -> memref<10000x16xf32, #tpu.memory_space<hbm>>
        tpu.wait_indirect_dma semaphore(%arg13 : memref<!tpu.dma_semaphore, #tpu.memory_space<semaphore_mem>>) src(%dma_wait3A_141 : memref<10000x16xf32, #tpu.memory_space<hbm>>) dst(%dma_wait3A_135 : memref<128x16xf32, #tpu.memory_space<vmem>>)
        %run_scoped3A = arith.constant 1 : i32
        "tpu.region"() ({
          %run_scoped3A_148 = tpu.sem_alloc : memref<!tpu.dma_semaphore, #tpu.memory_space<semaphore_mem>>
          %dma_start3A = arith.constant 0 : i32
          %dma_start3A_149 = arith.constant 0 : i32
          %dma_start3A_150 = tpu.memref_slice %arg9[%run_scoped3A, %dma_start3A, %dma_start3A_149] : memref<8x128x16xf32, #tpu.memory_space<vmem>> -> memref<1x128x16xf32, #tpu.memory_space<vmem>>
          %dma_start3A_151 = tpu.memref_squeeze %dma_start3A_150 : memref<1x128x16xf32, #tpu.memory_space<vmem>> -> memref<128x16xf32, #tpu.memory_space<vmem>>
          %dma_start3A_152 = arith.constant 0 : i32
          %dma_start3A_153 = tpu.memref_slice %arg8[%add3A_79, %dma_start3A_152] : memref<79x128xi32, #tpu.memory_space<vmem>> -> memref<1x128xi32, #tpu.memory_space<vmem>>
          %dma_start3A_154 = tpu.memref_squeeze %dma_start3A_153 : memref<1x128xi32, #tpu.memory_space<vmem>> -> memref<128xi32, #tpu.memory_space<vmem>>
          %dma_start3A_155 = arith.constant 0 : i32
          %dma_start3A_156 = arith.constant 0 : i32
          %dma_start3A_157 = tpu.memref_slice %arg11[%dma_start3A_155, %dma_start3A_156] : memref<10240x16xf32, #tpu.memory_space<vmem_shared>> -> memref<10240x16xf32, #tpu.memory_space<vmem_shared>>
          tpu.enqueue_indirect_dma source(%dma_start3A_151 : memref<128x16xf32, #tpu.memory_space<vmem>>) target(%dma_start3A_157 : memref<10240x16xf32, #tpu.memory_space<vmem_shared>>) offsets(%dma_start3A_154 : memref<128xi32, #tpu.memory_space<vmem>>) semaphore(%run_scoped3A_148 : memref<!tpu.dma_semaphore, #tpu.memory_space<semaphore_mem>>) {add = true}
          %dma_wait3A_158 = arith.constant 0 : i32
          %dma_wait3A_159 = arith.constant 0 : i32
          %dma_wait3A_160 = tpu.memref_slice %arg9[%run_scoped3A, %dma_wait3A_158, %dma_wait3A_159] : memref<8x128x16xf32, #tpu.memory_space<vmem>> -> memref<1x128x16xf32, #tpu.memory_space<vmem>>
          %dma_wait3A_161 = tpu.memref_squeeze %dma_wait3A_160 : memref<1x128x16xf32, #tpu.memory_space<vmem>> -> memref<128x16xf32, #tpu.memory_space<vmem>>
          %dma_wait3A_162 = arith.constant 0 : i32
          %dma_wait3A_163 = tpu.memref_slice %arg8[%add3A_79, %dma_wait3A_162] : memref<79x128xi32, #tpu.memory_space<vmem>> -> memref<1x128xi32, #tpu.memory_space<vmem>>
          %dma_wait3A_164 = tpu.memref_squeeze %dma_wait3A_163 : memref<1x128xi32, #tpu.memory_space<vmem>> -> memref<128xi32, #tpu.memory_space<vmem>>
          %dma_wait3A_165 = arith.constant 0 : i32
          %dma_wait3A_166 = arith.constant 0 : i32
          %dma_wait3A_167 = tpu.memref_slice %arg11[%dma_wait3A_165, %dma_wait3A_166] : memref<10240x16xf32, #tpu.memory_space<vmem_shared>> -> memref<10240x16xf32, #tpu.memory_space<vmem_shared>>
          tpu.wait_indirect_dma semaphore(%run_scoped3A_148 : memref<!tpu.dma_semaphore, #tpu.memory_space<semaphore_mem>>) src(%dma_wait3A_161 : memref<128x16xf32, #tpu.memory_space<vmem>>) dst(%dma_wait3A_167 : memref<10240x16xf32, #tpu.memory_space<vmem_shared>>)
          tpu.yield
        }) : () -> ()
        %add3A_142 = arith.constant 8 : i32
        %add3A_143 = arith.addi %add3A_79, %add3A_142 : i32
        %lt3A_144 = arith.cmpi slt, %add3A_143, %select_n3A : i32
        %convert_element_type3A_145 = arith.extui %lt3A_144 : i1 to i32
        %cond3A_146 = arith.constant 0 : i32
        %cond3A_147 = arith.cmpi ne, %convert_element_type3A_145, %cond3A_146 : i32
        scf.if %cond3A_147 {
          %add3A_148 = arith.constant 8 : i32
          %add3A_149 = arith.addi %add3A_79, %add3A_148 : i32
          %dma_start3A = arith.constant 1 : i32
          %dma_start3A_150 = arith.constant 0 : i32
          %dma_start3A_151 = arith.constant 0 : i32
          %dma_start3A_152 = tpu.memref_slice %arg9[%dma_start3A, %dma_start3A_150, %dma_start3A_151] : memref<8x128x16xf32, #tpu.memory_space<vmem>> -> memref<1x128x16xf32, #tpu.memory_space<vmem>>
          %dma_start3A_153 = tpu.memref_squeeze %dma_start3A_152 : memref<1x128x16xf32, #tpu.memory_space<vmem>> -> memref<128x16xf32, #tpu.memory_space<vmem>>
          %dma_start3A_154 = arith.constant 0 : i32
          %dma_start3A_155 = tpu.memref_slice %arg7[%add3A_149, %dma_start3A_154] : memref<79x128xi32, #tpu.memory_space<vmem>> -> memref<1x128xi32, #tpu.memory_space<vmem>>
          %dma_start3A_156 = tpu.memref_squeeze %dma_start3A_155 : memref<1x128xi32, #tpu.memory_space<vmem>> -> memref<128xi32, #tpu.memory_space<vmem>>
          %dma_start3A_157 = arith.constant 0 : i32
          %dma_start3A_158 = arith.constant 0 : i32
          %dma_start3A_159 = tpu.memref_slice %arg2[%dma_start3A_157, %dma_start3A_158] : memref<10000x16xf32, #tpu.memory_space<hbm>> -> memref<10000x16xf32, #tpu.memory_space<hbm>>
          tpu.enqueue_indirect_dma source(%dma_start3A_159 : memref<10000x16xf32, #tpu.memory_space<hbm>>) target(%dma_start3A_153 : memref<128x16xf32, #tpu.memory_space<vmem>>) offsets(%dma_start3A_156 : memref<128xi32, #tpu.memory_space<vmem>>) semaphore(%arg13 : memref<!tpu.dma_semaphore, #tpu.memory_space<semaphore_mem>>)
        } else {
        }
      } else {
      }
      %mul3A_84 = arith.constant 8 : i32
      %mul3A_85 = arith.muli %scan3A_67, %mul3A_84 : i32
      %add3A_86 = arith.constant 2 : i32
      %add3A_87 = arith.addi %mul3A_85, %add3A_86 : i32
      %lt3A_88 = arith.cmpi slt, %add3A_87, %select_n3A : i32
      %convert_element_type3A_89 = arith.extui %lt3A_88 : i1 to i32
      %cond3A_90 = arith.constant 0 : i32
      %cond3A_91 = arith.cmpi ne, %convert_element_type3A_89, %cond3A_90 : i32
      scf.if %cond3A_91 {
        %dma_wait3A = arith.constant 2 : i32
        %dma_wait3A_132 = arith.constant 0 : i32
        %dma_wait3A_133 = arith.constant 0 : i32
        %dma_wait3A_134 = tpu.memref_slice %arg9[%dma_wait3A, %dma_wait3A_132, %dma_wait3A_133] : memref<8x128x16xf32, #tpu.memory_space<vmem>> -> memref<1x128x16xf32, #tpu.memory_space<vmem>>
        %dma_wait3A_135 = tpu.memref_squeeze %dma_wait3A_134 : memref<1x128x16xf32, #tpu.memory_space<vmem>> -> memref<128x16xf32, #tpu.memory_space<vmem>>
        %dma_wait3A_136 = arith.constant 0 : i32
        %dma_wait3A_137 = tpu.memref_slice %arg7[%add3A_87, %dma_wait3A_136] : memref<79x128xi32, #tpu.memory_space<vmem>> -> memref<1x128xi32, #tpu.memory_space<vmem>>
        %dma_wait3A_138 = tpu.memref_squeeze %dma_wait3A_137 : memref<1x128xi32, #tpu.memory_space<vmem>> -> memref<128xi32, #tpu.memory_space<vmem>>
        %dma_wait3A_139 = arith.constant 0 : i32
        %dma_wait3A_140 = arith.constant 0 : i32
        %dma_wait3A_141 = tpu.memref_slice %arg2[%dma_wait3A_139, %dma_wait3A_140] : memref<10000x16xf32, #tpu.memory_space<hbm>> -> memref<10000x16xf32, #tpu.memory_space<hbm>>
        tpu.wait_indirect_dma semaphore(%arg14 : memref<!tpu.dma_semaphore, #tpu.memory_space<semaphore_mem>>) src(%dma_wait3A_141 : memref<10000x16xf32, #tpu.memory_space<hbm>>) dst(%dma_wait3A_135 : memref<128x16xf32, #tpu.memory_space<vmem>>)
        %run_scoped3A = arith.constant 2 : i32
        "tpu.region"() ({
          %run_scoped3A_148 = tpu.sem_alloc : memref<!tpu.dma_semaphore, #tpu.memory_space<semaphore_mem>>
          %dma_start3A = arith.constant 0 : i32
          %dma_start3A_149 = arith.constant 0 : i32
          %dma_start3A_150 = tpu.memref_slice %arg9[%run_scoped3A, %dma_start3A, %dma_start3A_149] : memref<8x128x16xf32, #tpu.memory_space<vmem>> -> memref<1x128x16xf32, #tpu.memory_space<vmem>>
          %dma_start3A_151 = tpu.memref_squeeze %dma_start3A_150 : memref<1x128x16xf32, #tpu.memory_space<vmem>> -> memref<128x16xf32, #tpu.memory_space<vmem>>
          %dma_start3A_152 = arith.constant 0 : i32
          %dma_start3A_153 = tpu.memref_slice %arg8[%add3A_87, %dma_start3A_152] : memref<79x128xi32, #tpu.memory_space<vmem>> -> memref<1x128xi32, #tpu.memory_space<vmem>>
          %dma_start3A_154 = tpu.memref_squeeze %dma_start3A_153 : memref<1x128xi32, #tpu.memory_space<vmem>> -> memref<128xi32, #tpu.memory_space<vmem>>
          %dma_start3A_155 = arith.constant 0 : i32
          %dma_start3A_156 = arith.constant 0 : i32
          %dma_start3A_157 = tpu.memref_slice %arg11[%dma_start3A_155, %dma_start3A_156] : memref<10240x16xf32, #tpu.memory_space<vmem_shared>> -> memref<10240x16xf32, #tpu.memory_space<vmem_shared>>
          tpu.enqueue_indirect_dma source(%dma_start3A_151 : memref<128x16xf32, #tpu.memory_space<vmem>>) target(%dma_start3A_157 : memref<10240x16xf32, #tpu.memory_space<vmem_shared>>) offsets(%dma_start3A_154 : memref<128xi32, #tpu.memory_space<vmem>>) semaphore(%run_scoped3A_148 : memref<!tpu.dma_semaphore, #tpu.memory_space<semaphore_mem>>) {add = true}
          %dma_wait3A_158 = arith.constant 0 : i32
          %dma_wait3A_159 = arith.constant 0 : i32
          %dma_wait3A_160 = tpu.memref_slice %arg9[%run_scoped3A, %dma_wait3A_158, %dma_wait3A_159] : memref<8x128x16xf32, #tpu.memory_space<vmem>> -> memref<1x128x16xf32, #tpu.memory_space<vmem>>
          %dma_wait3A_161 = tpu.memref_squeeze %dma_wait3A_160 : memref<1x128x16xf32, #tpu.memory_space<vmem>> -> memref<128x16xf32, #tpu.memory_space<vmem>>
          %dma_wait3A_162 = arith.constant 0 : i32
          %dma_wait3A_163 = tpu.memref_slice %arg8[%add3A_87, %dma_wait3A_162] : memref<79x128xi32, #tpu.memory_space<vmem>> -> memref<1x128xi32, #tpu.memory_space<vmem>>
          %dma_wait3A_164 = tpu.memref_squeeze %dma_wait3A_163 : memref<1x128xi32, #tpu.memory_space<vmem>> -> memref<128xi32, #tpu.memory_space<vmem>>
          %dma_wait3A_165 = arith.constant 0 : i32
          %dma_wait3A_166 = arith.constant 0 : i32
          %dma_wait3A_167 = tpu.memref_slice %arg11[%dma_wait3A_165, %dma_wait3A_166] : memref<10240x16xf32, #tpu.memory_space<vmem_shared>> -> memref<10240x16xf32, #tpu.memory_space<vmem_shared>>
          tpu.wait_indirect_dma semaphore(%run_scoped3A_148 : memref<!tpu.dma_semaphore, #tpu.memory_space<semaphore_mem>>) src(%dma_wait3A_161 : memref<128x16xf32, #tpu.memory_space<vmem>>) dst(%dma_wait3A_167 : memref<10240x16xf32, #tpu.memory_space<vmem_shared>>)
          tpu.yield
        }) : () -> ()
        %add3A_142 = arith.constant 8 : i32
        %add3A_143 = arith.addi %add3A_87, %add3A_142 : i32
        %lt3A_144 = arith.cmpi slt, %add3A_143, %select_n3A : i32
        %convert_element_type3A_145 = arith.extui %lt3A_144 : i1 to i32
        %cond3A_146 = arith.constant 0 : i32
        %cond3A_147 = arith.cmpi ne, %convert_element_type3A_145, %cond3A_146 : i32
        scf.if %cond3A_147 {
          %add3A_148 = arith.constant 8 : i32
          %add3A_149 = arith.addi %add3A_87, %add3A_148 : i32
          %dma_start3A = arith.constant 2 : i32
          %dma_start3A_150 = arith.constant 0 : i32
          %dma_start3A_151 = arith.constant 0 : i32
          %dma_start3A_152 = tpu.memref_slice %arg9[%dma_start3A, %dma_start3A_150, %dma_start3A_151] : memref<8x128x16xf32, #tpu.memory_space<vmem>> -> memref<1x128x16xf32, #tpu.memory_space<vmem>>
          %dma_start3A_153 = tpu.memref_squeeze %dma_start3A_152 : memref<1x128x16xf32, #tpu.memory_space<vmem>> -> memref<128x16xf32, #tpu.memory_space<vmem>>
          %dma_start3A_154 = arith.constant 0 : i32
          %dma_start3A_155 = tpu.memref_slice %arg7[%add3A_149, %dma_start3A_154] : memref<79x128xi32, #tpu.memory_space<vmem>> -> memref<1x128xi32, #tpu.memory_space<vmem>>
          %dma_start3A_156 = tpu.memref_squeeze %dma_start3A_155 : memref<1x128xi32, #tpu.memory_space<vmem>> -> memref<128xi32, #tpu.memory_space<vmem>>
          %dma_start3A_157 = arith.constant 0 : i32
          %dma_start3A_158 = arith.constant 0 : i32
          %dma_start3A_159 = tpu.memref_slice %arg2[%dma_start3A_157, %dma_start3A_158] : memref<10000x16xf32, #tpu.memory_space<hbm>> -> memref<10000x16xf32, #tpu.memory_space<hbm>>
          tpu.enqueue_indirect_dma source(%dma_start3A_159 : memref<10000x16xf32, #tpu.memory_space<hbm>>) target(%dma_start3A_153 : memref<128x16xf32, #tpu.memory_space<vmem>>) offsets(%dma_start3A_156 : memref<128xi32, #tpu.memory_space<vmem>>) semaphore(%arg14 : memref<!tpu.dma_semaphore, #tpu.memory_space<semaphore_mem>>)
        } else {
        }
      } else {
      }
      %mul3A_92 = arith.constant 8 : i32
      %mul3A_93 = arith.muli %scan3A_67, %mul3A_92 : i32
      %add3A_94 = arith.constant 3 : i32
      %add3A_95 = arith.addi %mul3A_93, %add3A_94 : i32
      %lt3A_96 = arith.cmpi slt, %add3A_95, %select_n3A : i32
      %convert_element_type3A_97 = arith.extui %lt3A_96 : i1 to i32
      %cond3A_98 = arith.constant 0 : i32
      %cond3A_99 = arith.cmpi ne, %convert_element_type3A_97, %cond3A_98 : i32
      scf.if %cond3A_99 {
        %dma_wait3A = arith.constant 3 : i32
        %dma_wait3A_132 = arith.constant 0 : i32
        %dma_wait3A_133 = arith.constant 0 : i32
        %dma_wait3A_134 = tpu.memref_slice %arg9[%dma_wait3A, %dma_wait3A_132, %dma_wait3A_133] : memref<8x128x16xf32, #tpu.memory_space<vmem>> -> memref<1x128x16xf32, #tpu.memory_space<vmem>>
        %dma_wait3A_135 = tpu.memref_squeeze %dma_wait3A_134 : memref<1x128x16xf32, #tpu.memory_space<vmem>> -> memref<128x16xf32, #tpu.memory_space<vmem>>
        %dma_wait3A_136 = arith.constant 0 : i32
        %dma_wait3A_137 = tpu.memref_slice %arg7[%add3A_95, %dma_wait3A_136] : memref<79x128xi32, #tpu.memory_space<vmem>> -> memref<1x128xi32, #tpu.memory_space<vmem>>
        %dma_wait3A_138 = tpu.memref_squeeze %dma_wait3A_137 : memref<1x128xi32, #tpu.memory_space<vmem>> -> memref<128xi32, #tpu.memory_space<vmem>>
        %dma_wait3A_139 = arith.constant 0 : i32
        %dma_wait3A_140 = arith.constant 0 : i32
        %dma_wait3A_141 = tpu.memref_slice %arg2[%dma_wait3A_139, %dma_wait3A_140] : memref<10000x16xf32, #tpu.memory_space<hbm>> -> memref<10000x16xf32, #tpu.memory_space<hbm>>
        tpu.wait_indirect_dma semaphore(%arg15 : memref<!tpu.dma_semaphore, #tpu.memory_space<semaphore_mem>>) src(%dma_wait3A_141 : memref<10000x16xf32, #tpu.memory_space<hbm>>) dst(%dma_wait3A_135 : memref<128x16xf32, #tpu.memory_space<vmem>>)
        %run_scoped3A = arith.constant 3 : i32
        "tpu.region"() ({
          %run_scoped3A_148 = tpu.sem_alloc : memref<!tpu.dma_semaphore, #tpu.memory_space<semaphore_mem>>
          %dma_start3A = arith.constant 0 : i32
          %dma_start3A_149 = arith.constant 0 : i32
          %dma_start3A_150 = tpu.memref_slice %arg9[%run_scoped3A, %dma_start3A, %dma_start3A_149] : memref<8x128x16xf32, #tpu.memory_space<vmem>> -> memref<1x128x16xf32, #tpu.memory_space<vmem>>
          %dma_start3A_151 = tpu.memref_squeeze %dma_start3A_150 : memref<1x128x16xf32, #tpu.memory_space<vmem>> -> memref<128x16xf32, #tpu.memory_space<vmem>>
          %dma_start3A_152 = arith.constant 0 : i32
          %dma_start3A_153 = tpu.memref_slice %arg8[%add3A_95, %dma_start3A_152] : memref<79x128xi32, #tpu.memory_space<vmem>> -> memref<1x128xi32, #tpu.memory_space<vmem>>
          %dma_start3A_154 = tpu.memref_squeeze %dma_start3A_153 : memref<1x128xi32, #tpu.memory_space<vmem>> -> memref<128xi32, #tpu.memory_space<vmem>>
          %dma_start3A_155 = arith.constant 0 : i32
          %dma_start3A_156 = arith.constant 0 : i32
          %dma_start3A_157 = tpu.memref_slice %arg11[%dma_start3A_155, %dma_start3A_156] : memref<10240x16xf32, #tpu.memory_space<vmem_shared>> -> memref<10240x16xf32, #tpu.memory_space<vmem_shared>>
          tpu.enqueue_indirect_dma source(%dma_start3A_151 : memref<128x16xf32, #tpu.memory_space<vmem>>) target(%dma_start3A_157 : memref<10240x16xf32, #tpu.memory_space<vmem_shared>>) offsets(%dma_start3A_154 : memref<128xi32, #tpu.memory_space<vmem>>) semaphore(%run_scoped3A_148 : memref<!tpu.dma_semaphore, #tpu.memory_space<semaphore_mem>>) {add = true}
          %dma_wait3A_158 = arith.constant 0 : i32
          %dma_wait3A_159 = arith.constant 0 : i32
          %dma_wait3A_160 = tpu.memref_slice %arg9[%run_scoped3A, %dma_wait3A_158, %dma_wait3A_159] : memref<8x128x16xf32, #tpu.memory_space<vmem>> -> memref<1x128x16xf32, #tpu.memory_space<vmem>>
          %dma_wait3A_161 = tpu.memref_squeeze %dma_wait3A_160 : memref<1x128x16xf32, #tpu.memory_space<vmem>> -> memref<128x16xf32, #tpu.memory_space<vmem>>
          %dma_wait3A_162 = arith.constant 0 : i32
          %dma_wait3A_163 = tpu.memref_slice %arg8[%add3A_95, %dma_wait3A_162] : memref<79x128xi32, #tpu.memory_space<vmem>> -> memref<1x128xi32, #tpu.memory_space<vmem>>
          %dma_wait3A_164 = tpu.memref_squeeze %dma_wait3A_163 : memref<1x128xi32, #tpu.memory_space<vmem>> -> memref<128xi32, #tpu.memory_space<vmem>>
          %dma_wait3A_165 = arith.constant 0 : i32
          %dma_wait3A_166 = arith.constant 0 : i32
          %dma_wait3A_167 = tpu.memref_slice %arg11[%dma_wait3A_165, %dma_wait3A_166] : memref<10240x16xf32, #tpu.memory_space<vmem_shared>> -> memref<10240x16xf32, #tpu.memory_space<vmem_shared>>
          tpu.wait_indirect_dma semaphore(%run_scoped3A_148 : memref<!tpu.dma_semaphore, #tpu.memory_space<semaphore_mem>>) src(%dma_wait3A_161 : memref<128x16xf32, #tpu.memory_space<vmem>>) dst(%dma_wait3A_167 : memref<10240x16xf32, #tpu.memory_space<vmem_shared>>)
          tpu.yield
        }) : () -> ()
        %add3A_142 = arith.constant 8 : i32
        %add3A_143 = arith.addi %add3A_95, %add3A_142 : i32
        %lt3A_144 = arith.cmpi slt, %add3A_143, %select_n3A : i32
        %convert_element_type3A_145 = arith.extui %lt3A_144 : i1 to i32
        %cond3A_146 = arith.constant 0 : i32
        %cond3A_147 = arith.cmpi ne, %convert_element_type3A_145, %cond3A_146 : i32
        scf.if %cond3A_147 {
          %add3A_148 = arith.constant 8 : i32
          %add3A_149 = arith.addi %add3A_95, %add3A_148 : i32
          %dma_start3A = arith.constant 3 : i32
          %dma_start3A_150 = arith.constant 0 : i32
          %dma_start3A_151 = arith.constant 0 : i32
          %dma_start3A_152 = tpu.memref_slice %arg9[%dma_start3A, %dma_start3A_150, %dma_start3A_151] : memref<8x128x16xf32, #tpu.memory_space<vmem>> -> memref<1x128x16xf32, #tpu.memory_space<vmem>>
          %dma_start3A_153 = tpu.memref_squeeze %dma_start3A_152 : memref<1x128x16xf32, #tpu.memory_space<vmem>> -> memref<128x16xf32, #tpu.memory_space<vmem>>
          %dma_start3A_154 = arith.constant 0 : i32
          %dma_start3A_155 = tpu.memref_slice %arg7[%add3A_149, %dma_start3A_154] : memref<79x128xi32, #tpu.memory_space<vmem>> -> memref<1x128xi32, #tpu.memory_space<vmem>>
          %dma_start3A_156 = tpu.memref_squeeze %dma_start3A_155 : memref<1x128xi32, #tpu.memory_space<vmem>> -> memref<128xi32, #tpu.memory_space<vmem>>
          %dma_start3A_157 = arith.constant 0 : i32
          %dma_start3A_158 = arith.constant 0 : i32
          %dma_start3A_159 = tpu.memref_slice %arg2[%dma_start3A_157, %dma_start3A_158] : memref<10000x16xf32, #tpu.memory_space<hbm>> -> memref<10000x16xf32, #tpu.memory_space<hbm>>
          tpu.enqueue_indirect_dma source(%dma_start3A_159 : memref<10000x16xf32, #tpu.memory_space<hbm>>) target(%dma_start3A_153 : memref<128x16xf32, #tpu.memory_space<vmem>>) offsets(%dma_start3A_156 : memref<128xi32, #tpu.memory_space<vmem>>) semaphore(%arg15 : memref<!tpu.dma_semaphore, #tpu.memory_space<semaphore_mem>>)
        } else {
        }
      } else {
      }
      %mul3A_100 = arith.constant 8 : i32
      %mul3A_101 = arith.muli %scan3A_67, %mul3A_100 : i32
      %add3A_102 = arith.constant 4 : i32
      %add3A_103 = arith.addi %mul3A_101, %add3A_102 : i32
      %lt3A_104 = arith.cmpi slt, %add3A_103, %select_n3A : i32
      %convert_element_type3A_105 = arith.extui %lt3A_104 : i1 to i32
      %cond3A_106 = arith.constant 0 : i32
      %cond3A_107 = arith.cmpi ne, %convert_element_type3A_105, %cond3A_106 : i32
      scf.if %cond3A_107 {
        %dma_wait3A = arith.constant 4 : i32
        %dma_wait3A_132 = arith.constant 0 : i32
        %dma_wait3A_133 = arith.constant 0 : i32
        %dma_wait3A_134 = tpu.memref_slice %arg9[%dma_wait3A, %dma_wait3A_132, %dma_wait3A_133] : memref<8x128x16xf32, #tpu.memory_space<vmem>> -> memref<1x128x16xf32, #tpu.memory_space<vmem>>
        %dma_wait3A_135 = tpu.memref_squeeze %dma_wait3A_134 : memref<1x128x16xf32, #tpu.memory_space<vmem>> -> memref<128x16xf32, #tpu.memory_space<vmem>>
        %dma_wait3A_136 = arith.constant 0 : i32
        %dma_wait3A_137 = tpu.memref_slice %arg7[%add3A_103, %dma_wait3A_136] : memref<79x128xi32, #tpu.memory_space<vmem>> -> memref<1x128xi32, #tpu.memory_space<vmem>>
        %dma_wait3A_138 = tpu.memref_squeeze %dma_wait3A_137 : memref<1x128xi32, #tpu.memory_space<vmem>> -> memref<128xi32, #tpu.memory_space<vmem>>
        %dma_wait3A_139 = arith.constant 0 : i32
        %dma_wait3A_140 = arith.constant 0 : i32
        %dma_wait3A_141 = tpu.memref_slice %arg2[%dma_wait3A_139, %dma_wait3A_140] : memref<10000x16xf32, #tpu.memory_space<hbm>> -> memref<10000x16xf32, #tpu.memory_space<hbm>>
        tpu.wait_indirect_dma semaphore(%arg16 : memref<!tpu.dma_semaphore, #tpu.memory_space<semaphore_mem>>) src(%dma_wait3A_141 : memref<10000x16xf32, #tpu.memory_space<hbm>>) dst(%dma_wait3A_135 : memref<128x16xf32, #tpu.memory_space<vmem>>)
        %run_scoped3A = arith.constant 4 : i32
        "tpu.region"() ({
          %run_scoped3A_148 = tpu.sem_alloc : memref<!tpu.dma_semaphore, #tpu.memory_space<semaphore_mem>>
          %dma_start3A = arith.constant 0 : i32
          %dma_start3A_149 = arith.constant 0 : i32
          %dma_start3A_150 = tpu.memref_slice %arg9[%run_scoped3A, %dma_start3A, %dma_start3A_149] : memref<8x128x16xf32, #tpu.memory_space<vmem>> -> memref<1x128x16xf32, #tpu.memory_space<vmem>>
          %dma_start3A_151 = tpu.memref_squeeze %dma_start3A_150 : memref<1x128x16xf32, #tpu.memory_space<vmem>> -> memref<128x16xf32, #tpu.memory_space<vmem>>
          %dma_start3A_152 = arith.constant 0 : i32
          %dma_start3A_153 = tpu.memref_slice %arg8[%add3A_103, %dma_start3A_152] : memref<79x128xi32, #tpu.memory_space<vmem>> -> memref<1x128xi32, #tpu.memory_space<vmem>>
          %dma_start3A_154 = tpu.memref_squeeze %dma_start3A_153 : memref<1x128xi32, #tpu.memory_space<vmem>> -> memref<128xi32, #tpu.memory_space<vmem>>
          %dma_start3A_155 = arith.constant 0 : i32
          %dma_start3A_156 = arith.constant 0 : i32
          %dma_start3A_157 = tpu.memref_slice %arg11[%dma_start3A_155, %dma_start3A_156] : memref<10240x16xf32, #tpu.memory_space<vmem_shared>> -> memref<10240x16xf32, #tpu.memory_space<vmem_shared>>
          tpu.enqueue_indirect_dma source(%dma_start3A_151 : memref<128x16xf32, #tpu.memory_space<vmem>>) target(%dma_start3A_157 : memref<10240x16xf32, #tpu.memory_space<vmem_shared>>) offsets(%dma_start3A_154 : memref<128xi32, #tpu.memory_space<vmem>>) semaphore(%run_scoped3A_148 : memref<!tpu.dma_semaphore, #tpu.memory_space<semaphore_mem>>) {add = true}
          %dma_wait3A_158 = arith.constant 0 : i32
          %dma_wait3A_159 = arith.constant 0 : i32
          %dma_wait3A_160 = tpu.memref_slice %arg9[%run_scoped3A, %dma_wait3A_158, %dma_wait3A_159] : memref<8x128x16xf32, #tpu.memory_space<vmem>> -> memref<1x128x16xf32, #tpu.memory_space<vmem>>
          %dma_wait3A_161 = tpu.memref_squeeze %dma_wait3A_160 : memref<1x128x16xf32, #tpu.memory_space<vmem>> -> memref<128x16xf32, #tpu.memory_space<vmem>>
          %dma_wait3A_162 = arith.constant 0 : i32
          %dma_wait3A_163 = tpu.memref_slice %arg8[%add3A_103, %dma_wait3A_162] : memref<79x128xi32, #tpu.memory_space<vmem>> -> memref<1x128xi32, #tpu.memory_space<vmem>>
          %dma_wait3A_164 = tpu.memref_squeeze %dma_wait3A_163 : memref<1x128xi32, #tpu.memory_space<vmem>> -> memref<128xi32, #tpu.memory_space<vmem>>
          %dma_wait3A_165 = arith.constant 0 : i32
          %dma_wait3A_166 = arith.constant 0 : i32
          %dma_wait3A_167 = tpu.memref_slice %arg11[%dma_wait3A_165, %dma_wait3A_166] : memref<10240x16xf32, #tpu.memory_space<vmem_shared>> -> memref<10240x16xf32, #tpu.memory_space<vmem_shared>>
          tpu.wait_indirect_dma semaphore(%run_scoped3A_148 : memref<!tpu.dma_semaphore, #tpu.memory_space<semaphore_mem>>) src(%dma_wait3A_161 : memref<128x16xf32, #tpu.memory_space<vmem>>) dst(%dma_wait3A_167 : memref<10240x16xf32, #tpu.memory_space<vmem_shared>>)
          tpu.yield
        }) : () -> ()
        %add3A_142 = arith.constant 8 : i32
        %add3A_143 = arith.addi %add3A_103, %add3A_142 : i32
        %lt3A_144 = arith.cmpi slt, %add3A_143, %select_n3A : i32
        %convert_element_type3A_145 = arith.extui %lt3A_144 : i1 to i32
        %cond3A_146 = arith.constant 0 : i32
        %cond3A_147 = arith.cmpi ne, %convert_element_type3A_145, %cond3A_146 : i32
        scf.if %cond3A_147 {
          %add3A_148 = arith.constant 8 : i32
          %add3A_149 = arith.addi %add3A_103, %add3A_148 : i32
          %dma_start3A = arith.constant 4 : i32
          %dma_start3A_150 = arith.constant 0 : i32
          %dma_start3A_151 = arith.constant 0 : i32
          %dma_start3A_152 = tpu.memref_slice %arg9[%dma_start3A, %dma_start3A_150, %dma_start3A_151] : memref<8x128x16xf32, #tpu.memory_space<vmem>> -> memref<1x128x16xf32, #tpu.memory_space<vmem>>
          %dma_start3A_153 = tpu.memref_squeeze %dma_start3A_152 : memref<1x128x16xf32, #tpu.memory_space<vmem>> -> memref<128x16xf32, #tpu.memory_space<vmem>>
          %dma_start3A_154 = arith.constant 0 : i32
          %dma_start3A_155 = tpu.memref_slice %arg7[%add3A_149, %dma_start3A_154] : memref<79x128xi32, #tpu.memory_space<vmem>> -> memref<1x128xi32, #tpu.memory_space<vmem>>
          %dma_start3A_156 = tpu.memref_squeeze %dma_start3A_155 : memref<1x128xi32, #tpu.memory_space<vmem>> -> memref<128xi32, #tpu.memory_space<vmem>>
          %dma_start3A_157 = arith.constant 0 : i32
          %dma_start3A_158 = arith.constant 0 : i32
          %dma_start3A_159 = tpu.memref_slice %arg2[%dma_start3A_157, %dma_start3A_158] : memref<10000x16xf32, #tpu.memory_space<hbm>> -> memref<10000x16xf32, #tpu.memory_space<hbm>>
          tpu.enqueue_indirect_dma source(%dma_start3A_159 : memref<10000x16xf32, #tpu.memory_space<hbm>>) target(%dma_start3A_153 : memref<128x16xf32, #tpu.memory_space<vmem>>) offsets(%dma_start3A_156 : memref<128xi32, #tpu.memory_space<vmem>>) semaphore(%arg16 : memref<!tpu.dma_semaphore, #tpu.memory_space<semaphore_mem>>)
        } else {
        }
      } else {
      }
      %mul3A_108 = arith.constant 8 : i32
      %mul3A_109 = arith.muli %scan3A_67, %mul3A_108 : i32
      %add3A_110 = arith.constant 5 : i32
      %add3A_111 = arith.addi %mul3A_109, %add3A_110 : i32
      %lt3A_112 = arith.cmpi slt, %add3A_111, %select_n3A : i32
      %convert_element_type3A_113 = arith.extui %lt3A_112 : i1 to i32
      %cond3A_114 = arith.constant 0 : i32
      %cond3A_115 = arith.cmpi ne, %convert_element_type3A_113, %cond3A_114 : i32
      scf.if %cond3A_115 {
        %dma_wait3A = arith.constant 5 : i32
        %dma_wait3A_132 = arith.constant 0 : i32
        %dma_wait3A_133 = arith.constant 0 : i32
        %dma_wait3A_134 = tpu.memref_slice %arg9[%dma_wait3A, %dma_wait3A_132, %dma_wait3A_133] : memref<8x128x16xf32, #tpu.memory_space<vmem>> -> memref<1x128x16xf32, #tpu.memory_space<vmem>>
        %dma_wait3A_135 = tpu.memref_squeeze %dma_wait3A_134 : memref<1x128x16xf32, #tpu.memory_space<vmem>> -> memref<128x16xf32, #tpu.memory_space<vmem>>
        %dma_wait3A_136 = arith.constant 0 : i32
        %dma_wait3A_137 = tpu.memref_slice %arg7[%add3A_111, %dma_wait3A_136] : memref<79x128xi32, #tpu.memory_space<vmem>> -> memref<1x128xi32, #tpu.memory_space<vmem>>
        %dma_wait3A_138 = tpu.memref_squeeze %dma_wait3A_137 : memref<1x128xi32, #tpu.memory_space<vmem>> -> memref<128xi32, #tpu.memory_space<vmem>>
        %dma_wait3A_139 = arith.constant 0 : i32
        %dma_wait3A_140 = arith.constant 0 : i32
        %dma_wait3A_141 = tpu.memref_slice %arg2[%dma_wait3A_139, %dma_wait3A_140] : memref<10000x16xf32, #tpu.memory_space<hbm>> -> memref<10000x16xf32, #tpu.memory_space<hbm>>
        tpu.wait_indirect_dma semaphore(%arg17 : memref<!tpu.dma_semaphore, #tpu.memory_space<semaphore_mem>>) src(%dma_wait3A_141 : memref<10000x16xf32, #tpu.memory_space<hbm>>) dst(%dma_wait3A_135 : memref<128x16xf32, #tpu.memory_space<vmem>>)
        %run_scoped3A = arith.constant 5 : i32
        "tpu.region"() ({
          %run_scoped3A_148 = tpu.sem_alloc : memref<!tpu.dma_semaphore, #tpu.memory_space<semaphore_mem>>
          %dma_start3A = arith.constant 0 : i32
          %dma_start3A_149 = arith.constant 0 : i32
          %dma_start3A_150 = tpu.memref_slice %arg9[%run_scoped3A, %dma_start3A, %dma_start3A_149] : memref<8x128x16xf32, #tpu.memory_space<vmem>> -> memref<1x128x16xf32, #tpu.memory_space<vmem>>
          %dma_start3A_151 = tpu.memref_squeeze %dma_start3A_150 : memref<1x128x16xf32, #tpu.memory_space<vmem>> -> memref<128x16xf32, #tpu.memory_space<vmem>>
          %dma_start3A_152 = arith.constant 0 : i32
          %dma_start3A_153 = tpu.memref_slice %arg8[%add3A_111, %dma_start3A_152] : memref<79x128xi32, #tpu.memory_space<vmem>> -> memref<1x128xi32, #tpu.memory_space<vmem>>
          %dma_start3A_154 = tpu.memref_squeeze %dma_start3A_153 : memref<1x128xi32, #tpu.memory_space<vmem>> -> memref<128xi32, #tpu.memory_space<vmem>>
          %dma_start3A_155 = arith.constant 0 : i32
          %dma_start3A_156 = arith.constant 0 : i32
          %dma_start3A_157 = tpu.memref_slice %arg11[%dma_start3A_155, %dma_start3A_156] : memref<10240x16xf32, #tpu.memory_space<vmem_shared>> -> memref<10240x16xf32, #tpu.memory_space<vmem_shared>>
          tpu.enqueue_indirect_dma source(%dma_start3A_151 : memref<128x16xf32, #tpu.memory_space<vmem>>) target(%dma_start3A_157 : memref<10240x16xf32, #tpu.memory_space<vmem_shared>>) offsets(%dma_start3A_154 : memref<128xi32, #tpu.memory_space<vmem>>) semaphore(%run_scoped3A_148 : memref<!tpu.dma_semaphore, #tpu.memory_space<semaphore_mem>>) {add = true}
          %dma_wait3A_158 = arith.constant 0 : i32
          %dma_wait3A_159 = arith.constant 0 : i32
          %dma_wait3A_160 = tpu.memref_slice %arg9[%run_scoped3A, %dma_wait3A_158, %dma_wait3A_159] : memref<8x128x16xf32, #tpu.memory_space<vmem>> -> memref<1x128x16xf32, #tpu.memory_space<vmem>>
          %dma_wait3A_161 = tpu.memref_squeeze %dma_wait3A_160 : memref<1x128x16xf32, #tpu.memory_space<vmem>> -> memref<128x16xf32, #tpu.memory_space<vmem>>
          %dma_wait3A_162 = arith.constant 0 : i32
          %dma_wait3A_163 = tpu.memref_slice %arg8[%add3A_111, %dma_wait3A_162] : memref<79x128xi32, #tpu.memory_space<vmem>> -> memref<1x128xi32, #tpu.memory_space<vmem>>
          %dma_wait3A_164 = tpu.memref_squeeze %dma_wait3A_163 : memref<1x128xi32, #tpu.memory_space<vmem>> -> memref<128xi32, #tpu.memory_space<vmem>>
          %dma_wait3A_165 = arith.constant 0 : i32
          %dma_wait3A_166 = arith.constant 0 : i32
          %dma_wait3A_167 = tpu.memref_slice %arg11[%dma_wait3A_165, %dma_wait3A_166] : memref<10240x16xf32, #tpu.memory_space<vmem_shared>> -> memref<10240x16xf32, #tpu.memory_space<vmem_shared>>
          tpu.wait_indirect_dma semaphore(%run_scoped3A_148 : memref<!tpu.dma_semaphore, #tpu.memory_space<semaphore_mem>>) src(%dma_wait3A_161 : memref<128x16xf32, #tpu.memory_space<vmem>>) dst(%dma_wait3A_167 : memref<10240x16xf32, #tpu.memory_space<vmem_shared>>)
          tpu.yield
        }) : () -> ()
        %add3A_142 = arith.constant 8 : i32
        %add3A_143 = arith.addi %add3A_111, %add3A_142 : i32
        %lt3A_144 = arith.cmpi slt, %add3A_143, %select_n3A : i32
        %convert_element_type3A_145 = arith.extui %lt3A_144 : i1 to i32
        %cond3A_146 = arith.constant 0 : i32
        %cond3A_147 = arith.cmpi ne, %convert_element_type3A_145, %cond3A_146 : i32
        scf.if %cond3A_147 {
          %add3A_148 = arith.constant 8 : i32
          %add3A_149 = arith.addi %add3A_111, %add3A_148 : i32
          %dma_start3A = arith.constant 5 : i32
          %dma_start3A_150 = arith.constant 0 : i32
          %dma_start3A_151 = arith.constant 0 : i32
          %dma_start3A_152 = tpu.memref_slice %arg9[%dma_start3A, %dma_start3A_150, %dma_start3A_151] : memref<8x128x16xf32, #tpu.memory_space<vmem>> -> memref<1x128x16xf32, #tpu.memory_space<vmem>>
          %dma_start3A_153 = tpu.memref_squeeze %dma_start3A_152 : memref<1x128x16xf32, #tpu.memory_space<vmem>> -> memref<128x16xf32, #tpu.memory_space<vmem>>
          %dma_start3A_154 = arith.constant 0 : i32
          %dma_start3A_155 = tpu.memref_slice %arg7[%add3A_149, %dma_start3A_154] : memref<79x128xi32, #tpu.memory_space<vmem>> -> memref<1x128xi32, #tpu.memory_space<vmem>>
          %dma_start3A_156 = tpu.memref_squeeze %dma_start3A_155 : memref<1x128xi32, #tpu.memory_space<vmem>> -> memref<128xi32, #tpu.memory_space<vmem>>
          %dma_start3A_157 = arith.constant 0 : i32
          %dma_start3A_158 = arith.constant 0 : i32
          %dma_start3A_159 = tpu.memref_slice %arg2[%dma_start3A_157, %dma_start3A_158] : memref<10000x16xf32, #tpu.memory_space<hbm>> -> memref<10000x16xf32, #tpu.memory_space<hbm>>
          tpu.enqueue_indirect_dma source(%dma_start3A_159 : memref<10000x16xf32, #tpu.memory_space<hbm>>) target(%dma_start3A_153 : memref<128x16xf32, #tpu.memory_space<vmem>>) offsets(%dma_start3A_156 : memref<128xi32, #tpu.memory_space<vmem>>) semaphore(%arg17 : memref<!tpu.dma_semaphore, #tpu.memory_space<semaphore_mem>>)
        } else {
        }
      } else {
      }
      %mul3A_116 = arith.constant 8 : i32
      %mul3A_117 = arith.muli %scan3A_67, %mul3A_116 : i32
      %add3A_118 = arith.constant 6 : i32
      %add3A_119 = arith.addi %mul3A_117, %add3A_118 : i32
      %lt3A_120 = arith.cmpi slt, %add3A_119, %select_n3A : i32
      %convert_element_type3A_121 = arith.extui %lt3A_120 : i1 to i32
      %cond3A_122 = arith.constant 0 : i32
      %cond3A_123 = arith.cmpi ne, %convert_element_type3A_121, %cond3A_122 : i32
      scf.if %cond3A_123 {
        %dma_wait3A = arith.constant 6 : i32
        %dma_wait3A_132 = arith.constant 0 : i32
        %dma_wait3A_133 = arith.constant 0 : i32
        %dma_wait3A_134 = tpu.memref_slice %arg9[%dma_wait3A, %dma_wait3A_132, %dma_wait3A_133] : memref<8x128x16xf32, #tpu.memory_space<vmem>> -> memref<1x128x16xf32, #tpu.memory_space<vmem>>
        %dma_wait3A_135 = tpu.memref_squeeze %dma_wait3A_134 : memref<1x128x16xf32, #tpu.memory_space<vmem>> -> memref<128x16xf32, #tpu.memory_space<vmem>>
        %dma_wait3A_136 = arith.constant 0 : i32
        %dma_wait3A_137 = tpu.memref_slice %arg7[%add3A_119, %dma_wait3A_136] : memref<79x128xi32, #tpu.memory_space<vmem>> -> memref<1x128xi32, #tpu.memory_space<vmem>>
        %dma_wait3A_138 = tpu.memref_squeeze %dma_wait3A_137 : memref<1x128xi32, #tpu.memory_space<vmem>> -> memref<128xi32, #tpu.memory_space<vmem>>
        %dma_wait3A_139 = arith.constant 0 : i32
        %dma_wait3A_140 = arith.constant 0 : i32
        %dma_wait3A_141 = tpu.memref_slice %arg2[%dma_wait3A_139, %dma_wait3A_140] : memref<10000x16xf32, #tpu.memory_space<hbm>> -> memref<10000x16xf32, #tpu.memory_space<hbm>>
        tpu.wait_indirect_dma semaphore(%arg18 : memref<!tpu.dma_semaphore, #tpu.memory_space<semaphore_mem>>) src(%dma_wait3A_141 : memref<10000x16xf32, #tpu.memory_space<hbm>>) dst(%dma_wait3A_135 : memref<128x16xf32, #tpu.memory_space<vmem>>)
        %run_scoped3A = arith.constant 6 : i32
        "tpu.region"() ({
          %run_scoped3A_148 = tpu.sem_alloc : memref<!tpu.dma_semaphore, #tpu.memory_space<semaphore_mem>>
          %dma_start3A = arith.constant 0 : i32
          %dma_start3A_149 = arith.constant 0 : i32
          %dma_start3A_150 = tpu.memref_slice %arg9[%run_scoped3A, %dma_start3A, %dma_start3A_149] : memref<8x128x16xf32, #tpu.memory_space<vmem>> -> memref<1x128x16xf32, #tpu.memory_space<vmem>>
          %dma_start3A_151 = tpu.memref_squeeze %dma_start3A_150 : memref<1x128x16xf32, #tpu.memory_space<vmem>> -> memref<128x16xf32, #tpu.memory_space<vmem>>
          %dma_start3A_152 = arith.constant 0 : i32
          %dma_start3A_153 = tpu.memref_slice %arg8[%add3A_119, %dma_start3A_152] : memref<79x128xi32, #tpu.memory_space<vmem>> -> memref<1x128xi32, #tpu.memory_space<vmem>>
          %dma_start3A_154 = tpu.memref_squeeze %dma_start3A_153 : memref<1x128xi32, #tpu.memory_space<vmem>> -> memref<128xi32, #tpu.memory_space<vmem>>
          %dma_start3A_155 = arith.constant 0 : i32
          %dma_start3A_156 = arith.constant 0 : i32
          %dma_start3A_157 = tpu.memref_slice %arg11[%dma_start3A_155, %dma_start3A_156] : memref<10240x16xf32, #tpu.memory_space<vmem_shared>> -> memref<10240x16xf32, #tpu.memory_space<vmem_shared>>
          tpu.enqueue_indirect_dma source(%dma_start3A_151 : memref<128x16xf32, #tpu.memory_space<vmem>>) target(%dma_start3A_157 : memref<10240x16xf32, #tpu.memory_space<vmem_shared>>) offsets(%dma_start3A_154 : memref<128xi32, #tpu.memory_space<vmem>>) semaphore(%run_scoped3A_148 : memref<!tpu.dma_semaphore, #tpu.memory_space<semaphore_mem>>) {add = true}
          %dma_wait3A_158 = arith.constant 0 : i32
          %dma_wait3A_159 = arith.constant 0 : i32
          %dma_wait3A_160 = tpu.memref_slice %arg9[%run_scoped3A, %dma_wait3A_158, %dma_wait3A_159] : memref<8x128x16xf32, #tpu.memory_space<vmem>> -> memref<1x128x16xf32, #tpu.memory_space<vmem>>
          %dma_wait3A_161 = tpu.memref_squeeze %dma_wait3A_160 : memref<1x128x16xf32, #tpu.memory_space<vmem>> -> memref<128x16xf32, #tpu.memory_space<vmem>>
          %dma_wait3A_162 = arith.constant 0 : i32
          %dma_wait3A_163 = tpu.memref_slice %arg8[%add3A_119, %dma_wait3A_162] : memref<79x128xi32, #tpu.memory_space<vmem>> -> memref<1x128xi32, #tpu.memory_space<vmem>>
          %dma_wait3A_164 = tpu.memref_squeeze %dma_wait3A_163 : memref<1x128xi32, #tpu.memory_space<vmem>> -> memref<128xi32, #tpu.memory_space<vmem>>
          %dma_wait3A_165 = arith.constant 0 : i32
          %dma_wait3A_166 = arith.constant 0 : i32
          %dma_wait3A_167 = tpu.memref_slice %arg11[%dma_wait3A_165, %dma_wait3A_166] : memref<10240x16xf32, #tpu.memory_space<vmem_shared>> -> memref<10240x16xf32, #tpu.memory_space<vmem_shared>>
          tpu.wait_indirect_dma semaphore(%run_scoped3A_148 : memref<!tpu.dma_semaphore, #tpu.memory_space<semaphore_mem>>) src(%dma_wait3A_161 : memref<128x16xf32, #tpu.memory_space<vmem>>) dst(%dma_wait3A_167 : memref<10240x16xf32, #tpu.memory_space<vmem_shared>>)
          tpu.yield
        }) : () -> ()
        %add3A_142 = arith.constant 8 : i32
        %add3A_143 = arith.addi %add3A_119, %add3A_142 : i32
        %lt3A_144 = arith.cmpi slt, %add3A_143, %select_n3A : i32
        %convert_element_type3A_145 = arith.extui %lt3A_144 : i1 to i32
        %cond3A_146 = arith.constant 0 : i32
        %cond3A_147 = arith.cmpi ne, %convert_element_type3A_145, %cond3A_146 : i32
        scf.if %cond3A_147 {
          %add3A_148 = arith.constant 8 : i32
          %add3A_149 = arith.addi %add3A_119, %add3A_148 : i32
          %dma_start3A = arith.constant 6 : i32
          %dma_start3A_150 = arith.constant 0 : i32
          %dma_start3A_151 = arith.constant 0 : i32
          %dma_start3A_152 = tpu.memref_slice %arg9[%dma_start3A, %dma_start3A_150, %dma_start3A_151] : memref<8x128x16xf32, #tpu.memory_space<vmem>> -> memref<1x128x16xf32, #tpu.memory_space<vmem>>
          %dma_start3A_153 = tpu.memref_squeeze %dma_start3A_152 : memref<1x128x16xf32, #tpu.memory_space<vmem>> -> memref<128x16xf32, #tpu.memory_space<vmem>>
          %dma_start3A_154 = arith.constant 0 : i32
          %dma_start3A_155 = tpu.memref_slice %arg7[%add3A_149, %dma_start3A_154] : memref<79x128xi32, #tpu.memory_space<vmem>> -> memref<1x128xi32, #tpu.memory_space<vmem>>
          %dma_start3A_156 = tpu.memref_squeeze %dma_start3A_155 : memref<1x128xi32, #tpu.memory_space<vmem>> -> memref<128xi32, #tpu.memory_space<vmem>>
          %dma_start3A_157 = arith.constant 0 : i32
          %dma_start3A_158 = arith.constant 0 : i32
          %dma_start3A_159 = tpu.memref_slice %arg2[%dma_start3A_157, %dma_start3A_158] : memref<10000x16xf32, #tpu.memory_space<hbm>> -> memref<10000x16xf32, #tpu.memory_space<hbm>>
          tpu.enqueue_indirect_dma source(%dma_start3A_159 : memref<10000x16xf32, #tpu.memory_space<hbm>>) target(%dma_start3A_153 : memref<128x16xf32, #tpu.memory_space<vmem>>) offsets(%dma_start3A_156 : memref<128xi32, #tpu.memory_space<vmem>>) semaphore(%arg18 : memref<!tpu.dma_semaphore, #tpu.memory_space<semaphore_mem>>)
        } else {
        }
      } else {
      }
      %mul3A_124 = arith.constant 8 : i32
      %mul3A_125 = arith.muli %scan3A_67, %mul3A_124 : i32
      %add3A_126 = arith.constant 7 : i32
      %add3A_127 = arith.addi %mul3A_125, %add3A_126 : i32
      %lt3A_128 = arith.cmpi slt, %add3A_127, %select_n3A : i32
      %convert_element_type3A_129 = arith.extui %lt3A_128 : i1 to i32
      %cond3A_130 = arith.constant 0 : i32
      %cond3A_131 = arith.cmpi ne, %convert_element_type3A_129, %cond3A_130 : i32
      scf.if %cond3A_131 {
        %dma_wait3A = arith.constant 7 : i32
        %dma_wait3A_132 = arith.constant 0 : i32
        %dma_wait3A_133 = arith.constant 0 : i32
        %dma_wait3A_134 = tpu.memref_slice %arg9[%dma_wait3A, %dma_wait3A_132, %dma_wait3A_133] : memref<8x128x16xf32, #tpu.memory_space<vmem>> -> memref<1x128x16xf32, #tpu.memory_space<vmem>>
        %dma_wait3A_135 = tpu.memref_squeeze %dma_wait3A_134 : memref<1x128x16xf32, #tpu.memory_space<vmem>> -> memref<128x16xf32, #tpu.memory_space<vmem>>
        %dma_wait3A_136 = arith.constant 0 : i32
        %dma_wait3A_137 = tpu.memref_slice %arg7[%add3A_127, %dma_wait3A_136] : memref<79x128xi32, #tpu.memory_space<vmem>> -> memref<1x128xi32, #tpu.memory_space<vmem>>
        %dma_wait3A_138 = tpu.memref_squeeze %dma_wait3A_137 : memref<1x128xi32, #tpu.memory_space<vmem>> -> memref<128xi32, #tpu.memory_space<vmem>>
        %dma_wait3A_139 = arith.constant 0 : i32
        %dma_wait3A_140 = arith.constant 0 : i32
        %dma_wait3A_141 = tpu.memref_slice %arg2[%dma_wait3A_139, %dma_wait3A_140] : memref<10000x16xf32, #tpu.memory_space<hbm>> -> memref<10000x16xf32, #tpu.memory_space<hbm>>
        tpu.wait_indirect_dma semaphore(%arg19 : memref<!tpu.dma_semaphore, #tpu.memory_space<semaphore_mem>>) src(%dma_wait3A_141 : memref<10000x16xf32, #tpu.memory_space<hbm>>) dst(%dma_wait3A_135 : memref<128x16xf32, #tpu.memory_space<vmem>>)
        %run_scoped3A = arith.constant 7 : i32
        "tpu.region"() ({
          %run_scoped3A_148 = tpu.sem_alloc : memref<!tpu.dma_semaphore, #tpu.memory_space<semaphore_mem>>
          %dma_start3A = arith.constant 0 : i32
          %dma_start3A_149 = arith.constant 0 : i32
          %dma_start3A_150 = tpu.memref_slice %arg9[%run_scoped3A, %dma_start3A, %dma_start3A_149] : memref<8x128x16xf32, #tpu.memory_space<vmem>> -> memref<1x128x16xf32, #tpu.memory_space<vmem>>
          %dma_start3A_151 = tpu.memref_squeeze %dma_start3A_150 : memref<1x128x16xf32, #tpu.memory_space<vmem>> -> memref<128x16xf32, #tpu.memory_space<vmem>>
          %dma_start3A_152 = arith.constant 0 : i32
          %dma_start3A_153 = tpu.memref_slice %arg8[%add3A_127, %dma_start3A_152] : memref<79x128xi32, #tpu.memory_space<vmem>> -> memref<1x128xi32, #tpu.memory_space<vmem>>
          %dma_start3A_154 = tpu.memref_squeeze %dma_start3A_153 : memref<1x128xi32, #tpu.memory_space<vmem>> -> memref<128xi32, #tpu.memory_space<vmem>>
          %dma_start3A_155 = arith.constant 0 : i32
          %dma_start3A_156 = arith.constant 0 : i32
          %dma_start3A_157 = tpu.memref_slice %arg11[%dma_start3A_155, %dma_start3A_156] : memref<10240x16xf32, #tpu.memory_space<vmem_shared>> -> memref<10240x16xf32, #tpu.memory_space<vmem_shared>>
          tpu.enqueue_indirect_dma source(%dma_start3A_151 : memref<128x16xf32, #tpu.memory_space<vmem>>) target(%dma_start3A_157 : memref<10240x16xf32, #tpu.memory_space<vmem_shared>>) offsets(%dma_start3A_154 : memref<128xi32, #tpu.memory_space<vmem>>) semaphore(%run_scoped3A_148 : memref<!tpu.dma_semaphore, #tpu.memory_space<semaphore_mem>>) {add = true}
          %dma_wait3A_158 = arith.constant 0 : i32
          %dma_wait3A_159 = arith.constant 0 : i32
          %dma_wait3A_160 = tpu.memref_slice %arg9[%run_scoped3A, %dma_wait3A_158, %dma_wait3A_159] : memref<8x128x16xf32, #tpu.memory_space<vmem>> -> memref<1x128x16xf32, #tpu.memory_space<vmem>>
          %dma_wait3A_161 = tpu.memref_squeeze %dma_wait3A_160 : memref<1x128x16xf32, #tpu.memory_space<vmem>> -> memref<128x16xf32, #tpu.memory_space<vmem>>
          %dma_wait3A_162 = arith.constant 0 : i32
          %dma_wait3A_163 = tpu.memref_slice %arg8[%add3A_127, %dma_wait3A_162] : memref<79x128xi32, #tpu.memory_space<vmem>> -> memref<1x128xi32, #tpu.memory_space<vmem>>
          %dma_wait3A_164 = tpu.memref_squeeze %dma_wait3A_163 : memref<1x128xi32, #tpu.memory_space<vmem>> -> memref<128xi32, #tpu.memory_space<vmem>>
          %dma_wait3A_165 = arith.constant 0 : i32
          %dma_wait3A_166 = arith.constant 0 : i32
          %dma_wait3A_167 = tpu.memref_slice %arg11[%dma_wait3A_165, %dma_wait3A_166] : memref<10240x16xf32, #tpu.memory_space<vmem_shared>> -> memref<10240x16xf32, #tpu.memory_space<vmem_shared>>
          tpu.wait_indirect_dma semaphore(%run_scoped3A_148 : memref<!tpu.dma_semaphore, #tpu.memory_space<semaphore_mem>>) src(%dma_wait3A_161 : memref<128x16xf32, #tpu.memory_space<vmem>>) dst(%dma_wait3A_167 : memref<10240x16xf32, #tpu.memory_space<vmem_shared>>)
          tpu.yield
        }) : () -> ()
        %add3A_142 = arith.constant 8 : i32
        %add3A_143 = arith.addi %add3A_127, %add3A_142 : i32
        %lt3A_144 = arith.cmpi slt, %add3A_143, %select_n3A : i32
        %convert_element_type3A_145 = arith.extui %lt3A_144 : i1 to i32
        %cond3A_146 = arith.constant 0 : i32
        %cond3A_147 = arith.cmpi ne, %convert_element_type3A_145, %cond3A_146 : i32
        scf.if %cond3A_147 {
          %add3A_148 = arith.constant 8 : i32
          %add3A_149 = arith.addi %add3A_127, %add3A_148 : i32
          %dma_start3A = arith.constant 7 : i32
          %dma_start3A_150 = arith.constant 0 : i32
          %dma_start3A_151 = arith.constant 0 : i32
          %dma_start3A_152 = tpu.memref_slice %arg9[%dma_start3A, %dma_start3A_150, %dma_start3A_151] : memref<8x128x16xf32, #tpu.memory_space<vmem>> -> memref<1x128x16xf32, #tpu.memory_space<vmem>>
          %dma_start3A_153 = tpu.memref_squeeze %dma_start3A_152 : memref<1x128x16xf32, #tpu.memory_space<vmem>> -> memref<128x16xf32, #tpu.memory_space<vmem>>
          %dma_start3A_154 = arith.constant 0 : i32
          %dma_start3A_155 = tpu.memref_slice %arg7[%add3A_149, %dma_start3A_154] : memref<79x128xi32, #tpu.memory_space<vmem>> -> memref<1x128xi32, #tpu.memory_space<vmem>>
          %dma_start3A_156 = tpu.memref_squeeze %dma_start3A_155 : memref<1x128xi32, #tpu.memory_space<vmem>> -> memref<128xi32, #tpu.memory_space<vmem>>
          %dma_start3A_157 = arith.constant 0 : i32
          %dma_start3A_158 = arith.constant 0 : i32
          %dma_start3A_159 = tpu.memref_slice %arg2[%dma_start3A_157, %dma_start3A_158] : memref<10000x16xf32, #tpu.memory_space<hbm>> -> memref<10000x16xf32, #tpu.memory_space<hbm>>
          tpu.enqueue_indirect_dma source(%dma_start3A_159 : memref<10000x16xf32, #tpu.memory_space<hbm>>) target(%dma_start3A_153 : memref<128x16xf32, #tpu.memory_space<vmem>>) offsets(%dma_start3A_156 : memref<128xi32, #tpu.memory_space<vmem>>) semaphore(%arg19 : memref<!tpu.dma_semaphore, #tpu.memory_space<semaphore_mem>>)
        } else {
        }
      } else {
      }
    }
    %scan3A_65 = arith.constant 10 : i32
    %barrier3A_66 = arith.constant 0 : index
    tpu.barrier barrier_id(%barrier3A_66)
    "tpu.region"() ({
      %run_scoped3A = tpu.sem_alloc : memref<!tpu.dma_semaphore, #tpu.memory_space<semaphore_mem>>
      %dma_start3A = arith.constant 0 : i32
      %dma_start3A_67 = tpu.memref_slice %arg11[%mul3A_2, %dma_start3A] : memref<10240x16xf32, #tpu.memory_space<vmem_shared>> -> memref<640x16xf32, #tpu.memory_space<vmem_shared>>
      %dma_start3A_68 = arith.constant 0 : i32
      %dma_start3A_69 = tpu.memref_slice %arg11[%mul3A_2, %dma_start3A_68] : memref<10240x16xf32, #tpu.memory_space<vmem_shared>> -> memref<640x16xf32, #tpu.memory_space<vmem_shared>>
      tpu.enqueue_dma source(%dma_start3A_69 : memref<640x16xf32, #tpu.memory_space<vmem_shared>>) target(%arg10 : memref<640x16xf32, #tpu.memory_space<vmem>>) target_semaphore(%run_scoped3A : memref<!tpu.dma_semaphore, #tpu.memory_space<semaphore_mem>>)
      %dma_wait3A = arith.constant 0 : i32
      %dma_wait3A_70 = tpu.memref_slice %arg11[%mul3A_2, %dma_wait3A] : memref<10240x16xf32, #tpu.memory_space<vmem_shared>> -> memref<640x16xf32, #tpu.memory_space<vmem_shared>>
      %dma_wait3A_71 = arith.constant 0 : i32
      %dma_wait3A_72 = tpu.memref_slice %arg11[%mul3A_2, %dma_wait3A_71] : memref<10240x16xf32, #tpu.memory_space<vmem_shared>> -> memref<640x16xf32, #tpu.memory_space<vmem_shared>>
      tpu.wait_dma2 semaphore(%run_scoped3A : memref<!tpu.dma_semaphore, #tpu.memory_space<semaphore_mem>>) src(%dma_wait3A_72 : memref<640x16xf32, #tpu.memory_space<vmem_shared>>) dst(%arg10 : memref<640x16xf32, #tpu.memory_space<vmem>>)
      tpu.yield
    }) : () -> ()
    "tpu.region"() ({
      %run_scoped3A = tpu.sem_alloc : memref<!tpu.dma_semaphore, #tpu.memory_space<semaphore_mem>>
      %dma_start3A = arith.constant 0 : i32
      %dma_start3A_67 = tpu.memref_slice %arg6[%arg0, %mul3A_2, %dma_start3A] : memref<2x10240x16xf32, #tpu.memory_space<hbm>> -> memref<1x640x16xf32, #tpu.memory_space<hbm>>
      %dma_start3A_68 = tpu.memref_squeeze %dma_start3A_67 : memref<1x640x16xf32, #tpu.memory_space<hbm>> -> memref<640x16xf32, #tpu.memory_space<hbm>>
      %dma_start3A_69 = arith.constant 0 : i32
      %dma_start3A_70 = tpu.memref_slice %arg6[%arg0, %mul3A_2, %dma_start3A_69] : memref<2x10240x16xf32, #tpu.memory_space<hbm>> -> memref<1x640x16xf32, #tpu.memory_space<hbm>>
      %dma_start3A_71 = tpu.memref_squeeze %dma_start3A_70 : memref<1x640x16xf32, #tpu.memory_space<hbm>> -> memref<640x16xf32, #tpu.memory_space<hbm>>
      tpu.enqueue_dma source(%arg10 : memref<640x16xf32, #tpu.memory_space<vmem>>) target(%dma_start3A_71 : memref<640x16xf32, #tpu.memory_space<hbm>>) target_semaphore(%run_scoped3A : memref<!tpu.dma_semaphore, #tpu.memory_space<semaphore_mem>>)
      %dma_wait3A = arith.constant 0 : i32
      %dma_wait3A_72 = tpu.memref_slice %arg6[%arg0, %mul3A_2, %dma_wait3A] : memref<2x10240x16xf32, #tpu.memory_space<hbm>> -> memref<1x640x16xf32, #tpu.memory_space<hbm>>
      %dma_wait3A_73 = tpu.memref_squeeze %dma_wait3A_72 : memref<1x640x16xf32, #tpu.memory_space<hbm>> -> memref<640x16xf32, #tpu.memory_space<hbm>>
      %dma_wait3A_74 = arith.constant 0 : i32
      %dma_wait3A_75 = tpu.memref_slice %arg6[%arg0, %mul3A_2, %dma_wait3A_74] : memref<2x10240x16xf32, #tpu.memory_space<hbm>> -> memref<1x640x16xf32, #tpu.memory_space<hbm>>
      %dma_wait3A_76 = tpu.memref_squeeze %dma_wait3A_75 : memref<1x640x16xf32, #tpu.memory_space<hbm>> -> memref<640x16xf32, #tpu.memory_space<hbm>>
      tpu.wait_dma2 semaphore(%run_scoped3A : memref<!tpu.dma_semaphore, #tpu.memory_space<semaphore_mem>>) src(%arg10 : memref<640x16xf32, #tpu.memory_space<vmem>>) dst(%dma_wait3A_76 : memref<640x16xf32, #tpu.memory_space<hbm>>)
      tpu.yield
    }) : () -> ()
    return
  }
}

module attributes {stable_mosaic.version = 14 : i64} {
  func.func @_tc1_body(%arg0: i32, %arg1: memref<2000x128xf32, #tpu.memory_space<vmem>>, %arg2: memref<128x16xf32, #tpu.memory_space<vmem>>, %arg3: memref<2x2x2000x8xf32, #tpu.memory_space<vmem>>, %arg4: memref<2000x16xf32, #tpu.memory_space<vmem>>) attributes {dimension_semantics = [#tpu.dimension_semantics<arbitrary>], iteration_bounds = array<i64: 5>, scalar_prefetch = 0 : i64, scratch_operands = 0 : i64, tpu.core_type = #tpu.core_type<tc>, window_params = [{transform_indices = @transform_0, window_bounds = array<i64: 2000, 128>}, {pipeline_mode = #tpu.pipeline_mode<synchronous>, transform_indices = @transform_1, window_bounds = array<i64: 128, 16>}, {transform_indices = @transform_2, window_bounds = array<i64: 2, 2, 2000, 8>}, {transform_indices = @transform_3, window_bounds = array<i64: 2000, 16>}]} {
    %get3A = arith.constant 0 : index
    %get3A_0 = arith.constant 0 : index
    %get3A_1 = arith.constant 0 : index
    %get3A_2 = arith.constant 0 : index
    %get3A_3 = vector.load %arg3[%get3A, %get3A_0, %get3A_1, %get3A_2] : memref<2x2x2000x8xf32, #tpu.memory_space<vmem>>, vector<1x1x2000x1xf32>
    %get3A_4 = vector.shape_cast %get3A_3 : vector<1x1x2000x1xf32> to vector<2000xf32>
    %get3A_5 = arith.constant 1 : index
    %get3A_6 = arith.constant 0 : index
    %get3A_7 = arith.constant 0 : index
    %get3A_8 = arith.constant 0 : index
    %get3A_9 = vector.load %arg3[%get3A_5, %get3A_6, %get3A_7, %get3A_8] : memref<2x2x2000x8xf32, #tpu.memory_space<vmem>>, vector<1x1x2000x1xf32>
    %get3A_10 = vector.shape_cast %get3A_9 : vector<1x1x2000x1xf32> to vector<2000xf32>
    %add3A = arith.addf %get3A_4, %get3A_10 : vector<2000xf32>
    %max3A = arith.constant 1.000000e+00 : f32
    %max3A_11 = vector.broadcast %max3A : f32 to vector<2000xf32>
    %max3A_12 = arith.maximumf %add3A, %max3A_11 : vector<2000xf32>
    %rsqrt3A = math.rsqrt %max3A_12 : vector<2000xf32>
    %get3A_13 = arith.constant 0 : index
    %get3A_14 = arith.constant 0 : index
    %get3A_15 = vector.load %arg1[%get3A_13, %get3A_14] : memref<2000x128xf32, #tpu.memory_space<vmem>>, vector<2000x128xf32>
    %get3A_16 = arith.constant 0 : index
    %get3A_17 = arith.constant 0 : index
    %get3A_18 = vector.load %arg2[%get3A_16, %get3A_17] : memref<128x16xf32, #tpu.memory_space<vmem>>, vector<128x16xf32>
    %dot_general3A = arith.constant dense<0.000000e+00> : vector<2000x16xf32>
    %dot_general3A_19 = tpu.matmul %get3A_15, %get3A_18, %dot_general3A {dimension_numbers = #tpu.dot_dimension_numbers<[1], [0], [0], [1], [0, 0, 1, 1], [], []>, precision = #tpu.contract_precision<fp32>, transpose_lhs_hint = false} : vector<2000x128xf32>, vector<128x16xf32>, vector<2000x16xf32> -> vector<2000x16xf32>
    %broadcast_in_dim3A = vector.shape_cast %rsqrt3A : vector<2000xf32> to vector<2000x1xf32>
    %mul3A = vector.broadcast %broadcast_in_dim3A : vector<2000x1xf32> to vector<2000x16xf32>
    %mul3A_20 = arith.mulf %dot_general3A_19, %mul3A : vector<2000x16xf32>
    %swap3A = arith.constant 0 : index
    %swap3A_21 = arith.constant 0 : index
    %swap3A_22 = vector.load %arg4[%swap3A, %swap3A_21] : memref<2000x16xf32, #tpu.memory_space<vmem>>, vector<2000x16xf32>
    tpu.vector_store %arg4[%swap3A, %swap3A_21], %mul3A_20 {strides = array<i32>} : memref<2000x16xf32, #tpu.memory_space<vmem>>, vector<2000x16xf32>,
    return
  }
  func.func @transform_0(%arg0: i32) -> (i32, i32) {
    %c0_i32 = arith.constant 0 : i32
    %c0_i32_0 = arith.constant 0 : i32
    return %arg0, %c0_i32 : i32, i32
  }
  func.func @transform_1(%arg0: i32) -> (i32, i32) {
    %c0_i32 = arith.constant 0 : i32
    %c0_i32_0 = arith.constant 0 : i32
    %c0_i32_1 = arith.constant 0 : i32
    return %c0_i32, %c0_i32_0 : i32, i32
  }
  func.func @transform_2(%arg0: i32) -> (i32, i32, i32, i32) {
    %c0_i32 = arith.constant 0 : i32
    %c0_i32_0 = arith.constant 0 : i32
    %c0_i32_1 = arith.constant 0 : i32
    %c0_i32_2 = arith.constant 0 : i32
    return %c0_i32, %c0_i32_0, %arg0, %c0_i32_1 : i32, i32, i32, i32
  }
  func.func @transform_3(%arg0: i32) -> (i32, i32) {
    %c0_i32 = arith.constant 0 : i32
    %c0_i32_0 = arith.constant 0 : i32
    return %arg0, %c0_i32 : i32, i32
  }
}

module attributes {stable_mosaic.version = 14 : i64} {
  func.func @_tc2_body(%arg0: i32, %arg1: memref<2x2000x16xf32, #tpu.memory_space<vmem>>, %arg2: memref<2x2x2000x8xf32, #tpu.memory_space<vmem>>, %arg3: memref<1x16xf32, #tpu.memory_space<vmem>>, %arg4: memref<16x40xf32, #tpu.memory_space<vmem>>, %arg5: memref<2000x40xf32, #tpu.memory_space<vmem>>) attributes {dimension_semantics = [#tpu.dimension_semantics<arbitrary>], iteration_bounds = array<i64: 5>, scalar_prefetch = 0 : i64, scratch_operands = 0 : i64, tpu.core_type = #tpu.core_type<tc>, window_params = [{transform_indices = @transform_0, window_bounds = array<i64: 2, 2000, 16>}, {transform_indices = @transform_1, window_bounds = array<i64: 2, 2, 2000, 8>}, {pipeline_mode = #tpu.pipeline_mode<synchronous>, transform_indices = @transform_2, window_bounds = array<i64: 1, 16>}, {pipeline_mode = #tpu.pipeline_mode<synchronous>, transform_indices = @transform_3, window_bounds = array<i64: 16, 40>}, {transform_indices = @transform_4, window_bounds = array<i64: 2000, 40>}]} {
    %get3A = arith.constant 0 : index
    %get3A_0 = arith.constant 0 : index
    %get3A_1 = arith.constant 0 : index
    %get3A_2 = vector.load %arg1[%get3A, %get3A_0, %get3A_1] : memref<2x2000x16xf32, #tpu.memory_space<vmem>>, vector<1x2000x16xf32>
    %get3A_3 = vector.shape_cast %get3A_2 : vector<1x2000x16xf32> to vector<2000x16xf32>
    %get3A_4 = arith.constant 1 : index
    %get3A_5 = arith.constant 0 : index
    %get3A_6 = arith.constant 0 : index
    %get3A_7 = vector.load %arg1[%get3A_4, %get3A_5, %get3A_6] : memref<2x2000x16xf32, #tpu.memory_space<vmem>>, vector<1x2000x16xf32>
    %get3A_8 = vector.shape_cast %get3A_7 : vector<1x2000x16xf32> to vector<2000x16xf32>
    %add3A = arith.addf %get3A_3, %get3A_8 : vector<2000x16xf32>
    %get3A_9 = arith.constant 0 : index
    %get3A_10 = arith.constant 0 : index
    %get3A_11 = arith.constant 0 : index
    %get3A_12 = arith.constant 0 : index
    %get3A_13 = vector.load %arg2[%get3A_9, %get3A_10, %get3A_11, %get3A_12] : memref<2x2x2000x8xf32, #tpu.memory_space<vmem>>, vector<1x1x2000x1xf32>
    %get3A_14 = vector.shape_cast %get3A_13 : vector<1x1x2000x1xf32> to vector<2000xf32>
    %get3A_15 = arith.constant 1 : index
    %get3A_16 = arith.constant 0 : index
    %get3A_17 = arith.constant 0 : index
    %get3A_18 = arith.constant 0 : index
    %get3A_19 = vector.load %arg2[%get3A_15, %get3A_16, %get3A_17, %get3A_18] : memref<2x2x2000x8xf32, #tpu.memory_space<vmem>>, vector<1x1x2000x1xf32>
    %get3A_20 = vector.shape_cast %get3A_19 : vector<1x1x2000x1xf32> to vector<2000xf32>
    %add3A_21 = arith.addf %get3A_14, %get3A_20 : vector<2000xf32>
    %get3A_22 = arith.constant 0 : index
    %get3A_23 = arith.constant 1 : index
    %get3A_24 = arith.constant 0 : index
    %get3A_25 = arith.constant 0 : index
    %get3A_26 = vector.load %arg2[%get3A_22, %get3A_23, %get3A_24, %get3A_25] : memref<2x2x2000x8xf32, #tpu.memory_space<vmem>>, vector<1x1x2000x1xf32>
    %get3A_27 = vector.shape_cast %get3A_26 : vector<1x1x2000x1xf32> to vector<2000xf32>
    %get3A_28 = arith.constant 1 : index
    %get3A_29 = arith.constant 1 : index
    %get3A_30 = arith.constant 0 : index
    %get3A_31 = arith.constant 0 : index
    %get3A_32 = vector.load %arg2[%get3A_28, %get3A_29, %get3A_30, %get3A_31] : memref<2x2x2000x8xf32, #tpu.memory_space<vmem>>, vector<1x1x2000x1xf32>
    %get3A_33 = vector.shape_cast %get3A_32 : vector<1x1x2000x1xf32> to vector<2000xf32>
    %add3A_34 = arith.addf %get3A_27, %get3A_33 : vector<2000xf32>
    %max3A = arith.constant 1.000000e+00 : f32
    %max3A_35 = vector.broadcast %max3A : f32 to vector<2000xf32>
    %max3A_36 = arith.maximumf %add3A_34, %max3A_35 : vector<2000xf32>
    %rsqrt3A = math.rsqrt %max3A_36 : vector<2000xf32>
    %max3A_37 = arith.constant 1.000000e+00 : f32
    %max3A_38 = vector.broadcast %max3A_37 : f32 to vector<2000xf32>
    %max3A_39 = arith.maximumf %add3A_21, %max3A_38 : vector<2000xf32>
    %rsqrt3A_40 = math.rsqrt %max3A_39 : vector<2000xf32>
    %broadcast_in_dim3A = vector.shape_cast %rsqrt3A : vector<2000xf32> to vector<2000x1xf32>
    %mul3A = vector.broadcast %broadcast_in_dim3A : vector<2000x1xf32> to vector<2000x16xf32>
    %mul3A_41 = arith.mulf %add3A, %mul3A : vector<2000x16xf32>
    %get3A_42 = arith.constant 0 : index
    %get3A_43 = arith.constant 0 : index
    %get3A_44 = vector.load %arg3[%get3A_42, %get3A_43] : memref<1x16xf32, #tpu.memory_space<vmem>>, vector<1x16xf32>
    %get3A_45 = vector.shape_cast %get3A_44 : vector<1x16xf32> to vector<16xf32>
    %broadcast_in_dim3A_46 = vector.shape_cast %get3A_45 : vector<16xf32> to vector<1x16xf32>
    %add3A_47 = vector.broadcast %broadcast_in_dim3A_46 : vector<1x16xf32> to vector<2000x16xf32>
    %add3A_48 = arith.addf %mul3A_41, %add3A_47 : vector<2000x16xf32>
    %max3A_49 = arith.constant 0.000000e+00 : f32
    %max3A_50 = vector.broadcast %max3A_49 : f32 to vector<2000x16xf32>
    %max3A_51 = arith.maximumf %add3A_48, %max3A_50 : vector<2000x16xf32>
    %get3A_52 = arith.constant 0 : index
    %get3A_53 = arith.constant 0 : index
    %get3A_54 = vector.load %arg4[%get3A_52, %get3A_53] : memref<16x40xf32, #tpu.memory_space<vmem>>, vector<16x40xf32>
    %dot_general3A = arith.constant dense<0.000000e+00> : vector<2000x40xf32>
    %dot_general3A_55 = tpu.matmul %max3A_51, %get3A_54, %dot_general3A {dimension_numbers = #tpu.dot_dimension_numbers<[1], [0], [0], [1], [0, 0, 1, 1], [], []>, precision = #tpu.contract_precision<fp32>, transpose_lhs_hint = false} : vector<2000x16xf32>, vector<16x40xf32>, vector<2000x40xf32> -> vector<2000x40xf32>
    %broadcast_in_dim3A_56 = vector.shape_cast %rsqrt3A_40 : vector<2000xf32> to vector<2000x1xf32>
    %mul3A_57 = vector.broadcast %broadcast_in_dim3A_56 : vector<2000x1xf32> to vector<2000x40xf32>
    %mul3A_58 = arith.mulf %dot_general3A_55, %mul3A_57 : vector<2000x40xf32>
    %swap3A = arith.constant 0 : index
    %swap3A_59 = arith.constant 0 : index
    %swap3A_60 = vector.load %arg5[%swap3A, %swap3A_59] : memref<2000x40xf32, #tpu.memory_space<vmem>>, vector<2000x40xf32>
    tpu.vector_store %arg5[%swap3A, %swap3A_59], %mul3A_58 {strides = array<i32>} : memref<2000x40xf32, #tpu.memory_space<vmem>>, vector<2000x40xf32>,
    return
  }
  func.func @transform_0(%arg0: i32) -> (i32, i32, i32) {
    %c0_i32 = arith.constant 0 : i32
    %c0_i32_0 = arith.constant 0 : i32
    %c0_i32_1 = arith.constant 0 : i32
    return %c0_i32, %arg0, %c0_i32_0 : i32, i32, i32
  }
  func.func @transform_1(%arg0: i32) -> (i32, i32, i32, i32) {
    %c0_i32 = arith.constant 0 : i32
    %c0_i32_0 = arith.constant 0 : i32
    %c0_i32_1 = arith.constant 0 : i32
    %c0_i32_2 = arith.constant 0 : i32
    return %c0_i32, %c0_i32_0, %arg0, %c0_i32_1 : i32, i32, i32, i32
  }
  func.func @transform_2(%arg0: i32) -> (i32, i32) {
    %c0_i32 = arith.constant 0 : i32
    %c0_i32_0 = arith.constant 0 : i32
    %c0_i32_1 = arith.constant 0 : i32
    return %c0_i32, %c0_i32_0 : i32, i32
  }
  func.func @transform_3(%arg0: i32) -> (i32, i32) {
    %c0_i32 = arith.constant 0 : i32
    %c0_i32_0 = arith.constant 0 : i32
    %c0_i32_1 = arith.constant 0 : i32
    return %c0_i32, %c0_i32_0 : i32, i32
  }
  func.func @transform_4(%arg0: i32) -> (i32, i32) {
    %c0_i32 = arith.constant 0 : i32
    %c0_i32_0 = arith.constant 0 : i32
    return %arg0, %c0_i32 : i32, i32
  }
}

module attributes {stable_mosaic.version = 14 : i64} {
  func.func @_tc3_body(%arg0: i32, %arg1: memref<2x2000x40xf32, #tpu.memory_space<vmem>>, %arg2: memref<2x2x2000x8xf32, #tpu.memory_space<vmem>>, %arg3: memref<1x40xf32, #tpu.memory_space<vmem>>, %arg4: memref<2000x40xf32, #tpu.memory_space<vmem>>) attributes {dimension_semantics = [#tpu.dimension_semantics<arbitrary>], iteration_bounds = array<i64: 5>, scalar_prefetch = 0 : i64, scratch_operands = 0 : i64, tpu.core_type = #tpu.core_type<tc>, window_params = [{transform_indices = @transform_0, window_bounds = array<i64: 2, 2000, 40>}, {transform_indices = @transform_1, window_bounds = array<i64: 2, 2, 2000, 8>}, {pipeline_mode = #tpu.pipeline_mode<synchronous>, transform_indices = @transform_2, window_bounds = array<i64: 1, 40>}, {transform_indices = @transform_3, window_bounds = array<i64: 2000, 40>}]} {
    %get3A = arith.constant 0 : index
    %get3A_0 = arith.constant 0 : index
    %get3A_1 = arith.constant 0 : index
    %get3A_2 = vector.load %arg1[%get3A, %get3A_0, %get3A_1] : memref<2x2000x40xf32, #tpu.memory_space<vmem>>, vector<1x2000x40xf32>
    %get3A_3 = vector.shape_cast %get3A_2 : vector<1x2000x40xf32> to vector<2000x40xf32>
    %get3A_4 = arith.constant 1 : index
    %get3A_5 = arith.constant 0 : index
    %get3A_6 = arith.constant 0 : index
    %get3A_7 = vector.load %arg1[%get3A_4, %get3A_5, %get3A_6] : memref<2x2000x40xf32, #tpu.memory_space<vmem>>, vector<1x2000x40xf32>
    %get3A_8 = vector.shape_cast %get3A_7 : vector<1x2000x40xf32> to vector<2000x40xf32>
    %add3A = arith.addf %get3A_3, %get3A_8 : vector<2000x40xf32>
    %get3A_9 = arith.constant 0 : index
    %get3A_10 = arith.constant 1 : index
    %get3A_11 = arith.constant 0 : index
    %get3A_12 = arith.constant 0 : index
    %get3A_13 = vector.load %arg2[%get3A_9, %get3A_10, %get3A_11, %get3A_12] : memref<2x2x2000x8xf32, #tpu.memory_space<vmem>>, vector<1x1x2000x1xf32>
    %get3A_14 = vector.shape_cast %get3A_13 : vector<1x1x2000x1xf32> to vector<2000xf32>
    %get3A_15 = arith.constant 1 : index
    %get3A_16 = arith.constant 1 : index
    %get3A_17 = arith.constant 0 : index
    %get3A_18 = arith.constant 0 : index
    %get3A_19 = vector.load %arg2[%get3A_15, %get3A_16, %get3A_17, %get3A_18] : memref<2x2x2000x8xf32, #tpu.memory_space<vmem>>, vector<1x1x2000x1xf32>
    %get3A_20 = vector.shape_cast %get3A_19 : vector<1x1x2000x1xf32> to vector<2000xf32>
    %add3A_21 = arith.addf %get3A_14, %get3A_20 : vector<2000xf32>
    %max3A = arith.constant 1.000000e+00 : f32
    %max3A_22 = vector.broadcast %max3A : f32 to vector<2000xf32>
    %max3A_23 = arith.maximumf %add3A_21, %max3A_22 : vector<2000xf32>
    %rsqrt3A = math.rsqrt %max3A_23 : vector<2000xf32>
    %broadcast_in_dim3A = vector.shape_cast %rsqrt3A : vector<2000xf32> to vector<2000x1xf32>
    %mul3A = vector.broadcast %broadcast_in_dim3A : vector<2000x1xf32> to vector<2000x40xf32>
    %mul3A_24 = arith.mulf %add3A, %mul3A : vector<2000x40xf32>
    %get3A_25 = arith.constant 0 : index
    %get3A_26 = arith.constant 0 : index
    %get3A_27 = vector.load %arg3[%get3A_25, %get3A_26] : memref<1x40xf32, #tpu.memory_space<vmem>>, vector<1x40xf32>
    %get3A_28 = vector.shape_cast %get3A_27 : vector<1x40xf32> to vector<40xf32>
    %broadcast_in_dim3A_29 = vector.shape_cast %get3A_28 : vector<40xf32> to vector<1x40xf32>
    %add3A_30 = vector.broadcast %broadcast_in_dim3A_29 : vector<1x40xf32> to vector<2000x40xf32>
    %add3A_31 = arith.addf %mul3A_24, %add3A_30 : vector<2000x40xf32>
    %swap3A = arith.constant 0 : index
    %swap3A_32 = arith.constant 0 : index
    %swap3A_33 = vector.load %arg4[%swap3A, %swap3A_32] : memref<2000x40xf32, #tpu.memory_space<vmem>>, vector<2000x40xf32>
    tpu.vector_store %arg4[%swap3A, %swap3A_32], %add3A_31 {strides = array<i32>} : memref<2000x40xf32, #tpu.memory_space<vmem>>, vector<2000x40xf32>,
    return
  }
  func.func @transform_0(%arg0: i32) -> (i32, i32, i32) {
    %c0_i32 = arith.constant 0 : i32
    %c0_i32_0 = arith.constant 0 : i32
    %c0_i32_1 = arith.constant 0 : i32
    return %c0_i32, %arg0, %c0_i32_0 : i32, i32, i32
  }
  func.func @transform_1(%arg0: i32) -> (i32, i32, i32, i32) {
    %c0_i32 = arith.constant 0 : i32
    %c0_i32_0 = arith.constant 0 : i32
    %c0_i32_1 = arith.constant 0 : i32
    %c0_i32_2 = arith.constant 0 : i32
    return %c0_i32, %c0_i32_0, %arg0, %c0_i32_1 : i32, i32, i32, i32
  }
  func.func @transform_2(%arg0: i32) -> (i32, i32) {
    %c0_i32 = arith.constant 0 : i32
    %c0_i32_0 = arith.constant 0 : i32
    %c0_i32_1 = arith.constant 0 : i32
    return %c0_i32, %c0_i32_0 : i32, i32
  }
  func.func @transform_3(%arg0: i32) -> (i32, i32) {
    %c0_i32 = arith.constant 0 : i32
    %c0_i32_0 = arith.constant 0 : i32
    return %arg0, %c0_i32 : i32, i32
  }
}

</mosaic_0001>

<sc_bundles>
// kernel: kernel.11.cloned.1.call-start
scs
__scs_entry_jumppad:
0x0: {  	(pc) =	sbr.rel $0x88, $3  }
0x1: {  	(tag) =	ssettag $0x0;
	lr =	simm.s32 $0x1  }
0x2: {  	[smem:$0x3F9B] =	sst lr;
	_ =	strace $0xD0000000  }
0x3: {  	_ = 	snop  }
0x4: {  	_ = 	snop  }
0x5: {  	_ = 	snop  }
0x6: {  	_ = 	snop  }
0x7: {  	_ = 	snop  }
__scs_overlays_trampoline_lowered:
0x8: {  	[smem:$0x3FAA] =	sst s0  }
0x9: {  	[smem:$0x3FAB] =	sst s1  }
0xa: {  	[smem:$0x3FAC] =	sst s2  }
0xb: {  	[smem:$0x3FAD] =	sst s3  }
0xc: {  	[smem:$0x3FAE] =	sst s4  }
0xd: {  	[smem:$0x3FAF] =	sst s5  }
0xe: {  	[smem:$0x3FB0] =	sst s6  }
0xf: {  	[smem:$0x3FB1] =	sst s7  }
0x10: {  	[smem:$0x3FB2] =	sst s8  }
0x11: {  	[smem:$0x3FB3] =	sst s9;
	s0 =	simm.s32 @!p0 $0x0  }
0x12: {  	s1 =	sld [smem:$0x3F99];
	s0 =	simm.s32 @p0 $0x1  }
0x13: {  	[smem:$0x3FB4] =	sst s0;
	s0 =	simm.s32 @!p1 $0x0  }
0x14: {  	s2 =	sld [smem:$0x3F98];
	s0 =	simm.s32 @p1 $0x1  }
0x15: {  	[smem:$0x3FB5] =	sst s0;
	s0 =	simm.s32 @!p2 $0x0  }
0x16: {  	s3 =	sld [smem:$0x3FDB];
	s0 =	simm.s32 @p2 $0x1  }
0x17: {  	s4 =	simm.s32 $0x1BF5;
	[smem:$0x3FB7] =	sst s0  }
0x18: {  	s0 =	sld [smem:$0x3F9A];
	_ =	swait.ge [sflag:s4], $0x0  }
0x19: {  	s7 =	sld [smem:$0x3F9B]  }
0x1a: {  	s8 =	sadd.s32 $0xFFFFE003, lr  }
0x1b: {  	s9 =	sadd.s32 $0xFFFFFEF7, lr;
	s5 =	simm.s32 $0xFFFFFFFF;
	p2 =	slt.u32 s8, $0xFFFFF086  }
0x1c: {  	p1 =	slt.u32 s9, $0xF7A;
	s5 =	simm.s32 @!p2 $0x0  }
0x1d: {  	s5 =	simm.s32 @p1 $0x1;
	p0 =	seq.s32 s7, s2  }
0x1e: {  	s7 =	smul.u32 @!p0 $0xF7A, s2;
	p2 =	seq.s32 @!p0 s5, $0x0  }
0x1f: {  	s9 =	smul.u32 $0xF7A, s1;
	s8 =	simm.s32 @!p0 $0x1BF5;
	p2 =	por !p2, p0  }
0x20: {  	[sflag:s8] =	ssyncset.s32 @!p0 $0xFFFFF086;
	s6 =	sadd.s32 @!p0 s3, s7;
	s7 =	simm.s32 @!p0 $0x108  }
0x21: {  	s3 =	sadd.s32 s3, s9;
	s6 =	sadd.s32 @!p0 $0x88, s6;
	s7 =	simm.s32 @p2 $0x1082  }
0x22: {  	[simem:s7], [sflag:s8] =	dma.local @!p0 [hbm:s6], $0xF7A  }
0x23: {  	s9 =	sor.u32 $0xD0000000, s2;
	s6 =	simm.s32 $0x108;
	_ =	swait.ge @!p0 [sflag:s8], $0x0  }
0x24: {  	s3 =	sadd.s32 $0x88, s3;
	s6 =	simm.s32 @!p1 $0x1082;
	[sflag:s4] =	ssyncset.s32 $0xFFFFF086  }
0x25: {  	[simem:s6], [sflag:s4] =	dma.local [hbm:s3], $0xF7A  }
0x26: {  	[smem:$0x3F9B] =	sst s1;
	(tag) =	ssettag s2;
	_ =	strace s9  }
0x27: {  	s1 =	sld [smem:$0x3FAB]  }
0x28: {  	s2 =	sld [smem:$0x3FAC]  }
0x29: {  	s4 =	sld [smem:$0x3FAE]  }
0x2a: {  	p0 =	seq.s32 s5, $0x0;
	s5 =	sld [smem:$0x3FAF]  }
0x2b: {  	s6 =	sld [smem:$0x3FB0]  }
0x2c: {  	s7 =	sld [smem:$0x3FB1]  }
0x2d: {  	s3 =	simm.s32 $0x108;
	s8 =	sld [smem:$0x3FB2]  }
0x2e: {  	s3 =	simm.s32 @!p0 $0x1082;
	s9 =	sld [smem:$0x3FB3]  }
0x2f: {  	lr =	sadd.s32 s0, s3;
	s0 =	sld [smem:$0x3FAA]  }
0x30: {  	s3 =	sld [smem:$0x3FAD]  }
0x31: {  	[smem:$0x3FB6] =	sst s10  }
0x32: {  	s10 =	sld [smem:$0x3FB4];
	_ =	sdelay $0x3  }
0x33: {  	p0 =	seq.s32 s10, $0x1;
	s10 =	sld [smem:$0x3FB6];
	_ =	sdelay $0x3  }
0x34: {  	[smem:$0x3FB6] =	sst s10  }
0x35: {  	s10 =	sld [smem:$0x3FB5];
	_ =	sdelay $0x3  }
0x36: {  	p1 =	seq.s32 s10, $0x1;
	s10 =	sld [smem:$0x3FB6];
	_ =	sdelay $0x3  }
0x37: {  	[smem:$0x3FB6] =	sst s10  }
0x38: {  	s10 =	sld [smem:$0x3FB7]  }
0x39: {  	_ = 	snop;
	(pc) =	sbr.ind lr, $3  }
0x3a: {  	_ = 	snop  }
0x3b: {  	_ = 	snop  }
0x3c: {  	p2 =	seq.s32 s10, $0x1;
	s10 =	sld [smem:$0x3FB6]  }
0x3d: {  	_ =	shalt  }
0x3e: {  	_ =	shalt  }
0x3f: {  	_ =	shalt  }
0x40: {  	_ =	shalt  }
0x41: {  	_ =	shalt  }
0x42: {  	_ =	shalt  }
0x43: {  	_ =	shalt  }
0x44: {  	_ =	shalt  }
0x45: {  	_ =	shalt  }
0x46: {  	_ =	shalt  }
0x47: {  	_ =	shalt  }
0x48: {  	_ =	shalt  }
0x49: {  	_ =	shalt  }
0x4a: {  	_ =	shalt  }
0x4b: {  	_ =	shalt  }
0x4c: {  	_ =	shalt  }
0x4d: {  	_ =	shalt  }
0x4e: {  	_ =	shalt  }
0x4f: {  	_ =	shalt  }
0x50: {  	_ =	shalt  }
0x51: {  	_ =	shalt  }
0x52: {  	_ =	shalt  }
0x53: {  	_ =	shalt  }
0x54: {  	_ =	shalt  }
0x55: {  	_ =	shalt  }
0x56: {  	_ =	shalt  }
0x57: {  	_ =	shalt  }
0x58: {  	_ =	shalt  }
0x59: {  	_ =	shalt  }
0x5a: {  	_ =	shalt  }
0x5b: {  	_ =	shalt  }
0x5c: {  	_ =	shalt  }
0x5d: {  	_ =	shalt  }
0x5e: {  	_ =	shalt  }
0x5f: {  	_ =	shalt  }
0x60: {  	_ =	shalt  }
0x61: {  	_ =	shalt  }
0x62: {  	_ =	shalt  }
0x63: {  	_ =	shalt  }
0x64: {  	_ =	shalt  }
0x65: {  	_ =	shalt  }
0x66: {  	_ =	shalt  }
0x67: {  	_ =	shalt  }
0x68: {  	_ =	shalt  }
0x69: {  	_ =	shalt  }
0x6a: {  	_ =	shalt  }
0x6b: {  	_ =	shalt  }
0x6c: {  	_ =	shalt  }
0x6d: {  	_ =	shalt  }
0x6e: {  	_ =	shalt  }
0x6f: {  	_ =	shalt  }
0x70: {  	_ =	shalt  }
0x71: {  	_ =	shalt  }
0x72: {  	_ =	shalt  }
0x73: {  	_ =	shalt  }
0x74: {  	_ =	shalt  }
0x75: {  	_ =	shalt  }
0x76: {  	_ =	shalt  }
0x77: {  	_ =	shalt  }
0x78: {  	_ =	shalt  }
0x79: {  	_ =	shalt  }
0x7a: {  	_ =	shalt  }
0x7b: {  	_ =	shalt  }
0x7c: {  	_ =	shalt  }
0x7d: {  	_ =	shalt  }
0x7e: {  	_ =	shalt  }
0x7f: {  	_ =	shalt  }
0x80: {  	_ =	shalt  }
0x81: {  	_ =	shalt  }
0x82: {  	_ =	shalt  }
0x83: {  	_ =	shalt  }
0x84: {  	_ =	shalt  }
0x85: {  	_ =	shalt  }
0x86: {  	_ =	shalt  }
0x87: {  	_ =	shalt  }
.Lfunc_end0:
.L_simem_size_0:
called_computation.1_lowered:
.L_overlay_start_0:
0x88: {  	s2 =	sld [smem:$0x3FD9]  }
0x89: {  	s3 =	sld [smem:$0x3FFE];
	_ =	sdelay $0x1  }
0x8a: {  	s1 =	srdreg.scid  }
0x8b: {  	s0 =	sand.u32 $0x1, s1  }
0x8c: {  	s17 =	sshll.u32 s0, $0xA;
	s2 =	sadd.s32 s3, s2  }
0x8d: {  	s2 =	sadd.s32 s2, s17  }
0x8e: {  	[smem:$0x3FC2] =	sst s2  }
0x8f: {  	_ = 	snop  }
0x90: {  	s2 =	sld [smem:$0x3FD0];
	(tm) =	ssettm $0x1  }
0x91: {  	s18 =	sld [smem:$0x3FFB];
	_ =	sdelay $0x3  }
0x92: {  	_ =	strace s18  }
0x93: {  	s3 =	sld [smem:$0x3FFC];
	_ =	sdelay $0x3  }
0x94: {  	_ =	strace s3  }
0x95: {  	s3 =	sld [smem:$0x3FFD];
	_ =	sdelay $0x3  }
0x96: {  	_ =	strace s3  }
0x97: {  	_ =	strace $0x8FFFFFFF  }
0x98: {  	s19 =	sld [smem:$0x3FDB];
	_ =	sdelay $0x1  }
0x99: {  	s4 =	simm.s32 $_scs_section_size  }
0x9a: {  	s5 =	simm.s32 $_size__tile_overlayer_lowered;
	s6 =	simm.s32 $_tile_overlayer_lowered  }
0x9b: {  	s22 =	simm.s32 $0x1BFF;
	s21 =	sshll.u32 s6, $0x1;
	s3 =	sadd.s32 s4, s19  }
0x9c: {  	s7 =	simm.s32 $0x0;
	s20 =	sshll.u32 s5, $0x1;
	s5 =	sadd.s32 s21, s3  }
0x9d: {  	[timem:s7], [sflag:s22] =	dma.local [hbm:s5], s20  }
0x9e: {  	_ =	swait.ge [sflag:s22], s20  }
0x9f: {  	s4 =	ssub.s32 $0x0, s20;
	[sflag:s22] =	ssyncset.done $0x0  }
0xa0: {  	[sflag:s22] =	ssyncadd.s32 s4;
	_ =	sdelay $0x1  }
0xa1: {  	s23 =	simm.s32 $0x1B8B  }
0xa2: {  	_ =	swait.ge [sflag:s23], $0x1  }
0xa3: {  	[sflag:s23] =	ssyncset.done $0x0  }
0xa4: {  	s25 =	simm.s32 $0x1B8E;
	s24 =	sld [smem:$0x3FFE];
	[sflag:s23] =	ssyncadd.s32 $0xFFFFFFFF  }
0xa5: {  	s26 =	simm.s32 $execute0_lowered;
	[smem:$0x3FD2] =	sst s25  }
0xa6: {  	s5 =	sshll.u32 s26, $0x1;
	_ =	strace $0x80000049;
	[dreg:$0x1] =	wrdreg $0xFFFFFFFF  }
0xa7: {  	s28 =	simm.s32 $_size_execute0_lowered;
	s3 =	sadd.s32 s3, s5;
	[dreg:$0x0] =	wrdreg $0x0  }
0xa8: {  	s5 =	sshll.u32 s28, $0x1;
	[dreg:$0x2] =	wrdreg s3  }
0xa9: {  	[dreg:$0x3] =	wrdreg s5  }
0xaa: {  	[dreg:$0x4] =	wrdreg $0xC0  }
0xab: {  	_ =	task [dreg:s7], $0x5FFFF  }
0xac: {  	[dreg:$0x1] =	wrdreg $0xFFFFFFFF  }
0xad: {  	[dreg:$0x0] =	wrdreg $0x60  }
0xae: {  	[dreg:$0x2] =	wrdreg s24  }
0xaf: {  	[dreg:$0x3] =	wrdreg s2  }
0xb0: {  	[dreg:$0x4] =	wrdreg $0xB7000  }
0xb1: {  	[dreg:$0x5] =	wrdreg $0x9  }
0xb2: {  	_ =	task.clear_ibuf [dreg:s7], $0x6FFFF;
	_ =	strace $0x90000049  }
0xb3: {  	s29 =	simm.s32 $0x9;
	_ =	strace $0x8000004B  }
0xb4: {  	_ =	swait.ge [sflag:s29], $0x1  }
0xb5: {  	[sflag:s29] =	ssyncadd.s32 $0xFFFFFFFF  }
0xb6: {  	_ =	strace $0x9000004B  }
0xb7: {  	_ =	sfence  }
0xb8: {  	s30 =	sld [smem:$0x0];
	_ =	sdelay $0x2  }
0xb9: {  	s31 =	sshll.u32 s1, $0xD;
	s1 =	sshrl.u32 s1, $0x2  }
0xba: {  	s3 =	sand.u32 $0x4000, s31;
	s1 =	sadd.s32 s1, s30  }
0xbb: {  	s0 =	sor.u32 s3, s0;
	s1 =	sshll.u32 s1, $0x11  }
0xbc: {  	s0 =	sor.u32 s1, s0  }
0xbd: {  	s0 =	sadd.s32 $0x8F2B, s0  }
0xbe: {  	[sflag:s0] =	ssyncadd.remote.s32 $0x1  }
0xbf: {  	_ =	sfence.sel $0xFFFF  }
0xc0: {  	[dreg:$0x0] =	wrdreg $0xFFFFFFFF;
	(pc) =	sbr.abs _section_cstart, $3  }
0xc1: {  	[dreg:$0x1] =	wrdreg $0xFFFFFFFF  }
0xc2: {  	_ =	task.clear_ibuf [dreg:s7], $0x2FFFF;
	_ =	strace $0x9FFFFFFF  }
0xc3: {  	(tm) =	ssettm $0x7FFFFFFF  }
tec
execute0_lowered:
.L_overlay_start_1:
0x0: {  	(tag) =	ssettag $0x1  }
0x1: {  	s0 =	rddreg [dreg:$0x0]  }
0x2: {  	s1 =	rddreg [dreg:$0x1];
	s3 =	srdreg.scid  }
0x3: {  	s10 =	stileid.u32;
	s2 =	rddreg [dreg:$0x2]  }
0x4: {  	s14 =	simm.s32 $0x8F00;
	s15 =	simm.s32 $0x9;
	s16 =	simm.s32 $0x80  }
0x5: {  	s30 =	simm.s32 $0x380;
	s31 =	simm.s32 $0x8700;
	s6 =	sand.u32 $0x1, s3  }
0x6: {  	s4 =	sshll.u32 s10, $0x1;
	s3 =	simm.s32 $0x0;
	s11 =	smul.u32 $0x2800, s10  }
0x7: {  	s10 =	sadd.s32 $0xAD10, s0;
	s5 =	sor.u32 s6, s4;
	[smem:$0x7FF] =	sst s3  }
0x8: {  	s4 =	sadd.s32 $0xB5000, s0;
	s8 =	ssub.s32 $0x2, s6;
	s28 =	smul.u32 $0x28000, s6  }
0x9: {  	s6 =	sadd.s32 $0xBA000, s0;
	s7 =	smul.u32 $0x4F0, s5;
	_ =	strace $0x8000004A  }
0xa: {  	s26 =	sshrl.u32 s8, $0x1;
	p0 =	seq.s32 s5, $0x1F;
	s5 =	simm.s32 $0x33  }
0xb: {  	s13 =	ssub.s32 s8, s26;
	s5 =	simm.s32 @!p0 $0x4F;
	s12 =	sadd.s32 s11, s28  }
0xc: {  	s11 =	sadd.s32 s11, s2;
	s9 =	sadd.s32 s7, s0;
	s29 =	sshrl.u32 s12, $0x3  }
0xd: {  	s13 =	smax.u32 s13, $0x1;
	s7 =	sadd.s32 $0xB200, s9;
	s8 =	sadd.s32 $0x1400, s9  }
0xe: {  	s9 =	sadd.s32 $0x14B10, s0;
	s12 =	sadd.s32 s1, s29;
	s1 =	simm.s32 $0x0  }
.LBB2_1:
0xf: {  	s0 =	simm.s32 @p0 $0x0;
	s17 =	simm.s32 @p0 $0x9  }
0x10: {  	[tilespmem:s0], [sflag:$0x9] =	stream.linear.gather @p0 [hbm4b:s9+s0], $0x1980, $0x38;
	[tilespmem:$0xDF00] =	vst v63  }
0x11: {  	_ =	swait.ge @p0 [sflag:s17], $0x1980  }
0x12: {  	[sflag:s17] =	ssyncset.done @p0 $0x0  }
0x13: {  	s18 =	simm.s32 @p0 $0x2780;
	[sflag:s17] =	ssyncadd.s32 @p0 $0xFFFFE680  }
0x14: {  	[tilespmem:s18], [sflag:$0x9] =	stream.linear.gather @p0 [hbm4b:s10+s0], $0x1980, $0x38;
	[tilespmem:$0xDF00] =	vst v63  }
0x15: {  	_ =	swait.ge @p0 [sflag:s17], $0x1980  }
0x16: {  	[sflag:s17] =	ssyncset.done @p0 $0x0  }
0x17: {  	s0 =	simm.s32 @!p0 $0x0;
	[sflag:s17] =	ssyncadd.s32 @p0 $0xFFFFE680;
	s17 =	simm.s32 @!p0 $0x9  }
0x18: {  	[tilespmem:s0], [sflag:$0x9] =	stream.linear.gather @!p0 [hbm4b:s7+s0], $0x2780, $0x38;
	[tilespmem:$0xDF00] =	vst v63  }
0x19: {  	_ =	swait.ge @!p0 [sflag:s17], $0x2780  }
0x1a: {  	[sflag:s17] =	ssyncset.done @!p0 $0x0  }
0x1b: {  	s18 =	simm.s32 @!p0 $0x2780;
	[sflag:s17] =	ssyncadd.s32 @!p0 $0xFFFFD880  }
0x1c: {  	[tilespmem:s18], [sflag:$0x9] =	stream.linear.gather @!p0 [hbm4b:s8+s0], $0x2780, $0x38;
	[tilespmem:$0xDF00] =	vst v63  }
0x1d: {  	_ =	swait.ge @!p0 [sflag:s17], $0x2780  }
0x1e: {  	[sflag:s17] =	ssyncset.done @!p0 $0x0  }
0x1f: {  	[sflag:s17] =	ssyncadd.s32 @!p0 $0xFFFFD880  }
0x20: {  	[tilespmem:s14], [sflag:$0x9] =	stream.linear.gather [hbm4b:s6+s3], $0x2800, $0x38;
	[tilespmem:$0xDF00] =	vst v63  }
0x21: {  	_ =	swait.ge [sflag:s15], $0x2800  }
0x22: {  	[sflag:s15] =	ssyncset.done $0x0  }
0x23: {  	[sflag:s15] =	ssyncadd.s32 $0xFFFFD800  }
0x24: {  	[spmem:s11] =	stream.linear.scatter [tilespmem:s14], [sflag:$0x9], $0x2800, $0x38;
	[tilespmem:$0xDF00] =	vst v63  }
0x25: {  	_ =	swait.ge [sflag:s15], $0x2800  }
0x26: {  	[sflag:s15] =	ssyncset.done $0x0  }
0x27: {  	[sflag:s15] =	ssyncadd.s32 $0xFFFFD800  }
0x28: {  	s17 =	simm.s32 $0x4F00;
	[bflag:$0x0] =	sbarrier.arrive $0xFFFF  }
0x29: {  	[tilespmem:s17], [sflag:$0x1] =	stream.indirect.gather [hbm4b:s4+s16], $0x10, s3, s16, $0xb8;
	[tilespmem:$0xDF00] =	vst v63  }
0x2a: {  	s18 =	simm.s32 $0x5700  }
0x2b: {  	[tilespmem:s18], [sflag:$0x2] =	stream.indirect.gather [hbm4b:s4+s16], $0x10, s16, s16, $0xb8;
	[tilespmem:$0xDF00] =	vst v63  }
0x2c: {  	s19 =	simm.s32 $0x100;
	s20 =	simm.s32 $0x5F00  }
0x2d: {  	[tilespmem:s20], [sflag:$0x3] =	stream.indirect.gather [hbm4b:s4+s16], $0x10, s19, s16, $0xb8;
	[tilespmem:$0xDF00] =	vst v63  }
0x2e: {  	s21 =	simm.s32 $0x180;
	s22 =	simm.s32 $0x6700  }
0x2f: {  	[tilespmem:s22], [sflag:$0x4] =	stream.indirect.gather [hbm4b:s4+s16], $0x10, s21, s16, $0xb8;
	[tilespmem:$0xDF00] =	vst v63  }
0x30: {  	s23 =	simm.s32 $0x200;
	s24 =	simm.s32 $0x6F00  }
0x31: {  	[tilespmem:s24], [sflag:$0x5] =	stream.indirect.gather [hbm4b:s4+s16], $0x10, s23, s16, $0xb8;
	[tilespmem:$0xDF00] =	vst v63  }
0x32: {  	s25 =	simm.s32 $0x280;
	s26 =	simm.s32 $0x7700  }
0x33: {  	[tilespmem:s26], [sflag:$0x6] =	stream.indirect.gather [hbm4b:s4+s16], $0x10, s25, s16, $0xb8;
	[tilespmem:$0xDF00] =	vst v63  }
0x34: {  	s28 =	simm.s32 $0x300;
	s29 =	simm.s32 $0x7F00;
	p1 =	sle.u32 s5, $0x0  }
0x35: {  	[tilespmem:s29], [sflag:$0x7] =	stream.indirect.gather [hbm4b:s4+s16], $0x10, s28, s16, $0xb8;
	[tilespmem:$0xDF00] =	vst v63  }
0x36: {  	s0 =	simm.s32 @!p1 $0x1  }
0x37: {  	[tilespmem:s31], [sflag:$0x8] =	stream.indirect.gather [hbm4b:s4+s16], $0x10, s30, s16, $0xb8;
	[tilespmem:$0xDF00] =	vst v63  }
0x38: {  	p2 =	sle.u32 @!p1 s5, $0x8;
	_ =	swait.ge @!p1 [sflag:s0], $0x800  }
0x39: {  	s17 =	simm.s32 @!p1 $0x9;
	s18 =	simm.s32 @!p1 $0x2780;
	[sflag:s0] =	ssyncset.done @!p1 $0x0  }
0x3a: {  	s19 =	simm.s32 @!p1 $0x4F00;
	[sflag:s0] =	ssyncadd.s32 @!p1 $0xFFFFF800;
	s0 =	simm.s32 @!p1 $0x80  }
0x3b: {  	[spmem:s2] =	stream.indirect.scatter.add.f32 @!p1 [tilespmem:s19], [sflag:$0x9], $0x10, s18, s0, $0xb8;
	[tilespmem:$0xDF00] =	vst v63  }
0x3c: {  	p3 =	por p2, p1;
	p2 =	sle.u32 s5, $0x1;
	_ =	swait.ge @!p1 [sflag:s17], $0x800  }
0x3d: {  	s0 =	simm.s32 @!p3 $0x400;
	s18 =	simm.s32 @!p2 $0x2;
	[sflag:s17] =	ssyncset.done @!p1 $0x0  }
0x3e: {  	s19 =	simm.s32 @!p3 $0x4F00;
	[sflag:s17] =	ssyncadd.s32 @!p1 $0xFFFFF800;
	s17 =	simm.s32 @!p3 $0x80  }
0x3f: {  	[tilespmem:s19], [sflag:$0x1] =	stream.indirect.gather @!p3 [hbm4b:s4+s17], $0x10, s0, s17, $0xb8;
	[tilespmem:$0xDF00] =	vst v63  }
0x40: {  	s0 =	simm.s32 @!p2 $0x2800;
	_ =	swait.ge @!p2 [sflag:s18], $0x800  }
0x41: {  	p3 =	sle.u32 @!p2 s5, $0x9;
	s17 =	simm.s32 @!p2 $0x9;
	[sflag:s18] =	ssyncset.done @!p2 $0x0  }
0x42: {  	s19 =	simm.s32 @!p2 $0x80;
	[sflag:s18] =	ssyncadd.s32 @!p2 $0xFFFFF800;
	s18 =	simm.s32 @!p2 $0x5700  }
0x43: {  	[spmem:s2] =	stream.indirect.scatter.add.f32 @!p2 [tilespmem:s18], [sflag:$0x9], $0x10, s0, s19, $0xb8;
	[tilespmem:$0xDF00] =	vst v63  }
0x44: {  	p1 =	sle.u32 s5, $0x2;
	p3 =	por p3, p2;
	_ =	swait.ge @!p2 [sflag:s17], $0x800  }
0x45: {  	s0 =	simm.s32 @!p3 $0x5700;
	s18 =	simm.s32 @!p3 $0x480;
	[sflag:s17] =	ssyncset.done @!p2 $0x0  }
0x46: {  	s19 =	simm.s32 @!p1 $0x3;
	[sflag:s17] =	ssyncadd.s32 @!p2 $0xFFFFF800;
	s17 =	simm.s32 @!p3 $0x80  }
0x47: {  	[tilespmem:s0], [sflag:$0x2] =	stream.indirect.gather @!p3 [hbm4b:s4+s17], $0x10, s18, s17, $0xb8;
	[tilespmem:$0xDF00] =	vst v63  }
0x48: {  	p2 =	sle.u32 @!p1 s5, $0xA;
	_ =	swait.ge @!p1 [sflag:s19], $0x800  }
0x49: {  	s0 =	simm.s32 @!p1 $0x2880;
	s17 =	simm.s32 @!p1 $0x5F00;
	[sflag:s19] =	ssyncset.done @!p1 $0x0  }
0x4a: {  	s18 =	simm.s32 @!p1 $0x80;
	[sflag:s19] =	ssyncadd.s32 @!p1 $0xFFFFF800;
	s19 =	simm.s32 @!p1 $0x9  }
0x4b: {  	[spmem:s2] =	stream.indirect.scatter.add.f32 @!p1 [tilespmem:s17], [sflag:$0x9], $0x10, s0, s18, $0xb8;
	[tilespmem:$0xDF00] =	vst v63  }
0x4c: {  	p3 =	por p2, p1;
	p2 =	sle.u32 s5, $0x3;
	_ =	swait.ge @!p1 [sflag:s19], $0x800  }
0x4d: {  	s0 =	simm.s32 @!p3 $0x5F00;
	s17 =	simm.s32 @!p3 $0x500;
	[sflag:s19] =	ssyncset.done @!p1 $0x0  }
0x4e: {  	s18 =	simm.s32 @!p3 $0x80;
	[sflag:s19] =	ssyncadd.s32 @!p1 $0xFFFFF800;
	s19 =	simm.s32 @!p2 $0x4  }
0x4f: {  	[tilespmem:s0], [sflag:$0x3] =	stream.indirect.gather @!p3 [hbm4b:s4+s18], $0x10, s17, s18, $0xb8;
	[tilespmem:$0xDF00] =	vst v63  }
0x50: {  	p1 =	sle.u32 @!p2 s5, $0xB;
	_ =	swait.ge @!p2 [sflag:s19], $0x800  }
0x51: {  	s0 =	simm.s32 @!p2 $0x2900;
	s17 =	simm.s32 @!p2 $0x80;
	[sflag:s19] =	ssyncset.done @!p2 $0x0  }
0x52: {  	s18 =	simm.s32 @!p2 $0x6700;
	[sflag:s19] =	ssyncadd.s32 @!p2 $0xFFFFF800;
	s19 =	simm.s32 @!p2 $0x9  }
0x53: {  	[spmem:s2] =	stream.indirect.scatter.add.f32 @!p2 [tilespmem:s18], [sflag:$0x9], $0x10, s0, s17, $0xb8;
	[tilespmem:$0xDF00] =	vst v63  }
0x54: {  	p1 =	por p1, p2;
	p3 =	sle.u32 s5, $0x4;
	_ =	swait.ge @!p2 [sflag:s19], $0x800  }
0x55: {  	s0 =	simm.s32 @!p1 $0x580;
	s17 =	simm.s32 @!p1 $0x6700;
	[sflag:s19] =	ssyncset.done @!p2 $0x0  }
0x56: {  	s18 =	simm.s32 @!p1 $0x80;
	[sflag:s19] =	ssyncadd.s32 @!p2 $0xFFFFF800;
	s19 =	simm.s32 @!p3 $0x5  }
0x57: {  	[tilespmem:s17], [sflag:$0x4] =	stream.indirect.gather @!p1 [hbm4b:s4+s18], $0x10, s0, s18, $0xb8;
	[tilespmem:$0xDF00] =	vst v63  }
0x58: {  	p2 =	sle.u32 @!p3 s5, $0xC;
	_ =	swait.ge @!p3 [sflag:s19], $0x800  }
0x59: {  	s0 =	simm.s32 @!p3 $0x2980;
	s17 =	simm.s32 @!p3 $0x9;
	[sflag:s19] =	ssyncset.done @!p3 $0x0  }
0x5a: {  	s18 =	simm.s32 @!p3 $0x80;
	[sflag:s19] =	ssyncadd.s32 @!p3 $0xFFFFF800;
	s19 =	simm.s32 @!p3 $0x6F00  }
0x5b: {  	[spmem:s2] =	stream.indirect.scatter.add.f32 @!p3 [tilespmem:s19], [sflag:$0x9], $0x10, s0, s18, $0xb8;
	[tilespmem:$0xDF00] =	vst v63  }
0x5c: {  	p1 =	sle.u32 s5, $0x5;
	p2 =	por p2, p3;
	_ =	swait.ge @!p3 [sflag:s17], $0x800  }
0x5d: {  	s0 =	simm.s32 @!p2 $0x6F00;
	s18 =	simm.s32 @!p2 $0x600;
	[sflag:s17] =	ssyncset.done @!p3 $0x0  }
0x5e: {  	s19 =	simm.s32 @!p1 $0x6;
	[sflag:s17] =	ssyncadd.s32 @!p3 $0xFFFFF800;
	s17 =	simm.s32 @!p2 $0x80  }
0x5f: {  	[tilespmem:s0], [sflag:$0x5] =	stream.indirect.gather @!p2 [hbm4b:s4+s17], $0x10, s18, s17, $0xb8;
	[tilespmem:$0xDF00] =	vst v63  }
0x60: {  	s0 =	simm.s32 @!p1 $0x7700;
	_ =	swait.ge @!p1 [sflag:s19], $0x800  }
0x61: {  	p2 =	sle.u32 @!p1 s5, $0xD;
	s17 =	simm.s32 @!p1 $0x2A00;
	[sflag:s19] =	ssyncset.done @!p1 $0x0  }
0x62: {  	s18 =	simm.s32 @!p1 $0x80;
	[sflag:s19] =	ssyncadd.s32 @!p1 $0xFFFFF800;
	s19 =	simm.s32 @!p1 $0x9  }
0x63: {  	[spmem:s2] =	stream.indirect.scatter.add.f32 @!p1 [tilespmem:s0], [sflag:$0x9], $0x10, s17, s18, $0xb8;
	[tilespmem:$0xDF00] =	vst v63  }
0x64: {  	p3 =	por p2, p1;
	p2 =	sle.u32 s5, $0x6;
	_ =	swait.ge @!p1 [sflag:s19], $0x800  }
0x65: {  	s0 =	simm.s32 @!p3 $0x7700;
	s17 =	simm.s32 @!p3 $0x680;
	[sflag:s19] =	ssyncset.done @!p1 $0x0  }
0x66: {  	s18 =	simm.s32 @!p3 $0x80;
	[sflag:s19] =	ssyncadd.s32 @!p1 $0xFFFFF800;
	s19 =	simm.s32 @!p2 $0x7  }
0x67: {  	[tilespmem:s0], [sflag:$0x6] =	stream.indirect.gather @!p3 [hbm4b:s4+s18], $0x10, s17, s18, $0xb8;
	[tilespmem:$0xDF00] =	vst v63  }
0x68: {  	p1 =	sle.u32 @!p2 s5, $0xE;
	s0 =	simm.s32 @!p2 $0x2A80;
	_ =	swait.ge @!p2 [sflag:s19], $0x800  }
0x69: {  	s17 =	simm.s32 @!p2 $0x80;
	s18 =	simm.s32 @!p2 $0x7F00;
	[sflag:s19] =	ssyncset.done @!p2 $0x0  }
0x6a: {  	p1 =	por p1, p2;
	[sflag:s19] =	ssyncadd.s32 @!p2 $0xFFFFF800;
	s19 =	simm.s32 @!p2 $0x9  }
0x6b: {  	[spmem:s2] =	stream.indirect.scatter.add.f32 @!p2 [tilespmem:s18], [sflag:$0x9], $0x10, s0, s17, $0xb8;
	[tilespmem:$0xDF00] =	vst v63  }
0x6c: {  	s0 =	simm.s32 @!p1 $0x700;
	_ =	swait.ge @!p2 [sflag:s19], $0x800  }
0x6d: {  	s17 =	simm.s32 @!p1 $0x80;
	s18 =	simm.s32 @!p1 $0x7F00;
	[sflag:s19] =	ssyncset.done @!p2 $0x0  }
0x6e: {  	[sflag:s19] =	ssyncadd.s32 @!p2 $0xFFFFF800;
	p2 =	sle.u32 s5, $0x7;
	s19 =	simm.s32 $0x1000  }
0x6f: {  	[tilespmem:s18], [sflag:$0x7] =	stream.indirect.gather @!p1 [hbm4b:s4+s17], $0x10, s0, s17, $0xb8;
	[tilespmem:$0xDF00] =	vst v63  }
0x70: {  	s17 =	simm.s32 $0x8;
	s0 =	simm.s32 $0x0;
	s18 =	simm.s32 $0x0  }
.LBB2_2:
0x71: {  	s20 =	simm.s32 @!p2 $0x8  }
0x72: {  	s21 =	sshra.s32 @!p2 s0, $0x2;
	s22 =	sadd.s32 @!p2 $0xF, s18;
	s18 =	smov.u32 s17  }
0x73: {  	s23 =	simm.s32 @!p2 $0x80;
	_ =	swait.ge @!p2 [sflag:s20], $0x800;
	s21 =	sadd.s32 @!p2 $0x2B00, s21  }
0x74: {  	s17 =	sadd.s32 $0x8, s17;
	p1 =	sge.u32 @!p2 s22, s5;
	[sflag:s20] =	ssyncset.done @!p2 $0x0  }
0x75: {  	p4 =	por p1, p2;
	[sflag:s20] =	ssyncadd.s32 @!p2 $0xFFFFF800;
	s20 =	simm.s32 @!p2 $0x8700  }
0x76: {  	s22 =	simm.s32 @!p2 $0x9;
	s0 =	sshra.s32 @!p4 s0, $0x2;
	s24 =	simm.s32 @!p4 $0x8700  }
0x77: {  	[spmem:s2] =	stream.indirect.scatter.add.f32 @!p2 [tilespmem:s20], [sflag:$0x9], $0x10, s21, s23, $0xb8;
	[tilespmem:$0xDF00] =	vst v63  }
0x78: {  	p1 =	sne.s32 s17, $0x50;
	s20 =	sadd.s32 @!p4 $0x780, s0;
	_ =	swait.ge @!p2 [sflag:s22], $0x800  }
0x79: {  	s21 =	simm.s32 @!p4 $0x80;
	s0 =	smov.u32 s19;
	[sflag:s22] =	ssyncset.done @!p2 $0x0  }
0x7a: {  	p3 =	sge.u32 s18, s5;
	s23 =	sadd.s32 $0x2, s18;
	[sflag:s22] =	ssyncadd.s32 @!p2 $0xFFFFF800  }
0x7b: {  	[tilespmem:s24], [sflag:$0x8] =	stream.indirect.gather @!p4 [hbm4b:s4+s21], $0x10, s20, s21, $0xb8;
	[tilespmem:$0xDF00] =	vst v63  }
0x7c: {  	s22 =	simm.s32 @!p3 $0x9;
	s20 =	simm.s32 @!p3 $0x1;
	s21 =	sshra.s32 @!p3 s19, $0x2  }
0x7d: {  	s24 =	sadd.s32 @!p3 $0x8, s18;
	s21 =	sadd.s32 @!p3 $0x2780, s21;
	_ =	swait.ge @!p3 [sflag:s20], $0x800  }
0x7e: {  	p2 =	sge.u32 s23, s5;
	p4 =	sge.u32 @!p3 s24, s5;
	[sflag:s20] =	ssyncset.done @!p3 $0x0  }
0x7f: {  	s23 =	simm.s32 @!p3 $0x4F00;
	[sflag:s20] =	ssyncadd.s32 @!p3 $0xFFFFF800;
	s20 =	simm.s32 @!p3 $0x80  }
0x80: {  	[spmem:s2] =	stream.indirect.scatter.add.f32 @!p3 [tilespmem:s23], [sflag:$0x9], $0x10, s21, s20, $0xb8;
	[tilespmem:$0xDF00] =	vst v63  }
0x81: {  	p4 =	por p4, p3;
	s20 =	sshra.s32 @!p2 s19, $0x2;
	_ =	swait.ge @!p3 [sflag:s22], $0x800  }
0x82: {  	s21 =	sshra.s32 @!p4 s19, $0x2;
	s23 =	sadd.s32 $0x1, s18;
	[sflag:s22] =	ssyncset.done @!p3 $0x0  }
0x83: {  	s21 =	sadd.s32 @!p4 $0x400, s21;
	[sflag:s22] =	ssyncadd.s32 @!p3 $0xFFFFF800;
	p3 =	sge.u32 s23, s5  }
0x84: {  	s22 =	simm.s32 @!p4 $0x80;
	s23 =	simm.s32 @!p3 $0x2;
	s24 =	sshra.s32 @!p3 s19, $0x2  }
0x85: {  	s25 =	simm.s32 @!p4 $0x4F00;
	s26 =	sadd.s32 @!p3 $0x9, s18;
	s24 =	sadd.s32 @!p3 $0x2800, s24  }
0x86: {  	s20 =	sadd.s32 @!p2 $0x2880, s20;
	p5 =	sge.u32 @!p3 s26, s5;
	s26 =	sadd.s32 @!p2 $0xA, s18  }
0x87: {  	[tilespmem:s25], [sflag:$0x1] =	stream.indirect.gather @!p4 [hbm4b:s4+s22], $0x10, s21, s22, $0xb8;
	[tilespmem:$0xDF00] =	vst v63  }
0x88: {  	p5 =	por p5, p3;
	s21 =	simm.s32 @!p3 $0x9;
	_ =	swait.ge @!p3 [sflag:s23], $0x800  }
0x89: {  	s22 =	simm.s32 @!p3 $0x80;
	s25 =	simm.s32 @!p3 $0x5700;
	[sflag:s23] =	ssyncset.done @!p3 $0x0  }
0x8a: {  	s28 =	simm.s32 @!p5 $0x5700;
	[sflag:s23] =	ssyncadd.s32 @!p3 $0xFFFFF800;
	s23 =	sshra.s32 @!p5 s19, $0x2  }
0x8b: {  	[spmem:s2] =	stream.indirect.scatter.add.f32 @!p3 [tilespmem:s25], [sflag:$0x9], $0x10, s24, s22, $0xb8;
	[tilespmem:$0xDF00] =	vst v63  }
0x8c: {  	s22 =	sadd.s32 @!p5 $0x480, s23;
	s23 =	simm.s32 @!p2 $0x3;
	_ =	swait.ge @!p3 [sflag:s21], $0x800  }
0x8d: {  	p4 =	sge.u32 @!p2 s26, s5;
	s24 =	simm.s32 @!p2 $0x5F00;
	[sflag:s21] =	ssyncset.done @!p3 $0x0  }
0x8e: {  	p4 =	por p4, p2;
	[sflag:s21] =	ssyncadd.s32 @!p3 $0xFFFFF800;
	s21 =	simm.s32 @!p5 $0x80  }
0x8f: {  	[tilespmem:s28], [sflag:$0x2] =	stream.indirect.gather @!p5 [hbm4b:s4+s21], $0x10, s22, s21, $0xb8;
	[tilespmem:$0xDF00] =	vst v63  }
0x90: {  	s21 =	simm.s32 @!p2 $0x80;
	s22 =	simm.s32 @!p4 $0x5F00;
	_ =	swait.ge @!p2 [sflag:s23], $0x800  }
0x91: {  	s26 =	sshra.s32 @!p4 s19, $0x2;
	s25 =	simm.s32 @!p2 $0x9;
	[sflag:s23] =	ssyncset.done @!p2 $0x0  }
0x92: {  	[sflag:s23] =	ssyncadd.s32 @!p2 $0xFFFFF800;
	s23 =	sadd.s32 @!p4 $0x500, s26;
	s26 =	sadd.s32 $0x3, s18  }
0x93: {  	[spmem:s2] =	stream.indirect.scatter.add.f32 @!p2 [tilespmem:s24], [sflag:$0x9], $0x10, s20, s21, $0xb8;
	[tilespmem:$0xDF00] =	vst v63  }
0x94: {  	s20 =	simm.s32 @!p4 $0x80;
	p3 =	sge.u32 s26, s5;
	_ =	swait.ge @!p2 [sflag:s25], $0x800  }
0x95: {  	s21 =	simm.s32 @!p3 $0x4;
	s24 =	sshra.s32 @!p3 s19, $0x2;
	[sflag:s25] =	ssyncset.done @!p2 $0x0  }
0x96: {  	s24 =	sadd.s32 @!p3 $0x2900, s24;
	[sflag:s25] =	ssyncadd.s32 @!p2 $0xFFFFF800;
	s25 =	sadd.s32 @!p3 $0xB, s18  }
0x97: {  	[tilespmem:s22], [sflag:$0x3] =	stream.indirect.gather @!p4 [hbm4b:s4+s20], $0x10, s23, s20, $0xb8;
	[tilespmem:$0xDF00] =	vst v63  }
0x98: {  	s20 =	simm.s32 @!p3 $0x80;
	s22 =	simm.s32 @!p3 $0x6700;
	_ =	swait.ge @!p3 [sflag:s21], $0x800  }
0x99: {  	s23 =	simm.s32 @!p3 $0x9;
	p2 =	sge.u32 @!p3 s25, s5;
	[sflag:s21] =	ssyncset.done @!p3 $0x0  }
0x9a: {  	p5 =	por p2, p3;
	[sflag:s21] =	ssyncadd.s32 @!p3 $0xFFFFF800;
	s21 =	sadd.s32 $0x5, s18  }
0x9b: {  	s26 =	sadd.s32 $0x4, s18;
	s25 =	sshra.s32 @!p5 s19, $0x2;
	p2 =	sge.u32 s21, s5  }
0x9c: {  	s21 =	sadd.s32 @!p5 $0x580, s25;
	s25 =	simm.s32 @!p5 $0x6700;
	s28 =	simm.s32 @!p2 $0x7700  }
0x9d: {  	[spmem:s2] =	stream.indirect.scatter.add.f32 @!p3 [tilespmem:s22], [sflag:$0x9], $0x10, s24, s20, $0xb8;
	[tilespmem:$0xDF00] =	vst v63  }
0x9e: {  	p4 =	sge.u32 s26, s5;
	s20 =	simm.s32 @!p5 $0x80;
	_ =	swait.ge @!p3 [sflag:s23], $0x800  }
0x9f: {  	s22 =	simm.s32 @!p4 $0x5;
	s24 =	sshra.s32 @!p4 s19, $0x2;
	[sflag:s23] =	ssyncset.done @!p3 $0x0  }
0xa0: {  	[sflag:s23] =	ssyncadd.s32 @!p3 $0xFFFFF800;
	s23 =	sadd.s32 @!p4 $0x2980, s24;
	s24 =	sadd.s32 @!p4 $0xC, s18  }
0xa1: {  	s26 =	sadd.s32 @!p2 $0xD, s18;
	p3 =	sge.u32 @!p4 s24, s5;
	s24 =	sshra.s32 @!p2 s19, $0x2  }
0xa2: {  	[tilespmem:s25], [sflag:$0x4] =	stream.indirect.gather @!p5 [hbm4b:s4+s20], $0x10, s21, s20, $0xb8;
	[tilespmem:$0xDF00] =	vst v63  }
0xa3: {  	s20 =	simm.s32 @!p4 $0x9;
	p3 =	por p3, p4;
	_ =	swait.ge @!p4 [sflag:s22], $0x800  }
0xa4: {  	s21 =	simm.s32 @!p4 $0x80;
	s25 =	simm.s32 @!p4 $0x6F00;
	[sflag:s22] =	ssyncset.done @!p4 $0x0  }
0xa5: {  	s29 =	simm.s32 @!p3 $0x6F00;
	[sflag:s22] =	ssyncadd.s32 @!p4 $0xFFFFF800;
	s22 =	sshra.s32 @!p3 s19, $0x2  }
0xa6: {  	[spmem:s2] =	stream.indirect.scatter.add.f32 @!p4 [tilespmem:s25], [sflag:$0x9], $0x10, s23, s21, $0xb8;
	[tilespmem:$0xDF00] =	vst v63  }
0xa7: {  	s21 =	sadd.s32 @!p3 $0x600, s22;
	s22 =	sadd.s32 @!p2 $0x2A00, s24;
	_ =	swait.ge @!p4 [sflag:s20], $0x800  }
0xa8: {  	p5 =	sge.u32 @!p2 s26, s5;
	s23 =	simm.s32 @!p2 $0x6;
	[sflag:s20] =	ssyncset.done @!p4 $0x0  }
0xa9: {  	[sflag:s20] =	ssyncadd.s32 @!p4 $0xFFFFF800;
	s20 =	simm.s32 @!p3 $0x80;
	p4 =	por p5, p2  }
0xaa: {  	[tilespmem:s29], [sflag:$0x5] =	stream.indirect.gather @!p3 [hbm4b:s4+s20], $0x10, s21, s20, $0xb8;
	[tilespmem:$0xDF00] =	vst v63  }
0xab: {  	s20 =	simm.s32 @!p2 $0x80;
	s21 =	simm.s32 @!p4 $0x7700;
	_ =	swait.ge @!p2 [sflag:s23], $0x800  }
0xac: {  	s24 =	simm.s32 @!p2 $0x9;
	s25 =	sshra.s32 @!p4 s19, $0x2;
	[sflag:s23] =	ssyncset.done @!p2 $0x0  }
0xad: {  	[sflag:s23] =	ssyncadd.s32 @!p2 $0xFFFFF800;
	s23 =	sadd.s32 @!p4 $0x680, s25;
	s25 =	sadd.s32 $0x6, s18  }
0xae: {  	[spmem:s2] =	stream.indirect.scatter.add.f32 @!p2 [tilespmem:s28], [sflag:$0x9], $0x10, s22, s20, $0xb8;
	[tilespmem:$0xDF00] =	vst v63  }
0xaf: {  	s20 =	simm.s32 @!p4 $0x80;
	p3 =	sge.u32 s25, s5;
	_ =	swait.ge @!p2 [sflag:s24], $0x800  }
0xb0: {  	s22 =	simm.s32 @!p3 $0x7;
	s25 =	sshra.s32 @!p3 s19, $0x2;
	[sflag:s24] =	ssyncset.done @!p2 $0x0  }
0xb1: {  	[sflag:s24] =	ssyncadd.s32 @!p2 $0xFFFFF800;
	s24 =	sadd.s32 @!p3 $0x2A80, s25;
	s25 =	sadd.s32 @!p3 $0xE, s18  }
0xb2: {  	[tilespmem:s21], [sflag:$0x6] =	stream.indirect.gather @!p4 [hbm4b:s4+s20], $0x10, s23, s20, $0xb8;
	[tilespmem:$0xDF00] =	vst v63  }
0xb3: {  	s20 =	simm.s32 @!p3 $0x80;
	s21 =	simm.s32 @!p3 $0x7F00;
	_ =	swait.ge @!p3 [sflag:s22], $0x800  }
0xb4: {  	s23 =	simm.s32 @!p3 $0x9;
	p2 =	sge.u32 @!p3 s25, s5;
	[sflag:s22] =	ssyncset.done @!p3 $0x0  }
0xb5: {  	p2 =	por p2, p3;
	[sflag:s22] =	ssyncadd.s32 @!p3 $0xFFFFF800  }
0xb6: {  	[spmem:s2] =	stream.indirect.scatter.add.f32 @!p3 [tilespmem:s21], [sflag:$0x9], $0x10, s24, s20, $0xb8;
	[tilespmem:$0xDF00] =	vst v63  }
.Ltmp0:
0xb7: {  	s20 =	sshra.s32 @!p2 s19, $0x2;
	_ =	swait.ge @!p3 [sflag:s23], $0x800;
	(pc) =	sbr.rel @p1 .LBB2_2-.Ltmp0, $4  }
0xb8: {  	s21 =	sadd.s32 $0x7, s18;
	s20 =	sadd.s32 @!p2 $0x700, s20;
	[sflag:s23] =	ssyncset.done @!p3 $0x0  }
0xb9: {  	s22 =	simm.s32 @!p2 $0x80;
	[sflag:s23] =	ssyncadd.s32 @!p3 $0xFFFFF800;
	s23 =	simm.s32 @!p2 $0x7F00  }
0xba: {  	[tilespmem:s23], [sflag:$0x7] =	stream.indirect.gather @!p2 [hbm4b:s4+s22], $0x10, s20, s22, $0xb8;
	[tilespmem:$0xDF00] =	vst v63  }
0xbb: {  	s19 =	sadd.s32 $0x1000, s19;
	p2 =	sge.u32 s21, s5  }
0xbc: {  	s17 =	simm.s32 @!p2 $0x8;
	s19 =	sshra.s32 @!p2 s0, $0x2  }
0xbd: {  	s18 =	sadd.s32 @!p2 $0xF, s18;
	s20 =	simm.s32 @!p2 $0x80;
	_ =	swait.ge @!p2 [sflag:s17], $0x800  }
0xbe: {  	s19 =	sadd.s32 @!p2 $0x2B00, s19;
	p1 =	sge.u32 @!p2 s18, s5;
	[sflag:s17] =	ssyncset.done @!p2 $0x0  }
0xbf: {  	s18 =	simm.s32 @!p2 $0x9;
	[sflag:s17] =	ssyncadd.s32 @!p2 $0xFFFFF800;
	s17 =	simm.s32 @!p2 $0x8700  }
0xc0: {  	[spmem:s2] =	stream.indirect.scatter.add.f32 @!p2 [tilespmem:s17], [sflag:$0x9], $0x10, s19, s20, $0xb8;
	[tilespmem:$0xDF00] =	vst v63  }
0xc1: {  	p1 =	por p1, p2;
	_ =	swait.ge @!p2 [sflag:s18], $0x800  }
0xc2: {  	s0 =	sshra.s32 @!p1 s0, $0x2;
	s17 =	simm.s32 @!p1 $0x8700;
	[sflag:s18] =	ssyncset.done @!p2 $0x0  }
0xc3: {  	s0 =	sadd.s32 @!p1 $0x780, s0;
	s19 =	simm.s32 @!p1 $0x80;
	[sflag:s18] =	ssyncadd.s32 @!p2 $0xFFFFF800  }
0xc4: {  	[tilespmem:s17], [sflag:$0x8] =	stream.indirect.gather @!p1 [hbm4b:s4+s19], $0x10, s0, s19, $0xb8;
	[tilespmem:$0xDF00] =	vst v63  }
0xc5: {  	[bflag:$0x0] =	sbarrier.arrive $0xFFFF  }
0xc6: {  	[tilespmem:s14], [sflag:$0x9] =	stream.linear.gather [spmem:s11], $0x2800, $0x38;
	[tilespmem:$0xDF00] =	vst v63  }
0xc7: {  	s1 =	sadd.s32 $0x1, s1;
	_ =	swait.ge [sflag:s15], $0x2800  }
0xc8: {  	p1 =	sne.s32 s1, s13;
	[sflag:s15] =	ssyncset.done $0x0  }
.Ltmp1:
0xc9: {  	[sflag:s15] =	ssyncadd.s32 $0xFFFFD800;
	(pc) =	sbr.rel @p1 .LBB2_1-.Ltmp1, $4  }
0xca: {  	[hbm4b:s12+s3] =	stream.linear.scatter [tilespmem:s14], [sflag:$0x9], $0x2800, $0x38;
	[tilespmem:$0xDF00] =	vst v63  }
0xcb: {  	_ =	swait.ge [sflag:s15], $0x2800  }
0xcc: {  	[sflag:s15] =	ssyncset.done $0x0  }
0xcd: {  	[sflag:s15] =	ssyncadd.s32 $0xFFFFD800  }
0xce: {  	_ =	sfence.sel $0x180000  }
0xcf: {  	[bflag:$0x0] =	sbarrier.arrive $0xFFFF  }
0xd0: {  	_ =	strace $0x9000004A  }
0xd1: {  	s0 =	stileid.u32;
	[bflag:$0x2] =	sbarrier.arrive $0xFFFF  }
0xd2: {  	p0 =	sne.s32 s0, $0x0;
	s0 =	rddreg [dreg:$0x3]  }
0xd3: {  	s0 =	sadd.s32 @!p0 $0x100000, s0  }
0xd4: {  	[sflag:s0] =	ssyncadd.tile.s32 @!p0 $0x1;
	_ =	shalt  }
.Lfunc_end2:
_tile_overlayer_lowered:
.L_overlay_start_2:
0xd5: {  	(tag) =	ssettag $0x2  }
0xd6: {  	s0 =	rddreg [dreg:$0x0];
	s2 =	stileid.u32  }
0xd7: {  	s1 =	rddreg [dreg:$0x1];
	p0 =	sne.s32 s2, $0x0  }
0xd8: {  	s3 =	rddreg [dreg:$0x2];
	[bflag:$0x3] =	sbarrier.arrive $0xFFFF;
	s2 =	simm.s32 @!p0 $0x1C09  }
0xd9: {  	[timem:s3], [sflag:s2] =	dma.local @!p0 [hbm:s0], s1  }
0xda: {  	s0 =	simm.s32 @!p0 $0x9  }
0xdb: {  	_ =	swait.ge @!p0 [sflag:s0], s1  }
0xdc: {  	s1 =	ssub.s32 @!p0 $0x0, s1;
	[sflag:s0] =	ssyncset.done @!p0 $0x0  }
0xdd: {  	[sflag:s0] =	ssyncadd.s32 @!p0 s1  }
0xde: {  	[bflag:$0x3] =	sbarrier.arrive $0xFFFF  }
0xdf: {  	_ =	shalt  }

// kernel: kernel.14.cloned.1.call-start
scs
__scs_entry_jumppad:
0x0: {  	(pc) =	sbr.rel $0x88, $3  }
0x1: {  	(tag) =	ssettag $0x0;
	lr =	simm.s32 $0x1  }
0x2: {  	[smem:$0x3F9B] =	sst lr;
	_ =	strace $0xD0000000  }
0x3: {  	_ = 	snop  }
0x4: {  	_ = 	snop  }
0x5: {  	_ = 	snop  }
0x6: {  	_ = 	snop  }
0x7: {  	_ = 	snop  }
__scs_overlays_trampoline_lowered:
0x8: {  	[smem:$0x3FAA] =	sst s0  }
0x9: {  	[smem:$0x3FAB] =	sst s1  }
0xa: {  	[smem:$0x3FAC] =	sst s2  }
0xb: {  	[smem:$0x3FAD] =	sst s3  }
0xc: {  	[smem:$0x3FAE] =	sst s4  }
0xd: {  	[smem:$0x3FAF] =	sst s5  }
0xe: {  	[smem:$0x3FB0] =	sst s6  }
0xf: {  	[smem:$0x3FB1] =	sst s7  }
0x10: {  	[smem:$0x3FB2] =	sst s8  }
0x11: {  	[smem:$0x3FB3] =	sst s9;
	s0 =	simm.s32 @!p0 $0x0  }
0x12: {  	s1 =	sld [smem:$0x3F99];
	s0 =	simm.s32 @p0 $0x1  }
0x13: {  	[smem:$0x3FB4] =	sst s0;
	s0 =	simm.s32 @!p1 $0x0  }
0x14: {  	s2 =	sld [smem:$0x3F98];
	s0 =	simm.s32 @p1 $0x1  }
0x15: {  	[smem:$0x3FB5] =	sst s0;
	s0 =	simm.s32 @!p2 $0x0  }
0x16: {  	s3 =	sld [smem:$0x3FDB];
	s0 =	simm.s32 @p2 $0x1  }
0x17: {  	s4 =	simm.s32 $0x1BF5;
	[smem:$0x3FB7] =	sst s0  }
0x18: {  	s0 =	sld [smem:$0x3F9A];
	_ =	swait.ge [sflag:s4], $0x0  }
0x19: {  	s7 =	sld [smem:$0x3F9B]  }
0x1a: {  	s8 =	sadd.s32 $0xFFFFE003, lr  }
0x1b: {  	s9 =	sadd.s32 $0xFFFFFEF7, lr;
	s5 =	simm.s32 $0xFFFFFFFF;
	p2 =	slt.u32 s8, $0xFFFFF086  }
0x1c: {  	p1 =	slt.u32 s9, $0xF7A;
	s5 =	simm.s32 @!p2 $0x0  }
0x1d: {  	s5 =	simm.s32 @p1 $0x1;
	p0 =	seq.s32 s7, s2  }
0x1e: {  	s7 =	smul.u32 @!p0 $0xF7A, s2;
	p2 =	seq.s32 @!p0 s5, $0x0  }
0x1f: {  	s9 =	smul.u32 $0xF7A, s1;
	s8 =	simm.s32 @!p0 $0x1BF5;
	p2 =	por !p2, p0  }
0x20: {  	[sflag:s8] =	ssyncset.s32 @!p0 $0xFFFFF086;
	s6 =	sadd.s32 @!p0 s3, s7;
	s7 =	simm.s32 @!p0 $0x108  }
0x21: {  	s3 =	sadd.s32 s3, s9;
	s6 =	sadd.s32 @!p0 $0x88, s6;
	s7 =	simm.s32 @p2 $0x1082  }
0x22: {  	[simem:s7], [sflag:s8] =	dma.local @!p0 [hbm:s6], $0xF7A  }
0x23: {  	s9 =	sor.u32 $0xD0000000, s2;
	s6 =	simm.s32 $0x108;
	_ =	swait.ge @!p0 [sflag:s8], $0x0  }
0x24: {  	s3 =	sadd.s32 $0x88, s3;
	s6 =	simm.s32 @!p1 $0x1082;
	[sflag:s4] =	ssyncset.s32 $0xFFFFF086  }
0x25: {  	[simem:s6], [sflag:s4] =	dma.local [hbm:s3], $0xF7A  }
0x26: {  	[smem:$0x3F9B] =	sst s1;
	(tag) =	ssettag s2;
	_ =	strace s9  }
0x27: {  	s1 =	sld [smem:$0x3FAB]  }
0x28: {  	s2 =	sld [smem:$0x3FAC]  }
0x29: {  	s4 =	sld [smem:$0x3FAE]  }
0x2a: {  	p0 =	seq.s32 s5, $0x0;
	s5 =	sld [smem:$0x3FAF]  }
0x2b: {  	s6 =	sld [smem:$0x3FB0]  }
0x2c: {  	s7 =	sld [smem:$0x3FB1]  }
0x2d: {  	s3 =	simm.s32 $0x108;
	s8 =	sld [smem:$0x3FB2]  }
0x2e: {  	s3 =	simm.s32 @!p0 $0x1082;
	s9 =	sld [smem:$0x3FB3]  }
0x2f: {  	lr =	sadd.s32 s0, s3;
	s0 =	sld [smem:$0x3FAA]  }
0x30: {  	s3 =	sld [smem:$0x3FAD]  }
0x31: {  	[smem:$0x3FB6] =	sst s10  }
0x32: {  	s10 =	sld [smem:$0x3FB4];
	_ =	sdelay $0x3  }
0x33: {  	p0 =	seq.s32 s10, $0x1;
	s10 =	sld [smem:$0x3FB6];
	_ =	sdelay $0x3  }
0x34: {  	[smem:$0x3FB6] =	sst s10  }
0x35: {  	s10 =	sld [smem:$0x3FB5];
	_ =	sdelay $0x3  }
0x36: {  	p1 =	seq.s32 s10, $0x1;
	s10 =	sld [smem:$0x3FB6];
	_ =	sdelay $0x3  }
0x37: {  	[smem:$0x3FB6] =	sst s10  }
0x38: {  	s10 =	sld [smem:$0x3FB7]  }
0x39: {  	_ = 	snop;
	(pc) =	sbr.ind lr, $3  }
0x3a: {  	_ = 	snop  }
0x3b: {  	_ = 	snop  }
0x3c: {  	p2 =	seq.s32 s10, $0x1;
	s10 =	sld [smem:$0x3FB6]  }
0x3d: {  	_ =	shalt  }
0x3e: {  	_ =	shalt  }
0x3f: {  	_ =	shalt  }
0x40: {  	_ =	shalt  }
0x41: {  	_ =	shalt  }
0x42: {  	_ =	shalt  }
0x43: {  	_ =	shalt  }
0x44: {  	_ =	shalt  }
0x45: {  	_ =	shalt  }
0x46: {  	_ =	shalt  }
0x47: {  	_ =	shalt  }
0x48: {  	_ =	shalt  }
0x49: {  	_ =	shalt  }
0x4a: {  	_ =	shalt  }
0x4b: {  	_ =	shalt  }
0x4c: {  	_ =	shalt  }
0x4d: {  	_ =	shalt  }
0x4e: {  	_ =	shalt  }
0x4f: {  	_ =	shalt  }
0x50: {  	_ =	shalt  }
0x51: {  	_ =	shalt  }
0x52: {  	_ =	shalt  }
0x53: {  	_ =	shalt  }
0x54: {  	_ =	shalt  }
0x55: {  	_ =	shalt  }
0x56: {  	_ =	shalt  }
0x57: {  	_ =	shalt  }
0x58: {  	_ =	shalt  }
0x59: {  	_ =	shalt  }
0x5a: {  	_ =	shalt  }
0x5b: {  	_ =	shalt  }
0x5c: {  	_ =	shalt  }
0x5d: {  	_ =	shalt  }
0x5e: {  	_ =	shalt  }
0x5f: {  	_ =	shalt  }
0x60: {  	_ =	shalt  }
0x61: {  	_ =	shalt  }
0x62: {  	_ =	shalt  }
0x63: {  	_ =	shalt  }
0x64: {  	_ =	shalt  }
0x65: {  	_ =	shalt  }
0x66: {  	_ =	shalt  }
0x67: {  	_ =	shalt  }
0x68: {  	_ =	shalt  }
0x69: {  	_ =	shalt  }
0x6a: {  	_ =	shalt  }
0x6b: {  	_ =	shalt  }
0x6c: {  	_ =	shalt  }
0x6d: {  	_ =	shalt  }
0x6e: {  	_ =	shalt  }
0x6f: {  	_ =	shalt  }
0x70: {  	_ =	shalt  }
0x71: {  	_ =	shalt  }
0x72: {  	_ =	shalt  }
0x73: {  	_ =	shalt  }
0x74: {  	_ =	shalt  }
0x75: {  	_ =	shalt  }
0x76: {  	_ =	shalt  }
0x77: {  	_ =	shalt  }
0x78: {  	_ =	shalt  }
0x79: {  	_ =	shalt  }
0x7a: {  	_ =	shalt  }
0x7b: {  	_ =	shalt  }
0x7c: {  	_ =	shalt  }
0x7d: {  	_ =	shalt  }
0x7e: {  	_ =	shalt  }
0x7f: {  	_ =	shalt  }
0x80: {  	_ =	shalt  }
0x81: {  	_ =	shalt  }
0x82: {  	_ =	shalt  }
0x83: {  	_ =	shalt  }
0x84: {  	_ =	shalt  }
0x85: {  	_ =	shalt  }
0x86: {  	_ =	shalt  }
0x87: {  	_ =	shalt  }
.Lfunc_end0:
.L_simem_size_0:
called_computation.2_lowered:
.L_overlay_start_0:
0x88: {  	s2 =	sld [smem:$0x3FD9]  }
0x89: {  	s3 =	sld [smem:$0x3FFE];
	_ =	sdelay $0x1  }
0x8a: {  	s1 =	srdreg.scid  }
0x8b: {  	s0 =	sand.u32 $0x1, s1  }
0x8c: {  	s17 =	sshll.u32 s0, $0xA;
	s2 =	sadd.s32 s3, s2  }
0x8d: {  	s2 =	sadd.s32 s2, s17  }
0x8e: {  	[smem:$0x3FC2] =	sst s2  }
0x8f: {  	_ = 	snop  }
0x90: {  	s2 =	sld [smem:$0x3FD0];
	(tm) =	ssettm $0x1  }
0x91: {  	s18 =	sld [smem:$0x3FFB];
	_ =	sdelay $0x3  }
0x92: {  	_ =	strace s18  }
0x93: {  	s3 =	sld [smem:$0x3FFC];
	_ =	sdelay $0x3  }
0x94: {  	_ =	strace s3  }
0x95: {  	s3 =	sld [smem:$0x3FFD];
	_ =	sdelay $0x3  }
0x96: {  	_ =	strace s3  }
0x97: {  	_ =	strace $0x8FFFFFFF  }
0x98: {  	s19 =	sld [smem:$0x3FDB];
	_ =	sdelay $0x1  }
0x99: {  	s4 =	simm.s32 $_scs_section_size  }
0x9a: {  	s5 =	simm.s32 $_size__tile_overlayer_lowered;
	s6 =	simm.s32 $_tile_overlayer_lowered  }
0x9b: {  	s22 =	simm.s32 $0x1BFF;
	s21 =	sshll.u32 s6, $0x1;
	s3 =	sadd.s32 s4, s19  }
0x9c: {  	s7 =	simm.s32 $0x0;
	s20 =	sshll.u32 s5, $0x1;
	s5 =	sadd.s32 s21, s3  }
0x9d: {  	[timem:s7], [sflag:s22] =	dma.local [hbm:s5], s20  }
0x9e: {  	_ =	swait.ge [sflag:s22], s20  }
0x9f: {  	s4 =	ssub.s32 $0x0, s20;
	[sflag:s22] =	ssyncset.done $0x0  }
0xa0: {  	[sflag:s22] =	ssyncadd.s32 s4;
	_ =	sdelay $0x1  }
0xa1: {  	s23 =	simm.s32 $0x1B8B  }
0xa2: {  	_ =	swait.ge [sflag:s23], $0x1  }
0xa3: {  	[sflag:s23] =	ssyncset.done $0x0  }
0xa4: {  	s25 =	simm.s32 $0x1B8E;
	s24 =	sld [smem:$0x3FFE];
	[sflag:s23] =	ssyncadd.s32 $0xFFFFFFFF  }
0xa5: {  	s26 =	simm.s32 $execute0_lowered;
	[smem:$0x3FD2] =	sst s25  }
0xa6: {  	s5 =	sshll.u32 s26, $0x1;
	_ =	strace $0x8000004C;
	[dreg:$0x1] =	wrdreg $0xFFFFFFFF  }
0xa7: {  	s28 =	simm.s32 $_size_execute0_lowered;
	s3 =	sadd.s32 s3, s5;
	[dreg:$0x0] =	wrdreg $0x0  }
0xa8: {  	s5 =	sshll.u32 s28, $0x1;
	[dreg:$0x2] =	wrdreg s3  }
0xa9: {  	[dreg:$0x3] =	wrdreg s5  }
0xaa: {  	[dreg:$0x4] =	wrdreg $0xC0  }
0xab: {  	_ =	task [dreg:s7], $0x5FFFF  }
0xac: {  	[dreg:$0x1] =	wrdreg $0xFFFFFFFF  }
0xad: {  	[dreg:$0x0] =	wrdreg $0x60  }
0xae: {  	[dreg:$0x2] =	wrdreg s2  }
0xaf: {  	[dreg:$0x3] =	wrdreg s24  }
0xb0: {  	[dreg:$0x4] =	wrdreg $0x153000  }
0xb1: {  	[dreg:$0x5] =	wrdreg $0x9  }
0xb2: {  	_ =	task.clear_ibuf [dreg:s7], $0x6FFFF;
	_ =	strace $0x9000004C  }
0xb3: {  	s29 =	simm.s32 $0x9;
	_ =	strace $0x8000004E  }
0xb4: {  	_ =	swait.ge [sflag:s29], $0x1  }
0xb5: {  	[sflag:s29] =	ssyncadd.s32 $0xFFFFFFFF  }
0xb6: {  	_ =	strace $0x9000004E  }
0xb7: {  	_ =	sfence  }
0xb8: {  	s30 =	sld [smem:$0x0];
	_ =	sdelay $0x2  }
0xb9: {  	s31 =	sshll.u32 s1, $0xD;
	s1 =	sshrl.u32 s1, $0x2  }
0xba: {  	s3 =	sand.u32 $0x4000, s31;
	s1 =	sadd.s32 s1, s30  }
0xbb: {  	s0 =	sor.u32 s3, s0;
	s1 =	sshll.u32 s1, $0x11  }
0xbc: {  	s0 =	sor.u32 s1, s0  }
0xbd: {  	s0 =	sadd.s32 $0x8F2B, s0  }
0xbe: {  	[sflag:s0] =	ssyncadd.remote.s32 $0x1  }
0xbf: {  	_ =	sfence.sel $0xFFFF  }
0xc0: {  	[dreg:$0x0] =	wrdreg $0xFFFFFFFF;
	(pc) =	sbr.abs _section_cstart, $3  }
0xc1: {  	[dreg:$0x1] =	wrdreg $0xFFFFFFFF  }
0xc2: {  	_ =	task.clear_ibuf [dreg:s7], $0x2FFFF;
	_ =	strace $0x9FFFFFFF  }
0xc3: {  	(tm) =	ssettm $0x7FFFFFFF  }
tec
execute0_lowered:
.L_overlay_start_1:
0x0: {  	(tag) =	ssettag $0x1  }
0x1: {  	s1 =	rddreg [dreg:$0x0]  }
0x2: {  	s0 =	rddreg [dreg:$0x1]  }
0x3: {  	s2 =	srdreg.scid;
	s3 =	stileid.u32;
	s14 =	simm.s32 $0xEF00  }
0x4: {  	s15 =	simm.s32 $0x9;
	s16 =	simm.s32 $0x80;
	s30 =	simm.s32 $0x380  }
0x5: {  	s31 =	simm.s32 $0xDB00;
	s2 =	sand.u32 $0x1, s2;
	s4 =	sshll.u32 s3, $0x1  }
0x6: {  	s11 =	smul.u32 $0x6400, s3;
	s3 =	rddreg [dreg:$0x2];
	s9 =	sadd.s32 $0x14B10, s0  }
0x7: {  	s10 =	sadd.s32 $0xAD10, s0;
	s6 =	sor.u32 s2, s4;
	s5 =	smul.u32 $0x64000, s2  }
0x8: {  	s4 =	simm.s32 $0x0;
	s2 =	ssub.s32 $0x2, s2;
	s7 =	smul.u32 $0x4F0, s6  }
0x9: {  	[smem:$0x7FF] =	sst s4;
	s29 =	sshrl.u32 s2, $0x1;
	p0 =	seq.s32 s6, $0x1F  }
0xa: {  	s6 =	simm.s32 $0x33;
	s5 =	sadd.s32 s11, s5;
	_ =	strace $0x8000004D  }
0xb: {  	s2 =	ssub.s32 s2, s29;
	s6 =	simm.s32 @!p0 $0x4F;
	s11 =	sadd.s32 s11, s3  }
0xc: {  	s8 =	sadd.s32 s7, s0;
	s28 =	sshrl.u32 s5, $0x3;
	s5 =	sadd.s32 $0xB5000, s0  }
0xd: {  	s13 =	smax.u32 s2, $0x1;
	s2 =	simm.s32 $0x0;
	s12 =	sadd.s32 s28, s0  }
0xe: {  	s7 =	sadd.s32 $0xB200, s8;
	s8 =	sadd.s32 $0x1400, s8;
	s12 =	sadd.s32 $0xB5E00, s12  }
.LBB2_1:
0xf: {  	s0 =	simm.s32 @p0 $0x0;
	s17 =	simm.s32 @p0 $0x9  }
0x10: {  	[tilespmem:s0], [sflag:$0x9] =	stream.linear.gather @p0 [hbm4b:s9+s0], $0x1980, $0x38;
	[tilespmem:$0x1B700] =	vst v63  }
0x11: {  	_ =	swait.ge @p0 [sflag:s17], $0x1980  }
0x12: {  	[sflag:s17] =	ssyncset.done @p0 $0x0  }
0x13: {  	s18 =	simm.s32 @p0 $0x2780;
	[sflag:s17] =	ssyncadd.s32 @p0 $0xFFFFE680  }
0x14: {  	[tilespmem:s18], [sflag:$0x9] =	stream.linear.gather @p0 [hbm4b:s10+s0], $0x1980, $0x38;
	[tilespmem:$0x1B700] =	vst v63  }
0x15: {  	_ =	swait.ge @p0 [sflag:s17], $0x1980  }
0x16: {  	[sflag:s17] =	ssyncset.done @p0 $0x0  }
0x17: {  	s0 =	simm.s32 @!p0 $0x0;
	[sflag:s17] =	ssyncadd.s32 @p0 $0xFFFFE680;
	s17 =	simm.s32 @!p0 $0x9  }
0x18: {  	[tilespmem:s0], [sflag:$0x9] =	stream.linear.gather @!p0 [hbm4b:s7+s0], $0x2780, $0x38;
	[tilespmem:$0x1B700] =	vst v63  }
0x19: {  	_ =	swait.ge @!p0 [sflag:s17], $0x2780  }
0x1a: {  	[sflag:s17] =	ssyncset.done @!p0 $0x0  }
0x1b: {  	s18 =	simm.s32 @!p0 $0x2780;
	[sflag:s17] =	ssyncadd.s32 @!p0 $0xFFFFD880  }
0x1c: {  	[tilespmem:s18], [sflag:$0x9] =	stream.linear.gather @!p0 [hbm4b:s8+s0], $0x2780, $0x38;
	[tilespmem:$0x1B700] =	vst v63  }
0x1d: {  	_ =	swait.ge @!p0 [sflag:s17], $0x2780  }
0x1e: {  	[sflag:s17] =	ssyncset.done @!p0 $0x0  }
0x1f: {  	[sflag:s17] =	ssyncadd.s32 @!p0 $0xFFFFD880  }
0x20: {  	[tilespmem:s14], [sflag:$0x9] =	stream.linear.gather [hbm4b:s5+s4], $0x6400, $0x38;
	[tilespmem:$0x1B700] =	vst v63  }
0x21: {  	_ =	swait.ge [sflag:s15], $0x6400  }
0x22: {  	[sflag:s15] =	ssyncset.done $0x0  }
0x23: {  	[sflag:s15] =	ssyncadd.s32 $0xFFFF9C00  }
0x24: {  	[spmem:s11] =	stream.linear.scatter [tilespmem:s14], [sflag:$0x9], $0x6400, $0x38;
	[tilespmem:$0x1B700] =	vst v63  }
0x25: {  	_ =	swait.ge [sflag:s15], $0x6400  }
0x26: {  	[sflag:s15] =	ssyncset.done $0x0  }
0x27: {  	[sflag:s15] =	ssyncadd.s32 $0xFFFF9C00  }
0x28: {  	s17 =	simm.s32 $0x4F00;
	[bflag:$0x0] =	sbarrier.arrive $0xFFFF  }
0x29: {  	[tilespmem:s17], [sflag:$0x1] =	stream.indirect.gather [hbm4b:s1+s16], $0x28, s4, s16, $0xb8;
	[tilespmem:$0x1B700] =	vst v63  }
0x2a: {  	s18 =	simm.s32 $0x6300  }
0x2b: {  	[tilespmem:s18], [sflag:$0x2] =	stream.indirect.gather [hbm4b:s1+s16], $0x28, s16, s16, $0xb8;
	[tilespmem:$0x1B700] =	vst v63  }
0x2c: {  	s19 =	simm.s32 $0x100;
	s20 =	simm.s32 $0x7700  }
0x2d: {  	[tilespmem:s20], [sflag:$0x3] =	stream.indirect.gather [hbm4b:s1+s16], $0x28, s19, s16, $0xb8;
	[tilespmem:$0x1B700] =	vst v63  }
0x2e: {  	s21 =	simm.s32 $0x180;
	s22 =	simm.s32 $0x8B00  }
0x2f: {  	[tilespmem:s22], [sflag:$0x4] =	stream.indirect.gather [hbm4b:s1+s16], $0x28, s21, s16, $0xb8;
	[tilespmem:$0x1B700] =	vst v63  }
0x30: {  	s23 =	simm.s32 $0x200;
	s24 =	simm.s32 $0x9F00  }
0x31: {  	[tilespmem:s24], [sflag:$0x5] =	stream.indirect.gather [hbm4b:s1+s16], $0x28, s23, s16, $0xb8;
	[tilespmem:$0x1B700] =	vst v63  }
0x32: {  	s25 =	simm.s32 $0x280;
	s26 =	simm.s32 $0xB300  }
0x33: {  	[tilespmem:s26], [sflag:$0x6] =	stream.indirect.gather [hbm4b:s1+s16], $0x28, s25, s16, $0xb8;
	[tilespmem:$0x1B700] =	vst v63  }
0x34: {  	s28 =	simm.s32 $0x300;
	s29 =	simm.s32 $0xC700;
	p1 =	sle.u32 s6, $0x0  }
0x35: {  	[tilespmem:s29], [sflag:$0x7] =	stream.indirect.gather [hbm4b:s1+s16], $0x28, s28, s16, $0xb8;
	[tilespmem:$0x1B700] =	vst v63  }
0x36: {  	s0 =	simm.s32 @!p1 $0x1  }
0x37: {  	[tilespmem:s31], [sflag:$0x8] =	stream.indirect.gather [hbm4b:s1+s16], $0x28, s30, s16, $0xb8;
	[tilespmem:$0x1B700] =	vst v63  }
0x38: {  	p2 =	sle.u32 @!p1 s6, $0x8;
	_ =	swait.ge @!p1 [sflag:s0], $0x1400  }
0x39: {  	s17 =	simm.s32 @!p1 $0x9;
	s18 =	simm.s32 @!p1 $0x2780;
	[sflag:s0] =	ssyncset.done @!p1 $0x0  }
0x3a: {  	s19 =	simm.s32 @!p1 $0x4F00;
	[sflag:s0] =	ssyncadd.s32 @!p1 $0xFFFFEC00;
	s0 =	simm.s32 @!p1 $0x80  }
0x3b: {  	[spmem:s3] =	stream.indirect.scatter.add.f32 @!p1 [tilespmem:s19], [sflag:$0x9], $0x28, s18, s0, $0xb8;
	[tilespmem:$0x1B700] =	vst v63  }
0x3c: {  	p3 =	por p2, p1;
	p2 =	sle.u32 s6, $0x1;
	_ =	swait.ge @!p1 [sflag:s17], $0x1400  }
0x3d: {  	s0 =	simm.s32 @!p3 $0x400;
	s18 =	simm.s32 @!p2 $0x2;
	[sflag:s17] =	ssyncset.done @!p1 $0x0  }
0x3e: {  	s19 =	simm.s32 @!p3 $0x4F00;
	[sflag:s17] =	ssyncadd.s32 @!p1 $0xFFFFEC00;
	s17 =	simm.s32 @!p3 $0x80  }
0x3f: {  	[tilespmem:s19], [sflag:$0x1] =	stream.indirect.gather @!p3 [hbm4b:s1+s17], $0x28, s0, s17, $0xb8;
	[tilespmem:$0x1B700] =	vst v63  }
0x40: {  	s0 =	simm.s32 @!p2 $0x2800;
	_ =	swait.ge @!p2 [sflag:s18], $0x1400  }
0x41: {  	p3 =	sle.u32 @!p2 s6, $0x9;
	s17 =	simm.s32 @!p2 $0x9;
	[sflag:s18] =	ssyncset.done @!p2 $0x0  }
0x42: {  	s19 =	simm.s32 @!p2 $0x80;
	[sflag:s18] =	ssyncadd.s32 @!p2 $0xFFFFEC00;
	s18 =	simm.s32 @!p2 $0x6300  }
0x43: {  	[spmem:s3] =	stream.indirect.scatter.add.f32 @!p2 [tilespmem:s18], [sflag:$0x9], $0x28, s0, s19, $0xb8;
	[tilespmem:$0x1B700] =	vst v63  }
0x44: {  	p1 =	sle.u32 s6, $0x2;
	p3 =	por p3, p2;
	_ =	swait.ge @!p2 [sflag:s17], $0x1400  }
0x45: {  	s0 =	simm.s32 @!p3 $0x6300;
	s18 =	simm.s32 @!p3 $0x480;
	[sflag:s17] =	ssyncset.done @!p2 $0x0  }
0x46: {  	s19 =	simm.s32 @!p1 $0x3;
	[sflag:s17] =	ssyncadd.s32 @!p2 $0xFFFFEC00;
	s17 =	simm.s32 @!p3 $0x80  }
0x47: {  	[tilespmem:s0], [sflag:$0x2] =	stream.indirect.gather @!p3 [hbm4b:s1+s17], $0x28, s18, s17, $0xb8;
	[tilespmem:$0x1B700] =	vst v63  }
0x48: {  	p2 =	sle.u32 @!p1 s6, $0xA;
	_ =	swait.ge @!p1 [sflag:s19], $0x1400  }
0x49: {  	s0 =	simm.s32 @!p1 $0x2880;
	s17 =	simm.s32 @!p1 $0x7700;
	[sflag:s19] =	ssyncset.done @!p1 $0x0  }
0x4a: {  	s18 =	simm.s32 @!p1 $0x80;
	[sflag:s19] =	ssyncadd.s32 @!p1 $0xFFFFEC00;
	s19 =	simm.s32 @!p1 $0x9  }
0x4b: {  	[spmem:s3] =	stream.indirect.scatter.add.f32 @!p1 [tilespmem:s17], [sflag:$0x9], $0x28, s0, s18, $0xb8;
	[tilespmem:$0x1B700] =	vst v63  }
0x4c: {  	p3 =	por p2, p1;
	p2 =	sle.u32 s6, $0x3;
	_ =	swait.ge @!p1 [sflag:s19], $0x1400  }
0x4d: {  	s0 =	simm.s32 @!p3 $0x7700;
	s17 =	simm.s32 @!p3 $0x500;
	[sflag:s19] =	ssyncset.done @!p1 $0x0  }
0x4e: {  	s18 =	simm.s32 @!p3 $0x80;
	[sflag:s19] =	ssyncadd.s32 @!p1 $0xFFFFEC00;
	s19 =	simm.s32 @!p2 $0x4  }
0x4f: {  	[tilespmem:s0], [sflag:$0x3] =	stream.indirect.gather @!p3 [hbm4b:s1+s18], $0x28, s17, s18, $0xb8;
	[tilespmem:$0x1B700] =	vst v63  }
0x50: {  	p1 =	sle.u32 @!p2 s6, $0xB;
	_ =	swait.ge @!p2 [sflag:s19], $0x1400  }
0x51: {  	s0 =	simm.s32 @!p2 $0x2900;
	s17 =	simm.s32 @!p2 $0x80;
	[sflag:s19] =	ssyncset.done @!p2 $0x0  }
0x52: {  	s18 =	simm.s32 @!p2 $0x8B00;
	[sflag:s19] =	ssyncadd.s32 @!p2 $0xFFFFEC00;
	s19 =	simm.s32 @!p2 $0x9  }
0x53: {  	[spmem:s3] =	stream.indirect.scatter.add.f32 @!p2 [tilespmem:s18], [sflag:$0x9], $0x28, s0, s17, $0xb8;
	[tilespmem:$0x1B700] =	vst v63  }
0x54: {  	p1 =	por p1, p2;
	p3 =	sle.u32 s6, $0x4;
	_ =	swait.ge @!p2 [sflag:s19], $0x1400  }
0x55: {  	s0 =	simm.s32 @!p1 $0x580;
	s17 =	simm.s32 @!p1 $0x8B00;
	[sflag:s19] =	ssyncset.done @!p2 $0x0  }
0x56: {  	s18 =	simm.s32 @!p1 $0x80;
	[sflag:s19] =	ssyncadd.s32 @!p2 $0xFFFFEC00;
	s19 =	simm.s32 @!p3 $0x5  }
0x57: {  	[tilespmem:s17], [sflag:$0x4] =	stream.indirect.gather @!p1 [hbm4b:s1+s18], $0x28, s0, s18, $0xb8;
	[tilespmem:$0x1B700] =	vst v63  }
0x58: {  	p2 =	sle.u32 @!p3 s6, $0xC;
	_ =	swait.ge @!p3 [sflag:s19], $0x1400  }
0x59: {  	s0 =	simm.s32 @!p3 $0x2980;
	s17 =	simm.s32 @!p3 $0x9;
	[sflag:s19] =	ssyncset.done @!p3 $0x0  }
0x5a: {  	s18 =	simm.s32 @!p3 $0x80;
	[sflag:s19] =	ssyncadd.s32 @!p3 $0xFFFFEC00;
	s19 =	simm.s32 @!p3 $0x9F00  }
0x5b: {  	[spmem:s3] =	stream.indirect.scatter.add.f32 @!p3 [tilespmem:s19], [sflag:$0x9], $0x28, s0, s18, $0xb8;
	[tilespmem:$0x1B700] =	vst v63  }
0x5c: {  	p1 =	sle.u32 s6, $0x5;
	p2 =	por p2, p3;
	_ =	swait.ge @!p3 [sflag:s17], $0x1400  }
0x5d: {  	s0 =	simm.s32 @!p2 $0x9F00;
	s18 =	simm.s32 @!p2 $0x600;
	[sflag:s17] =	ssyncset.done @!p3 $0x0  }
0x5e: {  	s19 =	simm.s32 @!p1 $0x6;
	[sflag:s17] =	ssyncadd.s32 @!p3 $0xFFFFEC00;
	s17 =	simm.s32 @!p2 $0x80  }
0x5f: {  	[tilespmem:s0], [sflag:$0x5] =	stream.indirect.gather @!p2 [hbm4b:s1+s17], $0x28, s18, s17, $0xb8;
	[tilespmem:$0x1B700] =	vst v63  }
0x60: {  	s0 =	simm.s32 @!p1 $0xB300;
	_ =	swait.ge @!p1 [sflag:s19], $0x1400  }
0x61: {  	p2 =	sle.u32 @!p1 s6, $0xD;
	s17 =	simm.s32 @!p1 $0x2A00;
	[sflag:s19] =	ssyncset.done @!p1 $0x0  }
0x62: {  	s18 =	simm.s32 @!p1 $0x80;
	[sflag:s19] =	ssyncadd.s32 @!p1 $0xFFFFEC00;
	s19 =	simm.s32 @!p1 $0x9  }
0x63: {  	[spmem:s3] =	stream.indirect.scatter.add.f32 @!p1 [tilespmem:s0], [sflag:$0x9], $0x28, s17, s18, $0xb8;
	[tilespmem:$0x1B700] =	vst v63  }
0x64: {  	p3 =	por p2, p1;
	p2 =	sle.u32 s6, $0x6;
	_ =	swait.ge @!p1 [sflag:s19], $0x1400  }
0x65: {  	s0 =	simm.s32 @!p3 $0xB300;
	s17 =	simm.s32 @!p3 $0x680;
	[sflag:s19] =	ssyncset.done @!p1 $0x0  }
0x66: {  	s18 =	simm.s32 @!p3 $0x80;
	[sflag:s19] =	ssyncadd.s32 @!p1 $0xFFFFEC00;
	s19 =	simm.s32 @!p2 $0x7  }
0x67: {  	[tilespmem:s0], [sflag:$0x6] =	stream.indirect.gather @!p3 [hbm4b:s1+s18], $0x28, s17, s18, $0xb8;
	[tilespmem:$0x1B700] =	vst v63  }
0x68: {  	p1 =	sle.u32 @!p2 s6, $0xE;
	s0 =	simm.s32 @!p2 $0x2A80;
	_ =	swait.ge @!p2 [sflag:s19], $0x1400  }
0x69: {  	s17 =	simm.s32 @!p2 $0x80;
	s18 =	simm.s32 @!p2 $0xC700;
	[sflag:s19] =	ssyncset.done @!p2 $0x0  }
0x6a: {  	p1 =	por p1, p2;
	[sflag:s19] =	ssyncadd.s32 @!p2 $0xFFFFEC00;
	s19 =	simm.s32 @!p2 $0x9  }
0x6b: {  	[spmem:s3] =	stream.indirect.scatter.add.f32 @!p2 [tilespmem:s18], [sflag:$0x9], $0x28, s0, s17, $0xb8;
	[tilespmem:$0x1B700] =	vst v63  }
0x6c: {  	s0 =	simm.s32 @!p1 $0x700;
	_ =	swait.ge @!p2 [sflag:s19], $0x1400  }
0x6d: {  	s17 =	simm.s32 @!p1 $0x80;
	s18 =	simm.s32 @!p1 $0xC700;
	[sflag:s19] =	ssyncset.done @!p2 $0x0  }
0x6e: {  	[sflag:s19] =	ssyncadd.s32 @!p2 $0xFFFFEC00;
	p2 =	sle.u32 s6, $0x7;
	s19 =	simm.s32 $0x1000  }
0x6f: {  	[tilespmem:s18], [sflag:$0x7] =	stream.indirect.gather @!p1 [hbm4b:s1+s17], $0x28, s0, s17, $0xb8;
	[tilespmem:$0x1B700] =	vst v63  }
0x70: {  	s17 =	simm.s32 $0x8;
	s0 =	simm.s32 $0x0;
	s18 =	simm.s32 $0x0  }
.LBB2_2:
0x71: {  	s20 =	simm.s32 @!p2 $0x8  }
0x72: {  	s21 =	sshra.s32 @!p2 s0, $0x2;
	s22 =	sadd.s32 @!p2 $0xF, s18;
	s18 =	smov.u32 s17  }
0x73: {  	s23 =	simm.s32 @!p2 $0x80;
	_ =	swait.ge @!p2 [sflag:s20], $0x1400;
	s21 =	sadd.s32 @!p2 $0x2B00, s21  }
0x74: {  	s17 =	sadd.s32 $0x8, s17;
	p1 =	sge.u32 @!p2 s22, s6;
	[sflag:s20] =	ssyncset.done @!p2 $0x0  }
0x75: {  	p4 =	por p1, p2;
	[sflag:s20] =	ssyncadd.s32 @!p2 $0xFFFFEC00;
	s20 =	simm.s32 @!p2 $0xDB00  }
0x76: {  	s22 =	simm.s32 @!p2 $0x9;
	s0 =	sshra.s32 @!p4 s0, $0x2;
	s24 =	simm.s32 @!p4 $0xDB00  }
0x77: {  	[spmem:s3] =	stream.indirect.scatter.add.f32 @!p2 [tilespmem:s20], [sflag:$0x9], $0x28, s21, s23, $0xb8;
	[tilespmem:$0x1B700] =	vst v63  }
0x78: {  	p1 =	sne.s32 s17, $0x50;
	s20 =	sadd.s32 @!p4 $0x780, s0;
	_ =	swait.ge @!p2 [sflag:s22], $0x1400  }
0x79: {  	s21 =	simm.s32 @!p4 $0x80;
	s0 =	smov.u32 s19;
	[sflag:s22] =	ssyncset.done @!p2 $0x0  }
0x7a: {  	p3 =	sge.u32 s18, s6;
	s23 =	sadd.s32 $0x2, s18;
	[sflag:s22] =	ssyncadd.s32 @!p2 $0xFFFFEC00  }
0x7b: {  	[tilespmem:s24], [sflag:$0x8] =	stream.indirect.gather @!p4 [hbm4b:s1+s21], $0x28, s20, s21, $0xb8;
	[tilespmem:$0x1B700] =	vst v63  }
0x7c: {  	s22 =	simm.s32 @!p3 $0x9;
	s20 =	simm.s32 @!p3 $0x1;
	s21 =	sshra.s32 @!p3 s19, $0x2  }
0x7d: {  	s24 =	sadd.s32 @!p3 $0x8, s18;
	s21 =	sadd.s32 @!p3 $0x2780, s21;
	_ =	swait.ge @!p3 [sflag:s20], $0x1400  }
0x7e: {  	p2 =	sge.u32 s23, s6;
	p4 =	sge.u32 @!p3 s24, s6;
	[sflag:s20] =	ssyncset.done @!p3 $0x0  }
0x7f: {  	s23 =	simm.s32 @!p3 $0x4F00;
	[sflag:s20] =	ssyncadd.s32 @!p3 $0xFFFFEC00;
	s20 =	simm.s32 @!p3 $0x80  }
0x80: {  	[spmem:s3] =	stream.indirect.scatter.add.f32 @!p3 [tilespmem:s23], [sflag:$0x9], $0x28, s21, s20, $0xb8;
	[tilespmem:$0x1B700] =	vst v63  }
0x81: {  	p4 =	por p4, p3;
	s20 =	sshra.s32 @!p2 s19, $0x2;
	_ =	swait.ge @!p3 [sflag:s22], $0x1400  }
0x82: {  	s21 =	sshra.s32 @!p4 s19, $0x2;
	s23 =	sadd.s32 $0x1, s18;
	[sflag:s22] =	ssyncset.done @!p3 $0x0  }
0x83: {  	s21 =	sadd.s32 @!p4 $0x400, s21;
	[sflag:s22] =	ssyncadd.s32 @!p3 $0xFFFFEC00;
	p3 =	sge.u32 s23, s6  }
0x84: {  	s22 =	simm.s32 @!p4 $0x80;
	s23 =	simm.s32 @!p3 $0x2;
	s24 =	sshra.s32 @!p3 s19, $0x2  }
0x85: {  	s25 =	simm.s32 @!p4 $0x4F00;
	s26 =	sadd.s32 @!p3 $0x9, s18;
	s24 =	sadd.s32 @!p3 $0x2800, s24  }
0x86: {  	s20 =	sadd.s32 @!p2 $0x2880, s20;
	p5 =	sge.u32 @!p3 s26, s6;
	s26 =	sadd.s32 @!p2 $0xA, s18  }
0x87: {  	[tilespmem:s25], [sflag:$0x1] =	stream.indirect.gather @!p4 [hbm4b:s1+s22], $0x28, s21, s22, $0xb8;
	[tilespmem:$0x1B700] =	vst v63  }
0x88: {  	p5 =	por p5, p3;
	s21 =	simm.s32 @!p3 $0x9;
	_ =	swait.ge @!p3 [sflag:s23], $0x1400  }
0x89: {  	s22 =	simm.s32 @!p3 $0x80;
	s25 =	simm.s32 @!p3 $0x6300;
	[sflag:s23] =	ssyncset.done @!p3 $0x0  }
0x8a: {  	s28 =	simm.s32 @!p5 $0x6300;
	[sflag:s23] =	ssyncadd.s32 @!p3 $0xFFFFEC00;
	s23 =	sshra.s32 @!p5 s19, $0x2  }
0x8b: {  	[spmem:s3] =	stream.indirect.scatter.add.f32 @!p3 [tilespmem:s25], [sflag:$0x9], $0x28, s24, s22, $0xb8;
	[tilespmem:$0x1B700] =	vst v63  }
0x8c: {  	s22 =	sadd.s32 @!p5 $0x480, s23;
	s23 =	simm.s32 @!p2 $0x3;
	_ =	swait.ge @!p3 [sflag:s21], $0x1400  }
0x8d: {  	p4 =	sge.u32 @!p2 s26, s6;
	s24 =	simm.s32 @!p2 $0x7700;
	[sflag:s21] =	ssyncset.done @!p3 $0x0  }
0x8e: {  	p4 =	por p4, p2;
	[sflag:s21] =	ssyncadd.s32 @!p3 $0xFFFFEC00;
	s21 =	simm.s32 @!p5 $0x80  }
0x8f: {  	[tilespmem:s28], [sflag:$0x2] =	stream.indirect.gather @!p5 [hbm4b:s1+s21], $0x28, s22, s21, $0xb8;
	[tilespmem:$0x1B700] =	vst v63  }
0x90: {  	s21 =	simm.s32 @!p2 $0x80;
	s22 =	simm.s32 @!p4 $0x7700;
	_ =	swait.ge @!p2 [sflag:s23], $0x1400  }
0x91: {  	s26 =	sshra.s32 @!p4 s19, $0x2;
	s25 =	simm.s32 @!p2 $0x9;
	[sflag:s23] =	ssyncset.done @!p2 $0x0  }
0x92: {  	[sflag:s23] =	ssyncadd.s32 @!p2 $0xFFFFEC00;
	s23 =	sadd.s32 @!p4 $0x500, s26;
	s26 =	sadd.s32 $0x3, s18  }
0x93: {  	[spmem:s3] =	stream.indirect.scatter.add.f32 @!p2 [tilespmem:s24], [sflag:$0x9], $0x28, s20, s21, $0xb8;
	[tilespmem:$0x1B700] =	vst v63  }
0x94: {  	s20 =	simm.s32 @!p4 $0x80;
	p3 =	sge.u32 s26, s6;
	_ =	swait.ge @!p2 [sflag:s25], $0x1400  }
0x95: {  	s21 =	simm.s32 @!p3 $0x4;
	s24 =	sshra.s32 @!p3 s19, $0x2;
	[sflag:s25] =	ssyncset.done @!p2 $0x0  }
0x96: {  	s24 =	sadd.s32 @!p3 $0x2900, s24;
	[sflag:s25] =	ssyncadd.s32 @!p2 $0xFFFFEC00;
	s25 =	sadd.s32 @!p3 $0xB, s18  }
0x97: {  	[tilespmem:s22], [sflag:$0x3] =	stream.indirect.gather @!p4 [hbm4b:s1+s20], $0x28, s23, s20, $0xb8;
	[tilespmem:$0x1B700] =	vst v63  }
0x98: {  	s20 =	simm.s32 @!p3 $0x80;
	s22 =	simm.s32 @!p3 $0x8B00;
	_ =	swait.ge @!p3 [sflag:s21], $0x1400  }
0x99: {  	s23 =	simm.s32 @!p3 $0x9;
	p2 =	sge.u32 @!p3 s25, s6;
	[sflag:s21] =	ssyncset.done @!p3 $0x0  }
0x9a: {  	p5 =	por p2, p3;
	[sflag:s21] =	ssyncadd.s32 @!p3 $0xFFFFEC00;
	s21 =	sadd.s32 $0x5, s18  }
0x9b: {  	s26 =	sadd.s32 $0x4, s18;
	s25 =	sshra.s32 @!p5 s19, $0x2;
	p2 =	sge.u32 s21, s6  }
0x9c: {  	s21 =	sadd.s32 @!p5 $0x580, s25;
	s25 =	simm.s32 @!p5 $0x8B00;
	s28 =	simm.s32 @!p2 $0xB300  }
0x9d: {  	[spmem:s3] =	stream.indirect.scatter.add.f32 @!p3 [tilespmem:s22], [sflag:$0x9], $0x28, s24, s20, $0xb8;
	[tilespmem:$0x1B700] =	vst v63  }
0x9e: {  	p4 =	sge.u32 s26, s6;
	s20 =	simm.s32 @!p5 $0x80;
	_ =	swait.ge @!p3 [sflag:s23], $0x1400  }
0x9f: {  	s22 =	simm.s32 @!p4 $0x5;
	s24 =	sshra.s32 @!p4 s19, $0x2;
	[sflag:s23] =	ssyncset.done @!p3 $0x0  }
0xa0: {  	[sflag:s23] =	ssyncadd.s32 @!p3 $0xFFFFEC00;
	s23 =	sadd.s32 @!p4 $0x2980, s24;
	s24 =	sadd.s32 @!p4 $0xC, s18  }
0xa1: {  	s26 =	sadd.s32 @!p2 $0xD, s18;
	p3 =	sge.u32 @!p4 s24, s6;
	s24 =	sshra.s32 @!p2 s19, $0x2  }
0xa2: {  	[tilespmem:s25], [sflag:$0x4] =	stream.indirect.gather @!p5 [hbm4b:s1+s20], $0x28, s21, s20, $0xb8;
	[tilespmem:$0x1B700] =	vst v63  }
0xa3: {  	s20 =	simm.s32 @!p4 $0x9;
	p3 =	por p3, p4;
	_ =	swait.ge @!p4 [sflag:s22], $0x1400  }
0xa4: {  	s21 =	simm.s32 @!p4 $0x80;
	s25 =	simm.s32 @!p4 $0x9F00;
	[sflag:s22] =	ssyncset.done @!p4 $0x0  }
0xa5: {  	s29 =	simm.s32 @!p3 $0x9F00;
	[sflag:s22] =	ssyncadd.s32 @!p4 $0xFFFFEC00;
	s22 =	sshra.s32 @!p3 s19, $0x2  }
0xa6: {  	[spmem:s3] =	stream.indirect.scatter.add.f32 @!p4 [tilespmem:s25], [sflag:$0x9], $0x28, s23, s21, $0xb8;
	[tilespmem:$0x1B700] =	vst v63  }
0xa7: {  	s21 =	sadd.s32 @!p3 $0x600, s22;
	s22 =	sadd.s32 @!p2 $0x2A00, s24;
	_ =	swait.ge @!p4 [sflag:s20], $0x1400  }
0xa8: {  	p5 =	sge.u32 @!p2 s26, s6;
	s23 =	simm.s32 @!p2 $0x6;
	[sflag:s20] =	ssyncset.done @!p4 $0x0  }
0xa9: {  	[sflag:s20] =	ssyncadd.s32 @!p4 $0xFFFFEC00;
	s20 =	simm.s32 @!p3 $0x80;
	p4 =	por p5, p2  }
0xaa: {  	[tilespmem:s29], [sflag:$0x5] =	stream.indirect.gather @!p3 [hbm4b:s1+s20], $0x28, s21, s20, $0xb8;
	[tilespmem:$0x1B700] =	vst v63  }
0xab: {  	s20 =	simm.s32 @!p2 $0x80;
	s21 =	simm.s32 @!p4 $0xB300;
	_ =	swait.ge @!p2 [sflag:s23], $0x1400  }
0xac: {  	s24 =	simm.s32 @!p2 $0x9;
	s25 =	sshra.s32 @!p4 s19, $0x2;
	[sflag:s23] =	ssyncset.done @!p2 $0x0  }
0xad: {  	[sflag:s23] =	ssyncadd.s32 @!p2 $0xFFFFEC00;
	s23 =	sadd.s32 @!p4 $0x680, s25;
	s25 =	sadd.s32 $0x6, s18  }
0xae: {  	[spmem:s3] =	stream.indirect.scatter.add.f32 @!p2 [tilespmem:s28], [sflag:$0x9], $0x28, s22, s20, $0xb8;
	[tilespmem:$0x1B700] =	vst v63  }
0xaf: {  	s20 =	simm.s32 @!p4 $0x80;
	p3 =	sge.u32 s25, s6;
	_ =	swait.ge @!p2 [sflag:s24], $0x1400  }
0xb0: {  	s22 =	simm.s32 @!p3 $0x7;
	s25 =	sshra.s32 @!p3 s19, $0x2;
	[sflag:s24] =	ssyncset.done @!p2 $0x0  }
0xb1: {  	[sflag:s24] =	ssyncadd.s32 @!p2 $0xFFFFEC00;
	s24 =	sadd.s32 @!p3 $0x2A80, s25;
	s25 =	sadd.s32 @!p3 $0xE, s18  }
0xb2: {  	[tilespmem:s21], [sflag:$0x6] =	stream.indirect.gather @!p4 [hbm4b:s1+s20], $0x28, s23, s20, $0xb8;
	[tilespmem:$0x1B700] =	vst v63  }
0xb3: {  	s20 =	simm.s32 @!p3 $0x80;
	s21 =	simm.s32 @!p3 $0xC700;
	_ =	swait.ge @!p3 [sflag:s22], $0x1400  }
0xb4: {  	s23 =	simm.s32 @!p3 $0x9;
	p2 =	sge.u32 @!p3 s25, s6;
	[sflag:s22] =	ssyncset.done @!p3 $0x0  }
0xb5: {  	p2 =	por p2, p3;
	[sflag:s22] =	ssyncadd.s32 @!p3 $0xFFFFEC00  }
0xb6: {  	[spmem:s3] =	stream.indirect.scatter.add.f32 @!p3 [tilespmem:s21], [sflag:$0x9], $0x28, s24, s20, $0xb8;
	[tilespmem:$0x1B700] =	vst v63  }
.Ltmp0:
0xb7: {  	s20 =	sshra.s32 @!p2 s19, $0x2;
	_ =	swait.ge @!p3 [sflag:s23], $0x1400;
	(pc) =	sbr.rel @p1 .LBB2_2-.Ltmp0, $4  }
0xb8: {  	s21 =	sadd.s32 $0x7, s18;
	s20 =	sadd.s32 @!p2 $0x700, s20;
	[sflag:s23] =	ssyncset.done @!p3 $0x0  }
0xb9: {  	s22 =	simm.s32 @!p2 $0x80;
	[sflag:s23] =	ssyncadd.s32 @!p3 $0xFFFFEC00;
	s23 =	simm.s32 @!p2 $0xC700  }
0xba: {  	[tilespmem:s23], [sflag:$0x7] =	stream.indirect.gather @!p2 [hbm4b:s1+s22], $0x28, s20, s22, $0xb8;
	[tilespmem:$0x1B700] =	vst v63  }
0xbb: {  	s19 =	sadd.s32 $0x1000, s19;
	p2 =	sge.u32 s21, s6  }
0xbc: {  	s17 =	simm.s32 @!p2 $0x8;
	s19 =	sshra.s32 @!p2 s0, $0x2  }
0xbd: {  	s18 =	sadd.s32 @!p2 $0xF, s18;
	s20 =	simm.s32 @!p2 $0x80;
	_ =	swait.ge @!p2 [sflag:s17], $0x1400  }
0xbe: {  	s19 =	sadd.s32 @!p2 $0x2B00, s19;
	p1 =	sge.u32 @!p2 s18, s6;
	[sflag:s17] =	ssyncset.done @!p2 $0x0  }
0xbf: {  	s18 =	simm.s32 @!p2 $0x9;
	[sflag:s17] =	ssyncadd.s32 @!p2 $0xFFFFEC00;
	s17 =	simm.s32 @!p2 $0xDB00  }
0xc0: {  	[spmem:s3] =	stream.indirect.scatter.add.f32 @!p2 [tilespmem:s17], [sflag:$0x9], $0x28, s19, s20, $0xb8;
	[tilespmem:$0x1B700] =	vst v63  }
0xc1: {  	p1 =	por p1, p2;
	_ =	swait.ge @!p2 [sflag:s18], $0x1400  }
0xc2: {  	s0 =	sshra.s32 @!p1 s0, $0x2;
	s17 =	simm.s32 @!p1 $0xDB00;
	[sflag:s18] =	ssyncset.done @!p2 $0x0  }
0xc3: {  	s0 =	sadd.s32 @!p1 $0x780, s0;
	s19 =	simm.s32 @!p1 $0x80;
	[sflag:s18] =	ssyncadd.s32 @!p2 $0xFFFFEC00  }
0xc4: {  	[tilespmem:s17], [sflag:$0x8] =	stream.indirect.gather @!p1 [hbm4b:s1+s19], $0x28, s0, s19, $0xb8;
	[tilespmem:$0x1B700] =	vst v63  }
0xc5: {  	[bflag:$0x0] =	sbarrier.arrive $0xFFFF  }
0xc6: {  	[tilespmem:s14], [sflag:$0x9] =	stream.linear.gather [spmem:s11], $0x6400, $0x38;
	[tilespmem:$0x1B700] =	vst v63  }
0xc7: {  	s2 =	sadd.s32 $0x1, s2;
	_ =	swait.ge [sflag:s15], $0x6400  }
0xc8: {  	p1 =	sne.s32 s2, s13;
	[sflag:s15] =	ssyncset.done $0x0  }
.Ltmp1:
0xc9: {  	[sflag:s15] =	ssyncadd.s32 $0xFFFF9C00;
	(pc) =	sbr.rel @p1 .LBB2_1-.Ltmp1, $4  }
0xca: {  	[hbm4b:s12+s4] =	stream.linear.scatter [tilespmem:s14], [sflag:$0x9], $0x6400, $0x38;
	[tilespmem:$0x1B700] =	vst v63  }
0xcb: {  	_ =	swait.ge [sflag:s15], $0x6400  }
0xcc: {  	[sflag:s15] =	ssyncset.done $0x0  }
0xcd: {  	[sflag:s15] =	ssyncadd.s32 $0xFFFF9C00  }
0xce: {  	_ =	sfence.sel $0x180000  }
0xcf: {  	[bflag:$0x0] =	sbarrier.arrive $0xFFFF  }
0xd0: {  	_ =	strace $0x9000004D  }
0xd1: {  	s0 =	stileid.u32;
	[bflag:$0x2] =	sbarrier.arrive $0xFFFF  }
0xd2: {  	p0 =	sne.s32 s0, $0x0;
	s0 =	rddreg [dreg:$0x3]  }
0xd3: {  	s0 =	sadd.s32 @!p0 $0x100000, s0  }
0xd4: {  	[sflag:s0] =	ssyncadd.tile.s32 @!p0 $0x1;
	_ =	shalt  }
.Lfunc_end2:
_tile_overlayer_lowered:
.L_overlay_start_2:
0xd5: {  	(tag) =	ssettag $0x2  }
0xd6: {  	s0 =	rddreg [dreg:$0x0];
	s2 =	stileid.u32  }
0xd7: {  	s1 =	rddreg [dreg:$0x1];
	p0 =	sne.s32 s2, $0x0  }
0xd8: {  	s3 =	rddreg [dreg:$0x2];
	[bflag:$0x3] =	sbarrier.arrive $0xFFFF;
	s2 =	simm.s32 @!p0 $0x1C09  }
0xd9: {  	[timem:s3], [sflag:s2] =	dma.local @!p0 [hbm:s0], s1  }
0xda: {  	s0 =	simm.s32 @!p0 $0x9  }
0xdb: {  	_ =	swait.ge @!p0 [sflag:s0], s1  }
0xdc: {  	s1 =	ssub.s32 @!p0 $0x0, s1;
	[sflag:s0] =	ssyncset.done @!p0 $0x0  }
0xdd: {  	[sflag:s0] =	ssyncadd.s32 @!p0 s1  }
0xde: {  	[bflag:$0x3] =	sbarrier.arrive $0xFFFF  }
0xdf: {  	_ =	shalt  }

// kernel: kernel.8.cloned.1.call-start
scs
__scs_entry_jumppad:
0x0: {  	(pc) =	sbr.rel $0x88, $3  }
0x1: {  	(tag) =	ssettag $0x0;
	lr =	simm.s32 $0x1  }
0x2: {  	[smem:$0x3F9B] =	sst lr;
	_ =	strace $0xD0000000  }
0x3: {  	_ = 	snop  }
0x4: {  	_ = 	snop  }
0x5: {  	_ = 	snop  }
0x6: {  	_ = 	snop  }
0x7: {  	_ = 	snop  }
__scs_overlays_trampoline_lowered:
0x8: {  	[smem:$0x3FAA] =	sst s0  }
0x9: {  	[smem:$0x3FAB] =	sst s1  }
0xa: {  	[smem:$0x3FAC] =	sst s2  }
0xb: {  	[smem:$0x3FAD] =	sst s3  }
0xc: {  	[smem:$0x3FAE] =	sst s4  }
0xd: {  	[smem:$0x3FAF] =	sst s5  }
0xe: {  	[smem:$0x3FB0] =	sst s6  }
0xf: {  	[smem:$0x3FB1] =	sst s7  }
0x10: {  	[smem:$0x3FB2] =	sst s8  }
0x11: {  	[smem:$0x3FB3] =	sst s9;
	s0 =	simm.s32 @!p0 $0x0  }
0x12: {  	s1 =	sld [smem:$0x3F99];
	s0 =	simm.s32 @p0 $0x1  }
0x13: {  	[smem:$0x3FB4] =	sst s0;
	s0 =	simm.s32 @!p1 $0x0  }
0x14: {  	s2 =	sld [smem:$0x3F98];
	s0 =	simm.s32 @p1 $0x1  }
0x15: {  	[smem:$0x3FB5] =	sst s0;
	s0 =	simm.s32 @!p2 $0x0  }
0x16: {  	s3 =	sld [smem:$0x3FDB];
	s0 =	simm.s32 @p2 $0x1  }
0x17: {  	s4 =	simm.s32 $0x1BF5;
	[smem:$0x3FB7] =	sst s0  }
0x18: {  	s0 =	sld [smem:$0x3F9A];
	_ =	swait.ge [sflag:s4], $0x0  }
0x19: {  	s7 =	sld [smem:$0x3F9B]  }
0x1a: {  	s8 =	sadd.s32 $0xFFFFE003, lr  }
0x1b: {  	s9 =	sadd.s32 $0xFFFFFEF7, lr;
	s5 =	simm.s32 $0xFFFFFFFF;
	p2 =	slt.u32 s8, $0xFFFFF086  }
0x1c: {  	p1 =	slt.u32 s9, $0xF7A;
	s5 =	simm.s32 @!p2 $0x0  }
0x1d: {  	s5 =	simm.s32 @p1 $0x1;
	p0 =	seq.s32 s7, s2  }
0x1e: {  	s7 =	smul.u32 @!p0 $0xF7A, s2;
	p2 =	seq.s32 @!p0 s5, $0x0  }
0x1f: {  	s9 =	smul.u32 $0xF7A, s1;
	s8 =	simm.s32 @!p0 $0x1BF5;
	p2 =	por !p2, p0  }
0x20: {  	[sflag:s8] =	ssyncset.s32 @!p0 $0xFFFFF086;
	s6 =	sadd.s32 @!p0 s3, s7;
	s7 =	simm.s32 @!p0 $0x108  }
0x21: {  	s3 =	sadd.s32 s3, s9;
	s6 =	sadd.s32 @!p0 $0x88, s6;
	s7 =	simm.s32 @p2 $0x1082  }
0x22: {  	[simem:s7], [sflag:s8] =	dma.local @!p0 [hbm:s6], $0xF7A  }
0x23: {  	s9 =	sor.u32 $0xD0000000, s2;
	s6 =	simm.s32 $0x108;
	_ =	swait.ge @!p0 [sflag:s8], $0x0  }
0x24: {  	s3 =	sadd.s32 $0x88, s3;
	s6 =	simm.s32 @!p1 $0x1082;
	[sflag:s4] =	ssyncset.s32 $0xFFFFF086  }
0x25: {  	[simem:s6], [sflag:s4] =	dma.local [hbm:s3], $0xF7A  }
0x26: {  	[smem:$0x3F9B] =	sst s1;
	(tag) =	ssettag s2;
	_ =	strace s9  }
0x27: {  	s1 =	sld [smem:$0x3FAB]  }
0x28: {  	s2 =	sld [smem:$0x3FAC]  }
0x29: {  	s4 =	sld [smem:$0x3FAE]  }
0x2a: {  	p0 =	seq.s32 s5, $0x0;
	s5 =	sld [smem:$0x3FAF]  }
0x2b: {  	s6 =	sld [smem:$0x3FB0]  }
0x2c: {  	s7 =	sld [smem:$0x3FB1]  }
0x2d: {  	s3 =	simm.s32 $0x108;
	s8 =	sld [smem:$0x3FB2]  }
0x2e: {  	s3 =	simm.s32 @!p0 $0x1082;
	s9 =	sld [smem:$0x3FB3]  }
0x2f: {  	lr =	sadd.s32 s0, s3;
	s0 =	sld [smem:$0x3FAA]  }
0x30: {  	s3 =	sld [smem:$0x3FAD]  }
0x31: {  	[smem:$0x3FB6] =	sst s10  }
0x32: {  	s10 =	sld [smem:$0x3FB4];
	_ =	sdelay $0x3  }
0x33: {  	p0 =	seq.s32 s10, $0x1;
	s10 =	sld [smem:$0x3FB6];
	_ =	sdelay $0x3  }
0x34: {  	[smem:$0x3FB6] =	sst s10  }
0x35: {  	s10 =	sld [smem:$0x3FB5];
	_ =	sdelay $0x3  }
0x36: {  	p1 =	seq.s32 s10, $0x1;
	s10 =	sld [smem:$0x3FB6];
	_ =	sdelay $0x3  }
0x37: {  	[smem:$0x3FB6] =	sst s10  }
0x38: {  	s10 =	sld [smem:$0x3FB7]  }
0x39: {  	_ = 	snop;
	(pc) =	sbr.ind lr, $3  }
0x3a: {  	_ = 	snop  }
0x3b: {  	_ = 	snop  }
0x3c: {  	p2 =	seq.s32 s10, $0x1;
	s10 =	sld [smem:$0x3FB6]  }
0x3d: {  	_ =	shalt  }
0x3e: {  	_ =	shalt  }
0x3f: {  	_ =	shalt  }
0x40: {  	_ =	shalt  }
0x41: {  	_ =	shalt  }
0x42: {  	_ =	shalt  }
0x43: {  	_ =	shalt  }
0x44: {  	_ =	shalt  }
0x45: {  	_ =	shalt  }
0x46: {  	_ =	shalt  }
0x47: {  	_ =	shalt  }
0x48: {  	_ =	shalt  }
0x49: {  	_ =	shalt  }
0x4a: {  	_ =	shalt  }
0x4b: {  	_ =	shalt  }
0x4c: {  	_ =	shalt  }
0x4d: {  	_ =	shalt  }
0x4e: {  	_ =	shalt  }
0x4f: {  	_ =	shalt  }
0x50: {  	_ =	shalt  }
0x51: {  	_ =	shalt  }
0x52: {  	_ =	shalt  }
0x53: {  	_ =	shalt  }
0x54: {  	_ =	shalt  }
0x55: {  	_ =	shalt  }
0x56: {  	_ =	shalt  }
0x57: {  	_ =	shalt  }
0x58: {  	_ =	shalt  }
0x59: {  	_ =	shalt  }
0x5a: {  	_ =	shalt  }
0x5b: {  	_ =	shalt  }
0x5c: {  	_ =	shalt  }
0x5d: {  	_ =	shalt  }
0x5e: {  	_ =	shalt  }
0x5f: {  	_ =	shalt  }
0x60: {  	_ =	shalt  }
0x61: {  	_ =	shalt  }
0x62: {  	_ =	shalt  }
0x63: {  	_ =	shalt  }
0x64: {  	_ =	shalt  }
0x65: {  	_ =	shalt  }
0x66: {  	_ =	shalt  }
0x67: {  	_ =	shalt  }
0x68: {  	_ =	shalt  }
0x69: {  	_ =	shalt  }
0x6a: {  	_ =	shalt  }
0x6b: {  	_ =	shalt  }
0x6c: {  	_ =	shalt  }
0x6d: {  	_ =	shalt  }
0x6e: {  	_ =	shalt  }
0x6f: {  	_ =	shalt  }
0x70: {  	_ =	shalt  }
0x71: {  	_ =	shalt  }
0x72: {  	_ =	shalt  }
0x73: {  	_ =	shalt  }
0x74: {  	_ =	shalt  }
0x75: {  	_ =	shalt  }
0x76: {  	_ =	shalt  }
0x77: {  	_ =	shalt  }
0x78: {  	_ =	shalt  }
0x79: {  	_ =	shalt  }
0x7a: {  	_ =	shalt  }
0x7b: {  	_ =	shalt  }
0x7c: {  	_ =	shalt  }
0x7d: {  	_ =	shalt  }
0x7e: {  	_ =	shalt  }
0x7f: {  	_ =	shalt  }
0x80: {  	_ =	shalt  }
0x81: {  	_ =	shalt  }
0x82: {  	_ =	shalt  }
0x83: {  	_ =	shalt  }
0x84: {  	_ =	shalt  }
0x85: {  	_ =	shalt  }
0x86: {  	_ =	shalt  }
0x87: {  	_ =	shalt  }
.Lfunc_end0:
.L_simem_size_0:
called_computation_lowered:
.L_overlay_start_0:
0x88: {  	s2 =	sld [smem:$0x3FD9]  }
0x89: {  	s3 =	sld [smem:$0x3FFE];
	_ =	sdelay $0x1  }
0x8a: {  	s1 =	srdreg.scid  }
0x8b: {  	s0 =	sand.u32 $0x1, s1  }
0x8c: {  	s17 =	sshll.u32 s0, $0xA;
	s2 =	sadd.s32 s3, s2  }
0x8d: {  	s2 =	sadd.s32 s2, s17  }
0x8e: {  	[smem:$0x3FC2] =	sst s2  }
0x8f: {  	_ = 	snop  }
0x90: {  	s2 =	sld [smem:$0x3FD0];
	(tm) =	ssettm $0x1  }
0x91: {  	s18 =	sld [smem:$0x3FFB];
	_ =	sdelay $0x3  }
0x92: {  	_ =	strace s18  }
0x93: {  	s3 =	sld [smem:$0x3FFC];
	_ =	sdelay $0x3  }
0x94: {  	_ =	strace s3  }
0x95: {  	s3 =	sld [smem:$0x3FFD];
	_ =	sdelay $0x3  }
0x96: {  	_ =	strace s3  }
0x97: {  	_ =	strace $0x8FFFFFFF  }
0x98: {  	s19 =	sld [smem:$0x3FDB];
	_ =	sdelay $0x1  }
0x99: {  	s4 =	simm.s32 $_scs_section_size  }
0x9a: {  	s5 =	simm.s32 $_size__tile_overlayer_lowered;
	s6 =	simm.s32 $_tile_overlayer_lowered  }
0x9b: {  	s22 =	simm.s32 $0x1BFF;
	s21 =	sshll.u32 s6, $0x1;
	s3 =	sadd.s32 s4, s19  }
0x9c: {  	s7 =	simm.s32 $0x0;
	s20 =	sshll.u32 s5, $0x1;
	s5 =	sadd.s32 s21, s3  }
0x9d: {  	[timem:s7], [sflag:s22] =	dma.local [hbm:s5], s20  }
0x9e: {  	_ =	swait.ge [sflag:s22], s20  }
0x9f: {  	s4 =	ssub.s32 $0x0, s20;
	[sflag:s22] =	ssyncset.done $0x0  }
0xa0: {  	[sflag:s22] =	ssyncadd.s32 s4;
	_ =	sdelay $0x1  }
0xa1: {  	s23 =	simm.s32 $0x1B8B  }
0xa2: {  	_ =	swait.ge [sflag:s23], $0x1  }
0xa3: {  	[sflag:s23] =	ssyncset.done $0x0  }
0xa4: {  	s25 =	simm.s32 $0x1B8E;
	s24 =	sld [smem:$0x3FFE];
	[sflag:s23] =	ssyncadd.s32 $0xFFFFFFFF  }
0xa5: {  	s26 =	simm.s32 $execute0_lowered;
	[smem:$0x3FD2] =	sst s25  }
0xa6: {  	s5 =	sshll.u32 s26, $0x1;
	_ =	strace $0x80000046;
	[dreg:$0x1] =	wrdreg $0xFFFFFFFF  }
0xa7: {  	s28 =	simm.s32 $_size_execute0_lowered;
	s3 =	sadd.s32 s3, s5;
	[dreg:$0x0] =	wrdreg $0x0  }
0xa8: {  	s5 =	sshll.u32 s28, $0x1;
	[dreg:$0x2] =	wrdreg s3  }
0xa9: {  	[dreg:$0x3] =	wrdreg s5  }
0xaa: {  	[dreg:$0x4] =	wrdreg $0xC0  }
0xab: {  	_ =	task [dreg:s7], $0x5FFFF  }
0xac: {  	[dreg:$0x1] =	wrdreg $0xFFFFFFFF  }
0xad: {  	[dreg:$0x0] =	wrdreg $0x60  }
0xae: {  	[dreg:$0x2] =	wrdreg s24  }
0xaf: {  	[dreg:$0x3] =	wrdreg s2  }
0xb0: {  	[dreg:$0x4] =	wrdreg $0x67000  }
0xb1: {  	[dreg:$0x5] =	wrdreg $0x7B000  }
0xb2: {  	[dreg:$0x6] =	wrdreg $0x9  }
0xb3: {  	_ =	task.clear_ibuf [dreg:s7], $0x7FFFF;
	_ =	strace $0x90000046  }
0xb4: {  	s29 =	simm.s32 $0x9;
	_ =	strace $0x80000048  }
0xb5: {  	_ =	swait.ge [sflag:s29], $0x1  }
0xb6: {  	[sflag:s29] =	ssyncadd.s32 $0xFFFFFFFF  }
0xb7: {  	_ =	strace $0x90000048  }
0xb8: {  	_ =	sfence  }
0xb9: {  	s30 =	sld [smem:$0x0];
	_ =	sdelay $0x2  }
0xba: {  	s31 =	sshll.u32 s1, $0xD;
	s1 =	sshrl.u32 s1, $0x2  }
0xbb: {  	s3 =	sand.u32 $0x4000, s31;
	s1 =	sadd.s32 s1, s30  }
0xbc: {  	s0 =	sor.u32 s3, s0;
	s1 =	sshll.u32 s1, $0x11  }
0xbd: {  	s0 =	sor.u32 s1, s0  }
0xbe: {  	s0 =	sadd.s32 $0x8F2B, s0  }
0xbf: {  	[sflag:s0] =	ssyncadd.remote.s32 $0x1  }
0xc0: {  	_ =	sfence.sel $0xFFFF  }
0xc1: {  	[dreg:$0x0] =	wrdreg $0xFFFFFFFF;
	(pc) =	sbr.abs _section_cstart, $3  }
0xc2: {  	[dreg:$0x1] =	wrdreg $0xFFFFFFFF  }
0xc3: {  	_ =	task.clear_ibuf [dreg:s7], $0x2FFFF;
	_ =	strace $0x9FFFFFFF  }
0xc4: {  	(tm) =	ssettm $0x7FFFFFFF  }
0xc5: {  	_ =	shalt  }
tec
execute0_lowered:
.L_overlay_start_1:
0x0: {  	(tag) =	ssettag $0x1  }
0x1: {  	s10 =	rddreg [dreg:$0x0]  }
0x2: {  	s12 =	rddreg [dreg:$0x1]  }
0x3: {  	s2 =	rddreg [dreg:$0x2];
	s1 =	srdreg.scid  }
0x4: {  	s0 =	stileid.u32;
	s3 =	rddreg [dreg:$0x3]  }
0x5: {  	s4 =	simm.s32 $0x0;
	s17 =	simm.s32 $0x1;
	s18 =	simm.s32 $0x5300  }
0x6: {  	s19 =	simm.s32 $0x80;
	s5 =	sand.u32 $0x1, s1;
	s1 =	rddreg [dreg:$0x4]  }
0x7: {  	s20 =	simm.s32 $0x0;
	s6 =	sshll.u32 s0, $0x1;
	[smem:$0x7FF] =	sst s4  }
0x8: {  	s13 =	smul.u32 $0x1400, s0;
	s16 =	sor.u32 s5, s6;
	_ =	strace $0x80000047  }
0x9: {  	s7 =	ssub.s32 $0x2, s5;
	s9 =	smul.u32 $0x28000, s5;
	s5 =	sadd.s32 $0x15400, s10  }
0xa: {  	s6 =	smul.u32 $0x4F0, s16;
	s11 =	sshrl.u32 s7, $0x1;
	p0 =	seq.s32 s16, $0x1F  }
0xb: {  	s16 =	simm.s32 $0x4F00;
	s15 =	ssub.s32 s7, s11;
	s31 =	sadd.s32 s13, s9  }
0xc: {  	s9 =	sadd.s32 $0x14B10, s10;
	s11 =	sadd.s32 s13, s2;
	s13 =	sadd.s32 s13, s3  }
0xd: {  	s8 =	sadd.s32 s6, s10;
	s6 =	sadd.s32 $0x15000, s10;
	s14 =	sshrl.u32 s31, $0x3  }
0xe: {  	s10 =	sadd.s32 $0xAD10, s10;
	s15 =	smax.u32 s15, $0x1;
	s12 =	sadd.s32 s12, s14  }
0xf: {  	s7 =	sadd.s32 $0xB200, s8;
	s8 =	sadd.s32 $0x1400, s8;
	s14 =	sadd.s32 $0x2800, s12  }
.LBB2_1:
0x10: {  	s21 =	simm.s32 @p0 $0x0;
	s22 =	simm.s32 @p0 $0x1  }
0x11: {  	[tilespmem:s21], [sflag:$0x1] =	stream.linear.gather @p0 [hbm4b:s9+s21], $0x1980, $0x38;
	[tilespmem:$0x8F00] =	vst v63  }
0x12: {  	_ =	swait.ge @p0 [sflag:s22], $0x1980  }
0x13: {  	[sflag:s22] =	ssyncset.done @p0 $0x0  }
0x14: {  	s23 =	simm.s32 @p0 $0x2780;
	[sflag:s22] =	ssyncadd.s32 @p0 $0xFFFFE680  }
0x15: {  	[tilespmem:s23], [sflag:$0x1] =	stream.linear.gather @p0 [hbm4b:s10+s21], $0x1980, $0x38;
	[tilespmem:$0x8F00] =	vst v63  }
0x16: {  	_ =	swait.ge @p0 [sflag:s22], $0x1980  }
0x17: {  	[sflag:s22] =	ssyncset.done @p0 $0x0  }
0x18: {  	s21 =	simm.s32 @!p0 $0x0;
	[sflag:s22] =	ssyncadd.s32 @p0 $0xFFFFE680;
	s22 =	simm.s32 @!p0 $0x1  }
0x19: {  	[tilespmem:s21], [sflag:$0x1] =	stream.linear.gather @!p0 [hbm4b:s7+s21], $0x2780, $0x38;
	[tilespmem:$0x8F00] =	vst v63  }
0x1a: {  	_ =	swait.ge @!p0 [sflag:s22], $0x2780  }
0x1b: {  	[sflag:s22] =	ssyncset.done @!p0 $0x0  }
0x1c: {  	s23 =	simm.s32 @!p0 $0x2780;
	[sflag:s22] =	ssyncadd.s32 @!p0 $0xFFFFD880  }
0x1d: {  	[tilespmem:s23], [sflag:$0x1] =	stream.linear.gather @!p0 [hbm4b:s8+s21], $0x2780, $0x38;
	[tilespmem:$0x8F00] =	vst v63  }
0x1e: {  	_ =	swait.ge @!p0 [sflag:s22], $0x2780  }
0x1f: {  	[sflag:s22] =	ssyncset.done @!p0 $0x0  }
0x20: {  	[sflag:s22] =	ssyncadd.s32 @!p0 $0xFFFFD880  }
0x21: {  	[tilespmem:s16], [sflag:$0x1] =	stream.linear.gather [hbm4b:s5+s4], $0x400, $0x38;
	[tilespmem:$0x8F00] =	vst v63  }
0x22: {  	_ =	swait.ge [sflag:s17], $0x400  }
0x23: {  	[sflag:s17] =	ssyncset.done $0x0  }
0x24: {  	[sflag:s17] =	ssyncadd.s32 $0xFFFFFC00  }
0x25: {  	[tilespmem:s18], [sflag:$0x1] =	stream.linear.gather [hbm4b:s6+s4], $0x1400, $0x38;
	[tilespmem:$0x8F00] =	vst v63  }
0x26: {  	_ =	swait.ge [sflag:s17], $0x1400  }
0x27: {  	[sflag:s17] =	ssyncset.done $0x0  }
0x28: {  	[sflag:s17] =	ssyncadd.s32 $0xFFFFEC00  }
0x29: {  	[spmem:s11] =	stream.linear.scatter [tilespmem:s18], [sflag:$0x1], $0x1400, $0x38;
	[tilespmem:$0x8F00] =	vst v63  }
0x2a: {  	_ =	swait.ge [sflag:s17], $0x1400  }
0x2b: {  	[sflag:s17] =	ssyncset.done $0x0  }
0x2c: {  	[sflag:s17] =	ssyncadd.s32 $0xFFFFEC00  }
0x2d: {  	[spmem:s13] =	stream.linear.scatter [tilespmem:s18], [sflag:$0x1], $0x1400, $0x38;
	[tilespmem:$0x8F00] =	vst v63  }
0x2e: {  	_ =	swait.ge [sflag:s17], $0x1400  }
0x2f: {  	[sflag:s17] =	ssyncset.done $0x0  }
0x30: {  	s22 =	simm.s32 @!p0 $0x4F;
	[sflag:s17] =	ssyncadd.s32 $0xFFFFEC00  }
0x31: {  	s22 =	simm.s32 @p0 $0x33;
	[bflag:$0x0] =	sbarrier.arrive $0xFFFF  }
0x32: {  	[spmem:s2] =	stream.indirect.scatter.add.f32 [tilespmem:s16], [sflag:$0x1], $0x8, s4, s19, $0xb8;
	[tilespmem:$0x8F00] =	vst v63  }
0x33: {  	p1 =	sne.s32 s22, $0x1;
	_ =	swait.ge [sflag:s17], $0x400  }
.Ltmp0:
0x34: {  	[sflag:s17] =	ssyncset.done $0x0;
	(pc) =	sbr.rel @!p1 .LBB2_3-.Ltmp0, $4  }
0x35: {  	s21 =	simm.s32 $0x2780;
	[sflag:s17] =	ssyncadd.s32 $0xFFFFFC00  }
0x36: {  	[spmem:s3] =	stream.indirect.scatter.add.f32 [tilespmem:s16], [sflag:$0x1], $0x8, s21, s19, $0xb8;
	[tilespmem:$0x8F00] =	vst v63  }
0x37: {  	_ =	swait.ge [sflag:s17], $0x400  }
0x38: {  	s23 =	simm.s32 $0x0;
	s22 =	sadd.s32 $0xFFFFFFFF, s22;
	[sflag:s17] =	ssyncset.done $0x0  }
.LBB2_2:
0x39: {  	[sflag:s17] =	ssyncadd.s32 $0xFFFFFC00;
	s23 =	sadd.s32 $0x80, s23;
	s21 =	sadd.s32 $0x80, s21  }
0x3a: {  	[spmem:s2] =	stream.indirect.scatter.add.f32 [tilespmem:s16], [sflag:$0x1], $0x8, s23, s19, $0xb8;
	[tilespmem:$0x8F00] =	vst v63  }
0x3b: {  	p1 =	sne.s32 s22, $0x1;
	s22 =	sadd.s32 $0xFFFFFFFF, s22;
	_ =	swait.ge [sflag:s17], $0x400  }
.Ltmp1:
0x3c: {  	[sflag:s17] =	ssyncset.done $0x0;
	(pc) =	sbr.rel @p1 .LBB2_2-.Ltmp1, $4  }
0x3d: {  	[sflag:s17] =	ssyncadd.s32 $0xFFFFFC00  }
0x3e: {  	[spmem:s3] =	stream.indirect.scatter.add.f32 [tilespmem:s16], [sflag:$0x1], $0x8, s21, s19, $0xb8;
	[tilespmem:$0x8F00] =	vst v63  }
0x3f: {  	_ =	swait.ge [sflag:s17], $0x400  }
0x40: {  	[sflag:s17] =	ssyncset.done $0x0  }
.LBB2_3:
0x41: {  	[sflag:s17] =	ssyncadd.s32 $0xFFFFFC00  }
0x42: {  	[bflag:$0x0] =	sbarrier.arrive $0xFFFF  }
0x43: {  	[tilespmem:s18], [sflag:$0x1] =	stream.linear.gather [spmem:s11], $0x1400, $0x38;
	[tilespmem:$0x8F00] =	vst v63  }
0x44: {  	_ =	swait.ge [sflag:s17], $0x1400  }
0x45: {  	[sflag:s17] =	ssyncset.done $0x0  }
0x46: {  	[sflag:s17] =	ssyncadd.s32 $0xFFFFEC00  }
0x47: {  	[hbm4b:s12+s4] =	stream.linear.scatter [tilespmem:s18], [sflag:$0x1], $0x1400, $0x38;
	[tilespmem:$0x8F00] =	vst v63  }
0x48: {  	_ =	swait.ge [sflag:s17], $0x1400  }
0x49: {  	[sflag:s17] =	ssyncset.done $0x0  }
0x4a: {  	[sflag:s17] =	ssyncadd.s32 $0xFFFFEC00  }
0x4b: {  	[tilespmem:s18], [sflag:$0x1] =	stream.linear.gather [spmem:s13], $0x1400, $0x38;
	[tilespmem:$0x8F00] =	vst v63  }
0x4c: {  	s20 =	sadd.s32 $0x1, s20;
	_ =	swait.ge [sflag:s17], $0x1400  }
0x4d: {  	p1 =	sne.s32 s20, s15;
	[sflag:s17] =	ssyncset.done $0x0  }
.Ltmp2:
0x4e: {  	[sflag:s17] =	ssyncadd.s32 $0xFFFFEC00;
	(pc) =	sbr.rel @p1 .LBB2_1-.Ltmp2, $4  }
0x4f: {  	[hbm4b:s14+s4] =	stream.linear.scatter [tilespmem:s18], [sflag:$0x1], $0x1400, $0x38;
	[tilespmem:$0x8F00] =	vst v63  }
0x50: {  	_ =	swait.ge [sflag:s17], $0x1400  }
0x51: {  	[sflag:s17] =	ssyncset.done $0x0  }
0x52: {  	[sflag:s17] =	ssyncadd.s32 $0xFFFFEC00  }
0x53: {  	_ =	sfence.sel $0x180000  }
0x54: {  	[bflag:$0x0] =	sbarrier.arrive $0xFFFF  }
0x55: {  	p0 =	sne.s32 s0, $0x0;
	_ =	strace $0x90000047  }
0x56: {  	s0 =	sadd.s32 @!p0 $0x100000, s1;
	[bflag:$0x2] =	sbarrier.arrive $0xFFFF  }
0x57: {  	[sflag:s0] =	ssyncadd.tile.s32 @!p0 $0x1;
	_ =	shalt  }
.Lfunc_end2:
_tile_overlayer_lowered:
.L_overlay_start_2:
0x58: {  	(tag) =	ssettag $0x2  }
0x59: {  	s0 =	rddreg [dreg:$0x0];
	s2 =	stileid.u32  }
0x5a: {  	s1 =	rddreg [dreg:$0x1];
	p0 =	sne.s32 s2, $0x0  }
0x5b: {  	s3 =	rddreg [dreg:$0x2];
	[bflag:$0x3] =	sbarrier.arrive $0xFFFF;
	s2 =	simm.s32 @!p0 $0x1C01  }
0x5c: {  	[timem:s3], [sflag:s2] =	dma.local @!p0 [hbm:s0], s1  }
0x5d: {  	s0 =	simm.s32 @!p0 $0x1  }
0x5e: {  	_ =	swait.ge @!p0 [sflag:s0], s1  }
0x5f: {  	s1 =	ssub.s32 @!p0 $0x0, s1;
	[sflag:s0] =	ssyncset.done @!p0 $0x0  }
0x60: {  	[sflag:s0] =	ssyncadd.s32 @!p0 s1  }
0x61: {  	[bflag:$0x3] =	sbarrier.arrive $0xFFFF  }
0x62: {  	_ =	shalt  }

</sc_bundles>
